<compile_context>
chip_gen: v7x
topology: tpu7x:2x2x1
jax: 0.10.2.dev20260603
libtpu: 0.0.44.dev20260713+nightly
codegen_flags: <defaults>
</compile_context>

<pallas_src>
import functools
import math

import jax
import jax.numpy as jnp
from jax import lax
from jax.experimental import pallas as pl
from jax.experimental.pallas import tpu as pltpu
from jax.experimental.pallas import tpu_sc as plsc

D_MODEL = 512
SCALE = math.sqrt(D_MODEL)
LANES = 16

NUM_CORES = 2
NUM_SUBCORES = 16
NUM_WORKERS = NUM_CORES * NUM_SUBCORES

CHUNK = 32
NBUF = 5


def _make_gather(B: int):
    assert B % NUM_WORKERS == 0
    bpw = B // NUM_WORKERS
    assert bpw % (CHUNK * NBUF) == 0
    nchunks = bpw // CHUNK

    mesh = plsc.VectorSubcoreMesh(core_axis_name="c", subcore_axis_name="s")

    @functools.partial(
        pl.kernel,
        mesh=mesh,
        out_type=jax.ShapeDtypeStruct((B, D_MODEL), jnp.float32),
        scratch_types=[
            pltpu.VMEM((bpw,), jnp.int32),
            pltpu.VMEM((NBUF, CHUNK, D_MODEL), jnp.float32),
            pltpu.SemaphoreType.DMA((NBUF,)),
            pltpu.SemaphoreType.DMA((NBUF,)),
        ],
    )
    def gather_kernel(idx_hbm, table_hbm, out_hbm, idx_v, rows_v, gsem, ssem):
        wid = lax.axis_index("s") * NUM_CORES + lax.axis_index("c")
        base = wid * bpw
        pltpu.sync_copy(idx_hbm.at[pl.ds(base, bpw)], idx_v)

        def issue_gather(g, b):
            off = pl.multiple_of(g * CHUNK, 8)
            pltpu.async_copy(
                table_hbm.at[idx_v.at[pl.ds(off, CHUNK)]],
                rows_v.at[b],
                gsem.at[b],
            )

        for b in range(NBUF):
            issue_gather(b, b)

        def outer(t, carry):
            for b in range(NBUF):
                g = t * NBUF + b

                pltpu.make_async_copy(
                    table_hbm.at[idx_v.at[pl.ds(0, CHUNK)]],
                    rows_v.at[b],
                    gsem.at[b],
                ).wait()

                def row_body(r, c2):
                    for j in range(D_MODEL // LANES):
                        sl = pl.ds(j * LANES, LANES)
                        rows_v[b, r, sl] = rows_v[b, r, sl] * SCALE
                    return c2

                lax.fori_loop(0, CHUNK, row_body, 0, unroll=False)

                off = pl.multiple_of(g * CHUNK, 8)
                pltpu.async_copy(
                    rows_v.at[b],
                    out_hbm.at[pl.ds(base + off, CHUNK)],
                    ssem.at[b],
                )

                h = g + NBUF - 1
                bh = (b - 1) % NBUF

                @pl.when(jnp.logical_and(h >= NBUF, h < nchunks))
                def _():
                    pltpu.make_async_copy(
                        rows_v.at[bh],
                        out_hbm.at[pl.ds(base, CHUNK)],
                        ssem.at[bh],
                    ).wait()
                    issue_gather(h, bh)

            return carry

        lax.fori_loop(0, nchunks // NBUF, outer, 0, unroll=False)

        for b in range(NBUF):
            pltpu.make_async_copy(
                rows_v.at[b],
                out_hbm.at[pl.ds(base, CHUNK)],
                ssem.at[b],
            ).wait()

    return gather_kernel


def kernel(x, table):
    B0, S = x.shape
    B = B0 * S
    idx = jnp.swapaxes(x, 0, 1).reshape(B).astype(jnp.int32)
    out = _make_gather(B)(idx, table)
    return jnp.swapaxes(out.reshape(S, B0, D_MODEL), 0, 1)

# --- scband reference (transcript-rebuilt; emitter-appended) ---
"""Pipeline reference for scband-embeddings-12661563589177 (READ-ONLY COPY).

The authoritative reference and input builder live on the scoring server;
editing this copy changes nothing except your own understanding.
"""

import jax, jax.numpy as jnp
import numpy as np
import math

D_MODEL = 512
LEN_VOCAB = 100000

def setup_inputs(seed: int = 0) -> dict:
    key = jax.random.key(seed)
    k_idx, k_tab = jax.random.split(key)
    x = jax.random.randint(k_idx, (4096, 20), 0, LEN_VOCAB, dtype=jnp.int64 if jax.config.jax_enable_x64 else jnp.int32)
    table = jax.random.normal(k_tab, (LEN_VOCAB, D_MODEL), dtype=jnp.float32)
    return {"x": x, "table": table}

def reference(x, table):
    # nn.Embedding lookup followed by scaling by sqrt(d_model)
    emb = jnp.take(table, x, axis=0)
    return emb * math.sqrt(D_MODEL)

if __name__ == "__main__":
    import jax
    _d = setup_inputs()
    print(jax.jit(kernel)(*tuple(_d.values())))

</pallas_src>

<mosaic_0001>
#map = affine_map<(d0, d1) -> (0)>
#map1 = affine_map<(d0, d1) -> (0, 0)>
module attributes {stable_mosaic.version = 14 : i64} {
  func.func @gather_kernel(%arg0: i32, %arg1: i32, %arg2: memref<81920xi32, #tpu.memory_space<hbm>>, %arg3: memref<100000x512xf32, #tpu.memory_space<hbm>>, %arg4: memref<81920x512xf32, #tpu.memory_space<hbm>>, %arg5: memref<2560xi32, #tpu.memory_space<vmem>>, %arg6: memref<5x32x512xf32, #tpu.memory_space<vmem>>, %arg7: memref<5x!tpu.dma_semaphore, #tpu.memory_space<semaphore_mem>>, %arg8: memref<5x!tpu.dma_semaphore, #tpu.memory_space<semaphore_mem>>) attributes {dimension_semantics = [#tpu.dimension_semantics<core_parallel>, #tpu.dimension_semantics<subcore_parallel>], iteration_bounds = array<i64: 2, 16>, scalar_prefetch = 0 : i64, scratch_operands = 4 : i64, tpu.core_type = #tpu.core_type<sc_vector_subcore>, window_params = [{transform_indices = #map}, {transform_indices = #map1}, {transform_indices = #map1}]} {
    %mul3A = arith.constant 2 : i32
    %mul3A_0 = arith.muli %arg1, %mul3A : i32
    %add3A = arith.addi %mul3A_0, %arg0 : i32
    %mul3A_1 = arith.constant 2560 : i32
    %mul3A_2 = arith.muli %add3A, %mul3A_1 : i32
    "tpu.region"() ({
      %run_scoped3A = tpu.sem_alloc : memref<!tpu.dma_semaphore, #tpu.memory_space<semaphore_mem>>
      %dma_start3A_155 = tpu.memref_slice %arg2[%mul3A_2] : memref<81920xi32, #tpu.memory_space<hbm>> -> memref<2560xi32, #tpu.memory_space<hbm>>
      %dma_start3A_156 = tpu.memref_slice %arg2[%mul3A_2] : memref<81920xi32, #tpu.memory_space<hbm>> -> memref<2560xi32, #tpu.memory_space<hbm>>
      tpu.enqueue_dma source(%dma_start3A_156 : memref<2560xi32, #tpu.memory_space<hbm>>) target(%arg5 : memref<2560xi32, #tpu.memory_space<vmem>>) target_semaphore(%run_scoped3A : memref<!tpu.dma_semaphore, #tpu.memory_space<semaphore_mem>>)
      %dma_wait3A_157 = tpu.memref_slice %arg2[%mul3A_2] : memref<81920xi32, #tpu.memory_space<hbm>> -> memref<2560xi32, #tpu.memory_space<hbm>>
      %dma_wait3A_158 = tpu.memref_slice %arg2[%mul3A_2] : memref<81920xi32, #tpu.memory_space<hbm>> -> memref<2560xi32, #tpu.memory_space<hbm>>
      tpu.wait_dma2 semaphore(%run_scoped3A : memref<!tpu.dma_semaphore, #tpu.memory_space<semaphore_mem>>) src(%dma_wait3A_158 : memref<2560xi32, #tpu.memory_space<hbm>>) dst(%arg5 : memref<2560xi32, #tpu.memory_space<vmem>>)
      tpu.yield
    }) : () -> ()
    %multiple_of3A = arith.constant 0 : i32
    %multiple_of3A_3 = tpu.assume_multiple %multiple_of3A, 8 : i32
    %dma_start3A = arith.constant 0 : i32
    %dma_start3A_4 = arith.constant 0 : i32
    %dma_start3A_5 = arith.constant 0 : i32
    %dma_start3A_6 = arith.constant 0 : i32
    %dma_start3A_7 = tpu.memref_slice %arg6[%dma_start3A, %dma_start3A_5, %dma_start3A_6] : memref<5x32x512xf32, #tpu.memory_space<vmem>> -> memref<1x32x512xf32, #tpu.memory_space<vmem>>
    %dma_start3A_8 = tpu.memref_squeeze %dma_start3A_7 : memref<1x32x512xf32, #tpu.memory_space<vmem>> -> memref<32x512xf32, #tpu.memory_space<vmem>>
    %dma_start3A_9 = tpu.memref_slice %arg5[%multiple_of3A_3] : memref<2560xi32, #tpu.memory_space<vmem>> -> memref<32xi32, #tpu.memory_space<vmem>>
    %dma_start3A_10 = arith.constant 0 : i32
    %dma_start3A_11 = arith.constant 0 : i32
    %dma_start3A_12 = tpu.memref_slice %arg3[%dma_start3A_10, %dma_start3A_11] : memref<100000x512xf32, #tpu.memory_space<hbm>> -> memref<100000x512xf32, #tpu.memory_space<hbm>>
    %dma_start3A_13 = tpu.memref_slice %arg7[%dma_start3A_4] : memref<5x!tpu.dma_semaphore, #tpu.memory_space<semaphore_mem>> -> memref<1x!tpu.dma_semaphore, #tpu.memory_space<semaphore_mem>>
    %dma_start3A_14 = tpu.memref_squeeze %dma_start3A_13 : memref<1x!tpu.dma_semaphore, #tpu.memory_space<semaphore_mem>> -> memref<!tpu.dma_semaphore, #tpu.memory_space<semaphore_mem>>
    tpu.enqueue_indirect_dma source(%dma_start3A_12 : memref<100000x512xf32, #tpu.memory_space<hbm>>) target(%dma_start3A_8 : memref<32x512xf32, #tpu.memory_space<vmem>>) offsets(%dma_start3A_9 : memref<32xi32, #tpu.memory_space<vmem>>) semaphore(%dma_start3A_14 : memref<!tpu.dma_semaphore, #tpu.memory_space<semaphore_mem>>)
    %multiple_of3A_15 = arith.constant 32 : i32
    %multiple_of3A_16 = tpu.assume_multiple %multiple_of3A_15, 8 : i32
    %dma_start3A_17 = arith.constant 1 : i32
    %dma_start3A_18 = arith.constant 1 : i32
    %dma_start3A_19 = arith.constant 0 : i32
    %dma_start3A_20 = arith.constant 0 : i32
    %dma_start3A_21 = tpu.memref_slice %arg6[%dma_start3A_17, %dma_start3A_19, %dma_start3A_20] : memref<5x32x512xf32, #tpu.memory_space<vmem>> -> memref<1x32x512xf32, #tpu.memory_space<vmem>>
    %dma_start3A_22 = tpu.memref_squeeze %dma_start3A_21 : memref<1x32x512xf32, #tpu.memory_space<vmem>> -> memref<32x512xf32, #tpu.memory_space<vmem>>
    %dma_start3A_23 = tpu.memref_slice %arg5[%multiple_of3A_16] : memref<2560xi32, #tpu.memory_space<vmem>> -> memref<32xi32, #tpu.memory_space<vmem>>
    %dma_start3A_24 = arith.constant 0 : i32
    %dma_start3A_25 = arith.constant 0 : i32
    %dma_start3A_26 = tpu.memref_slice %arg3[%dma_start3A_24, %dma_start3A_25] : memref<100000x512xf32, #tpu.memory_space<hbm>> -> memref<100000x512xf32, #tpu.memory_space<hbm>>
    %dma_start3A_27 = tpu.memref_slice %arg7[%dma_start3A_18] : memref<5x!tpu.dma_semaphore, #tpu.memory_space<semaphore_mem>> -> memref<1x!tpu.dma_semaphore, #tpu.memory_space<semaphore_mem>>
    %dma_start3A_28 = tpu.memref_squeeze %dma_start3A_27 : memref<1x!tpu.dma_semaphore, #tpu.memory_space<semaphore_mem>> -> memref<!tpu.dma_semaphore, #tpu.memory_space<semaphore_mem>>
    tpu.enqueue_indirect_dma source(%dma_start3A_26 : memref<100000x512xf32, #tpu.memory_space<hbm>>) target(%dma_start3A_22 : memref<32x512xf32, #tpu.memory_space<vmem>>) offsets(%dma_start3A_23 : memref<32xi32, #tpu.memory_space<vmem>>) semaphore(%dma_start3A_28 : memref<!tpu.dma_semaphore, #tpu.memory_space<semaphore_mem>>)
    %multiple_of3A_29 = arith.constant 64 : i32
    %multiple_of3A_30 = tpu.assume_multiple %multiple_of3A_29, 8 : i32
    %dma_start3A_31 = arith.constant 2 : i32
    %dma_start3A_32 = arith.constant 2 : i32
    %dma_start3A_33 = arith.constant 0 : i32
    %dma_start3A_34 = arith.constant 0 : i32
    %dma_start3A_35 = tpu.memref_slice %arg6[%dma_start3A_31, %dma_start3A_33, %dma_start3A_34] : memref<5x32x512xf32, #tpu.memory_space<vmem>> -> memref<1x32x512xf32, #tpu.memory_space<vmem>>
    %dma_start3A_36 = tpu.memref_squeeze %dma_start3A_35 : memref<1x32x512xf32, #tpu.memory_space<vmem>> -> memref<32x512xf32, #tpu.memory_space<vmem>>
    %dma_start3A_37 = tpu.memref_slice %arg5[%multiple_of3A_30] : memref<2560xi32, #tpu.memory_space<vmem>> -> memref<32xi32, #tpu.memory_space<vmem>>
    %dma_start3A_38 = arith.constant 0 : i32
    %dma_start3A_39 = arith.constant 0 : i32
    %dma_start3A_40 = tpu.memref_slice %arg3[%dma_start3A_38, %dma_start3A_39] : memref<100000x512xf32, #tpu.memory_space<hbm>> -> memref<100000x512xf32, #tpu.memory_space<hbm>>
    %dma_start3A_41 = tpu.memref_slice %arg7[%dma_start3A_32] : memref<5x!tpu.dma_semaphore, #tpu.memory_space<semaphore_mem>> -> memref<1x!tpu.dma_semaphore, #tpu.memory_space<semaphore_mem>>
    %dma_start3A_42 = tpu.memref_squeeze %dma_start3A_41 : memref<1x!tpu.dma_semaphore, #tpu.memory_space<semaphore_mem>> -> memref<!tpu.dma_semaphore, #tpu.memory_space<semaphore_mem>>
    tpu.enqueue_indirect_dma source(%dma_start3A_40 : memref<100000x512xf32, #tpu.memory_space<hbm>>) target(%dma_start3A_36 : memref<32x512xf32, #tpu.memory_space<vmem>>) offsets(%dma_start3A_37 : memref<32xi32, #tpu.memory_space<vmem>>) semaphore(%dma_start3A_42 : memref<!tpu.dma_semaphore, #tpu.memory_space<semaphore_mem>>)
    %multiple_of3A_43 = arith.constant 96 : i32
    %multiple_of3A_44 = tpu.assume_multiple %multiple_of3A_43, 8 : i32
    %dma_start3A_45 = arith.constant 3 : i32
    %dma_start3A_46 = arith.constant 3 : i32
    %dma_start3A_47 = arith.constant 0 : i32
    %dma_start3A_48 = arith.constant 0 : i32
    %dma_start3A_49 = tpu.memref_slice %arg6[%dma_start3A_45, %dma_start3A_47, %dma_start3A_48] : memref<5x32x512xf32, #tpu.memory_space<vmem>> -> memref<1x32x512xf32, #tpu.memory_space<vmem>>
    %dma_start3A_50 = tpu.memref_squeeze %dma_start3A_49 : memref<1x32x512xf32, #tpu.memory_space<vmem>> -> memref<32x512xf32, #tpu.memory_space<vmem>>
    %dma_start3A_51 = tpu.memref_slice %arg5[%multiple_of3A_44] : memref<2560xi32, #tpu.memory_space<vmem>> -> memref<32xi32, #tpu.memory_space<vmem>>
    %dma_start3A_52 = arith.constant 0 : i32
    %dma_start3A_53 = arith.constant 0 : i32
    %dma_start3A_54 = tpu.memref_slice %arg3[%dma_start3A_52, %dma_start3A_53] : memref<100000x512xf32, #tpu.memory_space<hbm>> -> memref<100000x512xf32, #tpu.memory_space<hbm>>
    %dma_start3A_55 = tpu.memref_slice %arg7[%dma_start3A_46] : memref<5x!tpu.dma_semaphore, #tpu.memory_space<semaphore_mem>> -> memref<1x!tpu.dma_semaphore, #tpu.memory_space<semaphore_mem>>
    %dma_start3A_56 = tpu.memref_squeeze %dma_start3A_55 : memref<1x!tpu.dma_semaphore, #tpu.memory_space<semaphore_mem>> -> memref<!tpu.dma_semaphore, #tpu.memory_space<semaphore_mem>>
    tpu.enqueue_indirect_dma source(%dma_start3A_54 : memref<100000x512xf32, #tpu.memory_space<hbm>>) target(%dma_start3A_50 : memref<32x512xf32, #tpu.memory_space<vmem>>) offsets(%dma_start3A_51 : memref<32xi32, #tpu.memory_space<vmem>>) semaphore(%dma_start3A_56 : memref<!tpu.dma_semaphore, #tpu.memory_space<semaphore_mem>>)
    %multiple_of3A_57 = arith.constant 128 : i32
    %multiple_of3A_58 = tpu.assume_multiple %multiple_of3A_57, 8 : i32
    %dma_start3A_59 = arith.constant 4 : i32
    %dma_start3A_60 = arith.constant 4 : i32
    %dma_start3A_61 = arith.constant 0 : i32
    %dma_start3A_62 = arith.constant 0 : i32
    %dma_start3A_63 = tpu.memref_slice %arg6[%dma_start3A_59, %dma_start3A_61, %dma_start3A_62] : memref<5x32x512xf32, #tpu.memory_space<vmem>> -> memref<1x32x512xf32, #tpu.memory_space<vmem>>
    %dma_start3A_64 = tpu.memref_squeeze %dma_start3A_63 : memref<1x32x512xf32, #tpu.memory_space<vmem>> -> memref<32x512xf32, #tpu.memory_space<vmem>>
    %dma_start3A_65 = tpu.memref_slice %arg5[%multiple_of3A_58] : memref<2560xi32, #tpu.memory_space<vmem>> -> memref<32xi32, #tpu.memory_space<vmem>>
    %dma_start3A_66 = arith.constant 0 : i32
    %dma_start3A_67 = arith.constant 0 : i32
    %dma_start3A_68 = tpu.memref_slice %arg3[%dma_start3A_66, %dma_start3A_67] : memref<100000x512xf32, #tpu.memory_space<hbm>> -> memref<100000x512xf32, #tpu.memory_space<hbm>>
    %dma_start3A_69 = tpu.memref_slice %arg7[%dma_start3A_60] : memref<5x!tpu.dma_semaphore, #tpu.memory_space<semaphore_mem>> -> memref<1x!tpu.dma_semaphore, #tpu.memory_space<semaphore_mem>>
    %dma_start3A_70 = tpu.memref_squeeze %dma_start3A_69 : memref<1x!tpu.dma_semaphore, #tpu.memory_space<semaphore_mem>> -> memref<!tpu.dma_semaphore, #tpu.memory_space<semaphore_mem>>
    tpu.enqueue_indirect_dma source(%dma_start3A_68 : memref<100000x512xf32, #tpu.memory_space<hbm>>) target(%dma_start3A_64 : memref<32x512xf32, #tpu.memory_space<vmem>>) offsets(%dma_start3A_65 : memref<32xi32, #tpu.memory_space<vmem>>) semaphore(%dma_start3A_70 : memref<!tpu.dma_semaphore, #tpu.memory_space<semaphore_mem>>)
    %scan3A = arith.constant 0 : i32
    %scan3A_71 = arith.constant 0 : i32
    %scan3A_72 = arith.constant 16 : i32
    %scan3A_73 = arith.addi %scan3A_71, %scan3A_72 : i32
    %scan3A_74 = arith.constant 1 : i32
    scf.for %scan3A_155 = %scan3A_71 to %scan3A_73 step %scan3A_74  : i32 {
      %mul3A_156 = arith.constant 5 : i32
      %mul3A_157 = arith.muli %scan3A_155, %mul3A_156 : i32
      %add3A_158 = arith.constant 0 : i32
      %add3A_159 = arith.addi %mul3A_157, %add3A_158 : i32
      %dma_wait3A_160 = arith.constant 0 : i32
      %dma_wait3A_161 = arith.constant 0 : i32
      %dma_wait3A_162 = arith.constant 0 : i32
      %dma_wait3A_163 = arith.constant 0 : i32
      %dma_wait3A_164 = tpu.memref_slice %arg6[%dma_wait3A_160, %dma_wait3A_162, %dma_wait3A_163] : memref<5x32x512xf32, #tpu.memory_space<vmem>> -> memref<1x32x512xf32, #tpu.memory_space<vmem>>
      %dma_wait3A_165 = tpu.memref_squeeze %dma_wait3A_164 : memref<1x32x512xf32, #tpu.memory_space<vmem>> -> memref<32x512xf32, #tpu.memory_space<vmem>>
      %dma_wait3A_166 = arith.constant 0 : i32
      %dma_wait3A_167 = tpu.memref_slice %arg5[%dma_wait3A_166] : memref<2560xi32, #tpu.memory_space<vmem>> -> memref<32xi32, #tpu.memory_space<vmem>>
      %dma_wait3A_168 = arith.constant 0 : i32
      %dma_wait3A_169 = arith.constant 0 : i32
      %dma_wait3A_170 = tpu.memref_slice %arg3[%dma_wait3A_168, %dma_wait3A_169] : memref<100000x512xf32, #tpu.memory_space<hbm>> -> memref<100000x512xf32, #tpu.memory_space<hbm>>
      %dma_wait3A_171 = tpu.memref_slice %arg7[%dma_wait3A_161] : memref<5x!tpu.dma_semaphore, #tpu.memory_space<semaphore_mem>> -> memref<1x!tpu.dma_semaphore, #tpu.memory_space<semaphore_mem>>
      %dma_wait3A_172 = tpu.memref_squeeze %dma_wait3A_171 : memref<1x!tpu.dma_semaphore, #tpu.memory_space<semaphore_mem>> -> memref<!tpu.dma_semaphore, #tpu.memory_space<semaphore_mem>>
      tpu.wait_indirect_dma semaphore(%dma_wait3A_172 : memref<!tpu.dma_semaphore, #tpu.memory_space<semaphore_mem>>) src(%dma_wait3A_170 : memref<100000x512xf32, #tpu.memory_space<hbm>>) dst(%dma_wait3A_165 : memref<32x512xf32, #tpu.memory_space<vmem>>)
      %scan3A_173 = arith.constant 0 : i32
      %scan3A_174 = arith.constant 0 : i32
      %scan3A_175 = arith.constant 32 : i32
      %scan3A_176 = arith.addi %scan3A_174, %scan3A_175 : i32
      %scan3A_177 = arith.constant 1 : i32
      scf.for %scan3A_425 = %scan3A_174 to %scan3A_176 step %scan3A_177  : i32 {
        %get3A = arith.constant 0 : i32
        %get3A_426 = arith.index_cast %get3A : i32 to index
        %get3A_427 = arith.index_cast %scan3A_425 : i32 to index
        %get3A_428 = arith.constant 0 : index
        %get3A_429 = tpu.vector_load %arg6[%get3A_426, %get3A_427, %get3A_428] {strides = array<i32>} : memref<5x32x512xf32, #tpu.memory_space<vmem>>, vector<1x1x16xf32>,
        %get3A_430 = vector.shape_cast %get3A_429 : vector<1x1x16xf32> to vector<16xf32>
        %mul3A_431 = arith.constant 22.6274166 : f32
        %mul3A_432 = vector.broadcast %mul3A_431 : f32 to vector<16xf32>
        %mul3A_433 = arith.mulf %get3A_430, %mul3A_432 : vector<16xf32>
        %swap3A = arith.constant 0 : i32
        %swap3A_434 = arith.index_cast %swap3A : i32 to index
        %swap3A_435 = arith.index_cast %scan3A_425 : i32 to index
        %swap3A_436 = arith.constant 0 : index
        %swap3A_437 = tpu.vector_load %arg6[%swap3A_434, %swap3A_435, %swap3A_436] {strides = array<i32>} : memref<5x32x512xf32, #tpu.memory_space<vmem>>, vector<1x1x16xf32>,
        %swap3A_438 = vector.shape_cast %swap3A_437 : vector<1x1x16xf32> to vector<16xf32>
        %swap3A_439 = vector.shape_cast %mul3A_433 : vector<16xf32> to vector<1x1x16xf32>
        tpu.vector_store %arg6[%swap3A_434, %swap3A_435, %swap3A_436], %swap3A_439 {strides = array<i32>} : memref<5x32x512xf32, #tpu.memory_space<vmem>>, vector<1x1x16xf32>,
        %get3A_440 = arith.constant 0 : i32
        %get3A_441 = arith.index_cast %get3A_440 : i32 to index
        %get3A_442 = arith.index_cast %scan3A_425 : i32 to index
        %get3A_443 = arith.constant 16 : index
        %get3A_444 = tpu.vector_load %arg6[%get3A_441, %get3A_442, %get3A_443] {strides = array<i32>} : memref<5x32x512xf32, #tpu.memory_space<vmem>>, vector<1x1x16xf32>,
        %get3A_445 = vector.shape_cast %get3A_444 : vector<1x1x16xf32> to vector<16xf32>
        %mul3A_446 = arith.constant 22.6274166 : f32
        %mul3A_447 = vector.broadcast %mul3A_446 : f32 to vector<16xf32>
        %mul3A_448 = arith.mulf %get3A_445, %mul3A_447 : vector<16xf32>
        %swap3A_449 = arith.constant 0 : i32
        %swap3A_450 = arith.index_cast %swap3A_449 : i32 to index
        %swap3A_451 = arith.index_cast %scan3A_425 : i32 to index
        %swap3A_452 = arith.constant 16 : index
        %swap3A_453 = tpu.vector_load %arg6[%swap3A_450, %swap3A_451, %swap3A_452] {strides = array<i32>} : memref<5x32x512xf32, #tpu.memory_space<vmem>>, vector<1x1x16xf32>,
        %swap3A_454 = vector.shape_cast %swap3A_453 : vector<1x1x16xf32> to vector<16xf32>
        %swap3A_455 = vector.shape_cast %mul3A_448 : vector<16xf32> to vector<1x1x16xf32>
        tpu.vector_store %arg6[%swap3A_450, %swap3A_451, %swap3A_452], %swap3A_455 {strides = array<i32>} : memref<5x32x512xf32, #tpu.memory_space<vmem>>, vector<1x1x16xf32>,
        %get3A_456 = arith.constant 0 : i32
        %get3A_457 = arith.index_cast %get3A_456 : i32 to index
        %get3A_458 = arith.index_cast %scan3A_425 : i32 to index
        %get3A_459 = arith.constant 32 : index
        %get3A_460 = tpu.vector_load %arg6[%get3A_457, %get3A_458, %get3A_459] {strides = array<i32>} : memref<5x32x512xf32, #tpu.memory_space<vmem>>, vector<1x1x16xf32>,
        %get3A_461 = vector.shape_cast %get3A_460 : vector<1x1x16xf32> to vector<16xf32>
        %mul3A_462 = arith.constant 22.6274166 : f32
        %mul3A_463 = vector.broadcast %mul3A_462 : f32 to vector<16xf32>
        %mul3A_464 = arith.mulf %get3A_461, %mul3A_463 : vector<16xf32>
        %swap3A_465 = arith.constant 0 : i32
        %swap3A_466 = arith.index_cast %swap3A_465 : i32 to index
        %swap3A_467 = arith.index_cast %scan3A_425 : i32 to index
        %swap3A_468 = arith.constant 32 : index
        %swap3A_469 = tpu.vector_load %arg6[%swap3A_466, %swap3A_467, %swap3A_468] {strides = array<i32>} : memref<5x32x512xf32, #tpu.memory_space<vmem>>, vector<1x1x16xf32>,
        %swap3A_470 = vector.shape_cast %swap3A_469 : vector<1x1x16xf32> to vector<16xf32>
        %swap3A_471 = vector.shape_cast %mul3A_464 : vector<16xf32> to vector<1x1x16xf32>
        tpu.vector_store %arg6[%swap3A_466, %swap3A_467, %swap3A_468], %swap3A_471 {strides = array<i32>} : memref<5x32x512xf32, #tpu.memory_space<vmem>>, vector<1x1x16xf32>,
        %get3A_472 = arith.constant 0 : i32
        %get3A_473 = arith.index_cast %get3A_472 : i32 to index
        %get3A_474 = arith.index_cast %scan3A_425 : i32 to index
        %get3A_475 = arith.constant 48 : index
        %get3A_476 = tpu.vector_load %arg6[%get3A_473, %get3A_474, %get3A_475] {strides = array<i32>} : memref<5x32x512xf32, #tpu.memory_space<vmem>>, vector<1x1x16xf32>,
        %get3A_477 = vector.shape_cast %get3A_476 : vector<1x1x16xf32> to vector<16xf32>
        %mul3A_478 = arith.constant 22.6274166 : f32
        %mul3A_479 = vector.broadcast %mul3A_478 : f32 to vector<16xf32>
        %mul3A_480 = arith.mulf %get3A_477, %mul3A_479 : vector<16xf32>
        %swap3A_481 = arith.constant 0 : i32
        %swap3A_482 = arith.index_cast %swap3A_481 : i32 to index
        %swap3A_483 = arith.index_cast %scan3A_425 : i32 to index
        %swap3A_484 = arith.constant 48 : index
        %swap3A_485 = tpu.vector_load %arg6[%swap3A_482, %swap3A_483, %swap3A_484] {strides = array<i32>} : memref<5x32x512xf32, #tpu.memory_space<vmem>>, vector<1x1x16xf32>,
        %swap3A_486 = vector.shape_cast %swap3A_485 : vector<1x1x16xf32> to vector<16xf32>
        %swap3A_487 = vector.shape_cast %mul3A_480 : vector<16xf32> to vector<1x1x16xf32>
        tpu.vector_store %arg6[%swap3A_482, %swap3A_483, %swap3A_484], %swap3A_487 {strides = array<i32>} : memref<5x32x512xf32, #tpu.memory_space<vmem>>, vector<1x1x16xf32>,
        %get3A_488 = arith.constant 0 : i32
        %get3A_489 = arith.index_cast %get3A_488 : i32 to index
        %get3A_490 = arith.index_cast %scan3A_425 : i32 to index
        %get3A_491 = arith.constant 64 : index
        %get3A_492 = tpu.vector_load %arg6[%get3A_489, %get3A_490, %get3A_491] {strides = array<i32>} : memref<5x32x512xf32, #tpu.memory_space<vmem>>, vector<1x1x16xf32>,
        %get3A_493 = vector.shape_cast %get3A_492 : vector<1x1x16xf32> to vector<16xf32>
        %mul3A_494 = arith.constant 22.6274166 : f32
        %mul3A_495 = vector.broadcast %mul3A_494 : f32 to vector<16xf32>
        %mul3A_496 = arith.mulf %get3A_493, %mul3A_495 : vector<16xf32>
        %swap3A_497 = arith.constant 0 : i32
        %swap3A_498 = arith.index_cast %swap3A_497 : i32 to index
        %swap3A_499 = arith.index_cast %scan3A_425 : i32 to index
        %swap3A_500 = arith.constant 64 : index
        %swap3A_501 = tpu.vector_load %arg6[%swap3A_498, %swap3A_499, %swap3A_500] {strides = array<i32>} : memref<5x32x512xf32, #tpu.memory_space<vmem>>, vector<1x1x16xf32>,
        %swap3A_502 = vector.shape_cast %swap3A_501 : vector<1x1x16xf32> to vector<16xf32>
        %swap3A_503 = vector.shape_cast %mul3A_496 : vector<16xf32> to vector<1x1x16xf32>
        tpu.vector_store %arg6[%swap3A_498, %swap3A_499, %swap3A_500], %swap3A_503 {strides = array<i32>} : memref<5x32x512xf32, #tpu.memory_space<vmem>>, vector<1x1x16xf32>,
        %get3A_504 = arith.constant 0 : i32
        %get3A_505 = arith.index_cast %get3A_504 : i32 to index
        %get3A_506 = arith.index_cast %scan3A_425 : i32 to index
        %get3A_507 = arith.constant 80 : index
        %get3A_508 = tpu.vector_load %arg6[%get3A_505, %get3A_506, %get3A_507] {strides = array<i32>} : memref<5x32x512xf32, #tpu.memory_space<vmem>>, vector<1x1x16xf32>,
        %get3A_509 = vector.shape_cast %get3A_508 : vector<1x1x16xf32> to vector<16xf32>
        %mul3A_510 = arith.constant 22.6274166 : f32
        %mul3A_511 = vector.broadcast %mul3A_510 : f32 to vector<16xf32>
        %mul3A_512 = arith.mulf %get3A_509, %mul3A_511 : vector<16xf32>
        %swap3A_513 = arith.constant 0 : i32
        %swap3A_514 = arith.index_cast %swap3A_513 : i32 to index
        %swap3A_515 = arith.index_cast %scan3A_425 : i32 to index
        %swap3A_516 = arith.constant 80 : index
        %swap3A_517 = tpu.vector_load %arg6[%swap3A_514, %swap3A_515, %swap3A_516] {strides = array<i32>} : memref<5x32x512xf32, #tpu.memory_space<vmem>>, vector<1x1x16xf32>,
        %swap3A_518 = vector.shape_cast %swap3A_517 : vector<1x1x16xf32> to vector<16xf32>
        %swap3A_519 = vector.shape_cast %mul3A_512 : vector<16xf32> to vector<1x1x16xf32>
        tpu.vector_store %arg6[%swap3A_514, %swap3A_515, %swap3A_516], %swap3A_519 {strides = array<i32>} : memref<5x32x512xf32, #tpu.memory_space<vmem>>, vector<1x1x16xf32>,
        %get3A_520 = arith.constant 0 : i32
        %get3A_521 = arith.index_cast %get3A_520 : i32 to index
        %get3A_522 = arith.index_cast %scan3A_425 : i32 to index
        %get3A_523 = arith.constant 96 : index
        %get3A_524 = tpu.vector_load %arg6[%get3A_521, %get3A_522, %get3A_523] {strides = array<i32>} : memref<5x32x512xf32, #tpu.memory_space<vmem>>, vector<1x1x16xf32>,
        %get3A_525 = vector.shape_cast %get3A_524 : vector<1x1x16xf32> to vector<16xf32>
        %mul3A_526 = arith.constant 22.6274166 : f32
        %mul3A_527 = vector.broadcast %mul3A_526 : f32 to vector<16xf32>
        %mul3A_528 = arith.mulf %get3A_525, %mul3A_527 : vector<16xf32>
        %swap3A_529 = arith.constant 0 : i32
        %swap3A_530 = arith.index_cast %swap3A_529 : i32 to index
        %swap3A_531 = arith.index_cast %scan3A_425 : i32 to index
        %swap3A_532 = arith.constant 96 : index
        %swap3A_533 = tpu.vector_load %arg6[%swap3A_530, %swap3A_531, %swap3A_532] {strides = array<i32>} : memref<5x32x512xf32, #tpu.memory_space<vmem>>, vector<1x1x16xf32>,
        %swap3A_534 = vector.shape_cast %swap3A_533 : vector<1x1x16xf32> to vector<16xf32>
        %swap3A_535 = vector.shape_cast %mul3A_528 : vector<16xf32> to vector<1x1x16xf32>
        tpu.vector_store %arg6[%swap3A_530, %swap3A_531, %swap3A_532], %swap3A_535 {strides = array<i32>} : memref<5x32x512xf32, #tpu.memory_space<vmem>>, vector<1x1x16xf32>,
        %get3A_536 = arith.constant 0 : i32
        %get3A_537 = arith.index_cast %get3A_536 : i32 to index
        %get3A_538 = arith.index_cast %scan3A_425 : i32 to index
        %get3A_539 = arith.constant 112 : index
        %get3A_540 = tpu.vector_load %arg6[%get3A_537, %get3A_538, %get3A_539] {strides = array<i32>} : memref<5x32x512xf32, #tpu.memory_space<vmem>>, vector<1x1x16xf32>,
        %get3A_541 = vector.shape_cast %get3A_540 : vector<1x1x16xf32> to vector<16xf32>
        %mul3A_542 = arith.constant 22.6274166 : f32
        %mul3A_543 = vector.broadcast %mul3A_542 : f32 to vector<16xf32>
        %mul3A_544 = arith.mulf %get3A_541, %mul3A_543 : vector<16xf32>
        %swap3A_545 = arith.constant 0 : i32
        %swap3A_546 = arith.index_cast %swap3A_545 : i32 to index
        %swap3A_547 = arith.index_cast %scan3A_425 : i32 to index
        %swap3A_548 = arith.constant 112 : index
        %swap3A_549 = tpu.vector_load %arg6[%swap3A_546, %swap3A_547, %swap3A_548] {strides = array<i32>} : memref<5x32x512xf32, #tpu.memory_space<vmem>>, vector<1x1x16xf32>,
        %swap3A_550 = vector.shape_cast %swap3A_549 : vector<1x1x16xf32> to vector<16xf32>
        %swap3A_551 = vector.shape_cast %mul3A_544 : vector<16xf32> to vector<1x1x16xf32>
        tpu.vector_store %arg6[%swap3A_546, %swap3A_547, %swap3A_548], %swap3A_551 {strides = array<i32>} : memref<5x32x512xf32, #tpu.memory_space<vmem>>, vector<1x1x16xf32>,
        %get3A_552 = arith.constant 0 : i32
        %get3A_553 = arith.index_cast %get3A_552 : i32 to index
        %get3A_554 = arith.index_cast %scan3A_425 : i32 to index
        %get3A_555 = arith.constant 128 : index
        %get3A_556 = tpu.vector_load %arg6[%get3A_553, %get3A_554, %get3A_555] {strides = array<i32>} : memref<5x32x512xf32, #tpu.memory_space<vmem>>, vector<1x1x16xf32>,
        %get3A_557 = vector.shape_cast %get3A_556 : vector<1x1x16xf32> to vector<16xf32>
        %mul3A_558 = arith.constant 22.6274166 : f32
        %mul3A_559 = vector.broadcast %mul3A_558 : f32 to vector<16xf32>
        %mul3A_560 = arith.mulf %get3A_557, %mul3A_559 : vector<16xf32>
        %swap3A_561 = arith.constant 0 : i32
        %swap3A_562 = arith.index_cast %swap3A_561 : i32 to index
        %swap3A_563 = arith.index_cast %scan3A_425 : i32 to index
        %swap3A_564 = arith.constant 128 : index
        %swap3A_565 = tpu.vector_load %arg6[%swap3A_562, %swap3A_563, %swap3A_564] {strides = array<i32>} : memref<5x32x512xf32, #tpu.memory_space<vmem>>, vector<1x1x16xf32>,
        %swap3A_566 = vector.shape_cast %swap3A_565 : vector<1x1x16xf32> to vector<16xf32>
        %swap3A_567 = vector.shape_cast %mul3A_560 : vector<16xf32> to vector<1x1x16xf32>
        tpu.vector_store %arg6[%swap3A_562, %swap3A_563, %swap3A_564], %swap3A_567 {strides = array<i32>} : memref<5x32x512xf32, #tpu.memory_space<vmem>>, vector<1x1x16xf32>,
        %get3A_568 = arith.constant 0 : i32
        %get3A_569 = arith.index_cast %get3A_568 : i32 to index
        %get3A_570 = arith.index_cast %scan3A_425 : i32 to index
        %get3A_571 = arith.constant 144 : index
        %get3A_572 = tpu.vector_load %arg6[%get3A_569, %get3A_570, %get3A_571] {strides = array<i32>} : memref<5x32x512xf32, #tpu.memory_space<vmem>>, vector<1x1x16xf32>,
        %get3A_573 = vector.shape_cast %get3A_572 : vector<1x1x16xf32> to vector<16xf32>
        %mul3A_574 = arith.constant 22.6274166 : f32
        %mul3A_575 = vector.broadcast %mul3A_574 : f32 to vector<16xf32>
        %mul3A_576 = arith.mulf %get3A_573, %mul3A_575 : vector<16xf32>
        %swap3A_577 = arith.constant 0 : i32
        %swap3A_578 = arith.index_cast %swap3A_577 : i32 to index
        %swap3A_579 = arith.index_cast %scan3A_425 : i32 to index
        %swap3A_580 = arith.constant 144 : index
        %swap3A_581 = tpu.vector_load %arg6[%swap3A_578, %swap3A_579, %swap3A_580] {strides = array<i32>} : memref<5x32x512xf32, #tpu.memory_space<vmem>>, vector<1x1x16xf32>,
        %swap3A_582 = vector.shape_cast %swap3A_581 : vector<1x1x16xf32> to vector<16xf32>
        %swap3A_583 = vector.shape_cast %mul3A_576 : vector<16xf32> to vector<1x1x16xf32>
        tpu.vector_store %arg6[%swap3A_578, %swap3A_579, %swap3A_580], %swap3A_583 {strides = array<i32>} : memref<5x32x512xf32, #tpu.memory_space<vmem>>, vector<1x1x16xf32>,
        %get3A_584 = arith.constant 0 : i32
        %get3A_585 = arith.index_cast %get3A_584 : i32 to index
        %get3A_586 = arith.index_cast %scan3A_425 : i32 to index
        %get3A_587 = arith.constant 160 : index
        %get3A_588 = tpu.vector_load %arg6[%get3A_585, %get3A_586, %get3A_587] {strides = array<i32>} : memref<5x32x512xf32, #tpu.memory_space<vmem>>, vector<1x1x16xf32>,
        %get3A_589 = vector.shape_cast %get3A_588 : vector<1x1x16xf32> to vector<16xf32>
        %mul3A_590 = arith.constant 22.6274166 : f32
        %mul3A_591 = vector.broadcast %mul3A_590 : f32 to vector<16xf32>
        %mul3A_592 = arith.mulf %get3A_589, %mul3A_591 : vector<16xf32>
        %swap3A_593 = arith.constant 0 : i32
        %swap3A_594 = arith.index_cast %swap3A_593 : i32 to index
        %swap3A_595 = arith.index_cast %scan3A_425 : i32 to index
        %swap3A_596 = arith.constant 160 : index
        %swap3A_597 = tpu.vector_load %arg6[%swap3A_594, %swap3A_595, %swap3A_596] {strides = array<i32>} : memref<5x32x512xf32, #tpu.memory_space<vmem>>, vector<1x1x16xf32>,
        %swap3A_598 = vector.shape_cast %swap3A_597 : vector<1x1x16xf32> to vector<16xf32>
        %swap3A_599 = vector.shape_cast %mul3A_592 : vector<16xf32> to vector<1x1x16xf32>
        tpu.vector_store %arg6[%swap3A_594, %swap3A_595, %swap3A_596], %swap3A_599 {strides = array<i32>} : memref<5x32x512xf32, #tpu.memory_space<vmem>>, vector<1x1x16xf32>,
        %get3A_600 = arith.constant 0 : i32
        %get3A_601 = arith.index_cast %get3A_600 : i32 to index
        %get3A_602 = arith.index_cast %scan3A_425 : i32 to index
        %get3A_603 = arith.constant 176 : index
        %get3A_604 = tpu.vector_load %arg6[%get3A_601, %get3A_602, %get3A_603] {strides = array<i32>} : memref<5x32x512xf32, #tpu.memory_space<vmem>>, vector<1x1x16xf32>,
        %get3A_605 = vector.shape_cast %get3A_604 : vector<1x1x16xf32> to vector<16xf32>
        %mul3A_606 = arith.constant 22.6274166 : f32
        %mul3A_607 = vector.broadcast %mul3A_606 : f32 to vector<16xf32>
        %mul3A_608 = arith.mulf %get3A_605, %mul3A_607 : vector<16xf32>
        %swap3A_609 = arith.constant 0 : i32
        %swap3A_610 = arith.index_cast %swap3A_609 : i32 to index
        %swap3A_611 = arith.index_cast %scan3A_425 : i32 to index
        %swap3A_612 = arith.constant 176 : index
        %swap3A_613 = tpu.vector_load %arg6[%swap3A_610, %swap3A_611, %swap3A_612] {strides = array<i32>} : memref<5x32x512xf32, #tpu.memory_space<vmem>>, vector<1x1x16xf32>,
        %swap3A_614 = vector.shape_cast %swap3A_613 : vector<1x1x16xf32> to vector<16xf32>
        %swap3A_615 = vector.shape_cast %mul3A_608 : vector<16xf32> to vector<1x1x16xf32>
        tpu.vector_store %arg6[%swap3A_610, %swap3A_611, %swap3A_612], %swap3A_615 {strides = array<i32>} : memref<5x32x512xf32, #tpu.memory_space<vmem>>, vector<1x1x16xf32>,
        %get3A_616 = arith.constant 0 : i32
        %get3A_617 = arith.index_cast %get3A_616 : i32 to index
        %get3A_618 = arith.index_cast %scan3A_425 : i32 to index
        %get3A_619 = arith.constant 192 : index
        %get3A_620 = tpu.vector_load %arg6[%get3A_617, %get3A_618, %get3A_619] {strides = array<i32>} : memref<5x32x512xf32, #tpu.memory_space<vmem>>, vector<1x1x16xf32>,
        %get3A_621 = vector.shape_cast %get3A_620 : vector<1x1x16xf32> to vector<16xf32>
        %mul3A_622 = arith.constant 22.6274166 : f32
        %mul3A_623 = vector.broadcast %mul3A_622 : f32 to vector<16xf32>
        %mul3A_624 = arith.mulf %get3A_621, %mul3A_623 : vector<16xf32>
        %swap3A_625 = arith.constant 0 : i32
        %swap3A_626 = arith.index_cast %swap3A_625 : i32 to index
        %swap3A_627 = arith.index_cast %scan3A_425 : i32 to index
        %swap3A_628 = arith.constant 192 : index
        %swap3A_629 = tpu.vector_load %arg6[%swap3A_626, %swap3A_627, %swap3A_628] {strides = array<i32>} : memref<5x32x512xf32, #tpu.memory_space<vmem>>, vector<1x1x16xf32>,
        %swap3A_630 = vector.shape_cast %swap3A_629 : vector<1x1x16xf32> to vector<16xf32>
        %swap3A_631 = vector.shape_cast %mul3A_624 : vector<16xf32> to vector<1x1x16xf32>
        tpu.vector_store %arg6[%swap3A_626, %swap3A_627, %swap3A_628], %swap3A_631 {strides = array<i32>} : memref<5x32x512xf32, #tpu.memory_space<vmem>>, vector<1x1x16xf32>,
        %get3A_632 = arith.constant 0 : i32
        %get3A_633 = arith.index_cast %get3A_632 : i32 to index
        %get3A_634 = arith.index_cast %scan3A_425 : i32 to index
        %get3A_635 = arith.constant 208 : index
        %get3A_636 = tpu.vector_load %arg6[%get3A_633, %get3A_634, %get3A_635] {strides = array<i32>} : memref<5x32x512xf32, #tpu.memory_space<vmem>>, vector<1x1x16xf32>,
        %get3A_637 = vector.shape_cast %get3A_636 : vector<1x1x16xf32> to vector<16xf32>
        %mul3A_638 = arith.constant 22.6274166 : f32
        %mul3A_639 = vector.broadcast %mul3A_638 : f32 to vector<16xf32>
        %mul3A_640 = arith.mulf %get3A_637, %mul3A_639 : vector<16xf32>
        %swap3A_641 = arith.constant 0 : i32
        %swap3A_642 = arith.index_cast %swap3A_641 : i32 to index
        %swap3A_643 = arith.index_cast %scan3A_425 : i32 to index
        %swap3A_644 = arith.constant 208 : index
        %swap3A_645 = tpu.vector_load %arg6[%swap3A_642, %swap3A_643, %swap3A_644] {strides = array<i32>} : memref<5x32x512xf32, #tpu.memory_space<vmem>>, vector<1x1x16xf32>,
        %swap3A_646 = vector.shape_cast %swap3A_645 : vector<1x1x16xf32> to vector<16xf32>
        %swap3A_647 = vector.shape_cast %mul3A_640 : vector<16xf32> to vector<1x1x16xf32>
        tpu.vector_store %arg6[%swap3A_642, %swap3A_643, %swap3A_644], %swap3A_647 {strides = array<i32>} : memref<5x32x512xf32, #tpu.memory_space<vmem>>, vector<1x1x16xf32>,
        %get3A_648 = arith.constant 0 : i32
        %get3A_649 = arith.index_cast %get3A_648 : i32 to index
        %get3A_650 = arith.index_cast %scan3A_425 : i32 to index
        %get3A_651 = arith.constant 224 : index
        %get3A_652 = tpu.vector_load %arg6[%get3A_649, %get3A_650, %get3A_651] {strides = array<i32>} : memref<5x32x512xf32, #tpu.memory_space<vmem>>, vector<1x1x16xf32>,
        %get3A_653 = vector.shape_cast %get3A_652 : vector<1x1x16xf32> to vector<16xf32>
        %mul3A_654 = arith.constant 22.6274166 : f32
        %mul3A_655 = vector.broadcast %mul3A_654 : f32 to vector<16xf32>
        %mul3A_656 = arith.mulf %get3A_653, %mul3A_655 : vector<16xf32>
        %swap3A_657 = arith.constant 0 : i32
        %swap3A_658 = arith.index_cast %swap3A_657 : i32 to index
        %swap3A_659 = arith.index_cast %scan3A_425 : i32 to index
        %swap3A_660 = arith.constant 224 : index
        %swap3A_661 = tpu.vector_load %arg6[%swap3A_658, %swap3A_659, %swap3A_660] {strides = array<i32>} : memref<5x32x512xf32, #tpu.memory_space<vmem>>, vector<1x1x16xf32>,
        %swap3A_662 = vector.shape_cast %swap3A_661 : vector<1x1x16xf32> to vector<16xf32>
        %swap3A_663 = vector.shape_cast %mul3A_656 : vector<16xf32> to vector<1x1x16xf32>
        tpu.vector_store %arg6[%swap3A_658, %swap3A_659, %swap3A_660], %swap3A_663 {strides = array<i32>} : memref<5x32x512xf32, #tpu.memory_space<vmem>>, vector<1x1x16xf32>,
        %get3A_664 = arith.constant 0 : i32
        %get3A_665 = arith.index_cast %get3A_664 : i32 to index
        %get3A_666 = arith.index_cast %scan3A_425 : i32 to index
        %get3A_667 = arith.constant 240 : index
        %get3A_668 = tpu.vector_load %arg6[%get3A_665, %get3A_666, %get3A_667] {strides = array<i32>} : memref<5x32x512xf32, #tpu.memory_space<vmem>>, vector<1x1x16xf32>,
        %get3A_669 = vector.shape_cast %get3A_668 : vector<1x1x16xf32> to vector<16xf32>
        %mul3A_670 = arith.constant 22.6274166 : f32
        %mul3A_671 = vector.broadcast %mul3A_670 : f32 to vector<16xf32>
        %mul3A_672 = arith.mulf %get3A_669, %mul3A_671 : vector<16xf32>
        %swap3A_673 = arith.constant 0 : i32
        %swap3A_674 = arith.index_cast %swap3A_673 : i32 to index
        %swap3A_675 = arith.index_cast %scan3A_425 : i32 to index
        %swap3A_676 = arith.constant 240 : index
        %swap3A_677 = tpu.vector_load %arg6[%swap3A_674, %swap3A_675, %swap3A_676] {strides = array<i32>} : memref<5x32x512xf32, #tpu.memory_space<vmem>>, vector<1x1x16xf32>,
        %swap3A_678 = vector.shape_cast %swap3A_677 : vector<1x1x16xf32> to vector<16xf32>
        %swap3A_679 = vector.shape_cast %mul3A_672 : vector<16xf32> to vector<1x1x16xf32>
        tpu.vector_store %arg6[%swap3A_674, %swap3A_675, %swap3A_676], %swap3A_679 {strides = array<i32>} : memref<5x32x512xf32, #tpu.memory_space<vmem>>, vector<1x1x16xf32>,
        %get3A_680 = arith.constant 0 : i32
        %get3A_681 = arith.index_cast %get3A_680 : i32 to index
        %get3A_682 = arith.index_cast %scan3A_425 : i32 to index
        %get3A_683 = arith.constant 256 : index
        %get3A_684 = tpu.vector_load %arg6[%get3A_681, %get3A_682, %get3A_683] {strides = array<i32>} : memref<5x32x512xf32, #tpu.memory_space<vmem>>, vector<1x1x16xf32>,
        %get3A_685 = vector.shape_cast %get3A_684 : vector<1x1x16xf32> to vector<16xf32>
        %mul3A_686 = arith.constant 22.6274166 : f32
        %mul3A_687 = vector.broadcast %mul3A_686 : f32 to vector<16xf32>
        %mul3A_688 = arith.mulf %get3A_685, %mul3A_687 : vector<16xf32>
        %swap3A_689 = arith.constant 0 : i32
        %swap3A_690 = arith.index_cast %swap3A_689 : i32 to index
        %swap3A_691 = arith.index_cast %scan3A_425 : i32 to index
        %swap3A_692 = arith.constant 256 : index
        %swap3A_693 = tpu.vector_load %arg6[%swap3A_690, %swap3A_691, %swap3A_692] {strides = array<i32>} : memref<5x32x512xf32, #tpu.memory_space<vmem>>, vector<1x1x16xf32>,
        %swap3A_694 = vector.shape_cast %swap3A_693 : vector<1x1x16xf32> to vector<16xf32>
        %swap3A_695 = vector.shape_cast %mul3A_688 : vector<16xf32> to vector<1x1x16xf32>
        tpu.vector_store %arg6[%swap3A_690, %swap3A_691, %swap3A_692], %swap3A_695 {strides = array<i32>} : memref<5x32x512xf32, #tpu.memory_space<vmem>>, vector<1x1x16xf32>,
        %get3A_696 = arith.constant 0 : i32
        %get3A_697 = arith.index_cast %get3A_696 : i32 to index
        %get3A_698 = arith.index_cast %scan3A_425 : i32 to index
        %get3A_699 = arith.constant 272 : index
        %get3A_700 = tpu.vector_load %arg6[%get3A_697, %get3A_698, %get3A_699] {strides = array<i32>} : memref<5x32x512xf32, #tpu.memory_space<vmem>>, vector<1x1x16xf32>,
        %get3A_701 = vector.shape_cast %get3A_700 : vector<1x1x16xf32> to vector<16xf32>
        %mul3A_702 = arith.constant 22.6274166 : f32
        %mul3A_703 = vector.broadcast %mul3A_702 : f32 to vector<16xf32>
        %mul3A_704 = arith.mulf %get3A_701, %mul3A_703 : vector<16xf32>
        %swap3A_705 = arith.constant 0 : i32
        %swap3A_706 = arith.index_cast %swap3A_705 : i32 to index
        %swap3A_707 = arith.index_cast %scan3A_425 : i32 to index
        %swap3A_708 = arith.constant 272 : index
        %swap3A_709 = tpu.vector_load %arg6[%swap3A_706, %swap3A_707, %swap3A_708] {strides = array<i32>} : memref<5x32x512xf32, #tpu.memory_space<vmem>>, vector<1x1x16xf32>,
        %swap3A_710 = vector.shape_cast %swap3A_709 : vector<1x1x16xf32> to vector<16xf32>
        %swap3A_711 = vector.shape_cast %mul3A_704 : vector<16xf32> to vector<1x1x16xf32>
        tpu.vector_store %arg6[%swap3A_706, %swap3A_707, %swap3A_708], %swap3A_711 {strides = array<i32>} : memref<5x32x512xf32, #tpu.memory_space<vmem>>, vector<1x1x16xf32>,
        %get3A_712 = arith.constant 0 : i32
        %get3A_713 = arith.index_cast %get3A_712 : i32 to index
        %get3A_714 = arith.index_cast %scan3A_425 : i32 to index
        %get3A_715 = arith.constant 288 : index
        %get3A_716 = tpu.vector_load %arg6[%get3A_713, %get3A_714, %get3A_715] {strides = array<i32>} : memref<5x32x512xf32, #tpu.memory_space<vmem>>, vector<1x1x16xf32>,
        %get3A_717 = vector.shape_cast %get3A_716 : vector<1x1x16xf32> to vector<16xf32>
        %mul3A_718 = arith.constant 22.6274166 : f32
        %mul3A_719 = vector.broadcast %mul3A_718 : f32 to vector<16xf32>
        %mul3A_720 = arith.mulf %get3A_717, %mul3A_719 : vector<16xf32>
        %swap3A_721 = arith.constant 0 : i32
        %swap3A_722 = arith.index_cast %swap3A_721 : i32 to index
        %swap3A_723 = arith.index_cast %scan3A_425 : i32 to index
        %swap3A_724 = arith.constant 288 : index
        %swap3A_725 = tpu.vector_load %arg6[%swap3A_722, %swap3A_723, %swap3A_724] {strides = array<i32>} : memref<5x32x512xf32, #tpu.memory_space<vmem>>, vector<1x1x16xf32>,
        %swap3A_726 = vector.shape_cast %swap3A_725 : vector<1x1x16xf32> to vector<16xf32>
        %swap3A_727 = vector.shape_cast %mul3A_720 : vector<16xf32> to vector<1x1x16xf32>
        tpu.vector_store %arg6[%swap3A_722, %swap3A_723, %swap3A_724], %swap3A_727 {strides = array<i32>} : memref<5x32x512xf32, #tpu.memory_space<vmem>>, vector<1x1x16xf32>,
        %get3A_728 = arith.constant 0 : i32
        %get3A_729 = arith.index_cast %get3A_728 : i32 to index
        %get3A_730 = arith.index_cast %scan3A_425 : i32 to index
        %get3A_731 = arith.constant 304 : index
        %get3A_732 = tpu.vector_load %arg6[%get3A_729, %get3A_730, %get3A_731] {strides = array<i32>} : memref<5x32x512xf32, #tpu.memory_space<vmem>>, vector<1x1x16xf32>,
        %get3A_733 = vector.shape_cast %get3A_732 : vector<1x1x16xf32> to vector<16xf32>
        %mul3A_734 = arith.constant 22.6274166 : f32
        %mul3A_735 = vector.broadcast %mul3A_734 : f32 to vector<16xf32>
        %mul3A_736 = arith.mulf %get3A_733, %mul3A_735 : vector<16xf32>
        %swap3A_737 = arith.constant 0 : i32
        %swap3A_738 = arith.index_cast %swap3A_737 : i32 to index
        %swap3A_739 = arith.index_cast %scan3A_425 : i32 to index
        %swap3A_740 = arith.constant 304 : index
        %swap3A_741 = tpu.vector_load %arg6[%swap3A_738, %swap3A_739, %swap3A_740] {strides = array<i32>} : memref<5x32x512xf32, #tpu.memory_space<vmem>>, vector<1x1x16xf32>,
        %swap3A_742 = vector.shape_cast %swap3A_741 : vector<1x1x16xf32> to vector<16xf32>
        %swap3A_743 = vector.shape_cast %mul3A_736 : vector<16xf32> to vector<1x1x16xf32>
        tpu.vector_store %arg6[%swap3A_738, %swap3A_739, %swap3A_740], %swap3A_743 {strides = array<i32>} : memref<5x32x512xf32, #tpu.memory_space<vmem>>, vector<1x1x16xf32>,
        %get3A_744 = arith.constant 0 : i32
        %get3A_745 = arith.index_cast %get3A_744 : i32 to index
        %get3A_746 = arith.index_cast %scan3A_425 : i32 to index
        %get3A_747 = arith.constant 320 : index
        %get3A_748 = tpu.vector_load %arg6[%get3A_745, %get3A_746, %get3A_747] {strides = array<i32>} : memref<5x32x512xf32, #tpu.memory_space<vmem>>, vector<1x1x16xf32>,
        %get3A_749 = vector.shape_cast %get3A_748 : vector<1x1x16xf32> to vector<16xf32>
        %mul3A_750 = arith.constant 22.6274166 : f32
        %mul3A_751 = vector.broadcast %mul3A_750 : f32 to vector<16xf32>
        %mul3A_752 = arith.mulf %get3A_749, %mul3A_751 : vector<16xf32>
        %swap3A_753 = arith.constant 0 : i32
        %swap3A_754 = arith.index_cast %swap3A_753 : i32 to index
        %swap3A_755 = arith.index_cast %scan3A_425 : i32 to index
        %swap3A_756 = arith.constant 320 : index
        %swap3A_757 = tpu.vector_load %arg6[%swap3A_754, %swap3A_755, %swap3A_756] {strides = array<i32>} : memref<5x32x512xf32, #tpu.memory_space<vmem>>, vector<1x1x16xf32>,
        %swap3A_758 = vector.shape_cast %swap3A_757 : vector<1x1x16xf32> to vector<16xf32>
        %swap3A_759 = vector.shape_cast %mul3A_752 : vector<16xf32> to vector<1x1x16xf32>
        tpu.vector_store %arg6[%swap3A_754, %swap3A_755, %swap3A_756], %swap3A_759 {strides = array<i32>} : memref<5x32x512xf32, #tpu.memory_space<vmem>>, vector<1x1x16xf32>,
        %get3A_760 = arith.constant 0 : i32
        %get3A_761 = arith.index_cast %get3A_760 : i32 to index
        %get3A_762 = arith.index_cast %scan3A_425 : i32 to index
        %get3A_763 = arith.constant 336 : index
        %get3A_764 = tpu.vector_load %arg6[%get3A_761, %get3A_762, %get3A_763] {strides = array<i32>} : memref<5x32x512xf32, #tpu.memory_space<vmem>>, vector<1x1x16xf32>,
        %get3A_765 = vector.shape_cast %get3A_764 : vector<1x1x16xf32> to vector<16xf32>
        %mul3A_766 = arith.constant 22.6274166 : f32
        %mul3A_767 = vector.broadcast %mul3A_766 : f32 to vector<16xf32>
        %mul3A_768 = arith.mulf %get3A_765, %mul3A_767 : vector<16xf32>
        %swap3A_769 = arith.constant 0 : i32
        %swap3A_770 = arith.index_cast %swap3A_769 : i32 to index
        %swap3A_771 = arith.index_cast %scan3A_425 : i32 to index
        %swap3A_772 = arith.constant 336 : index
        %swap3A_773 = tpu.vector_load %arg6[%swap3A_770, %swap3A_771, %swap3A_772] {strides = array<i32>} : memref<5x32x512xf32, #tpu.memory_space<vmem>>, vector<1x1x16xf32>,
        %swap3A_774 = vector.shape_cast %swap3A_773 : vector<1x1x16xf32> to vector<16xf32>
        %swap3A_775 = vector.shape_cast %mul3A_768 : vector<16xf32> to vector<1x1x16xf32>
        tpu.vector_store %arg6[%swap3A_770, %swap3A_771, %swap3A_772], %swap3A_775 {strides = array<i32>} : memref<5x32x512xf32, #tpu.memory_space<vmem>>, vector<1x1x16xf32>,
        %get3A_776 = arith.constant 0 : i32
        %get3A_777 = arith.index_cast %get3A_776 : i32 to index
        %get3A_778 = arith.index_cast %scan3A_425 : i32 to index
        %get3A_779 = arith.constant 352 : index
        %get3A_780 = tpu.vector_load %arg6[%get3A_777, %get3A_778, %get3A_779] {strides = array<i32>} : memref<5x32x512xf32, #tpu.memory_space<vmem>>, vector<1x1x16xf32>,
        %get3A_781 = vector.shape_cast %get3A_780 : vector<1x1x16xf32> to vector<16xf32>
        %mul3A_782 = arith.constant 22.6274166 : f32
        %mul3A_783 = vector.broadcast %mul3A_782 : f32 to vector<16xf32>
        %mul3A_784 = arith.mulf %get3A_781, %mul3A_783 : vector<16xf32>
        %swap3A_785 = arith.constant 0 : i32
        %swap3A_786 = arith.index_cast %swap3A_785 : i32 to index
        %swap3A_787 = arith.index_cast %scan3A_425 : i32 to index
        %swap3A_788 = arith.constant 352 : index
        %swap3A_789 = tpu.vector_load %arg6[%swap3A_786, %swap3A_787, %swap3A_788] {strides = array<i32>} : memref<5x32x512xf32, #tpu.memory_space<vmem>>, vector<1x1x16xf32>,
        %swap3A_790 = vector.shape_cast %swap3A_789 : vector<1x1x16xf32> to vector<16xf32>
        %swap3A_791 = vector.shape_cast %mul3A_784 : vector<16xf32> to vector<1x1x16xf32>
        tpu.vector_store %arg6[%swap3A_786, %swap3A_787, %swap3A_788], %swap3A_791 {strides = array<i32>} : memref<5x32x512xf32, #tpu.memory_space<vmem>>, vector<1x1x16xf32>,
        %get3A_792 = arith.constant 0 : i32
        %get3A_793 = arith.index_cast %get3A_792 : i32 to index
        %get3A_794 = arith.index_cast %scan3A_425 : i32 to index
        %get3A_795 = arith.constant 368 : index
        %get3A_796 = tpu.vector_load %arg6[%get3A_793, %get3A_794, %get3A_795] {strides = array<i32>} : memref<5x32x512xf32, #tpu.memory_space<vmem>>, vector<1x1x16xf32>,
        %get3A_797 = vector.shape_cast %get3A_796 : vector<1x1x16xf32> to vector<16xf32>
        %mul3A_798 = arith.constant 22.6274166 : f32
        %mul3A_799 = vector.broadcast %mul3A_798 : f32 to vector<16xf32>
        %mul3A_800 = arith.mulf %get3A_797, %mul3A_799 : vector<16xf32>
        %swap3A_801 = arith.constant 0 : i32
        %swap3A_802 = arith.index_cast %swap3A_801 : i32 to index
        %swap3A_803 = arith.index_cast %scan3A_425 : i32 to index
        %swap3A_804 = arith.constant 368 : index
        %swap3A_805 = tpu.vector_load %arg6[%swap3A_802, %swap3A_803, %swap3A_804] {strides = array<i32>} : memref<5x32x512xf32, #tpu.memory_space<vmem>>, vector<1x1x16xf32>,
        %swap3A_806 = vector.shape_cast %swap3A_805 : vector<1x1x16xf32> to vector<16xf32>
        %swap3A_807 = vector.shape_cast %mul3A_800 : vector<16xf32> to vector<1x1x16xf32>
        tpu.vector_store %arg6[%swap3A_802, %swap3A_803, %swap3A_804], %swap3A_807 {strides = array<i32>} : memref<5x32x512xf32, #tpu.memory_space<vmem>>, vector<1x1x16xf32>,
        %get3A_808 = arith.constant 0 : i32
        %get3A_809 = arith.index_cast %get3A_808 : i32 to index
        %get3A_810 = arith.index_cast %scan3A_425 : i32 to index
        %get3A_811 = arith.constant 384 : index
        %get3A_812 = tpu.vector_load %arg6[%get3A_809, %get3A_810, %get3A_811] {strides = array<i32>} : memref<5x32x512xf32, #tpu.memory_space<vmem>>, vector<1x1x16xf32>,
        %get3A_813 = vector.shape_cast %get3A_812 : vector<1x1x16xf32> to vector<16xf32>
        %mul3A_814 = arith.constant 22.6274166 : f32
        %mul3A_815 = vector.broadcast %mul3A_814 : f32 to vector<16xf32>
        %mul3A_816 = arith.mulf %get3A_813, %mul3A_815 : vector<16xf32>
        %swap3A_817 = arith.constant 0 : i32
        %swap3A_818 = arith.index_cast %swap3A_817 : i32 to index
        %swap3A_819 = arith.index_cast %scan3A_425 : i32 to index
        %swap3A_820 = arith.constant 384 : index
        %swap3A_821 = tpu.vector_load %arg6[%swap3A_818, %swap3A_819, %swap3A_820] {strides = array<i32>} : memref<5x32x512xf32, #tpu.memory_space<vmem>>, vector<1x1x16xf32>,
        %swap3A_822 = vector.shape_cast %swap3A_821 : vector<1x1x16xf32> to vector<16xf32>
        %swap3A_823 = vector.shape_cast %mul3A_816 : vector<16xf32> to vector<1x1x16xf32>
        tpu.vector_store %arg6[%swap3A_818, %swap3A_819, %swap3A_820], %swap3A_823 {strides = array<i32>} : memref<5x32x512xf32, #tpu.memory_space<vmem>>, vector<1x1x16xf32>,
        %get3A_824 = arith.constant 0 : i32
        %get3A_825 = arith.index_cast %get3A_824 : i32 to index
        %get3A_826 = arith.index_cast %scan3A_425 : i32 to index
        %get3A_827 = arith.constant 400 : index
        %get3A_828 = tpu.vector_load %arg6[%get3A_825, %get3A_826, %get3A_827] {strides = array<i32>} : memref<5x32x512xf32, #tpu.memory_space<vmem>>, vector<1x1x16xf32>,
        %get3A_829 = vector.shape_cast %get3A_828 : vector<1x1x16xf32> to vector<16xf32>
        %mul3A_830 = arith.constant 22.6274166 : f32
        %mul3A_831 = vector.broadcast %mul3A_830 : f32 to vector<16xf32>
        %mul3A_832 = arith.mulf %get3A_829, %mul3A_831 : vector<16xf32>
        %swap3A_833 = arith.constant 0 : i32
        %swap3A_834 = arith.index_cast %swap3A_833 : i32 to index
        %swap3A_835 = arith.index_cast %scan3A_425 : i32 to index
        %swap3A_836 = arith.constant 400 : index
        %swap3A_837 = tpu.vector_load %arg6[%swap3A_834, %swap3A_835, %swap3A_836] {strides = array<i32>} : memref<5x32x512xf32, #tpu.memory_space<vmem>>, vector<1x1x16xf32>,
        %swap3A_838 = vector.shape_cast %swap3A_837 : vector<1x1x16xf32> to vector<16xf32>
        %swap3A_839 = vector.shape_cast %mul3A_832 : vector<16xf32> to vector<1x1x16xf32>
        tpu.vector_store %arg6[%swap3A_834, %swap3A_835, %swap3A_836], %swap3A_839 {strides = array<i32>} : memref<5x32x512xf32, #tpu.memory_space<vmem>>, vector<1x1x16xf32>,
        %get3A_840 = arith.constant 0 : i32
        %get3A_841 = arith.index_cast %get3A_840 : i32 to index
        %get3A_842 = arith.index_cast %scan3A_425 : i32 to index
        %get3A_843 = arith.constant 416 : index
        %get3A_844 = tpu.vector_load %arg6[%get3A_841, %get3A_842, %get3A_843] {strides = array<i32>} : memref<5x32x512xf32, #tpu.memory_space<vmem>>, vector<1x1x16xf32>,
        %get3A_845 = vector.shape_cast %get3A_844 : vector<1x1x16xf32> to vector<16xf32>
        %mul3A_846 = arith.constant 22.6274166 : f32
        %mul3A_847 = vector.broadcast %mul3A_846 : f32 to vector<16xf32>
        %mul3A_848 = arith.mulf %get3A_845, %mul3A_847 : vector<16xf32>
        %swap3A_849 = arith.constant 0 : i32
        %swap3A_850 = arith.index_cast %swap3A_849 : i32 to index
        %swap3A_851 = arith.index_cast %scan3A_425 : i32 to index
        %swap3A_852 = arith.constant 416 : index
        %swap3A_853 = tpu.vector_load %arg6[%swap3A_850, %swap3A_851, %swap3A_852] {strides = array<i32>} : memref<5x32x512xf32, #tpu.memory_space<vmem>>, vector<1x1x16xf32>,
        %swap3A_854 = vector.shape_cast %swap3A_853 : vector<1x1x16xf32> to vector<16xf32>
        %swap3A_855 = vector.shape_cast %mul3A_848 : vector<16xf32> to vector<1x1x16xf32>
        tpu.vector_store %arg6[%swap3A_850, %swap3A_851, %swap3A_852], %swap3A_855 {strides = array<i32>} : memref<5x32x512xf32, #tpu.memory_space<vmem>>, vector<1x1x16xf32>,
        %get3A_856 = arith.constant 0 : i32
        %get3A_857 = arith.index_cast %get3A_856 : i32 to index
        %get3A_858 = arith.index_cast %scan3A_425 : i32 to index
        %get3A_859 = arith.constant 432 : index
        %get3A_860 = tpu.vector_load %arg6[%get3A_857, %get3A_858, %get3A_859] {strides = array<i32>} : memref<5x32x512xf32, #tpu.memory_space<vmem>>, vector<1x1x16xf32>,
        %get3A_861 = vector.shape_cast %get3A_860 : vector<1x1x16xf32> to vector<16xf32>
        %mul3A_862 = arith.constant 22.6274166 : f32
        %mul3A_863 = vector.broadcast %mul3A_862 : f32 to vector<16xf32>
        %mul3A_864 = arith.mulf %get3A_861, %mul3A_863 : vector<16xf32>
        %swap3A_865 = arith.constant 0 : i32
        %swap3A_866 = arith.index_cast %swap3A_865 : i32 to index
        %swap3A_867 = arith.index_cast %scan3A_425 : i32 to index
        %swap3A_868 = arith.constant 432 : index
        %swap3A_869 = tpu.vector_load %arg6[%swap3A_866, %swap3A_867, %swap3A_868] {strides = array<i32>} : memref<5x32x512xf32, #tpu.memory_space<vmem>>, vector<1x1x16xf32>,
        %swap3A_870 = vector.shape_cast %swap3A_869 : vector<1x1x16xf32> to vector<16xf32>
        %swap3A_871 = vector.shape_cast %mul3A_864 : vector<16xf32> to vector<1x1x16xf32>
        tpu.vector_store %arg6[%swap3A_866, %swap3A_867, %swap3A_868], %swap3A_871 {strides = array<i32>} : memref<5x32x512xf32, #tpu.memory_space<vmem>>, vector<1x1x16xf32>,
        %get3A_872 = arith.constant 0 : i32
        %get3A_873 = arith.index_cast %get3A_872 : i32 to index
        %get3A_874 = arith.index_cast %scan3A_425 : i32 to index
        %get3A_875 = arith.constant 448 : index
        %get3A_876 = tpu.vector_load %arg6[%get3A_873, %get3A_874, %get3A_875] {strides = array<i32>} : memref<5x32x512xf32, #tpu.memory_space<vmem>>, vector<1x1x16xf32>,
        %get3A_877 = vector.shape_cast %get3A_876 : vector<1x1x16xf32> to vector<16xf32>
        %mul3A_878 = arith.constant 22.6274166 : f32
        %mul3A_879 = vector.broadcast %mul3A_878 : f32 to vector<16xf32>
        %mul3A_880 = arith.mulf %get3A_877, %mul3A_879 : vector<16xf32>
        %swap3A_881 = arith.constant 0 : i32
        %swap3A_882 = arith.index_cast %swap3A_881 : i32 to index
        %swap3A_883 = arith.index_cast %scan3A_425 : i32 to index
        %swap3A_884 = arith.constant 448 : index
        %swap3A_885 = tpu.vector_load %arg6[%swap3A_882, %swap3A_883, %swap3A_884] {strides = array<i32>} : memref<5x32x512xf32, #tpu.memory_space<vmem>>, vector<1x1x16xf32>,
        %swap3A_886 = vector.shape_cast %swap3A_885 : vector<1x1x16xf32> to vector<16xf32>
        %swap3A_887 = vector.shape_cast %mul3A_880 : vector<16xf32> to vector<1x1x16xf32>
        tpu.vector_store %arg6[%swap3A_882, %swap3A_883, %swap3A_884], %swap3A_887 {strides = array<i32>} : memref<5x32x512xf32, #tpu.memory_space<vmem>>, vector<1x1x16xf32>,
        %get3A_888 = arith.constant 0 : i32
        %get3A_889 = arith.index_cast %get3A_888 : i32 to index
        %get3A_890 = arith.index_cast %scan3A_425 : i32 to index
        %get3A_891 = arith.constant 464 : index
        %get3A_892 = tpu.vector_load %arg6[%get3A_889, %get3A_890, %get3A_891] {strides = array<i32>} : memref<5x32x512xf32, #tpu.memory_space<vmem>>, vector<1x1x16xf32>,
        %get3A_893 = vector.shape_cast %get3A_892 : vector<1x1x16xf32> to vector<16xf32>
        %mul3A_894 = arith.constant 22.6274166 : f32
        %mul3A_895 = vector.broadcast %mul3A_894 : f32 to vector<16xf32>
        %mul3A_896 = arith.mulf %get3A_893, %mul3A_895 : vector<16xf32>
        %swap3A_897 = arith.constant 0 : i32
        %swap3A_898 = arith.index_cast %swap3A_897 : i32 to index
        %swap3A_899 = arith.index_cast %scan3A_425 : i32 to index
        %swap3A_900 = arith.constant 464 : index
        %swap3A_901 = tpu.vector_load %arg6[%swap3A_898, %swap3A_899, %swap3A_900] {strides = array<i32>} : memref<5x32x512xf32, #tpu.memory_space<vmem>>, vector<1x1x16xf32>,
        %swap3A_902 = vector.shape_cast %swap3A_901 : vector<1x1x16xf32> to vector<16xf32>
        %swap3A_903 = vector.shape_cast %mul3A_896 : vector<16xf32> to vector<1x1x16xf32>
        tpu.vector_store %arg6[%swap3A_898, %swap3A_899, %swap3A_900], %swap3A_903 {strides = array<i32>} : memref<5x32x512xf32, #tpu.memory_space<vmem>>, vector<1x1x16xf32>,
        %get3A_904 = arith.constant 0 : i32
        %get3A_905 = arith.index_cast %get3A_904 : i32 to index
        %get3A_906 = arith.index_cast %scan3A_425 : i32 to index
        %get3A_907 = arith.constant 480 : index
        %get3A_908 = tpu.vector_load %arg6[%get3A_905, %get3A_906, %get3A_907] {strides = array<i32>} : memref<5x32x512xf32, #tpu.memory_space<vmem>>, vector<1x1x16xf32>,
        %get3A_909 = vector.shape_cast %get3A_908 : vector<1x1x16xf32> to vector<16xf32>
        %mul3A_910 = arith.constant 22.6274166 : f32
        %mul3A_911 = vector.broadcast %mul3A_910 : f32 to vector<16xf32>
        %mul3A_912 = arith.mulf %get3A_909, %mul3A_911 : vector<16xf32>
        %swap3A_913 = arith.constant 0 : i32
        %swap3A_914 = arith.index_cast %swap3A_913 : i32 to index
        %swap3A_915 = arith.index_cast %scan3A_425 : i32 to index
        %swap3A_916 = arith.constant 480 : index
        %swap3A_917 = tpu.vector_load %arg6[%swap3A_914, %swap3A_915, %swap3A_916] {strides = array<i32>} : memref<5x32x512xf32, #tpu.memory_space<vmem>>, vector<1x1x16xf32>,
        %swap3A_918 = vector.shape_cast %swap3A_917 : vector<1x1x16xf32> to vector<16xf32>
        %swap3A_919 = vector.shape_cast %mul3A_912 : vector<16xf32> to vector<1x1x16xf32>
        tpu.vector_store %arg6[%swap3A_914, %swap3A_915, %swap3A_916], %swap3A_919 {strides = array<i32>} : memref<5x32x512xf32, #tpu.memory_space<vmem>>, vector<1x1x16xf32>,
        %get3A_920 = arith.constant 0 : i32
        %get3A_921 = arith.index_cast %get3A_920 : i32 to index
        %get3A_922 = arith.index_cast %scan3A_425 : i32 to index
        %get3A_923 = arith.constant 496 : index
        %get3A_924 = tpu.vector_load %arg6[%get3A_921, %get3A_922, %get3A_923] {strides = array<i32>} : memref<5x32x512xf32, #tpu.memory_space<vmem>>, vector<1x1x16xf32>,
        %get3A_925 = vector.shape_cast %get3A_924 : vector<1x1x16xf32> to vector<16xf32>
        %mul3A_926 = arith.constant 22.6274166 : f32
        %mul3A_927 = vector.broadcast %mul3A_926 : f32 to vector<16xf32>
        %mul3A_928 = arith.mulf %get3A_925, %mul3A_927 : vector<16xf32>
        %swap3A_929 = arith.constant 0 : i32
        %swap3A_930 = arith.index_cast %swap3A_929 : i32 to index
        %swap3A_931 = arith.index_cast %scan3A_425 : i32 to index
        %swap3A_932 = arith.constant 496 : index
        %swap3A_933 = tpu.vector_load %arg6[%swap3A_930, %swap3A_931, %swap3A_932] {strides = array<i32>} : memref<5x32x512xf32, #tpu.memory_space<vmem>>, vector<1x1x16xf32>,
        %swap3A_934 = vector.shape_cast %swap3A_933 : vector<1x1x16xf32> to vector<16xf32>
        %swap3A_935 = vector.shape_cast %mul3A_928 : vector<16xf32> to vector<1x1x16xf32>
        tpu.vector_store %arg6[%swap3A_930, %swap3A_931, %swap3A_932], %swap3A_935 {strides = array<i32>} : memref<5x32x512xf32, #tpu.memory_space<vmem>>, vector<1x1x16xf32>,
      }
      %scan3A_178 = arith.constant 32 : i32
      %mul3A_179 = arith.constant 32 : i32
      %mul3A_180 = arith.muli %add3A_159, %mul3A_179 : i32
      %multiple_of3A_181 = tpu.assume_multiple %mul3A_180, 8 : i32
      %add3A_182 = arith.addi %mul3A_2, %multiple_of3A_181 : i32
      %dma_start3A_183 = arith.constant 0 : i32
      %dma_start3A_184 = arith.constant 0 : i32
      %dma_start3A_185 = arith.constant 0 : i32
      %dma_start3A_186 = arith.constant 0 : i32
      %dma_start3A_187 = tpu.memref_slice %arg6[%dma_start3A_183, %dma_start3A_185, %dma_start3A_186] : memref<5x32x512xf32, #tpu.memory_space<vmem>> -> memref<1x32x512xf32, #tpu.memory_space<vmem>>
      %dma_start3A_188 = tpu.memref_squeeze %dma_start3A_187 : memref<1x32x512xf32, #tpu.memory_space<vmem>> -> memref<32x512xf32, #tpu.memory_space<vmem>>
      %dma_start3A_189 = arith.constant 0 : i32
      %dma_start3A_190 = tpu.memref_slice %arg4[%add3A_182, %dma_start3A_189] : memref<81920x512xf32, #tpu.memory_space<hbm>> -> memref<32x512xf32, #tpu.memory_space<hbm>>
      %dma_start3A_191 = tpu.memref_slice %arg8[%dma_start3A_184] : memref<5x!tpu.dma_semaphore, #tpu.memory_space<semaphore_mem>> -> memref<1x!tpu.dma_semaphore, #tpu.memory_space<semaphore_mem>>
      %dma_start3A_192 = tpu.memref_squeeze %dma_start3A_191 : memref<1x!tpu.dma_semaphore, #tpu.memory_space<semaphore_mem>> -> memref<!tpu.dma_semaphore, #tpu.memory_space<semaphore_mem>>
      %dma_start3A_193 = arith.constant 0 : i32
      %dma_start3A_194 = tpu.memref_slice %arg4[%add3A_182, %dma_start3A_193] : memref<81920x512xf32, #tpu.memory_space<hbm>> -> memref<32x512xf32, #tpu.memory_space<hbm>>
      %dma_start3A_195 = arith.constant 0 : i32
      %dma_start3A_196 = arith.constant 0 : i32
      %dma_start3A_197 = tpu.memref_slice %arg6[%dma_start3A_183, %dma_start3A_195, %dma_start3A_196] : memref<5x32x512xf32, #tpu.memory_space<vmem>> -> memref<1x32x512xf32, #tpu.memory_space<vmem>>
      %dma_start3A_198 = tpu.memref_squeeze %dma_start3A_197 : memref<1x32x512xf32, #tpu.memory_space<vmem>> -> memref<32x512xf32, #tpu.memory_space<vmem>>
      tpu.enqueue_dma source(%dma_start3A_198 : memref<32x512xf32, #tpu.memory_space<vmem>>) target(%dma_start3A_194 : memref<32x512xf32, #tpu.memory_space<hbm>>) target_semaphore(%dma_start3A_192 : memref<!tpu.dma_semaphore, #tpu.memory_space<semaphore_mem>>)
      %add3A_199 = arith.constant 5 : i32
      %add3A_200 = arith.addi %add3A_159, %add3A_199 : i32
      %sub3A = arith.constant 1 : i32
      %sub3A_201 = arith.subi %add3A_200, %sub3A : i32
      %ge3A = arith.constant 5 : i32
      %ge3A_202 = arith.cmpi sge, %sub3A_201, %ge3A : i32
      %lt3A = arith.constant 80 : i32
      %lt3A_203 = arith.cmpi slt, %sub3A_201, %lt3A : i32
      %and3A = arith.andi %ge3A_202, %lt3A_203 : i1
      %convert_element_type3A = arith.extui %and3A : i1 to i32
      %cond3A = arith.constant 0 : i32
      %cond3A_204 = arith.cmpi ne, %convert_element_type3A, %cond3A : i32
      scf.if %cond3A_204 {
        %dma_wait3A_425 = arith.constant 4 : i32
        %dma_wait3A_426 = arith.constant 4 : i32
        %dma_wait3A_427 = arith.constant 0 : i32
        %dma_wait3A_428 = arith.constant 0 : i32
        %dma_wait3A_429 = tpu.memref_slice %arg6[%dma_wait3A_425, %dma_wait3A_427, %dma_wait3A_428] : memref<5x32x512xf32, #tpu.memory_space<vmem>> -> memref<1x32x512xf32, #tpu.memory_space<vmem>>
        %dma_wait3A_430 = tpu.memref_squeeze %dma_wait3A_429 : memref<1x32x512xf32, #tpu.memory_space<vmem>> -> memref<32x512xf32, #tpu.memory_space<vmem>>
        %dma_wait3A_431 = arith.constant 0 : i32
        %dma_wait3A_432 = tpu.memref_slice %arg4[%mul3A_2, %dma_wait3A_431] : memref<81920x512xf32, #tpu.memory_space<hbm>> -> memref<32x512xf32, #tpu.memory_space<hbm>>
        %dma_wait3A_433 = tpu.memref_slice %arg8[%dma_wait3A_426] : memref<5x!tpu.dma_semaphore, #tpu.memory_space<semaphore_mem>> -> memref<1x!tpu.dma_semaphore, #tpu.memory_space<semaphore_mem>>
        %dma_wait3A_434 = tpu.memref_squeeze %dma_wait3A_433 : memref<1x!tpu.dma_semaphore, #tpu.memory_space<semaphore_mem>> -> memref<!tpu.dma_semaphore, #tpu.memory_space<semaphore_mem>>
        %dma_wait3A_435 = arith.constant 0 : i32
        %dma_wait3A_436 = tpu.memref_slice %arg4[%mul3A_2, %dma_wait3A_435] : memref<81920x512xf32, #tpu.memory_space<hbm>> -> memref<32x512xf32, #tpu.memory_space<hbm>>
        %dma_wait3A_437 = arith.constant 0 : i32
        %dma_wait3A_438 = arith.constant 0 : i32
        %dma_wait3A_439 = tpu.memref_slice %arg6[%dma_wait3A_425, %dma_wait3A_437, %dma_wait3A_438] : memref<5x32x512xf32, #tpu.memory_space<vmem>> -> memref<1x32x512xf32, #tpu.memory_space<vmem>>
        %dma_wait3A_440 = tpu.memref_squeeze %dma_wait3A_439 : memref<1x32x512xf32, #tpu.memory_space<vmem>> -> memref<32x512xf32, #tpu.memory_space<vmem>>
        tpu.wait_dma2 semaphore(%dma_wait3A_434 : memref<!tpu.dma_semaphore, #tpu.memory_space<semaphore_mem>>) src(%dma_wait3A_440 : memref<32x512xf32, #tpu.memory_space<vmem>>) dst(%dma_wait3A_436 : memref<32x512xf32, #tpu.memory_space<hbm>>)
        %mul3A_441 = arith.constant 32 : i32
        %mul3A_442 = arith.muli %sub3A_201, %mul3A_441 : i32
        %multiple_of3A_443 = tpu.assume_multiple %mul3A_442, 8 : i32
        %dma_start3A_444 = arith.constant 4 : i32
        %dma_start3A_445 = arith.constant 4 : i32
        %dma_start3A_446 = arith.constant 0 : i32
        %dma_start3A_447 = arith.constant 0 : i32
        %dma_start3A_448 = tpu.memref_slice %arg6[%dma_start3A_444, %dma_start3A_446, %dma_start3A_447] : memref<5x32x512xf32, #tpu.memory_space<vmem>> -> memref<1x32x512xf32, #tpu.memory_space<vmem>>
        %dma_start3A_449 = tpu.memref_squeeze %dma_start3A_448 : memref<1x32x512xf32, #tpu.memory_space<vmem>> -> memref<32x512xf32, #tpu.memory_space<vmem>>
        %dma_start3A_450 = tpu.memref_slice %arg5[%multiple_of3A_443] : memref<2560xi32, #tpu.memory_space<vmem>> -> memref<32xi32, #tpu.memory_space<vmem>>
        %dma_start3A_451 = arith.constant 0 : i32
        %dma_start3A_452 = arith.constant 0 : i32
        %dma_start3A_453 = tpu.memref_slice %arg3[%dma_start3A_451, %dma_start3A_452] : memref<100000x512xf32, #tpu.memory_space<hbm>> -> memref<100000x512xf32, #tpu.memory_space<hbm>>
        %dma_start3A_454 = tpu.memref_slice %arg7[%dma_start3A_445] : memref<5x!tpu.dma_semaphore, #tpu.memory_space<semaphore_mem>> -> memref<1x!tpu.dma_semaphore, #tpu.memory_space<semaphore_mem>>
        %dma_start3A_455 = tpu.memref_squeeze %dma_start3A_454 : memref<1x!tpu.dma_semaphore, #tpu.memory_space<semaphore_mem>> -> memref<!tpu.dma_semaphore, #tpu.memory_space<semaphore_mem>>
        tpu.enqueue_indirect_dma source(%dma_start3A_453 : memref<100000x512xf32, #tpu.memory_space<hbm>>) target(%dma_start3A_449 : memref<32x512xf32, #tpu.memory_space<vmem>>) offsets(%dma_start3A_450 : memref<32xi32, #tpu.memory_space<vmem>>) semaphore(%dma_start3A_455 : memref<!tpu.dma_semaphore, #tpu.memory_space<semaphore_mem>>)
      } else {
      }
      %mul3A_205 = arith.constant 5 : i32
      %mul3A_206 = arith.muli %scan3A_155, %mul3A_205 : i32
      %add3A_207 = arith.constant 1 : i32
      %add3A_208 = arith.addi %mul3A_206, %add3A_207 : i32
      %dma_wait3A_209 = arith.constant 1 : i32
      %dma_wait3A_210 = arith.constant 1 : i32
      %dma_wait3A_211 = arith.constant 0 : i32
      %dma_wait3A_212 = arith.constant 0 : i32
      %dma_wait3A_213 = tpu.memref_slice %arg6[%dma_wait3A_209, %dma_wait3A_211, %dma_wait3A_212] : memref<5x32x512xf32, #tpu.memory_space<vmem>> -> memref<1x32x512xf32, #tpu.memory_space<vmem>>
      %dma_wait3A_214 = tpu.memref_squeeze %dma_wait3A_213 : memref<1x32x512xf32, #tpu.memory_space<vmem>> -> memref<32x512xf32, #tpu.memory_space<vmem>>
      %dma_wait3A_215 = arith.constant 0 : i32
      %dma_wait3A_216 = tpu.memref_slice %arg5[%dma_wait3A_215] : memref<2560xi32, #tpu.memory_space<vmem>> -> memref<32xi32, #tpu.memory_space<vmem>>
      %dma_wait3A_217 = arith.constant 0 : i32
      %dma_wait3A_218 = arith.constant 0 : i32
      %dma_wait3A_219 = tpu.memref_slice %arg3[%dma_wait3A_217, %dma_wait3A_218] : memref<100000x512xf32, #tpu.memory_space<hbm>> -> memref<100000x512xf32, #tpu.memory_space<hbm>>
      %dma_wait3A_220 = tpu.memref_slice %arg7[%dma_wait3A_210] : memref<5x!tpu.dma_semaphore, #tpu.memory_space<semaphore_mem>> -> memref<1x!tpu.dma_semaphore, #tpu.memory_space<semaphore_mem>>
      %dma_wait3A_221 = tpu.memref_squeeze %dma_wait3A_220 : memref<1x!tpu.dma_semaphore, #tpu.memory_space<semaphore_mem>> -> memref<!tpu.dma_semaphore, #tpu.memory_space<semaphore_mem>>
      tpu.wait_indirect_dma semaphore(%dma_wait3A_221 : memref<!tpu.dma_semaphore, #tpu.memory_space<semaphore_mem>>) src(%dma_wait3A_219 : memref<100000x512xf32, #tpu.memory_space<hbm>>) dst(%dma_wait3A_214 : memref<32x512xf32, #tpu.memory_space<vmem>>)
      %scan3A_222 = arith.constant 0 : i32
      %scan3A_223 = arith.constant 0 : i32
      %scan3A_224 = arith.constant 32 : i32
      %scan3A_225 = arith.addi %scan3A_223, %scan3A_224 : i32
      %scan3A_226 = arith.constant 1 : i32
      scf.for %scan3A_425 = %scan3A_223 to %scan3A_225 step %scan3A_226  : i32 {
        %get3A = arith.constant 1 : i32
        %get3A_426 = arith.index_cast %get3A : i32 to index
        %get3A_427 = arith.index_cast %scan3A_425 : i32 to index
        %get3A_428 = arith.constant 0 : index
        %get3A_429 = tpu.vector_load %arg6[%get3A_426, %get3A_427, %get3A_428] {strides = array<i32>} : memref<5x32x512xf32, #tpu.memory_space<vmem>>, vector<1x1x16xf32>,
        %get3A_430 = vector.shape_cast %get3A_429 : vector<1x1x16xf32> to vector<16xf32>
        %mul3A_431 = arith.constant 22.6274166 : f32
        %mul3A_432 = vector.broadcast %mul3A_431 : f32 to vector<16xf32>
        %mul3A_433 = arith.mulf %get3A_430, %mul3A_432 : vector<16xf32>
        %swap3A = arith.constant 1 : i32
        %swap3A_434 = arith.index_cast %swap3A : i32 to index
        %swap3A_435 = arith.index_cast %scan3A_425 : i32 to index
        %swap3A_436 = arith.constant 0 : index
        %swap3A_437 = tpu.vector_load %arg6[%swap3A_434, %swap3A_435, %swap3A_436] {strides = array<i32>} : memref<5x32x512xf32, #tpu.memory_space<vmem>>, vector<1x1x16xf32>,
        %swap3A_438 = vector.shape_cast %swap3A_437 : vector<1x1x16xf32> to vector<16xf32>
        %swap3A_439 = vector.shape_cast %mul3A_433 : vector<16xf32> to vector<1x1x16xf32>
        tpu.vector_store %arg6[%swap3A_434, %swap3A_435, %swap3A_436], %swap3A_439 {strides = array<i32>} : memref<5x32x512xf32, #tpu.memory_space<vmem>>, vector<1x1x16xf32>,
        %get3A_440 = arith.constant 1 : i32
        %get3A_441 = arith.index_cast %get3A_440 : i32 to index
        %get3A_442 = arith.index_cast %scan3A_425 : i32 to index
        %get3A_443 = arith.constant 16 : index
        %get3A_444 = tpu.vector_load %arg6[%get3A_441, %get3A_442, %get3A_443] {strides = array<i32>} : memref<5x32x512xf32, #tpu.memory_space<vmem>>, vector<1x1x16xf32>,
        %get3A_445 = vector.shape_cast %get3A_444 : vector<1x1x16xf32> to vector<16xf32>
        %mul3A_446 = arith.constant 22.6274166 : f32
        %mul3A_447 = vector.broadcast %mul3A_446 : f32 to vector<16xf32>
        %mul3A_448 = arith.mulf %get3A_445, %mul3A_447 : vector<16xf32>
        %swap3A_449 = arith.constant 1 : i32
        %swap3A_450 = arith.index_cast %swap3A_449 : i32 to index
        %swap3A_451 = arith.index_cast %scan3A_425 : i32 to index
        %swap3A_452 = arith.constant 16 : index
        %swap3A_453 = tpu.vector_load %arg6[%swap3A_450, %swap3A_451, %swap3A_452] {strides = array<i32>} : memref<5x32x512xf32, #tpu.memory_space<vmem>>, vector<1x1x16xf32>,
        %swap3A_454 = vector.shape_cast %swap3A_453 : vector<1x1x16xf32> to vector<16xf32>
        %swap3A_455 = vector.shape_cast %mul3A_448 : vector<16xf32> to vector<1x1x16xf32>
        tpu.vector_store %arg6[%swap3A_450, %swap3A_451, %swap3A_452], %swap3A_455 {strides = array<i32>} : memref<5x32x512xf32, #tpu.memory_space<vmem>>, vector<1x1x16xf32>,
        %get3A_456 = arith.constant 1 : i32
        %get3A_457 = arith.index_cast %get3A_456 : i32 to index
        %get3A_458 = arith.index_cast %scan3A_425 : i32 to index
        %get3A_459 = arith.constant 32 : index
        %get3A_460 = tpu.vector_load %arg6[%get3A_457, %get3A_458, %get3A_459] {strides = array<i32>} : memref<5x32x512xf32, #tpu.memory_space<vmem>>, vector<1x1x16xf32>,
        %get3A_461 = vector.shape_cast %get3A_460 : vector<1x1x16xf32> to vector<16xf32>
        %mul3A_462 = arith.constant 22.6274166 : f32
        %mul3A_463 = vector.broadcast %mul3A_462 : f32 to vector<16xf32>
        %mul3A_464 = arith.mulf %get3A_461, %mul3A_463 : vector<16xf32>
        %swap3A_465 = arith.constant 1 : i32
        %swap3A_466 = arith.index_cast %swap3A_465 : i32 to index
        %swap3A_467 = arith.index_cast %scan3A_425 : i32 to index
        %swap3A_468 = arith.constant 32 : index
        %swap3A_469 = tpu.vector_load %arg6[%swap3A_466, %swap3A_467, %swap3A_468] {strides = array<i32>} : memref<5x32x512xf32, #tpu.memory_space<vmem>>, vector<1x1x16xf32>,
        %swap3A_470 = vector.shape_cast %swap3A_469 : vector<1x1x16xf32> to vector<16xf32>
        %swap3A_471 = vector.shape_cast %mul3A_464 : vector<16xf32> to vector<1x1x16xf32>
        tpu.vector_store %arg6[%swap3A_466, %swap3A_467, %swap3A_468], %swap3A_471 {strides = array<i32>} : memref<5x32x512xf32, #tpu.memory_space<vmem>>, vector<1x1x16xf32>,
        %get3A_472 = arith.constant 1 : i32
        %get3A_473 = arith.index_cast %get3A_472 : i32 to index
        %get3A_474 = arith.index_cast %scan3A_425 : i32 to index
        %get3A_475 = arith.constant 48 : index
        %get3A_476 = tpu.vector_load %arg6[%get3A_473, %get3A_474, %get3A_475] {strides = array<i32>} : memref<5x32x512xf32, #tpu.memory_space<vmem>>, vector<1x1x16xf32>,
        %get3A_477 = vector.shape_cast %get3A_476 : vector<1x1x16xf32> to vector<16xf32>
        %mul3A_478 = arith.constant 22.6274166 : f32
        %mul3A_479 = vector.broadcast %mul3A_478 : f32 to vector<16xf32>
        %mul3A_480 = arith.mulf %get3A_477, %mul3A_479 : vector<16xf32>
        %swap3A_481 = arith.constant 1 : i32
        %swap3A_482 = arith.index_cast %swap3A_481 : i32 to index
        %swap3A_483 = arith.index_cast %scan3A_425 : i32 to index
        %swap3A_484 = arith.constant 48 : index
        %swap3A_485 = tpu.vector_load %arg6[%swap3A_482, %swap3A_483, %swap3A_484] {strides = array<i32>} : memref<5x32x512xf32, #tpu.memory_space<vmem>>, vector<1x1x16xf32>,
        %swap3A_486 = vector.shape_cast %swap3A_485 : vector<1x1x16xf32> to vector<16xf32>
        %swap3A_487 = vector.shape_cast %mul3A_480 : vector<16xf32> to vector<1x1x16xf32>
        tpu.vector_store %arg6[%swap3A_482, %swap3A_483, %swap3A_484], %swap3A_487 {strides = array<i32>} : memref<5x32x512xf32, #tpu.memory_space<vmem>>, vector<1x1x16xf32>,
        %get3A_488 = arith.constant 1 : i32
        %get3A_489 = arith.index_cast %get3A_488 : i32 to index
        %get3A_490 = arith.index_cast %scan3A_425 : i32 to index
        %get3A_491 = arith.constant 64 : index
        %get3A_492 = tpu.vector_load %arg6[%get3A_489, %get3A_490, %get3A_491] {strides = array<i32>} : memref<5x32x512xf32, #tpu.memory_space<vmem>>, vector<1x1x16xf32>,
        %get3A_493 = vector.shape_cast %get3A_492 : vector<1x1x16xf32> to vector<16xf32>
        %mul3A_494 = arith.constant 22.6274166 : f32
        %mul3A_495 = vector.broadcast %mul3A_494 : f32 to vector<16xf32>
        %mul3A_496 = arith.mulf %get3A_493, %mul3A_495 : vector<16xf32>
        %swap3A_497 = arith.constant 1 : i32
        %swap3A_498 = arith.index_cast %swap3A_497 : i32 to index
        %swap3A_499 = arith.index_cast %scan3A_425 : i32 to index
        %swap3A_500 = arith.constant 64 : index
        %swap3A_501 = tpu.vector_load %arg6[%swap3A_498, %swap3A_499, %swap3A_500] {strides = array<i32>} : memref<5x32x512xf32, #tpu.memory_space<vmem>>, vector<1x1x16xf32>,
        %swap3A_502 = vector.shape_cast %swap3A_501 : vector<1x1x16xf32> to vector<16xf32>
        %swap3A_503 = vector.shape_cast %mul3A_496 : vector<16xf32> to vector<1x1x16xf32>
        tpu.vector_store %arg6[%swap3A_498, %swap3A_499, %swap3A_500], %swap3A_503 {strides = array<i32>} : memref<5x32x512xf32, #tpu.memory_space<vmem>>, vector<1x1x16xf32>,
        %get3A_504 = arith.constant 1 : i32
        %get3A_505 = arith.index_cast %get3A_504 : i32 to index
        %get3A_506 = arith.index_cast %scan3A_425 : i32 to index
        %get3A_507 = arith.constant 80 : index
        %get3A_508 = tpu.vector_load %arg6[%get3A_505, %get3A_506, %get3A_507] {strides = array<i32>} : memref<5x32x512xf32, #tpu.memory_space<vmem>>, vector<1x1x16xf32>,
        %get3A_509 = vector.shape_cast %get3A_508 : vector<1x1x16xf32> to vector<16xf32>
        %mul3A_510 = arith.constant 22.6274166 : f32
        %mul3A_511 = vector.broadcast %mul3A_510 : f32 to vector<16xf32>
        %mul3A_512 = arith.mulf %get3A_509, %mul3A_511 : vector<16xf32>
        %swap3A_513 = arith.constant 1 : i32
        %swap3A_514 = arith.index_cast %swap3A_513 : i32 to index
        %swap3A_515 = arith.index_cast %scan3A_425 : i32 to index
        %swap3A_516 = arith.constant 80 : index
        %swap3A_517 = tpu.vector_load %arg6[%swap3A_514, %swap3A_515, %swap3A_516] {strides = array<i32>} : memref<5x32x512xf32, #tpu.memory_space<vmem>>, vector<1x1x16xf32>,
        %swap3A_518 = vector.shape_cast %swap3A_517 : vector<1x1x16xf32> to vector<16xf32>
        %swap3A_519 = vector.shape_cast %mul3A_512 : vector<16xf32> to vector<1x1x16xf32>
        tpu.vector_store %arg6[%swap3A_514, %swap3A_515, %swap3A_516], %swap3A_519 {strides = array<i32>} : memref<5x32x512xf32, #tpu.memory_space<vmem>>, vector<1x1x16xf32>,
        %get3A_520 = arith.constant 1 : i32
        %get3A_521 = arith.index_cast %get3A_520 : i32 to index
        %get3A_522 = arith.index_cast %scan3A_425 : i32 to index
        %get3A_523 = arith.constant 96 : index
        %get3A_524 = tpu.vector_load %arg6[%get3A_521, %get3A_522, %get3A_523] {strides = array<i32>} : memref<5x32x512xf32, #tpu.memory_space<vmem>>, vector<1x1x16xf32>,
        %get3A_525 = vector.shape_cast %get3A_524 : vector<1x1x16xf32> to vector<16xf32>
        %mul3A_526 = arith.constant 22.6274166 : f32
        %mul3A_527 = vector.broadcast %mul3A_526 : f32 to vector<16xf32>
        %mul3A_528 = arith.mulf %get3A_525, %mul3A_527 : vector<16xf32>
        %swap3A_529 = arith.constant 1 : i32
        %swap3A_530 = arith.index_cast %swap3A_529 : i32 to index
        %swap3A_531 = arith.index_cast %scan3A_425 : i32 to index
        %swap3A_532 = arith.constant 96 : index
        %swap3A_533 = tpu.vector_load %arg6[%swap3A_530, %swap3A_531, %swap3A_532] {strides = array<i32>} : memref<5x32x512xf32, #tpu.memory_space<vmem>>, vector<1x1x16xf32>,
        %swap3A_534 = vector.shape_cast %swap3A_533 : vector<1x1x16xf32> to vector<16xf32>
        %swap3A_535 = vector.shape_cast %mul3A_528 : vector<16xf32> to vector<1x1x16xf32>
        tpu.vector_store %arg6[%swap3A_530, %swap3A_531, %swap3A_532], %swap3A_535 {strides = array<i32>} : memref<5x32x512xf32, #tpu.memory_space<vmem>>, vector<1x1x16xf32>,
        %get3A_536 = arith.constant 1 : i32
        %get3A_537 = arith.index_cast %get3A_536 : i32 to index
        %get3A_538 = arith.index_cast %scan3A_425 : i32 to index
        %get3A_539 = arith.constant 112 : index
        %get3A_540 = tpu.vector_load %arg6[%get3A_537, %get3A_538, %get3A_539] {strides = array<i32>} : memref<5x32x512xf32, #tpu.memory_space<vmem>>, vector<1x1x16xf32>,
        %get3A_541 = vector.shape_cast %get3A_540 : vector<1x1x16xf32> to vector<16xf32>
        %mul3A_542 = arith.constant 22.6274166 : f32
        %mul3A_543 = vector.broadcast %mul3A_542 : f32 to vector<16xf32>
        %mul3A_544 = arith.mulf %get3A_541, %mul3A_543 : vector<16xf32>
        %swap3A_545 = arith.constant 1 : i32
        %swap3A_546 = arith.index_cast %swap3A_545 : i32 to index
        %swap3A_547 = arith.index_cast %scan3A_425 : i32 to index
        %swap3A_548 = arith.constant 112 : index
        %swap3A_549 = tpu.vector_load %arg6[%swap3A_546, %swap3A_547, %swap3A_548] {strides = array<i32>} : memref<5x32x512xf32, #tpu.memory_space<vmem>>, vector<1x1x16xf32>,
        %swap3A_550 = vector.shape_cast %swap3A_549 : vector<1x1x16xf32> to vector<16xf32>
        %swap3A_551 = vector.shape_cast %mul3A_544 : vector<16xf32> to vector<1x1x16xf32>
        tpu.vector_store %arg6[%swap3A_546, %swap3A_547, %swap3A_548], %swap3A_551 {strides = array<i32>} : memref<5x32x512xf32, #tpu.memory_space<vmem>>, vector<1x1x16xf32>,
        %get3A_552 = arith.constant 1 : i32
        %get3A_553 = arith.index_cast %get3A_552 : i32 to index
        %get3A_554 = arith.index_cast %scan3A_425 : i32 to index
        %get3A_555 = arith.constant 128 : index
        %get3A_556 = tpu.vector_load %arg6[%get3A_553, %get3A_554, %get3A_555] {strides = array<i32>} : memref<5x32x512xf32, #tpu.memory_space<vmem>>, vector<1x1x16xf32>,
        %get3A_557 = vector.shape_cast %get3A_556 : vector<1x1x16xf32> to vector<16xf32>
        %mul3A_558 = arith.constant 22.6274166 : f32
        %mul3A_559 = vector.broadcast %mul3A_558 : f32 to vector<16xf32>
        %mul3A_560 = arith.mulf %get3A_557, %mul3A_559 : vector<16xf32>
        %swap3A_561 = arith.constant 1 : i32
        %swap3A_562 = arith.index_cast %swap3A_561 : i32 to index
        %swap3A_563 = arith.index_cast %scan3A_425 : i32 to index
        %swap3A_564 = arith.constant 128 : index
        %swap3A_565 = tpu.vector_load %arg6[%swap3A_562, %swap3A_563, %swap3A_564] {strides = array<i32>} : memref<5x32x512xf32, #tpu.memory_space<vmem>>, vector<1x1x16xf32>,
        %swap3A_566 = vector.shape_cast %swap3A_565 : vector<1x1x16xf32> to vector<16xf32>
        %swap3A_567 = vector.shape_cast %mul3A_560 : vector<16xf32> to vector<1x1x16xf32>
        tpu.vector_store %arg6[%swap3A_562, %swap3A_563, %swap3A_564], %swap3A_567 {strides = array<i32>} : memref<5x32x512xf32, #tpu.memory_space<vmem>>, vector<1x1x16xf32>,
        %get3A_568 = arith.constant 1 : i32
        %get3A_569 = arith.index_cast %get3A_568 : i32 to index
        %get3A_570 = arith.index_cast %scan3A_425 : i32 to index
        %get3A_571 = arith.constant 144 : index
        %get3A_572 = tpu.vector_load %arg6[%get3A_569, %get3A_570, %get3A_571] {strides = array<i32>} : memref<5x32x512xf32, #tpu.memory_space<vmem>>, vector<1x1x16xf32>,
        %get3A_573 = vector.shape_cast %get3A_572 : vector<1x1x16xf32> to vector<16xf32>
        %mul3A_574 = arith.constant 22.6274166 : f32
        %mul3A_575 = vector.broadcast %mul3A_574 : f32 to vector<16xf32>
        %mul3A_576 = arith.mulf %get3A_573, %mul3A_575 : vector<16xf32>
        %swap3A_577 = arith.constant 1 : i32
        %swap3A_578 = arith.index_cast %swap3A_577 : i32 to index
        %swap3A_579 = arith.index_cast %scan3A_425 : i32 to index
        %swap3A_580 = arith.constant 144 : index
        %swap3A_581 = tpu.vector_load %arg6[%swap3A_578, %swap3A_579, %swap3A_580] {strides = array<i32>} : memref<5x32x512xf32, #tpu.memory_space<vmem>>, vector<1x1x16xf32>,
        %swap3A_582 = vector.shape_cast %swap3A_581 : vector<1x1x16xf32> to vector<16xf32>
        %swap3A_583 = vector.shape_cast %mul3A_576 : vector<16xf32> to vector<1x1x16xf32>
        tpu.vector_store %arg6[%swap3A_578, %swap3A_579, %swap3A_580], %swap3A_583 {strides = array<i32>} : memref<5x32x512xf32, #tpu.memory_space<vmem>>, vector<1x1x16xf32>,
        %get3A_584 = arith.constant 1 : i32
        %get3A_585 = arith.index_cast %get3A_584 : i32 to index
        %get3A_586 = arith.index_cast %scan3A_425 : i32 to index
        %get3A_587 = arith.constant 160 : index
        %get3A_588 = tpu.vector_load %arg6[%get3A_585, %get3A_586, %get3A_587] {strides = array<i32>} : memref<5x32x512xf32, #tpu.memory_space<vmem>>, vector<1x1x16xf32>,
        %get3A_589 = vector.shape_cast %get3A_588 : vector<1x1x16xf32> to vector<16xf32>
        %mul3A_590 = arith.constant 22.6274166 : f32
        %mul3A_591 = vector.broadcast %mul3A_590 : f32 to vector<16xf32>
        %mul3A_592 = arith.mulf %get3A_589, %mul3A_591 : vector<16xf32>
        %swap3A_593 = arith.constant 1 : i32
        %swap3A_594 = arith.index_cast %swap3A_593 : i32 to index
        %swap3A_595 = arith.index_cast %scan3A_425 : i32 to index
        %swap3A_596 = arith.constant 160 : index
        %swap3A_597 = tpu.vector_load %arg6[%swap3A_594, %swap3A_595, %swap3A_596] {strides = array<i32>} : memref<5x32x512xf32, #tpu.memory_space<vmem>>, vector<1x1x16xf32>,
        %swap3A_598 = vector.shape_cast %swap3A_597 : vector<1x1x16xf32> to vector<16xf32>
        %swap3A_599 = vector.shape_cast %mul3A_592 : vector<16xf32> to vector<1x1x16xf32>
        tpu.vector_store %arg6[%swap3A_594, %swap3A_595, %swap3A_596], %swap3A_599 {strides = array<i32>} : memref<5x32x512xf32, #tpu.memory_space<vmem>>, vector<1x1x16xf32>,
        %get3A_600 = arith.constant 1 : i32
        %get3A_601 = arith.index_cast %get3A_600 : i32 to index
        %get3A_602 = arith.index_cast %scan3A_425 : i32 to index
        %get3A_603 = arith.constant 176 : index
        %get3A_604 = tpu.vector_load %arg6[%get3A_601, %get3A_602, %get3A_603] {strides = array<i32>} : memref<5x32x512xf32, #tpu.memory_space<vmem>>, vector<1x1x16xf32>,
        %get3A_605 = vector.shape_cast %get3A_604 : vector<1x1x16xf32> to vector<16xf32>
        %mul3A_606 = arith.constant 22.6274166 : f32
        %mul3A_607 = vector.broadcast %mul3A_606 : f32 to vector<16xf32>
        %mul3A_608 = arith.mulf %get3A_605, %mul3A_607 : vector<16xf32>
        %swap3A_609 = arith.constant 1 : i32
        %swap3A_610 = arith.index_cast %swap3A_609 : i32 to index
        %swap3A_611 = arith.index_cast %scan3A_425 : i32 to index
        %swap3A_612 = arith.constant 176 : index
        %swap3A_613 = tpu.vector_load %arg6[%swap3A_610, %swap3A_611, %swap3A_612] {strides = array<i32>} : memref<5x32x512xf32, #tpu.memory_space<vmem>>, vector<1x1x16xf32>,
        %swap3A_614 = vector.shape_cast %swap3A_613 : vector<1x1x16xf32> to vector<16xf32>
        %swap3A_615 = vector.shape_cast %mul3A_608 : vector<16xf32> to vector<1x1x16xf32>
        tpu.vector_store %arg6[%swap3A_610, %swap3A_611, %swap3A_612], %swap3A_615 {strides = array<i32>} : memref<5x32x512xf32, #tpu.memory_space<vmem>>, vector<1x1x16xf32>,
        %get3A_616 = arith.constant 1 : i32
        %get3A_617 = arith.index_cast %get3A_616 : i32 to index
        %get3A_618 = arith.index_cast %scan3A_425 : i32 to index
        %get3A_619 = arith.constant 192 : index
        %get3A_620 = tpu.vector_load %arg6[%get3A_617, %get3A_618, %get3A_619] {strides = array<i32>} : memref<5x32x512xf32, #tpu.memory_space<vmem>>, vector<1x1x16xf32>,
        %get3A_621 = vector.shape_cast %get3A_620 : vector<1x1x16xf32> to vector<16xf32>
        %mul3A_622 = arith.constant 22.6274166 : f32
        %mul3A_623 = vector.broadcast %mul3A_622 : f32 to vector<16xf32>
        %mul3A_624 = arith.mulf %get3A_621, %mul3A_623 : vector<16xf32>
        %swap3A_625 = arith.constant 1 : i32
        %swap3A_626 = arith.index_cast %swap3A_625 : i32 to index
        %swap3A_627 = arith.index_cast %scan3A_425 : i32 to index
        %swap3A_628 = arith.constant 192 : index
        %swap3A_629 = tpu.vector_load %arg6[%swap3A_626, %swap3A_627, %swap3A_628] {strides = array<i32>} : memref<5x32x512xf32, #tpu.memory_space<vmem>>, vector<1x1x16xf32>,
        %swap3A_630 = vector.shape_cast %swap3A_629 : vector<1x1x16xf32> to vector<16xf32>
        %swap3A_631 = vector.shape_cast %mul3A_624 : vector<16xf32> to vector<1x1x16xf32>
        tpu.vector_store %arg6[%swap3A_626, %swap3A_627, %swap3A_628], %swap3A_631 {strides = array<i32>} : memref<5x32x512xf32, #tpu.memory_space<vmem>>, vector<1x1x16xf32>,
        %get3A_632 = arith.constant 1 : i32
        %get3A_633 = arith.index_cast %get3A_632 : i32 to index
        %get3A_634 = arith.index_cast %scan3A_425 : i32 to index
        %get3A_635 = arith.constant 208 : index
        %get3A_636 = tpu.vector_load %arg6[%get3A_633, %get3A_634, %get3A_635] {strides = array<i32>} : memref<5x32x512xf32, #tpu.memory_space<vmem>>, vector<1x1x16xf32>,
        %get3A_637 = vector.shape_cast %get3A_636 : vector<1x1x16xf32> to vector<16xf32>
        %mul3A_638 = arith.constant 22.6274166 : f32
        %mul3A_639 = vector.broadcast %mul3A_638 : f32 to vector<16xf32>
        %mul3A_640 = arith.mulf %get3A_637, %mul3A_639 : vector<16xf32>
        %swap3A_641 = arith.constant 1 : i32
        %swap3A_642 = arith.index_cast %swap3A_641 : i32 to index
        %swap3A_643 = arith.index_cast %scan3A_425 : i32 to index
        %swap3A_644 = arith.constant 208 : index
        %swap3A_645 = tpu.vector_load %arg6[%swap3A_642, %swap3A_643, %swap3A_644] {strides = array<i32>} : memref<5x32x512xf32, #tpu.memory_space<vmem>>, vector<1x1x16xf32>,
        %swap3A_646 = vector.shape_cast %swap3A_645 : vector<1x1x16xf32> to vector<16xf32>
        %swap3A_647 = vector.shape_cast %mul3A_640 : vector<16xf32> to vector<1x1x16xf32>
        tpu.vector_store %arg6[%swap3A_642, %swap3A_643, %swap3A_644], %swap3A_647 {strides = array<i32>} : memref<5x32x512xf32, #tpu.memory_space<vmem>>, vector<1x1x16xf32>,
        %get3A_648 = arith.constant 1 : i32
        %get3A_649 = arith.index_cast %get3A_648 : i32 to index
        %get3A_650 = arith.index_cast %scan3A_425 : i32 to index
        %get3A_651 = arith.constant 224 : index
        %get3A_652 = tpu.vector_load %arg6[%get3A_649, %get3A_650, %get3A_651] {strides = array<i32>} : memref<5x32x512xf32, #tpu.memory_space<vmem>>, vector<1x1x16xf32>,
        %get3A_653 = vector.shape_cast %get3A_652 : vector<1x1x16xf32> to vector<16xf32>
        %mul3A_654 = arith.constant 22.6274166 : f32
        %mul3A_655 = vector.broadcast %mul3A_654 : f32 to vector<16xf32>
        %mul3A_656 = arith.mulf %get3A_653, %mul3A_655 : vector<16xf32>
        %swap3A_657 = arith.constant 1 : i32
        %swap3A_658 = arith.index_cast %swap3A_657 : i32 to index
        %swap3A_659 = arith.index_cast %scan3A_425 : i32 to index
        %swap3A_660 = arith.constant 224 : index
        %swap3A_661 = tpu.vector_load %arg6[%swap3A_658, %swap3A_659, %swap3A_660] {strides = array<i32>} : memref<5x32x512xf32, #tpu.memory_space<vmem>>, vector<1x1x16xf32>,
        %swap3A_662 = vector.shape_cast %swap3A_661 : vector<1x1x16xf32> to vector<16xf32>
        %swap3A_663 = vector.shape_cast %mul3A_656 : vector<16xf32> to vector<1x1x16xf32>
        tpu.vector_store %arg6[%swap3A_658, %swap3A_659, %swap3A_660], %swap3A_663 {strides = array<i32>} : memref<5x32x512xf32, #tpu.memory_space<vmem>>, vector<1x1x16xf32>,
        %get3A_664 = arith.constant 1 : i32
        %get3A_665 = arith.index_cast %get3A_664 : i32 to index
        %get3A_666 = arith.index_cast %scan3A_425 : i32 to index
        %get3A_667 = arith.constant 240 : index
        %get3A_668 = tpu.vector_load %arg6[%get3A_665, %get3A_666, %get3A_667] {strides = array<i32>} : memref<5x32x512xf32, #tpu.memory_space<vmem>>, vector<1x1x16xf32>,
        %get3A_669 = vector.shape_cast %get3A_668 : vector<1x1x16xf32> to vector<16xf32>
        %mul3A_670 = arith.constant 22.6274166 : f32
        %mul3A_671 = vector.broadcast %mul3A_670 : f32 to vector<16xf32>
        %mul3A_672 = arith.mulf %get3A_669, %mul3A_671 : vector<16xf32>
        %swap3A_673 = arith.constant 1 : i32
        %swap3A_674 = arith.index_cast %swap3A_673 : i32 to index
        %swap3A_675 = arith.index_cast %scan3A_425 : i32 to index
        %swap3A_676 = arith.constant 240 : index
        %swap3A_677 = tpu.vector_load %arg6[%swap3A_674, %swap3A_675, %swap3A_676] {strides = array<i32>} : memref<5x32x512xf32, #tpu.memory_space<vmem>>, vector<1x1x16xf32>,
        %swap3A_678 = vector.shape_cast %swap3A_677 : vector<1x1x16xf32> to vector<16xf32>
        %swap3A_679 = vector.shape_cast %mul3A_672 : vector<16xf32> to vector<1x1x16xf32>
        tpu.vector_store %arg6[%swap3A_674, %swap3A_675, %swap3A_676], %swap3A_679 {strides = array<i32>} : memref<5x32x512xf32, #tpu.memory_space<vmem>>, vector<1x1x16xf32>,
        %get3A_680 = arith.constant 1 : i32
        %get3A_681 = arith.index_cast %get3A_680 : i32 to index
        %get3A_682 = arith.index_cast %scan3A_425 : i32 to index
        %get3A_683 = arith.constant 256 : index
        %get3A_684 = tpu.vector_load %arg6[%get3A_681, %get3A_682, %get3A_683] {strides = array<i32>} : memref<5x32x512xf32, #tpu.memory_space<vmem>>, vector<1x1x16xf32>,
        %get3A_685 = vector.shape_cast %get3A_684 : vector<1x1x16xf32> to vector<16xf32>
        %mul3A_686 = arith.constant 22.6274166 : f32
        %mul3A_687 = vector.broadcast %mul3A_686 : f32 to vector<16xf32>
        %mul3A_688 = arith.mulf %get3A_685, %mul3A_687 : vector<16xf32>
        %swap3A_689 = arith.constant 1 : i32
        %swap3A_690 = arith.index_cast %swap3A_689 : i32 to index
        %swap3A_691 = arith.index_cast %scan3A_425 : i32 to index
        %swap3A_692 = arith.constant 256 : index
        %swap3A_693 = tpu.vector_load %arg6[%swap3A_690, %swap3A_691, %swap3A_692] {strides = array<i32>} : memref<5x32x512xf32, #tpu.memory_space<vmem>>, vector<1x1x16xf32>,
        %swap3A_694 = vector.shape_cast %swap3A_693 : vector<1x1x16xf32> to vector<16xf32>
        %swap3A_695 = vector.shape_cast %mul3A_688 : vector<16xf32> to vector<1x1x16xf32>
        tpu.vector_store %arg6[%swap3A_690, %swap3A_691, %swap3A_692], %swap3A_695 {strides = array<i32>} : memref<5x32x512xf32, #tpu.memory_space<vmem>>, vector<1x1x16xf32>,
        %get3A_696 = arith.constant 1 : i32
        %get3A_697 = arith.index_cast %get3A_696 : i32 to index
        %get3A_698 = arith.index_cast %scan3A_425 : i32 to index
        %get3A_699 = arith.constant 272 : index
        %get3A_700 = tpu.vector_load %arg6[%get3A_697, %get3A_698, %get3A_699] {strides = array<i32>} : memref<5x32x512xf32, #tpu.memory_space<vmem>>, vector<1x1x16xf32>,
        %get3A_701 = vector.shape_cast %get3A_700 : vector<1x1x16xf32> to vector<16xf32>
        %mul3A_702 = arith.constant 22.6274166 : f32
        %mul3A_703 = vector.broadcast %mul3A_702 : f32 to vector<16xf32>
        %mul3A_704 = arith.mulf %get3A_701, %mul3A_703 : vector<16xf32>
        %swap3A_705 = arith.constant 1 : i32
        %swap3A_706 = arith.index_cast %swap3A_705 : i32 to index
        %swap3A_707 = arith.index_cast %scan3A_425 : i32 to index
        %swap3A_708 = arith.constant 272 : index
        %swap3A_709 = tpu.vector_load %arg6[%swap3A_706, %swap3A_707, %swap3A_708] {strides = array<i32>} : memref<5x32x512xf32, #tpu.memory_space<vmem>>, vector<1x1x16xf32>,
        %swap3A_710 = vector.shape_cast %swap3A_709 : vector<1x1x16xf32> to vector<16xf32>
        %swap3A_711 = vector.shape_cast %mul3A_704 : vector<16xf32> to vector<1x1x16xf32>
        tpu.vector_store %arg6[%swap3A_706, %swap3A_707, %swap3A_708], %swap3A_711 {strides = array<i32>} : memref<5x32x512xf32, #tpu.memory_space<vmem>>, vector<1x1x16xf32>,
        %get3A_712 = arith.constant 1 : i32
        %get3A_713 = arith.index_cast %get3A_712 : i32 to index
        %get3A_714 = arith.index_cast %scan3A_425 : i32 to index
        %get3A_715 = arith.constant 288 : index
        %get3A_716 = tpu.vector_load %arg6[%get3A_713, %get3A_714, %get3A_715] {strides = array<i32>} : memref<5x32x512xf32, #tpu.memory_space<vmem>>, vector<1x1x16xf32>,
        %get3A_717 = vector.shape_cast %get3A_716 : vector<1x1x16xf32> to vector<16xf32>
        %mul3A_718 = arith.constant 22.6274166 : f32
        %mul3A_719 = vector.broadcast %mul3A_718 : f32 to vector<16xf32>
        %mul3A_720 = arith.mulf %get3A_717, %mul3A_719 : vector<16xf32>
        %swap3A_721 = arith.constant 1 : i32
        %swap3A_722 = arith.index_cast %swap3A_721 : i32 to index
        %swap3A_723 = arith.index_cast %scan3A_425 : i32 to index
        %swap3A_724 = arith.constant 288 : index
        %swap3A_725 = tpu.vector_load %arg6[%swap3A_722, %swap3A_723, %swap3A_724] {strides = array<i32>} : memref<5x32x512xf32, #tpu.memory_space<vmem>>, vector<1x1x16xf32>,
        %swap3A_726 = vector.shape_cast %swap3A_725 : vector<1x1x16xf32> to vector<16xf32>
        %swap3A_727 = vector.shape_cast %mul3A_720 : vector<16xf32> to vector<1x1x16xf32>
        tpu.vector_store %arg6[%swap3A_722, %swap3A_723, %swap3A_724], %swap3A_727 {strides = array<i32>} : memref<5x32x512xf32, #tpu.memory_space<vmem>>, vector<1x1x16xf32>,
        %get3A_728 = arith.constant 1 : i32
        %get3A_729 = arith.index_cast %get3A_728 : i32 to index
        %get3A_730 = arith.index_cast %scan3A_425 : i32 to index
        %get3A_731 = arith.constant 304 : index
        %get3A_732 = tpu.vector_load %arg6[%get3A_729, %get3A_730, %get3A_731] {strides = array<i32>} : memref<5x32x512xf32, #tpu.memory_space<vmem>>, vector<1x1x16xf32>,
        %get3A_733 = vector.shape_cast %get3A_732 : vector<1x1x16xf32> to vector<16xf32>
        %mul3A_734 = arith.constant 22.6274166 : f32
        %mul3A_735 = vector.broadcast %mul3A_734 : f32 to vector<16xf32>
        %mul3A_736 = arith.mulf %get3A_733, %mul3A_735 : vector<16xf32>
        %swap3A_737 = arith.constant 1 : i32
        %swap3A_738 = arith.index_cast %swap3A_737 : i32 to index
        %swap3A_739 = arith.index_cast %scan3A_425 : i32 to index
        %swap3A_740 = arith.constant 304 : index
        %swap3A_741 = tpu.vector_load %arg6[%swap3A_738, %swap3A_739, %swap3A_740] {strides = array<i32>} : memref<5x32x512xf32, #tpu.memory_space<vmem>>, vector<1x1x16xf32>,
        %swap3A_742 = vector.shape_cast %swap3A_741 : vector<1x1x16xf32> to vector<16xf32>
        %swap3A_743 = vector.shape_cast %mul3A_736 : vector<16xf32> to vector<1x1x16xf32>
        tpu.vector_store %arg6[%swap3A_738, %swap3A_739, %swap3A_740], %swap3A_743 {strides = array<i32>} : memref<5x32x512xf32, #tpu.memory_space<vmem>>, vector<1x1x16xf32>,
        %get3A_744 = arith.constant 1 : i32
        %get3A_745 = arith.index_cast %get3A_744 : i32 to index
        %get3A_746 = arith.index_cast %scan3A_425 : i32 to index
        %get3A_747 = arith.constant 320 : index
        %get3A_748 = tpu.vector_load %arg6[%get3A_745, %get3A_746, %get3A_747] {strides = array<i32>} : memref<5x32x512xf32, #tpu.memory_space<vmem>>, vector<1x1x16xf32>,
        %get3A_749 = vector.shape_cast %get3A_748 : vector<1x1x16xf32> to vector<16xf32>
        %mul3A_750 = arith.constant 22.6274166 : f32
        %mul3A_751 = vector.broadcast %mul3A_750 : f32 to vector<16xf32>
        %mul3A_752 = arith.mulf %get3A_749, %mul3A_751 : vector<16xf32>
        %swap3A_753 = arith.constant 1 : i32
        %swap3A_754 = arith.index_cast %swap3A_753 : i32 to index
        %swap3A_755 = arith.index_cast %scan3A_425 : i32 to index
        %swap3A_756 = arith.constant 320 : index
        %swap3A_757 = tpu.vector_load %arg6[%swap3A_754, %swap3A_755, %swap3A_756] {strides = array<i32>} : memref<5x32x512xf32, #tpu.memory_space<vmem>>, vector<1x1x16xf32>,
        %swap3A_758 = vector.shape_cast %swap3A_757 : vector<1x1x16xf32> to vector<16xf32>
        %swap3A_759 = vector.shape_cast %mul3A_752 : vector<16xf32> to vector<1x1x16xf32>
        tpu.vector_store %arg6[%swap3A_754, %swap3A_755, %swap3A_756], %swap3A_759 {strides = array<i32>} : memref<5x32x512xf32, #tpu.memory_space<vmem>>, vector<1x1x16xf32>,
        %get3A_760 = arith.constant 1 : i32
        %get3A_761 = arith.index_cast %get3A_760 : i32 to index
        %get3A_762 = arith.index_cast %scan3A_425 : i32 to index
        %get3A_763 = arith.constant 336 : index
        %get3A_764 = tpu.vector_load %arg6[%get3A_761, %get3A_762, %get3A_763] {strides = array<i32>} : memref<5x32x512xf32, #tpu.memory_space<vmem>>, vector<1x1x16xf32>,
        %get3A_765 = vector.shape_cast %get3A_764 : vector<1x1x16xf32> to vector<16xf32>
        %mul3A_766 = arith.constant 22.6274166 : f32
        %mul3A_767 = vector.broadcast %mul3A_766 : f32 to vector<16xf32>
        %mul3A_768 = arith.mulf %get3A_765, %mul3A_767 : vector<16xf32>
        %swap3A_769 = arith.constant 1 : i32
        %swap3A_770 = arith.index_cast %swap3A_769 : i32 to index
        %swap3A_771 = arith.index_cast %scan3A_425 : i32 to index
        %swap3A_772 = arith.constant 336 : index
        %swap3A_773 = tpu.vector_load %arg6[%swap3A_770, %swap3A_771, %swap3A_772] {strides = array<i32>} : memref<5x32x512xf32, #tpu.memory_space<vmem>>, vector<1x1x16xf32>,
        %swap3A_774 = vector.shape_cast %swap3A_773 : vector<1x1x16xf32> to vector<16xf32>
        %swap3A_775 = vector.shape_cast %mul3A_768 : vector<16xf32> to vector<1x1x16xf32>
        tpu.vector_store %arg6[%swap3A_770, %swap3A_771, %swap3A_772], %swap3A_775 {strides = array<i32>} : memref<5x32x512xf32, #tpu.memory_space<vmem>>, vector<1x1x16xf32>,
        %get3A_776 = arith.constant 1 : i32
        %get3A_777 = arith.index_cast %get3A_776 : i32 to index
        %get3A_778 = arith.index_cast %scan3A_425 : i32 to index
        %get3A_779 = arith.constant 352 : index
        %get3A_780 = tpu.vector_load %arg6[%get3A_777, %get3A_778, %get3A_779] {strides = array<i32>} : memref<5x32x512xf32, #tpu.memory_space<vmem>>, vector<1x1x16xf32>,
        %get3A_781 = vector.shape_cast %get3A_780 : vector<1x1x16xf32> to vector<16xf32>
        %mul3A_782 = arith.constant 22.6274166 : f32
        %mul3A_783 = vector.broadcast %mul3A_782 : f32 to vector<16xf32>
        %mul3A_784 = arith.mulf %get3A_781, %mul3A_783 : vector<16xf32>
        %swap3A_785 = arith.constant 1 : i32
        %swap3A_786 = arith.index_cast %swap3A_785 : i32 to index
        %swap3A_787 = arith.index_cast %scan3A_425 : i32 to index
        %swap3A_788 = arith.constant 352 : index
        %swap3A_789 = tpu.vector_load %arg6[%swap3A_786, %swap3A_787, %swap3A_788] {strides = array<i32>} : memref<5x32x512xf32, #tpu.memory_space<vmem>>, vector<1x1x16xf32>,
        %swap3A_790 = vector.shape_cast %swap3A_789 : vector<1x1x16xf32> to vector<16xf32>
        %swap3A_791 = vector.shape_cast %mul3A_784 : vector<16xf32> to vector<1x1x16xf32>
        tpu.vector_store %arg6[%swap3A_786, %swap3A_787, %swap3A_788], %swap3A_791 {strides = array<i32>} : memref<5x32x512xf32, #tpu.memory_space<vmem>>, vector<1x1x16xf32>,
        %get3A_792 = arith.constant 1 : i32
        %get3A_793 = arith.index_cast %get3A_792 : i32 to index
        %get3A_794 = arith.index_cast %scan3A_425 : i32 to index
        %get3A_795 = arith.constant 368 : index
        %get3A_796 = tpu.vector_load %arg6[%get3A_793, %get3A_794, %get3A_795] {strides = array<i32>} : memref<5x32x512xf32, #tpu.memory_space<vmem>>, vector<1x1x16xf32>,
        %get3A_797 = vector.shape_cast %get3A_796 : vector<1x1x16xf32> to vector<16xf32>
        %mul3A_798 = arith.constant 22.6274166 : f32
        %mul3A_799 = vector.broadcast %mul3A_798 : f32 to vector<16xf32>
        %mul3A_800 = arith.mulf %get3A_797, %mul3A_799 : vector<16xf32>
        %swap3A_801 = arith.constant 1 : i32
        %swap3A_802 = arith.index_cast %swap3A_801 : i32 to index
        %swap3A_803 = arith.index_cast %scan3A_425 : i32 to index
        %swap3A_804 = arith.constant 368 : index
        %swap3A_805 = tpu.vector_load %arg6[%swap3A_802, %swap3A_803, %swap3A_804] {strides = array<i32>} : memref<5x32x512xf32, #tpu.memory_space<vmem>>, vector<1x1x16xf32>,
        %swap3A_806 = vector.shape_cast %swap3A_805 : vector<1x1x16xf32> to vector<16xf32>
        %swap3A_807 = vector.shape_cast %mul3A_800 : vector<16xf32> to vector<1x1x16xf32>
        tpu.vector_store %arg6[%swap3A_802, %swap3A_803, %swap3A_804], %swap3A_807 {strides = array<i32>} : memref<5x32x512xf32, #tpu.memory_space<vmem>>, vector<1x1x16xf32>,
        %get3A_808 = arith.constant 1 : i32
        %get3A_809 = arith.index_cast %get3A_808 : i32 to index
        %get3A_810 = arith.index_cast %scan3A_425 : i32 to index
        %get3A_811 = arith.constant 384 : index
        %get3A_812 = tpu.vector_load %arg6[%get3A_809, %get3A_810, %get3A_811] {strides = array<i32>} : memref<5x32x512xf32, #tpu.memory_space<vmem>>, vector<1x1x16xf32>,
        %get3A_813 = vector.shape_cast %get3A_812 : vector<1x1x16xf32> to vector<16xf32>
        %mul3A_814 = arith.constant 22.6274166 : f32
        %mul3A_815 = vector.broadcast %mul3A_814 : f32 to vector<16xf32>
        %mul3A_816 = arith.mulf %get3A_813, %mul3A_815 : vector<16xf32>
        %swap3A_817 = arith.constant 1 : i32
        %swap3A_818 = arith.index_cast %swap3A_817 : i32 to index
        %swap3A_819 = arith.index_cast %scan3A_425 : i32 to index
        %swap3A_820 = arith.constant 384 : index
        %swap3A_821 = tpu.vector_load %arg6[%swap3A_818, %swap3A_819, %swap3A_820] {strides = array<i32>} : memref<5x32x512xf32, #tpu.memory_space<vmem>>, vector<1x1x16xf32>,
        %swap3A_822 = vector.shape_cast %swap3A_821 : vector<1x1x16xf32> to vector<16xf32>
        %swap3A_823 = vector.shape_cast %mul3A_816 : vector<16xf32> to vector<1x1x16xf32>
        tpu.vector_store %arg6[%swap3A_818, %swap3A_819, %swap3A_820], %swap3A_823 {strides = array<i32>} : memref<5x32x512xf32, #tpu.memory_space<vmem>>, vector<1x1x16xf32>,
        %get3A_824 = arith.constant 1 : i32
        %get3A_825 = arith.index_cast %get3A_824 : i32 to index
        %get3A_826 = arith.index_cast %scan3A_425 : i32 to index
        %get3A_827 = arith.constant 400 : index
        %get3A_828 = tpu.vector_load %arg6[%get3A_825, %get3A_826, %get3A_827] {strides = array<i32>} : memref<5x32x512xf32, #tpu.memory_space<vmem>>, vector<1x1x16xf32>,
        %get3A_829 = vector.shape_cast %get3A_828 : vector<1x1x16xf32> to vector<16xf32>
        %mul3A_830 = arith.constant 22.6274166 : f32
        %mul3A_831 = vector.broadcast %mul3A_830 : f32 to vector<16xf32>
        %mul3A_832 = arith.mulf %get3A_829, %mul3A_831 : vector<16xf32>
        %swap3A_833 = arith.constant 1 : i32
        %swap3A_834 = arith.index_cast %swap3A_833 : i32 to index
        %swap3A_835 = arith.index_cast %scan3A_425 : i32 to index
        %swap3A_836 = arith.constant 400 : index
        %swap3A_837 = tpu.vector_load %arg6[%swap3A_834, %swap3A_835, %swap3A_836] {strides = array<i32>} : memref<5x32x512xf32, #tpu.memory_space<vmem>>, vector<1x1x16xf32>,
        %swap3A_838 = vector.shape_cast %swap3A_837 : vector<1x1x16xf32> to vector<16xf32>
        %swap3A_839 = vector.shape_cast %mul3A_832 : vector<16xf32> to vector<1x1x16xf32>
        tpu.vector_store %arg6[%swap3A_834, %swap3A_835, %swap3A_836], %swap3A_839 {strides = array<i32>} : memref<5x32x512xf32, #tpu.memory_space<vmem>>, vector<1x1x16xf32>,
        %get3A_840 = arith.constant 1 : i32
        %get3A_841 = arith.index_cast %get3A_840 : i32 to index
        %get3A_842 = arith.index_cast %scan3A_425 : i32 to index
        %get3A_843 = arith.constant 416 : index
        %get3A_844 = tpu.vector_load %arg6[%get3A_841, %get3A_842, %get3A_843] {strides = array<i32>} : memref<5x32x512xf32, #tpu.memory_space<vmem>>, vector<1x1x16xf32>,
        %get3A_845 = vector.shape_cast %get3A_844 : vector<1x1x16xf32> to vector<16xf32>
        %mul3A_846 = arith.constant 22.6274166 : f32
        %mul3A_847 = vector.broadcast %mul3A_846 : f32 to vector<16xf32>
        %mul3A_848 = arith.mulf %get3A_845, %mul3A_847 : vector<16xf32>
        %swap3A_849 = arith.constant 1 : i32
        %swap3A_850 = arith.index_cast %swap3A_849 : i32 to index
        %swap3A_851 = arith.index_cast %scan3A_425 : i32 to index
        %swap3A_852 = arith.constant 416 : index
        %swap3A_853 = tpu.vector_load %arg6[%swap3A_850, %swap3A_851, %swap3A_852] {strides = array<i32>} : memref<5x32x512xf32, #tpu.memory_space<vmem>>, vector<1x1x16xf32>,
        %swap3A_854 = vector.shape_cast %swap3A_853 : vector<1x1x16xf32> to vector<16xf32>
        %swap3A_855 = vector.shape_cast %mul3A_848 : vector<16xf32> to vector<1x1x16xf32>
        tpu.vector_store %arg6[%swap3A_850, %swap3A_851, %swap3A_852], %swap3A_855 {strides = array<i32>} : memref<5x32x512xf32, #tpu.memory_space<vmem>>, vector<1x1x16xf32>,
        %get3A_856 = arith.constant 1 : i32
        %get3A_857 = arith.index_cast %get3A_856 : i32 to index
        %get3A_858 = arith.index_cast %scan3A_425 : i32 to index
        %get3A_859 = arith.constant 432 : index
        %get3A_860 = tpu.vector_load %arg6[%get3A_857, %get3A_858, %get3A_859] {strides = array<i32>} : memref<5x32x512xf32, #tpu.memory_space<vmem>>, vector<1x1x16xf32>,
        %get3A_861 = vector.shape_cast %get3A_860 : vector<1x1x16xf32> to vector<16xf32>
        %mul3A_862 = arith.constant 22.6274166 : f32
        %mul3A_863 = vector.broadcast %mul3A_862 : f32 to vector<16xf32>
        %mul3A_864 = arith.mulf %get3A_861, %mul3A_863 : vector<16xf32>
        %swap3A_865 = arith.constant 1 : i32
        %swap3A_866 = arith.index_cast %swap3A_865 : i32 to index
        %swap3A_867 = arith.index_cast %scan3A_425 : i32 to index
        %swap3A_868 = arith.constant 432 : index
        %swap3A_869 = tpu.vector_load %arg6[%swap3A_866, %swap3A_867, %swap3A_868] {strides = array<i32>} : memref<5x32x512xf32, #tpu.memory_space<vmem>>, vector<1x1x16xf32>,
        %swap3A_870 = vector.shape_cast %swap3A_869 : vector<1x1x16xf32> to vector<16xf32>
        %swap3A_871 = vector.shape_cast %mul3A_864 : vector<16xf32> to vector<1x1x16xf32>
        tpu.vector_store %arg6[%swap3A_866, %swap3A_867, %swap3A_868], %swap3A_871 {strides = array<i32>} : memref<5x32x512xf32, #tpu.memory_space<vmem>>, vector<1x1x16xf32>,
        %get3A_872 = arith.constant 1 : i32
        %get3A_873 = arith.index_cast %get3A_872 : i32 to index
        %get3A_874 = arith.index_cast %scan3A_425 : i32 to index
        %get3A_875 = arith.constant 448 : index
        %get3A_876 = tpu.vector_load %arg6[%get3A_873, %get3A_874, %get3A_875] {strides = array<i32>} : memref<5x32x512xf32, #tpu.memory_space<vmem>>, vector<1x1x16xf32>,
        %get3A_877 = vector.shape_cast %get3A_876 : vector<1x1x16xf32> to vector<16xf32>
        %mul3A_878 = arith.constant 22.6274166 : f32
        %mul3A_879 = vector.broadcast %mul3A_878 : f32 to vector<16xf32>
        %mul3A_880 = arith.mulf %get3A_877, %mul3A_879 : vector<16xf32>
        %swap3A_881 = arith.constant 1 : i32
        %swap3A_882 = arith.index_cast %swap3A_881 : i32 to index
        %swap3A_883 = arith.index_cast %scan3A_425 : i32 to index
        %swap3A_884 = arith.constant 448 : index
        %swap3A_885 = tpu.vector_load %arg6[%swap3A_882, %swap3A_883, %swap3A_884] {strides = array<i32>} : memref<5x32x512xf32, #tpu.memory_space<vmem>>, vector<1x1x16xf32>,
        %swap3A_886 = vector.shape_cast %swap3A_885 : vector<1x1x16xf32> to vector<16xf32>
        %swap3A_887 = vector.shape_cast %mul3A_880 : vector<16xf32> to vector<1x1x16xf32>
        tpu.vector_store %arg6[%swap3A_882, %swap3A_883, %swap3A_884], %swap3A_887 {strides = array<i32>} : memref<5x32x512xf32, #tpu.memory_space<vmem>>, vector<1x1x16xf32>,
        %get3A_888 = arith.constant 1 : i32
        %get3A_889 = arith.index_cast %get3A_888 : i32 to index
        %get3A_890 = arith.index_cast %scan3A_425 : i32 to index
        %get3A_891 = arith.constant 464 : index
        %get3A_892 = tpu.vector_load %arg6[%get3A_889, %get3A_890, %get3A_891] {strides = array<i32>} : memref<5x32x512xf32, #tpu.memory_space<vmem>>, vector<1x1x16xf32>,
        %get3A_893 = vector.shape_cast %get3A_892 : vector<1x1x16xf32> to vector<16xf32>
        %mul3A_894 = arith.constant 22.6274166 : f32
        %mul3A_895 = vector.broadcast %mul3A_894 : f32 to vector<16xf32>
        %mul3A_896 = arith.mulf %get3A_893, %mul3A_895 : vector<16xf32>
        %swap3A_897 = arith.constant 1 : i32
        %swap3A_898 = arith.index_cast %swap3A_897 : i32 to index
        %swap3A_899 = arith.index_cast %scan3A_425 : i32 to index
        %swap3A_900 = arith.constant 464 : index
        %swap3A_901 = tpu.vector_load %arg6[%swap3A_898, %swap3A_899, %swap3A_900] {strides = array<i32>} : memref<5x32x512xf32, #tpu.memory_space<vmem>>, vector<1x1x16xf32>,
        %swap3A_902 = vector.shape_cast %swap3A_901 : vector<1x1x16xf32> to vector<16xf32>
        %swap3A_903 = vector.shape_cast %mul3A_896 : vector<16xf32> to vector<1x1x16xf32>
        tpu.vector_store %arg6[%swap3A_898, %swap3A_899, %swap3A_900], %swap3A_903 {strides = array<i32>} : memref<5x32x512xf32, #tpu.memory_space<vmem>>, vector<1x1x16xf32>,
        %get3A_904 = arith.constant 1 : i32
        %get3A_905 = arith.index_cast %get3A_904 : i32 to index
        %get3A_906 = arith.index_cast %scan3A_425 : i32 to index
        %get3A_907 = arith.constant 480 : index
        %get3A_908 = tpu.vector_load %arg6[%get3A_905, %get3A_906, %get3A_907] {strides = array<i32>} : memref<5x32x512xf32, #tpu.memory_space<vmem>>, vector<1x1x16xf32>,
        %get3A_909 = vector.shape_cast %get3A_908 : vector<1x1x16xf32> to vector<16xf32>
        %mul3A_910 = arith.constant 22.6274166 : f32
        %mul3A_911 = vector.broadcast %mul3A_910 : f32 to vector<16xf32>
        %mul3A_912 = arith.mulf %get3A_909, %mul3A_911 : vector<16xf32>
        %swap3A_913 = arith.constant 1 : i32
        %swap3A_914 = arith.index_cast %swap3A_913 : i32 to index
        %swap3A_915 = arith.index_cast %scan3A_425 : i32 to index
        %swap3A_916 = arith.constant 480 : index
        %swap3A_917 = tpu.vector_load %arg6[%swap3A_914, %swap3A_915, %swap3A_916] {strides = array<i32>} : memref<5x32x512xf32, #tpu.memory_space<vmem>>, vector<1x1x16xf32>,
        %swap3A_918 = vector.shape_cast %swap3A_917 : vector<1x1x16xf32> to vector<16xf32>
        %swap3A_919 = vector.shape_cast %mul3A_912 : vector<16xf32> to vector<1x1x16xf32>
        tpu.vector_store %arg6[%swap3A_914, %swap3A_915, %swap3A_916], %swap3A_919 {strides = array<i32>} : memref<5x32x512xf32, #tpu.memory_space<vmem>>, vector<1x1x16xf32>,
        %get3A_920 = arith.constant 1 : i32
        %get3A_921 = arith.index_cast %get3A_920 : i32 to index
        %get3A_922 = arith.index_cast %scan3A_425 : i32 to index
        %get3A_923 = arith.constant 496 : index
        %get3A_924 = tpu.vector_load %arg6[%get3A_921, %get3A_922, %get3A_923] {strides = array<i32>} : memref<5x32x512xf32, #tpu.memory_space<vmem>>, vector<1x1x16xf32>,
        %get3A_925 = vector.shape_cast %get3A_924 : vector<1x1x16xf32> to vector<16xf32>
        %mul3A_926 = arith.constant 22.6274166 : f32
        %mul3A_927 = vector.broadcast %mul3A_926 : f32 to vector<16xf32>
        %mul3A_928 = arith.mulf %get3A_925, %mul3A_927 : vector<16xf32>
        %swap3A_929 = arith.constant 1 : i32
        %swap3A_930 = arith.index_cast %swap3A_929 : i32 to index
        %swap3A_931 = arith.index_cast %scan3A_425 : i32 to index
        %swap3A_932 = arith.constant 496 : index
        %swap3A_933 = tpu.vector_load %arg6[%swap3A_930, %swap3A_931, %swap3A_932] {strides = array<i32>} : memref<5x32x512xf32, #tpu.memory_space<vmem>>, vector<1x1x16xf32>,
        %swap3A_934 = vector.shape_cast %swap3A_933 : vector<1x1x16xf32> to vector<16xf32>
        %swap3A_935 = vector.shape_cast %mul3A_928 : vector<16xf32> to vector<1x1x16xf32>
        tpu.vector_store %arg6[%swap3A_930, %swap3A_931, %swap3A_932], %swap3A_935 {strides = array<i32>} : memref<5x32x512xf32, #tpu.memory_space<vmem>>, vector<1x1x16xf32>,
      }
      %scan3A_227 = arith.constant 32 : i32
      %mul3A_228 = arith.constant 32 : i32
      %mul3A_229 = arith.muli %add3A_208, %mul3A_228 : i32
      %multiple_of3A_230 = tpu.assume_multiple %mul3A_229, 8 : i32
      %add3A_231 = arith.addi %mul3A_2, %multiple_of3A_230 : i32
      %dma_start3A_232 = arith.constant 1 : i32
      %dma_start3A_233 = arith.constant 1 : i32
      %dma_start3A_234 = arith.constant 0 : i32
      %dma_start3A_235 = arith.constant 0 : i32
      %dma_start3A_236 = tpu.memref_slice %arg6[%dma_start3A_232, %dma_start3A_234, %dma_start3A_235] : memref<5x32x512xf32, #tpu.memory_space<vmem>> -> memref<1x32x512xf32, #tpu.memory_space<vmem>>
      %dma_start3A_237 = tpu.memref_squeeze %dma_start3A_236 : memref<1x32x512xf32, #tpu.memory_space<vmem>> -> memref<32x512xf32, #tpu.memory_space<vmem>>
      %dma_start3A_238 = arith.constant 0 : i32
      %dma_start3A_239 = tpu.memref_slice %arg4[%add3A_231, %dma_start3A_238] : memref<81920x512xf32, #tpu.memory_space<hbm>> -> memref<32x512xf32, #tpu.memory_space<hbm>>
      %dma_start3A_240 = tpu.memref_slice %arg8[%dma_start3A_233] : memref<5x!tpu.dma_semaphore, #tpu.memory_space<semaphore_mem>> -> memref<1x!tpu.dma_semaphore, #tpu.memory_space<semaphore_mem>>
      %dma_start3A_241 = tpu.memref_squeeze %dma_start3A_240 : memref<1x!tpu.dma_semaphore, #tpu.memory_space<semaphore_mem>> -> memref<!tpu.dma_semaphore, #tpu.memory_space<semaphore_mem>>
      %dma_start3A_242 = arith.constant 0 : i32
      %dma_start3A_243 = tpu.memref_slice %arg4[%add3A_231, %dma_start3A_242] : memref<81920x512xf32, #tpu.memory_space<hbm>> -> memref<32x512xf32, #tpu.memory_space<hbm>>
      %dma_start3A_244 = arith.constant 0 : i32
      %dma_start3A_245 = arith.constant 0 : i32
      %dma_start3A_246 = tpu.memref_slice %arg6[%dma_start3A_232, %dma_start3A_244, %dma_start3A_245] : memref<5x32x512xf32, #tpu.memory_space<vmem>> -> memref<1x32x512xf32, #tpu.memory_space<vmem>>
      %dma_start3A_247 = tpu.memref_squeeze %dma_start3A_246 : memref<1x32x512xf32, #tpu.memory_space<vmem>> -> memref<32x512xf32, #tpu.memory_space<vmem>>
      tpu.enqueue_dma source(%dma_start3A_247 : memref<32x512xf32, #tpu.memory_space<vmem>>) target(%dma_start3A_243 : memref<32x512xf32, #tpu.memory_space<hbm>>) target_semaphore(%dma_start3A_241 : memref<!tpu.dma_semaphore, #tpu.memory_space<semaphore_mem>>)
      %add3A_248 = arith.constant 5 : i32
      %add3A_249 = arith.addi %add3A_208, %add3A_248 : i32
      %sub3A_250 = arith.constant 1 : i32
      %sub3A_251 = arith.subi %add3A_249, %sub3A_250 : i32
      %ge3A_252 = arith.constant 5 : i32
      %ge3A_253 = arith.cmpi sge, %sub3A_251, %ge3A_252 : i32
      %lt3A_254 = arith.constant 80 : i32
      %lt3A_255 = arith.cmpi slt, %sub3A_251, %lt3A_254 : i32
      %and3A_256 = arith.andi %ge3A_253, %lt3A_255 : i1
      %convert_element_type3A_257 = arith.extui %and3A_256 : i1 to i32
      %cond3A_258 = arith.constant 0 : i32
      %cond3A_259 = arith.cmpi ne, %convert_element_type3A_257, %cond3A_258 : i32
      scf.if %cond3A_259 {
        %dma_wait3A_425 = arith.constant 0 : i32
        %dma_wait3A_426 = arith.constant 0 : i32
        %dma_wait3A_427 = arith.constant 0 : i32
        %dma_wait3A_428 = arith.constant 0 : i32
        %dma_wait3A_429 = tpu.memref_slice %arg6[%dma_wait3A_425, %dma_wait3A_427, %dma_wait3A_428] : memref<5x32x512xf32, #tpu.memory_space<vmem>> -> memref<1x32x512xf32, #tpu.memory_space<vmem>>
        %dma_wait3A_430 = tpu.memref_squeeze %dma_wait3A_429 : memref<1x32x512xf32, #tpu.memory_space<vmem>> -> memref<32x512xf32, #tpu.memory_space<vmem>>
        %dma_wait3A_431 = arith.constant 0 : i32
        %dma_wait3A_432 = tpu.memref_slice %arg4[%mul3A_2, %dma_wait3A_431] : memref<81920x512xf32, #tpu.memory_space<hbm>> -> memref<32x512xf32, #tpu.memory_space<hbm>>
        %dma_wait3A_433 = tpu.memref_slice %arg8[%dma_wait3A_426] : memref<5x!tpu.dma_semaphore, #tpu.memory_space<semaphore_mem>> -> memref<1x!tpu.dma_semaphore, #tpu.memory_space<semaphore_mem>>
        %dma_wait3A_434 = tpu.memref_squeeze %dma_wait3A_433 : memref<1x!tpu.dma_semaphore, #tpu.memory_space<semaphore_mem>> -> memref<!tpu.dma_semaphore, #tpu.memory_space<semaphore_mem>>
        %dma_wait3A_435 = arith.constant 0 : i32
        %dma_wait3A_436 = tpu.memref_slice %arg4[%mul3A_2, %dma_wait3A_435] : memref<81920x512xf32, #tpu.memory_space<hbm>> -> memref<32x512xf32, #tpu.memory_space<hbm>>
        %dma_wait3A_437 = arith.constant 0 : i32
        %dma_wait3A_438 = arith.constant 0 : i32
        %dma_wait3A_439 = tpu.memref_slice %arg6[%dma_wait3A_425, %dma_wait3A_437, %dma_wait3A_438] : memref<5x32x512xf32, #tpu.memory_space<vmem>> -> memref<1x32x512xf32, #tpu.memory_space<vmem>>
        %dma_wait3A_440 = tpu.memref_squeeze %dma_wait3A_439 : memref<1x32x512xf32, #tpu.memory_space<vmem>> -> memref<32x512xf32, #tpu.memory_space<vmem>>
        tpu.wait_dma2 semaphore(%dma_wait3A_434 : memref<!tpu.dma_semaphore, #tpu.memory_space<semaphore_mem>>) src(%dma_wait3A_440 : memref<32x512xf32, #tpu.memory_space<vmem>>) dst(%dma_wait3A_436 : memref<32x512xf32, #tpu.memory_space<hbm>>)
        %mul3A_441 = arith.constant 32 : i32
        %mul3A_442 = arith.muli %sub3A_251, %mul3A_441 : i32
        %multiple_of3A_443 = tpu.assume_multiple %mul3A_442, 8 : i32
        %dma_start3A_444 = arith.constant 0 : i32
        %dma_start3A_445 = arith.constant 0 : i32
        %dma_start3A_446 = arith.constant 0 : i32
        %dma_start3A_447 = arith.constant 0 : i32
        %dma_start3A_448 = tpu.memref_slice %arg6[%dma_start3A_444, %dma_start3A_446, %dma_start3A_447] : memref<5x32x512xf32, #tpu.memory_space<vmem>> -> memref<1x32x512xf32, #tpu.memory_space<vmem>>
        %dma_start3A_449 = tpu.memref_squeeze %dma_start3A_448 : memref<1x32x512xf32, #tpu.memory_space<vmem>> -> memref<32x512xf32, #tpu.memory_space<vmem>>
        %dma_start3A_450 = tpu.memref_slice %arg5[%multiple_of3A_443] : memref<2560xi32, #tpu.memory_space<vmem>> -> memref<32xi32, #tpu.memory_space<vmem>>
        %dma_start3A_451 = arith.constant 0 : i32
        %dma_start3A_452 = arith.constant 0 : i32
        %dma_start3A_453 = tpu.memref_slice %arg3[%dma_start3A_451, %dma_start3A_452] : memref<100000x512xf32, #tpu.memory_space<hbm>> -> memref<100000x512xf32, #tpu.memory_space<hbm>>
        %dma_start3A_454 = tpu.memref_slice %arg7[%dma_start3A_445] : memref<5x!tpu.dma_semaphore, #tpu.memory_space<semaphore_mem>> -> memref<1x!tpu.dma_semaphore, #tpu.memory_space<semaphore_mem>>
        %dma_start3A_455 = tpu.memref_squeeze %dma_start3A_454 : memref<1x!tpu.dma_semaphore, #tpu.memory_space<semaphore_mem>> -> memref<!tpu.dma_semaphore, #tpu.memory_space<semaphore_mem>>
        tpu.enqueue_indirect_dma source(%dma_start3A_453 : memref<100000x512xf32, #tpu.memory_space<hbm>>) target(%dma_start3A_449 : memref<32x512xf32, #tpu.memory_space<vmem>>) offsets(%dma_start3A_450 : memref<32xi32, #tpu.memory_space<vmem>>) semaphore(%dma_start3A_455 : memref<!tpu.dma_semaphore, #tpu.memory_space<semaphore_mem>>)
      } else {
      }
      %mul3A_260 = arith.constant 5 : i32
      %mul3A_261 = arith.muli %scan3A_155, %mul3A_260 : i32
      %add3A_262 = arith.constant 2 : i32
      %add3A_263 = arith.addi %mul3A_261, %add3A_262 : i32
      %dma_wait3A_264 = arith.constant 2 : i32
      %dma_wait3A_265 = arith.constant 2 : i32
      %dma_wait3A_266 = arith.constant 0 : i32
      %dma_wait3A_267 = arith.constant 0 : i32
      %dma_wait3A_268 = tpu.memref_slice %arg6[%dma_wait3A_264, %dma_wait3A_266, %dma_wait3A_267] : memref<5x32x512xf32, #tpu.memory_space<vmem>> -> memref<1x32x512xf32, #tpu.memory_space<vmem>>
      %dma_wait3A_269 = tpu.memref_squeeze %dma_wait3A_268 : memref<1x32x512xf32, #tpu.memory_space<vmem>> -> memref<32x512xf32, #tpu.memory_space<vmem>>
      %dma_wait3A_270 = arith.constant 0 : i32
      %dma_wait3A_271 = tpu.memref_slice %arg5[%dma_wait3A_270] : memref<2560xi32, #tpu.memory_space<vmem>> -> memref<32xi32, #tpu.memory_space<vmem>>
      %dma_wait3A_272 = arith.constant 0 : i32
      %dma_wait3A_273 = arith.constant 0 : i32
      %dma_wait3A_274 = tpu.memref_slice %arg3[%dma_wait3A_272, %dma_wait3A_273] : memref<100000x512xf32, #tpu.memory_space<hbm>> -> memref<100000x512xf32, #tpu.memory_space<hbm>>
      %dma_wait3A_275 = tpu.memref_slice %arg7[%dma_wait3A_265] : memref<5x!tpu.dma_semaphore, #tpu.memory_space<semaphore_mem>> -> memref<1x!tpu.dma_semaphore, #tpu.memory_space<semaphore_mem>>
      %dma_wait3A_276 = tpu.memref_squeeze %dma_wait3A_275 : memref<1x!tpu.dma_semaphore, #tpu.memory_space<semaphore_mem>> -> memref<!tpu.dma_semaphore, #tpu.memory_space<semaphore_mem>>
      tpu.wait_indirect_dma semaphore(%dma_wait3A_276 : memref<!tpu.dma_semaphore, #tpu.memory_space<semaphore_mem>>) src(%dma_wait3A_274 : memref<100000x512xf32, #tpu.memory_space<hbm>>) dst(%dma_wait3A_269 : memref<32x512xf32, #tpu.memory_space<vmem>>)
      %scan3A_277 = arith.constant 0 : i32
      %scan3A_278 = arith.constant 0 : i32
      %scan3A_279 = arith.constant 32 : i32
      %scan3A_280 = arith.addi %scan3A_278, %scan3A_279 : i32
      %scan3A_281 = arith.constant 1 : i32
      scf.for %scan3A_425 = %scan3A_278 to %scan3A_280 step %scan3A_281  : i32 {
        %get3A = arith.constant 2 : i32
        %get3A_426 = arith.index_cast %get3A : i32 to index
        %get3A_427 = arith.index_cast %scan3A_425 : i32 to index
        %get3A_428 = arith.constant 0 : index
        %get3A_429 = tpu.vector_load %arg6[%get3A_426, %get3A_427, %get3A_428] {strides = array<i32>} : memref<5x32x512xf32, #tpu.memory_space<vmem>>, vector<1x1x16xf32>,
        %get3A_430 = vector.shape_cast %get3A_429 : vector<1x1x16xf32> to vector<16xf32>
        %mul3A_431 = arith.constant 22.6274166 : f32
        %mul3A_432 = vector.broadcast %mul3A_431 : f32 to vector<16xf32>
        %mul3A_433 = arith.mulf %get3A_430, %mul3A_432 : vector<16xf32>
        %swap3A = arith.constant 2 : i32
        %swap3A_434 = arith.index_cast %swap3A : i32 to index
        %swap3A_435 = arith.index_cast %scan3A_425 : i32 to index
        %swap3A_436 = arith.constant 0 : index
        %swap3A_437 = tpu.vector_load %arg6[%swap3A_434, %swap3A_435, %swap3A_436] {strides = array<i32>} : memref<5x32x512xf32, #tpu.memory_space<vmem>>, vector<1x1x16xf32>,
        %swap3A_438 = vector.shape_cast %swap3A_437 : vector<1x1x16xf32> to vector<16xf32>
        %swap3A_439 = vector.shape_cast %mul3A_433 : vector<16xf32> to vector<1x1x16xf32>
        tpu.vector_store %arg6[%swap3A_434, %swap3A_435, %swap3A_436], %swap3A_439 {strides = array<i32>} : memref<5x32x512xf32, #tpu.memory_space<vmem>>, vector<1x1x16xf32>,
        %get3A_440 = arith.constant 2 : i32
        %get3A_441 = arith.index_cast %get3A_440 : i32 to index
        %get3A_442 = arith.index_cast %scan3A_425 : i32 to index
        %get3A_443 = arith.constant 16 : index
        %get3A_444 = tpu.vector_load %arg6[%get3A_441, %get3A_442, %get3A_443] {strides = array<i32>} : memref<5x32x512xf32, #tpu.memory_space<vmem>>, vector<1x1x16xf32>,
        %get3A_445 = vector.shape_cast %get3A_444 : vector<1x1x16xf32> to vector<16xf32>
        %mul3A_446 = arith.constant 22.6274166 : f32
        %mul3A_447 = vector.broadcast %mul3A_446 : f32 to vector<16xf32>
        %mul3A_448 = arith.mulf %get3A_445, %mul3A_447 : vector<16xf32>
        %swap3A_449 = arith.constant 2 : i32
        %swap3A_450 = arith.index_cast %swap3A_449 : i32 to index
        %swap3A_451 = arith.index_cast %scan3A_425 : i32 to index
        %swap3A_452 = arith.constant 16 : index
        %swap3A_453 = tpu.vector_load %arg6[%swap3A_450, %swap3A_451, %swap3A_452] {strides = array<i32>} : memref<5x32x512xf32, #tpu.memory_space<vmem>>, vector<1x1x16xf32>,
        %swap3A_454 = vector.shape_cast %swap3A_453 : vector<1x1x16xf32> to vector<16xf32>
        %swap3A_455 = vector.shape_cast %mul3A_448 : vector<16xf32> to vector<1x1x16xf32>
        tpu.vector_store %arg6[%swap3A_450, %swap3A_451, %swap3A_452], %swap3A_455 {strides = array<i32>} : memref<5x32x512xf32, #tpu.memory_space<vmem>>, vector<1x1x16xf32>,
        %get3A_456 = arith.constant 2 : i32
        %get3A_457 = arith.index_cast %get3A_456 : i32 to index
        %get3A_458 = arith.index_cast %scan3A_425 : i32 to index
        %get3A_459 = arith.constant 32 : index
        %get3A_460 = tpu.vector_load %arg6[%get3A_457, %get3A_458, %get3A_459] {strides = array<i32>} : memref<5x32x512xf32, #tpu.memory_space<vmem>>, vector<1x1x16xf32>,
        %get3A_461 = vector.shape_cast %get3A_460 : vector<1x1x16xf32> to vector<16xf32>
        %mul3A_462 = arith.constant 22.6274166 : f32
        %mul3A_463 = vector.broadcast %mul3A_462 : f32 to vector<16xf32>
        %mul3A_464 = arith.mulf %get3A_461, %mul3A_463 : vector<16xf32>
        %swap3A_465 = arith.constant 2 : i32
        %swap3A_466 = arith.index_cast %swap3A_465 : i32 to index
        %swap3A_467 = arith.index_cast %scan3A_425 : i32 to index
        %swap3A_468 = arith.constant 32 : index
        %swap3A_469 = tpu.vector_load %arg6[%swap3A_466, %swap3A_467, %swap3A_468] {strides = array<i32>} : memref<5x32x512xf32, #tpu.memory_space<vmem>>, vector<1x1x16xf32>,
        %swap3A_470 = vector.shape_cast %swap3A_469 : vector<1x1x16xf32> to vector<16xf32>
        %swap3A_471 = vector.shape_cast %mul3A_464 : vector<16xf32> to vector<1x1x16xf32>
        tpu.vector_store %arg6[%swap3A_466, %swap3A_467, %swap3A_468], %swap3A_471 {strides = array<i32>} : memref<5x32x512xf32, #tpu.memory_space<vmem>>, vector<1x1x16xf32>,
        %get3A_472 = arith.constant 2 : i32
        %get3A_473 = arith.index_cast %get3A_472 : i32 to index
        %get3A_474 = arith.index_cast %scan3A_425 : i32 to index
        %get3A_475 = arith.constant 48 : index
        %get3A_476 = tpu.vector_load %arg6[%get3A_473, %get3A_474, %get3A_475] {strides = array<i32>} : memref<5x32x512xf32, #tpu.memory_space<vmem>>, vector<1x1x16xf32>,
        %get3A_477 = vector.shape_cast %get3A_476 : vector<1x1x16xf32> to vector<16xf32>
        %mul3A_478 = arith.constant 22.6274166 : f32
        %mul3A_479 = vector.broadcast %mul3A_478 : f32 to vector<16xf32>
        %mul3A_480 = arith.mulf %get3A_477, %mul3A_479 : vector<16xf32>
        %swap3A_481 = arith.constant 2 : i32
        %swap3A_482 = arith.index_cast %swap3A_481 : i32 to index
        %swap3A_483 = arith.index_cast %scan3A_425 : i32 to index
        %swap3A_484 = arith.constant 48 : index
        %swap3A_485 = tpu.vector_load %arg6[%swap3A_482, %swap3A_483, %swap3A_484] {strides = array<i32>} : memref<5x32x512xf32, #tpu.memory_space<vmem>>, vector<1x1x16xf32>,
        %swap3A_486 = vector.shape_cast %swap3A_485 : vector<1x1x16xf32> to vector<16xf32>
        %swap3A_487 = vector.shape_cast %mul3A_480 : vector<16xf32> to vector<1x1x16xf32>
        tpu.vector_store %arg6[%swap3A_482, %swap3A_483, %swap3A_484], %swap3A_487 {strides = array<i32>} : memref<5x32x512xf32, #tpu.memory_space<vmem>>, vector<1x1x16xf32>,
        %get3A_488 = arith.constant 2 : i32
        %get3A_489 = arith.index_cast %get3A_488 : i32 to index
        %get3A_490 = arith.index_cast %scan3A_425 : i32 to index
        %get3A_491 = arith.constant 64 : index
        %get3A_492 = tpu.vector_load %arg6[%get3A_489, %get3A_490, %get3A_491] {strides = array<i32>} : memref<5x32x512xf32, #tpu.memory_space<vmem>>, vector<1x1x16xf32>,
        %get3A_493 = vector.shape_cast %get3A_492 : vector<1x1x16xf32> to vector<16xf32>
        %mul3A_494 = arith.constant 22.6274166 : f32
        %mul3A_495 = vector.broadcast %mul3A_494 : f32 to vector<16xf32>
        %mul3A_496 = arith.mulf %get3A_493, %mul3A_495 : vector<16xf32>
        %swap3A_497 = arith.constant 2 : i32
        %swap3A_498 = arith.index_cast %swap3A_497 : i32 to index
        %swap3A_499 = arith.index_cast %scan3A_425 : i32 to index
        %swap3A_500 = arith.constant 64 : index
        %swap3A_501 = tpu.vector_load %arg6[%swap3A_498, %swap3A_499, %swap3A_500] {strides = array<i32>} : memref<5x32x512xf32, #tpu.memory_space<vmem>>, vector<1x1x16xf32>,
        %swap3A_502 = vector.shape_cast %swap3A_501 : vector<1x1x16xf32> to vector<16xf32>
        %swap3A_503 = vector.shape_cast %mul3A_496 : vector<16xf32> to vector<1x1x16xf32>
        tpu.vector_store %arg6[%swap3A_498, %swap3A_499, %swap3A_500], %swap3A_503 {strides = array<i32>} : memref<5x32x512xf32, #tpu.memory_space<vmem>>, vector<1x1x16xf32>,
        %get3A_504 = arith.constant 2 : i32
        %get3A_505 = arith.index_cast %get3A_504 : i32 to index
        %get3A_506 = arith.index_cast %scan3A_425 : i32 to index
        %get3A_507 = arith.constant 80 : index
        %get3A_508 = tpu.vector_load %arg6[%get3A_505, %get3A_506, %get3A_507] {strides = array<i32>} : memref<5x32x512xf32, #tpu.memory_space<vmem>>, vector<1x1x16xf32>,
        %get3A_509 = vector.shape_cast %get3A_508 : vector<1x1x16xf32> to vector<16xf32>
        %mul3A_510 = arith.constant 22.6274166 : f32
        %mul3A_511 = vector.broadcast %mul3A_510 : f32 to vector<16xf32>
        %mul3A_512 = arith.mulf %get3A_509, %mul3A_511 : vector<16xf32>
        %swap3A_513 = arith.constant 2 : i32
        %swap3A_514 = arith.index_cast %swap3A_513 : i32 to index
        %swap3A_515 = arith.index_cast %scan3A_425 : i32 to index
        %swap3A_516 = arith.constant 80 : index
        %swap3A_517 = tpu.vector_load %arg6[%swap3A_514, %swap3A_515, %swap3A_516] {strides = array<i32>} : memref<5x32x512xf32, #tpu.memory_space<vmem>>, vector<1x1x16xf32>,
        %swap3A_518 = vector.shape_cast %swap3A_517 : vector<1x1x16xf32> to vector<16xf32>
        %swap3A_519 = vector.shape_cast %mul3A_512 : vector<16xf32> to vector<1x1x16xf32>
        tpu.vector_store %arg6[%swap3A_514, %swap3A_515, %swap3A_516], %swap3A_519 {strides = array<i32>} : memref<5x32x512xf32, #tpu.memory_space<vmem>>, vector<1x1x16xf32>,
        %get3A_520 = arith.constant 2 : i32
        %get3A_521 = arith.index_cast %get3A_520 : i32 to index
        %get3A_522 = arith.index_cast %scan3A_425 : i32 to index
        %get3A_523 = arith.constant 96 : index
        %get3A_524 = tpu.vector_load %arg6[%get3A_521, %get3A_522, %get3A_523] {strides = array<i32>} : memref<5x32x512xf32, #tpu.memory_space<vmem>>, vector<1x1x16xf32>,
        %get3A_525 = vector.shape_cast %get3A_524 : vector<1x1x16xf32> to vector<16xf32>
        %mul3A_526 = arith.constant 22.6274166 : f32
        %mul3A_527 = vector.broadcast %mul3A_526 : f32 to vector<16xf32>
        %mul3A_528 = arith.mulf %get3A_525, %mul3A_527 : vector<16xf32>
        %swap3A_529 = arith.constant 2 : i32
        %swap3A_530 = arith.index_cast %swap3A_529 : i32 to index
        %swap3A_531 = arith.index_cast %scan3A_425 : i32 to index
        %swap3A_532 = arith.constant 96 : index
        %swap3A_533 = tpu.vector_load %arg6[%swap3A_530, %swap3A_531, %swap3A_532] {strides = array<i32>} : memref<5x32x512xf32, #tpu.memory_space<vmem>>, vector<1x1x16xf32>,
        %swap3A_534 = vector.shape_cast %swap3A_533 : vector<1x1x16xf32> to vector<16xf32>
        %swap3A_535 = vector.shape_cast %mul3A_528 : vector<16xf32> to vector<1x1x16xf32>
        tpu.vector_store %arg6[%swap3A_530, %swap3A_531, %swap3A_532], %swap3A_535 {strides = array<i32>} : memref<5x32x512xf32, #tpu.memory_space<vmem>>, vector<1x1x16xf32>,
        %get3A_536 = arith.constant 2 : i32
        %get3A_537 = arith.index_cast %get3A_536 : i32 to index
        %get3A_538 = arith.index_cast %scan3A_425 : i32 to index
        %get3A_539 = arith.constant 112 : index
        %get3A_540 = tpu.vector_load %arg6[%get3A_537, %get3A_538, %get3A_539] {strides = array<i32>} : memref<5x32x512xf32, #tpu.memory_space<vmem>>, vector<1x1x16xf32>,
        %get3A_541 = vector.shape_cast %get3A_540 : vector<1x1x16xf32> to vector<16xf32>
        %mul3A_542 = arith.constant 22.6274166 : f32
        %mul3A_543 = vector.broadcast %mul3A_542 : f32 to vector<16xf32>
        %mul3A_544 = arith.mulf %get3A_541, %mul3A_543 : vector<16xf32>
        %swap3A_545 = arith.constant 2 : i32
        %swap3A_546 = arith.index_cast %swap3A_545 : i32 to index
        %swap3A_547 = arith.index_cast %scan3A_425 : i32 to index
        %swap3A_548 = arith.constant 112 : index
        %swap3A_549 = tpu.vector_load %arg6[%swap3A_546, %swap3A_547, %swap3A_548] {strides = array<i32>} : memref<5x32x512xf32, #tpu.memory_space<vmem>>, vector<1x1x16xf32>,
        %swap3A_550 = vector.shape_cast %swap3A_549 : vector<1x1x16xf32> to vector<16xf32>
        %swap3A_551 = vector.shape_cast %mul3A_544 : vector<16xf32> to vector<1x1x16xf32>
        tpu.vector_store %arg6[%swap3A_546, %swap3A_547, %swap3A_548], %swap3A_551 {strides = array<i32>} : memref<5x32x512xf32, #tpu.memory_space<vmem>>, vector<1x1x16xf32>,
        %get3A_552 = arith.constant 2 : i32
        %get3A_553 = arith.index_cast %get3A_552 : i32 to index
        %get3A_554 = arith.index_cast %scan3A_425 : i32 to index
        %get3A_555 = arith.constant 128 : index
        %get3A_556 = tpu.vector_load %arg6[%get3A_553, %get3A_554, %get3A_555] {strides = array<i32>} : memref<5x32x512xf32, #tpu.memory_space<vmem>>, vector<1x1x16xf32>,
        %get3A_557 = vector.shape_cast %get3A_556 : vector<1x1x16xf32> to vector<16xf32>
        %mul3A_558 = arith.constant 22.6274166 : f32
        %mul3A_559 = vector.broadcast %mul3A_558 : f32 to vector<16xf32>
        %mul3A_560 = arith.mulf %get3A_557, %mul3A_559 : vector<16xf32>
        %swap3A_561 = arith.constant 2 : i32
        %swap3A_562 = arith.index_cast %swap3A_561 : i32 to index
        %swap3A_563 = arith.index_cast %scan3A_425 : i32 to index
        %swap3A_564 = arith.constant 128 : index
        %swap3A_565 = tpu.vector_load %arg6[%swap3A_562, %swap3A_563, %swap3A_564] {strides = array<i32>} : memref<5x32x512xf32, #tpu.memory_space<vmem>>, vector<1x1x16xf32>,
        %swap3A_566 = vector.shape_cast %swap3A_565 : vector<1x1x16xf32> to vector<16xf32>
        %swap3A_567 = vector.shape_cast %mul3A_560 : vector<16xf32> to vector<1x1x16xf32>
        tpu.vector_store %arg6[%swap3A_562, %swap3A_563, %swap3A_564], %swap3A_567 {strides = array<i32>} : memref<5x32x512xf32, #tpu.memory_space<vmem>>, vector<1x1x16xf32>,
        %get3A_568 = arith.constant 2 : i32
        %get3A_569 = arith.index_cast %get3A_568 : i32 to index
        %get3A_570 = arith.index_cast %scan3A_425 : i32 to index
        %get3A_571 = arith.constant 144 : index
        %get3A_572 = tpu.vector_load %arg6[%get3A_569, %get3A_570, %get3A_571] {strides = array<i32>} : memref<5x32x512xf32, #tpu.memory_space<vmem>>, vector<1x1x16xf32>,
        %get3A_573 = vector.shape_cast %get3A_572 : vector<1x1x16xf32> to vector<16xf32>
        %mul3A_574 = arith.constant 22.6274166 : f32
        %mul3A_575 = vector.broadcast %mul3A_574 : f32 to vector<16xf32>
        %mul3A_576 = arith.mulf %get3A_573, %mul3A_575 : vector<16xf32>
        %swap3A_577 = arith.constant 2 : i32
        %swap3A_578 = arith.index_cast %swap3A_577 : i32 to index
        %swap3A_579 = arith.index_cast %scan3A_425 : i32 to index
        %swap3A_580 = arith.constant 144 : index
        %swap3A_581 = tpu.vector_load %arg6[%swap3A_578, %swap3A_579, %swap3A_580] {strides = array<i32>} : memref<5x32x512xf32, #tpu.memory_space<vmem>>, vector<1x1x16xf32>,
        %swap3A_582 = vector.shape_cast %swap3A_581 : vector<1x1x16xf32> to vector<16xf32>
        %swap3A_583 = vector.shape_cast %mul3A_576 : vector<16xf32> to vector<1x1x16xf32>
        tpu.vector_store %arg6[%swap3A_578, %swap3A_579, %swap3A_580], %swap3A_583 {strides = array<i32>} : memref<5x32x512xf32, #tpu.memory_space<vmem>>, vector<1x1x16xf32>,
        %get3A_584 = arith.constant 2 : i32
        %get3A_585 = arith.index_cast %get3A_584 : i32 to index
        %get3A_586 = arith.index_cast %scan3A_425 : i32 to index
        %get3A_587 = arith.constant 160 : index
        %get3A_588 = tpu.vector_load %arg6[%get3A_585, %get3A_586, %get3A_587] {strides = array<i32>} : memref<5x32x512xf32, #tpu.memory_space<vmem>>, vector<1x1x16xf32>,
        %get3A_589 = vector.shape_cast %get3A_588 : vector<1x1x16xf32> to vector<16xf32>
        %mul3A_590 = arith.constant 22.6274166 : f32
        %mul3A_591 = vector.broadcast %mul3A_590 : f32 to vector<16xf32>
        %mul3A_592 = arith.mulf %get3A_589, %mul3A_591 : vector<16xf32>
        %swap3A_593 = arith.constant 2 : i32
        %swap3A_594 = arith.index_cast %swap3A_593 : i32 to index
        %swap3A_595 = arith.index_cast %scan3A_425 : i32 to index
        %swap3A_596 = arith.constant 160 : index
        %swap3A_597 = tpu.vector_load %arg6[%swap3A_594, %swap3A_595, %swap3A_596] {strides = array<i32>} : memref<5x32x512xf32, #tpu.memory_space<vmem>>, vector<1x1x16xf32>,
        %swap3A_598 = vector.shape_cast %swap3A_597 : vector<1x1x16xf32> to vector<16xf32>
        %swap3A_599 = vector.shape_cast %mul3A_592 : vector<16xf32> to vector<1x1x16xf32>
        tpu.vector_store %arg6[%swap3A_594, %swap3A_595, %swap3A_596], %swap3A_599 {strides = array<i32>} : memref<5x32x512xf32, #tpu.memory_space<vmem>>, vector<1x1x16xf32>,
        %get3A_600 = arith.constant 2 : i32
        %get3A_601 = arith.index_cast %get3A_600 : i32 to index
        %get3A_602 = arith.index_cast %scan3A_425 : i32 to index
        %get3A_603 = arith.constant 176 : index
        %get3A_604 = tpu.vector_load %arg6[%get3A_601, %get3A_602, %get3A_603] {strides = array<i32>} : memref<5x32x512xf32, #tpu.memory_space<vmem>>, vector<1x1x16xf32>,
        %get3A_605 = vector.shape_cast %get3A_604 : vector<1x1x16xf32> to vector<16xf32>
        %mul3A_606 = arith.constant 22.6274166 : f32
        %mul3A_607 = vector.broadcast %mul3A_606 : f32 to vector<16xf32>
        %mul3A_608 = arith.mulf %get3A_605, %mul3A_607 : vector<16xf32>
        %swap3A_609 = arith.constant 2 : i32
        %swap3A_610 = arith.index_cast %swap3A_609 : i32 to index
        %swap3A_611 = arith.index_cast %scan3A_425 : i32 to index
        %swap3A_612 = arith.constant 176 : index
        %swap3A_613 = tpu.vector_load %arg6[%swap3A_610, %swap3A_611, %swap3A_612] {strides = array<i32>} : memref<5x32x512xf32, #tpu.memory_space<vmem>>, vector<1x1x16xf32>,
        %swap3A_614 = vector.shape_cast %swap3A_613 : vector<1x1x16xf32> to vector<16xf32>
        %swap3A_615 = vector.shape_cast %mul3A_608 : vector<16xf32> to vector<1x1x16xf32>
        tpu.vector_store %arg6[%swap3A_610, %swap3A_611, %swap3A_612], %swap3A_615 {strides = array<i32>} : memref<5x32x512xf32, #tpu.memory_space<vmem>>, vector<1x1x16xf32>,
        %get3A_616 = arith.constant 2 : i32
        %get3A_617 = arith.index_cast %get3A_616 : i32 to index
        %get3A_618 = arith.index_cast %scan3A_425 : i32 to index
        %get3A_619 = arith.constant 192 : index
        %get3A_620 = tpu.vector_load %arg6[%get3A_617, %get3A_618, %get3A_619] {strides = array<i32>} : memref<5x32x512xf32, #tpu.memory_space<vmem>>, vector<1x1x16xf32>,
        %get3A_621 = vector.shape_cast %get3A_620 : vector<1x1x16xf32> to vector<16xf32>
        %mul3A_622 = arith.constant 22.6274166 : f32
        %mul3A_623 = vector.broadcast %mul3A_622 : f32 to vector<16xf32>
        %mul3A_624 = arith.mulf %get3A_621, %mul3A_623 : vector<16xf32>
        %swap3A_625 = arith.constant 2 : i32
        %swap3A_626 = arith.index_cast %swap3A_625 : i32 to index
        %swap3A_627 = arith.index_cast %scan3A_425 : i32 to index
        %swap3A_628 = arith.constant 192 : index
        %swap3A_629 = tpu.vector_load %arg6[%swap3A_626, %swap3A_627, %swap3A_628] {strides = array<i32>} : memref<5x32x512xf32, #tpu.memory_space<vmem>>, vector<1x1x16xf32>,
        %swap3A_630 = vector.shape_cast %swap3A_629 : vector<1x1x16xf32> to vector<16xf32>
        %swap3A_631 = vector.shape_cast %mul3A_624 : vector<16xf32> to vector<1x1x16xf32>
        tpu.vector_store %arg6[%swap3A_626, %swap3A_627, %swap3A_628], %swap3A_631 {strides = array<i32>} : memref<5x32x512xf32, #tpu.memory_space<vmem>>, vector<1x1x16xf32>,
        %get3A_632 = arith.constant 2 : i32
        %get3A_633 = arith.index_cast %get3A_632 : i32 to index
        %get3A_634 = arith.index_cast %scan3A_425 : i32 to index
        %get3A_635 = arith.constant 208 : index
        %get3A_636 = tpu.vector_load %arg6[%get3A_633, %get3A_634, %get3A_635] {strides = array<i32>} : memref<5x32x512xf32, #tpu.memory_space<vmem>>, vector<1x1x16xf32>,
        %get3A_637 = vector.shape_cast %get3A_636 : vector<1x1x16xf32> to vector<16xf32>
        %mul3A_638 = arith.constant 22.6274166 : f32
        %mul3A_639 = vector.broadcast %mul3A_638 : f32 to vector<16xf32>
        %mul3A_640 = arith.mulf %get3A_637, %mul3A_639 : vector<16xf32>
        %swap3A_641 = arith.constant 2 : i32
        %swap3A_642 = arith.index_cast %swap3A_641 : i32 to index
        %swap3A_643 = arith.index_cast %scan3A_425 : i32 to index
        %swap3A_644 = arith.constant 208 : index
        %swap3A_645 = tpu.vector_load %arg6[%swap3A_642, %swap3A_643, %swap3A_644] {strides = array<i32>} : memref<5x32x512xf32, #tpu.memory_space<vmem>>, vector<1x1x16xf32>,
        %swap3A_646 = vector.shape_cast %swap3A_645 : vector<1x1x16xf32> to vector<16xf32>
        %swap3A_647 = vector.shape_cast %mul3A_640 : vector<16xf32> to vector<1x1x16xf32>
        tpu.vector_store %arg6[%swap3A_642, %swap3A_643, %swap3A_644], %swap3A_647 {strides = array<i32>} : memref<5x32x512xf32, #tpu.memory_space<vmem>>, vector<1x1x16xf32>,
        %get3A_648 = arith.constant 2 : i32
        %get3A_649 = arith.index_cast %get3A_648 : i32 to index
        %get3A_650 = arith.index_cast %scan3A_425 : i32 to index
        %get3A_651 = arith.constant 224 : index
        %get3A_652 = tpu.vector_load %arg6[%get3A_649, %get3A_650, %get3A_651] {strides = array<i32>} : memref<5x32x512xf32, #tpu.memory_space<vmem>>, vector<1x1x16xf32>,
        %get3A_653 = vector.shape_cast %get3A_652 : vector<1x1x16xf32> to vector<16xf32>
        %mul3A_654 = arith.constant 22.6274166 : f32
        %mul3A_655 = vector.broadcast %mul3A_654 : f32 to vector<16xf32>
        %mul3A_656 = arith.mulf %get3A_653, %mul3A_655 : vector<16xf32>
        %swap3A_657 = arith.constant 2 : i32
        %swap3A_658 = arith.index_cast %swap3A_657 : i32 to index
        %swap3A_659 = arith.index_cast %scan3A_425 : i32 to index
        %swap3A_660 = arith.constant 224 : index
        %swap3A_661 = tpu.vector_load %arg6[%swap3A_658, %swap3A_659, %swap3A_660] {strides = array<i32>} : memref<5x32x512xf32, #tpu.memory_space<vmem>>, vector<1x1x16xf32>,
        %swap3A_662 = vector.shape_cast %swap3A_661 : vector<1x1x16xf32> to vector<16xf32>
        %swap3A_663 = vector.shape_cast %mul3A_656 : vector<16xf32> to vector<1x1x16xf32>
        tpu.vector_store %arg6[%swap3A_658, %swap3A_659, %swap3A_660], %swap3A_663 {strides = array<i32>} : memref<5x32x512xf32, #tpu.memory_space<vmem>>, vector<1x1x16xf32>,
        %get3A_664 = arith.constant 2 : i32
        %get3A_665 = arith.index_cast %get3A_664 : i32 to index
        %get3A_666 = arith.index_cast %scan3A_425 : i32 to index
        %get3A_667 = arith.constant 240 : index
        %get3A_668 = tpu.vector_load %arg6[%get3A_665, %get3A_666, %get3A_667] {strides = array<i32>} : memref<5x32x512xf32, #tpu.memory_space<vmem>>, vector<1x1x16xf32>,
        %get3A_669 = vector.shape_cast %get3A_668 : vector<1x1x16xf32> to vector<16xf32>
        %mul3A_670 = arith.constant 22.6274166 : f32
        %mul3A_671 = vector.broadcast %mul3A_670 : f32 to vector<16xf32>
        %mul3A_672 = arith.mulf %get3A_669, %mul3A_671 : vector<16xf32>
        %swap3A_673 = arith.constant 2 : i32
        %swap3A_674 = arith.index_cast %swap3A_673 : i32 to index
        %swap3A_675 = arith.index_cast %scan3A_425 : i32 to index
        %swap3A_676 = arith.constant 240 : index
        %swap3A_677 = tpu.vector_load %arg6[%swap3A_674, %swap3A_675, %swap3A_676] {strides = array<i32>} : memref<5x32x512xf32, #tpu.memory_space<vmem>>, vector<1x1x16xf32>,
        %swap3A_678 = vector.shape_cast %swap3A_677 : vector<1x1x16xf32> to vector<16xf32>
        %swap3A_679 = vector.shape_cast %mul3A_672 : vector<16xf32> to vector<1x1x16xf32>
        tpu.vector_store %arg6[%swap3A_674, %swap3A_675, %swap3A_676], %swap3A_679 {strides = array<i32>} : memref<5x32x512xf32, #tpu.memory_space<vmem>>, vector<1x1x16xf32>,
        %get3A_680 = arith.constant 2 : i32
        %get3A_681 = arith.index_cast %get3A_680 : i32 to index
        %get3A_682 = arith.index_cast %scan3A_425 : i32 to index
        %get3A_683 = arith.constant 256 : index
        %get3A_684 = tpu.vector_load %arg6[%get3A_681, %get3A_682, %get3A_683] {strides = array<i32>} : memref<5x32x512xf32, #tpu.memory_space<vmem>>, vector<1x1x16xf32>,
        %get3A_685 = vector.shape_cast %get3A_684 : vector<1x1x16xf32> to vector<16xf32>
        %mul3A_686 = arith.constant 22.6274166 : f32
        %mul3A_687 = vector.broadcast %mul3A_686 : f32 to vector<16xf32>
        %mul3A_688 = arith.mulf %get3A_685, %mul3A_687 : vector<16xf32>
        %swap3A_689 = arith.constant 2 : i32
        %swap3A_690 = arith.index_cast %swap3A_689 : i32 to index
        %swap3A_691 = arith.index_cast %scan3A_425 : i32 to index
        %swap3A_692 = arith.constant 256 : index
        %swap3A_693 = tpu.vector_load %arg6[%swap3A_690, %swap3A_691, %swap3A_692] {strides = array<i32>} : memref<5x32x512xf32, #tpu.memory_space<vmem>>, vector<1x1x16xf32>,
        %swap3A_694 = vector.shape_cast %swap3A_693 : vector<1x1x16xf32> to vector<16xf32>
        %swap3A_695 = vector.shape_cast %mul3A_688 : vector<16xf32> to vector<1x1x16xf32>
        tpu.vector_store %arg6[%swap3A_690, %swap3A_691, %swap3A_692], %swap3A_695 {strides = array<i32>} : memref<5x32x512xf32, #tpu.memory_space<vmem>>, vector<1x1x16xf32>,
        %get3A_696 = arith.constant 2 : i32
        %get3A_697 = arith.index_cast %get3A_696 : i32 to index
        %get3A_698 = arith.index_cast %scan3A_425 : i32 to index
        %get3A_699 = arith.constant 272 : index
        %get3A_700 = tpu.vector_load %arg6[%get3A_697, %get3A_698, %get3A_699] {strides = array<i32>} : memref<5x32x512xf32, #tpu.memory_space<vmem>>, vector<1x1x16xf32>,
        %get3A_701 = vector.shape_cast %get3A_700 : vector<1x1x16xf32> to vector<16xf32>
        %mul3A_702 = arith.constant 22.6274166 : f32
        %mul3A_703 = vector.broadcast %mul3A_702 : f32 to vector<16xf32>
        %mul3A_704 = arith.mulf %get3A_701, %mul3A_703 : vector<16xf32>
        %swap3A_705 = arith.constant 2 : i32
        %swap3A_706 = arith.index_cast %swap3A_705 : i32 to index
        %swap3A_707 = arith.index_cast %scan3A_425 : i32 to index
        %swap3A_708 = arith.constant 272 : index
        %swap3A_709 = tpu.vector_load %arg6[%swap3A_706, %swap3A_707, %swap3A_708] {strides = array<i32>} : memref<5x32x512xf32, #tpu.memory_space<vmem>>, vector<1x1x16xf32>,
        %swap3A_710 = vector.shape_cast %swap3A_709 : vector<1x1x16xf32> to vector<16xf32>
        %swap3A_711 = vector.shape_cast %mul3A_704 : vector<16xf32> to vector<1x1x16xf32>
        tpu.vector_store %arg6[%swap3A_706, %swap3A_707, %swap3A_708], %swap3A_711 {strides = array<i32>} : memref<5x32x512xf32, #tpu.memory_space<vmem>>, vector<1x1x16xf32>,
        %get3A_712 = arith.constant 2 : i32
        %get3A_713 = arith.index_cast %get3A_712 : i32 to index
        %get3A_714 = arith.index_cast %scan3A_425 : i32 to index
        %get3A_715 = arith.constant 288 : index
        %get3A_716 = tpu.vector_load %arg6[%get3A_713, %get3A_714, %get3A_715] {strides = array<i32>} : memref<5x32x512xf32, #tpu.memory_space<vmem>>, vector<1x1x16xf32>,
        %get3A_717 = vector.shape_cast %get3A_716 : vector<1x1x16xf32> to vector<16xf32>
        %mul3A_718 = arith.constant 22.6274166 : f32
        %mul3A_719 = vector.broadcast %mul3A_718 : f32 to vector<16xf32>
        %mul3A_720 = arith.mulf %get3A_717, %mul3A_719 : vector<16xf32>
        %swap3A_721 = arith.constant 2 : i32
        %swap3A_722 = arith.index_cast %swap3A_721 : i32 to index
        %swap3A_723 = arith.index_cast %scan3A_425 : i32 to index
        %swap3A_724 = arith.constant 288 : index
        %swap3A_725 = tpu.vector_load %arg6[%swap3A_722, %swap3A_723, %swap3A_724] {strides = array<i32>} : memref<5x32x512xf32, #tpu.memory_space<vmem>>, vector<1x1x16xf32>,
        %swap3A_726 = vector.shape_cast %swap3A_725 : vector<1x1x16xf32> to vector<16xf32>
        %swap3A_727 = vector.shape_cast %mul3A_720 : vector<16xf32> to vector<1x1x16xf32>
        tpu.vector_store %arg6[%swap3A_722, %swap3A_723, %swap3A_724], %swap3A_727 {strides = array<i32>} : memref<5x32x512xf32, #tpu.memory_space<vmem>>, vector<1x1x16xf32>,
        %get3A_728 = arith.constant 2 : i32
        %get3A_729 = arith.index_cast %get3A_728 : i32 to index
        %get3A_730 = arith.index_cast %scan3A_425 : i32 to index
        %get3A_731 = arith.constant 304 : index
        %get3A_732 = tpu.vector_load %arg6[%get3A_729, %get3A_730, %get3A_731] {strides = array<i32>} : memref<5x32x512xf32, #tpu.memory_space<vmem>>, vector<1x1x16xf32>,
        %get3A_733 = vector.shape_cast %get3A_732 : vector<1x1x16xf32> to vector<16xf32>
        %mul3A_734 = arith.constant 22.6274166 : f32
        %mul3A_735 = vector.broadcast %mul3A_734 : f32 to vector<16xf32>
        %mul3A_736 = arith.mulf %get3A_733, %mul3A_735 : vector<16xf32>
        %swap3A_737 = arith.constant 2 : i32
        %swap3A_738 = arith.index_cast %swap3A_737 : i32 to index
        %swap3A_739 = arith.index_cast %scan3A_425 : i32 to index
        %swap3A_740 = arith.constant 304 : index
        %swap3A_741 = tpu.vector_load %arg6[%swap3A_738, %swap3A_739, %swap3A_740] {strides = array<i32>} : memref<5x32x512xf32, #tpu.memory_space<vmem>>, vector<1x1x16xf32>,
        %swap3A_742 = vector.shape_cast %swap3A_741 : vector<1x1x16xf32> to vector<16xf32>
        %swap3A_743 = vector.shape_cast %mul3A_736 : vector<16xf32> to vector<1x1x16xf32>
        tpu.vector_store %arg6[%swap3A_738, %swap3A_739, %swap3A_740], %swap3A_743 {strides = array<i32>} : memref<5x32x512xf32, #tpu.memory_space<vmem>>, vector<1x1x16xf32>,
        %get3A_744 = arith.constant 2 : i32
        %get3A_745 = arith.index_cast %get3A_744 : i32 to index
        %get3A_746 = arith.index_cast %scan3A_425 : i32 to index
        %get3A_747 = arith.constant 320 : index
        %get3A_748 = tpu.vector_load %arg6[%get3A_745, %get3A_746, %get3A_747] {strides = array<i32>} : memref<5x32x512xf32, #tpu.memory_space<vmem>>, vector<1x1x16xf32>,
        %get3A_749 = vector.shape_cast %get3A_748 : vector<1x1x16xf32> to vector<16xf32>
        %mul3A_750 = arith.constant 22.6274166 : f32
        %mul3A_751 = vector.broadcast %mul3A_750 : f32 to vector<16xf32>
        %mul3A_752 = arith.mulf %get3A_749, %mul3A_751 : vector<16xf32>
        %swap3A_753 = arith.constant 2 : i32
        %swap3A_754 = arith.index_cast %swap3A_753 : i32 to index
        %swap3A_755 = arith.index_cast %scan3A_425 : i32 to index
        %swap3A_756 = arith.constant 320 : index
        %swap3A_757 = tpu.vector_load %arg6[%swap3A_754, %swap3A_755, %swap3A_756] {strides = array<i32>} : memref<5x32x512xf32, #tpu.memory_space<vmem>>, vector<1x1x16xf32>,
        %swap3A_758 = vector.shape_cast %swap3A_757 : vector<1x1x16xf32> to vector<16xf32>
        %swap3A_759 = vector.shape_cast %mul3A_752 : vector<16xf32> to vector<1x1x16xf32>
        tpu.vector_store %arg6[%swap3A_754, %swap3A_755, %swap3A_756], %swap3A_759 {strides = array<i32>} : memref<5x32x512xf32, #tpu.memory_space<vmem>>, vector<1x1x16xf32>,
        %get3A_760 = arith.constant 2 : i32
        %get3A_761 = arith.index_cast %get3A_760 : i32 to index
        %get3A_762 = arith.index_cast %scan3A_425 : i32 to index
        %get3A_763 = arith.constant 336 : index
        %get3A_764 = tpu.vector_load %arg6[%get3A_761, %get3A_762, %get3A_763] {strides = array<i32>} : memref<5x32x512xf32, #tpu.memory_space<vmem>>, vector<1x1x16xf32>,
        %get3A_765 = vector.shape_cast %get3A_764 : vector<1x1x16xf32> to vector<16xf32>
        %mul3A_766 = arith.constant 22.6274166 : f32
        %mul3A_767 = vector.broadcast %mul3A_766 : f32 to vector<16xf32>
        %mul3A_768 = arith.mulf %get3A_765, %mul3A_767 : vector<16xf32>
        %swap3A_769 = arith.constant 2 : i32
        %swap3A_770 = arith.index_cast %swap3A_769 : i32 to index
        %swap3A_771 = arith.index_cast %scan3A_425 : i32 to index
        %swap3A_772 = arith.constant 336 : index
        %swap3A_773 = tpu.vector_load %arg6[%swap3A_770, %swap3A_771, %swap3A_772] {strides = array<i32>} : memref<5x32x512xf32, #tpu.memory_space<vmem>>, vector<1x1x16xf32>,
        %swap3A_774 = vector.shape_cast %swap3A_773 : vector<1x1x16xf32> to vector<16xf32>
        %swap3A_775 = vector.shape_cast %mul3A_768 : vector<16xf32> to vector<1x1x16xf32>
        tpu.vector_store %arg6[%swap3A_770, %swap3A_771, %swap3A_772], %swap3A_775 {strides = array<i32>} : memref<5x32x512xf32, #tpu.memory_space<vmem>>, vector<1x1x16xf32>,
        %get3A_776 = arith.constant 2 : i32
        %get3A_777 = arith.index_cast %get3A_776 : i32 to index
        %get3A_778 = arith.index_cast %scan3A_425 : i32 to index
        %get3A_779 = arith.constant 352 : index
        %get3A_780 = tpu.vector_load %arg6[%get3A_777, %get3A_778, %get3A_779] {strides = array<i32>} : memref<5x32x512xf32, #tpu.memory_space<vmem>>, vector<1x1x16xf32>,
        %get3A_781 = vector.shape_cast %get3A_780 : vector<1x1x16xf32> to vector<16xf32>
        %mul3A_782 = arith.constant 22.6274166 : f32
        %mul3A_783 = vector.broadcast %mul3A_782 : f32 to vector<16xf32>
        %mul3A_784 = arith.mulf %get3A_781, %mul3A_783 : vector<16xf32>
        %swap3A_785 = arith.constant 2 : i32
        %swap3A_786 = arith.index_cast %swap3A_785 : i32 to index
        %swap3A_787 = arith.index_cast %scan3A_425 : i32 to index
        %swap3A_788 = arith.constant 352 : index
        %swap3A_789 = tpu.vector_load %arg6[%swap3A_786, %swap3A_787, %swap3A_788] {strides = array<i32>} : memref<5x32x512xf32, #tpu.memory_space<vmem>>, vector<1x1x16xf32>,
        %swap3A_790 = vector.shape_cast %swap3A_789 : vector<1x1x16xf32> to vector<16xf32>
        %swap3A_791 = vector.shape_cast %mul3A_784 : vector<16xf32> to vector<1x1x16xf32>
        tpu.vector_store %arg6[%swap3A_786, %swap3A_787, %swap3A_788], %swap3A_791 {strides = array<i32>} : memref<5x32x512xf32, #tpu.memory_space<vmem>>, vector<1x1x16xf32>,
        %get3A_792 = arith.constant 2 : i32
        %get3A_793 = arith.index_cast %get3A_792 : i32 to index
        %get3A_794 = arith.index_cast %scan3A_425 : i32 to index
        %get3A_795 = arith.constant 368 : index
        %get3A_796 = tpu.vector_load %arg6[%get3A_793, %get3A_794, %get3A_795] {strides = array<i32>} : memref<5x32x512xf32, #tpu.memory_space<vmem>>, vector<1x1x16xf32>,
        %get3A_797 = vector.shape_cast %get3A_796 : vector<1x1x16xf32> to vector<16xf32>
        %mul3A_798 = arith.constant 22.6274166 : f32
        %mul3A_799 = vector.broadcast %mul3A_798 : f32 to vector<16xf32>
        %mul3A_800 = arith.mulf %get3A_797, %mul3A_799 : vector<16xf32>
        %swap3A_801 = arith.constant 2 : i32
        %swap3A_802 = arith.index_cast %swap3A_801 : i32 to index
        %swap3A_803 = arith.index_cast %scan3A_425 : i32 to index
        %swap3A_804 = arith.constant 368 : index
        %swap3A_805 = tpu.vector_load %arg6[%swap3A_802, %swap3A_803, %swap3A_804] {strides = array<i32>} : memref<5x32x512xf32, #tpu.memory_space<vmem>>, vector<1x1x16xf32>,
        %swap3A_806 = vector.shape_cast %swap3A_805 : vector<1x1x16xf32> to vector<16xf32>
        %swap3A_807 = vector.shape_cast %mul3A_800 : vector<16xf32> to vector<1x1x16xf32>
        tpu.vector_store %arg6[%swap3A_802, %swap3A_803, %swap3A_804], %swap3A_807 {strides = array<i32>} : memref<5x32x512xf32, #tpu.memory_space<vmem>>, vector<1x1x16xf32>,
        %get3A_808 = arith.constant 2 : i32
        %get3A_809 = arith.index_cast %get3A_808 : i32 to index
        %get3A_810 = arith.index_cast %scan3A_425 : i32 to index
        %get3A_811 = arith.constant 384 : index
        %get3A_812 = tpu.vector_load %arg6[%get3A_809, %get3A_810, %get3A_811] {strides = array<i32>} : memref<5x32x512xf32, #tpu.memory_space<vmem>>, vector<1x1x16xf32>,
        %get3A_813 = vector.shape_cast %get3A_812 : vector<1x1x16xf32> to vector<16xf32>
        %mul3A_814 = arith.constant 22.6274166 : f32
        %mul3A_815 = vector.broadcast %mul3A_814 : f32 to vector<16xf32>
        %mul3A_816 = arith.mulf %get3A_813, %mul3A_815 : vector<16xf32>
        %swap3A_817 = arith.constant 2 : i32
        %swap3A_818 = arith.index_cast %swap3A_817 : i32 to index
        %swap3A_819 = arith.index_cast %scan3A_425 : i32 to index
        %swap3A_820 = arith.constant 384 : index
        %swap3A_821 = tpu.vector_load %arg6[%swap3A_818, %swap3A_819, %swap3A_820] {strides = array<i32>} : memref<5x32x512xf32, #tpu.memory_space<vmem>>, vector<1x1x16xf32>,
        %swap3A_822 = vector.shape_cast %swap3A_821 : vector<1x1x16xf32> to vector<16xf32>
        %swap3A_823 = vector.shape_cast %mul3A_816 : vector<16xf32> to vector<1x1x16xf32>
        tpu.vector_store %arg6[%swap3A_818, %swap3A_819, %swap3A_820], %swap3A_823 {strides = array<i32>} : memref<5x32x512xf32, #tpu.memory_space<vmem>>, vector<1x1x16xf32>,
        %get3A_824 = arith.constant 2 : i32
        %get3A_825 = arith.index_cast %get3A_824 : i32 to index
        %get3A_826 = arith.index_cast %scan3A_425 : i32 to index
        %get3A_827 = arith.constant 400 : index
        %get3A_828 = tpu.vector_load %arg6[%get3A_825, %get3A_826, %get3A_827] {strides = array<i32>} : memref<5x32x512xf32, #tpu.memory_space<vmem>>, vector<1x1x16xf32>,
        %get3A_829 = vector.shape_cast %get3A_828 : vector<1x1x16xf32> to vector<16xf32>
        %mul3A_830 = arith.constant 22.6274166 : f32
        %mul3A_831 = vector.broadcast %mul3A_830 : f32 to vector<16xf32>
        %mul3A_832 = arith.mulf %get3A_829, %mul3A_831 : vector<16xf32>
        %swap3A_833 = arith.constant 2 : i32
        %swap3A_834 = arith.index_cast %swap3A_833 : i32 to index
        %swap3A_835 = arith.index_cast %scan3A_425 : i32 to index
        %swap3A_836 = arith.constant 400 : index
        %swap3A_837 = tpu.vector_load %arg6[%swap3A_834, %swap3A_835, %swap3A_836] {strides = array<i32>} : memref<5x32x512xf32, #tpu.memory_space<vmem>>, vector<1x1x16xf32>,
        %swap3A_838 = vector.shape_cast %swap3A_837 : vector<1x1x16xf32> to vector<16xf32>
        %swap3A_839 = vector.shape_cast %mul3A_832 : vector<16xf32> to vector<1x1x16xf32>
        tpu.vector_store %arg6[%swap3A_834, %swap3A_835, %swap3A_836], %swap3A_839 {strides = array<i32>} : memref<5x32x512xf32, #tpu.memory_space<vmem>>, vector<1x1x16xf32>,
        %get3A_840 = arith.constant 2 : i32
        %get3A_841 = arith.index_cast %get3A_840 : i32 to index
        %get3A_842 = arith.index_cast %scan3A_425 : i32 to index
        %get3A_843 = arith.constant 416 : index
        %get3A_844 = tpu.vector_load %arg6[%get3A_841, %get3A_842, %get3A_843] {strides = array<i32>} : memref<5x32x512xf32, #tpu.memory_space<vmem>>, vector<1x1x16xf32>,
        %get3A_845 = vector.shape_cast %get3A_844 : vector<1x1x16xf32> to vector<16xf32>
        %mul3A_846 = arith.constant 22.6274166 : f32
        %mul3A_847 = vector.broadcast %mul3A_846 : f32 to vector<16xf32>
        %mul3A_848 = arith.mulf %get3A_845, %mul3A_847 : vector<16xf32>
        %swap3A_849 = arith.constant 2 : i32
        %swap3A_850 = arith.index_cast %swap3A_849 : i32 to index
        %swap3A_851 = arith.index_cast %scan3A_425 : i32 to index
        %swap3A_852 = arith.constant 416 : index
        %swap3A_853 = tpu.vector_load %arg6[%swap3A_850, %swap3A_851, %swap3A_852] {strides = array<i32>} : memref<5x32x512xf32, #tpu.memory_space<vmem>>, vector<1x1x16xf32>,
        %swap3A_854 = vector.shape_cast %swap3A_853 : vector<1x1x16xf32> to vector<16xf32>
        %swap3A_855 = vector.shape_cast %mul3A_848 : vector<16xf32> to vector<1x1x16xf32>
        tpu.vector_store %arg6[%swap3A_850, %swap3A_851, %swap3A_852], %swap3A_855 {strides = array<i32>} : memref<5x32x512xf32, #tpu.memory_space<vmem>>, vector<1x1x16xf32>,
        %get3A_856 = arith.constant 2 : i32
        %get3A_857 = arith.index_cast %get3A_856 : i32 to index
        %get3A_858 = arith.index_cast %scan3A_425 : i32 to index
        %get3A_859 = arith.constant 432 : index
        %get3A_860 = tpu.vector_load %arg6[%get3A_857, %get3A_858, %get3A_859] {strides = array<i32>} : memref<5x32x512xf32, #tpu.memory_space<vmem>>, vector<1x1x16xf32>,
        %get3A_861 = vector.shape_cast %get3A_860 : vector<1x1x16xf32> to vector<16xf32>
        %mul3A_862 = arith.constant 22.6274166 : f32
        %mul3A_863 = vector.broadcast %mul3A_862 : f32 to vector<16xf32>
        %mul3A_864 = arith.mulf %get3A_861, %mul3A_863 : vector<16xf32>
        %swap3A_865 = arith.constant 2 : i32
        %swap3A_866 = arith.index_cast %swap3A_865 : i32 to index
        %swap3A_867 = arith.index_cast %scan3A_425 : i32 to index
        %swap3A_868 = arith.constant 432 : index
        %swap3A_869 = tpu.vector_load %arg6[%swap3A_866, %swap3A_867, %swap3A_868] {strides = array<i32>} : memref<5x32x512xf32, #tpu.memory_space<vmem>>, vector<1x1x16xf32>,
        %swap3A_870 = vector.shape_cast %swap3A_869 : vector<1x1x16xf32> to vector<16xf32>
        %swap3A_871 = vector.shape_cast %mul3A_864 : vector<16xf32> to vector<1x1x16xf32>
        tpu.vector_store %arg6[%swap3A_866, %swap3A_867, %swap3A_868], %swap3A_871 {strides = array<i32>} : memref<5x32x512xf32, #tpu.memory_space<vmem>>, vector<1x1x16xf32>,
        %get3A_872 = arith.constant 2 : i32
        %get3A_873 = arith.index_cast %get3A_872 : i32 to index
        %get3A_874 = arith.index_cast %scan3A_425 : i32 to index
        %get3A_875 = arith.constant 448 : index
        %get3A_876 = tpu.vector_load %arg6[%get3A_873, %get3A_874, %get3A_875] {strides = array<i32>} : memref<5x32x512xf32, #tpu.memory_space<vmem>>, vector<1x1x16xf32>,
        %get3A_877 = vector.shape_cast %get3A_876 : vector<1x1x16xf32> to vector<16xf32>
        %mul3A_878 = arith.constant 22.6274166 : f32
        %mul3A_879 = vector.broadcast %mul3A_878 : f32 to vector<16xf32>
        %mul3A_880 = arith.mulf %get3A_877, %mul3A_879 : vector<16xf32>
        %swap3A_881 = arith.constant 2 : i32
        %swap3A_882 = arith.index_cast %swap3A_881 : i32 to index
        %swap3A_883 = arith.index_cast %scan3A_425 : i32 to index
        %swap3A_884 = arith.constant 448 : index
        %swap3A_885 = tpu.vector_load %arg6[%swap3A_882, %swap3A_883, %swap3A_884] {strides = array<i32>} : memref<5x32x512xf32, #tpu.memory_space<vmem>>, vector<1x1x16xf32>,
        %swap3A_886 = vector.shape_cast %swap3A_885 : vector<1x1x16xf32> to vector<16xf32>
        %swap3A_887 = vector.shape_cast %mul3A_880 : vector<16xf32> to vector<1x1x16xf32>
        tpu.vector_store %arg6[%swap3A_882, %swap3A_883, %swap3A_884], %swap3A_887 {strides = array<i32>} : memref<5x32x512xf32, #tpu.memory_space<vmem>>, vector<1x1x16xf32>,
        %get3A_888 = arith.constant 2 : i32
        %get3A_889 = arith.index_cast %get3A_888 : i32 to index
        %get3A_890 = arith.index_cast %scan3A_425 : i32 to index
        %get3A_891 = arith.constant 464 : index
        %get3A_892 = tpu.vector_load %arg6[%get3A_889, %get3A_890, %get3A_891] {strides = array<i32>} : memref<5x32x512xf32, #tpu.memory_space<vmem>>, vector<1x1x16xf32>,
        %get3A_893 = vector.shape_cast %get3A_892 : vector<1x1x16xf32> to vector<16xf32>
        %mul3A_894 = arith.constant 22.6274166 : f32
        %mul3A_895 = vector.broadcast %mul3A_894 : f32 to vector<16xf32>
        %mul3A_896 = arith.mulf %get3A_893, %mul3A_895 : vector<16xf32>
        %swap3A_897 = arith.constant 2 : i32
        %swap3A_898 = arith.index_cast %swap3A_897 : i32 to index
        %swap3A_899 = arith.index_cast %scan3A_425 : i32 to index
        %swap3A_900 = arith.constant 464 : index
        %swap3A_901 = tpu.vector_load %arg6[%swap3A_898, %swap3A_899, %swap3A_900] {strides = array<i32>} : memref<5x32x512xf32, #tpu.memory_space<vmem>>, vector<1x1x16xf32>,
        %swap3A_902 = vector.shape_cast %swap3A_901 : vector<1x1x16xf32> to vector<16xf32>
        %swap3A_903 = vector.shape_cast %mul3A_896 : vector<16xf32> to vector<1x1x16xf32>
        tpu.vector_store %arg6[%swap3A_898, %swap3A_899, %swap3A_900], %swap3A_903 {strides = array<i32>} : memref<5x32x512xf32, #tpu.memory_space<vmem>>, vector<1x1x16xf32>,
        %get3A_904 = arith.constant 2 : i32
        %get3A_905 = arith.index_cast %get3A_904 : i32 to index
        %get3A_906 = arith.index_cast %scan3A_425 : i32 to index
        %get3A_907 = arith.constant 480 : index
        %get3A_908 = tpu.vector_load %arg6[%get3A_905, %get3A_906, %get3A_907] {strides = array<i32>} : memref<5x32x512xf32, #tpu.memory_space<vmem>>, vector<1x1x16xf32>,
        %get3A_909 = vector.shape_cast %get3A_908 : vector<1x1x16xf32> to vector<16xf32>
        %mul3A_910 = arith.constant 22.6274166 : f32
        %mul3A_911 = vector.broadcast %mul3A_910 : f32 to vector<16xf32>
        %mul3A_912 = arith.mulf %get3A_909, %mul3A_911 : vector<16xf32>
        %swap3A_913 = arith.constant 2 : i32
        %swap3A_914 = arith.index_cast %swap3A_913 : i32 to index
        %swap3A_915 = arith.index_cast %scan3A_425 : i32 to index
        %swap3A_916 = arith.constant 480 : index
        %swap3A_917 = tpu.vector_load %arg6[%swap3A_914, %swap3A_915, %swap3A_916] {strides = array<i32>} : memref<5x32x512xf32, #tpu.memory_space<vmem>>, vector<1x1x16xf32>,
        %swap3A_918 = vector.shape_cast %swap3A_917 : vector<1x1x16xf32> to vector<16xf32>
        %swap3A_919 = vector.shape_cast %mul3A_912 : vector<16xf32> to vector<1x1x16xf32>
        tpu.vector_store %arg6[%swap3A_914, %swap3A_915, %swap3A_916], %swap3A_919 {strides = array<i32>} : memref<5x32x512xf32, #tpu.memory_space<vmem>>, vector<1x1x16xf32>,
        %get3A_920 = arith.constant 2 : i32
        %get3A_921 = arith.index_cast %get3A_920 : i32 to index
        %get3A_922 = arith.index_cast %scan3A_425 : i32 to index
        %get3A_923 = arith.constant 496 : index
        %get3A_924 = tpu.vector_load %arg6[%get3A_921, %get3A_922, %get3A_923] {strides = array<i32>} : memref<5x32x512xf32, #tpu.memory_space<vmem>>, vector<1x1x16xf32>,
        %get3A_925 = vector.shape_cast %get3A_924 : vector<1x1x16xf32> to vector<16xf32>
        %mul3A_926 = arith.constant 22.6274166 : f32
        %mul3A_927 = vector.broadcast %mul3A_926 : f32 to vector<16xf32>
        %mul3A_928 = arith.mulf %get3A_925, %mul3A_927 : vector<16xf32>
        %swap3A_929 = arith.constant 2 : i32
        %swap3A_930 = arith.index_cast %swap3A_929 : i32 to index
        %swap3A_931 = arith.index_cast %scan3A_425 : i32 to index
        %swap3A_932 = arith.constant 496 : index
        %swap3A_933 = tpu.vector_load %arg6[%swap3A_930, %swap3A_931, %swap3A_932] {strides = array<i32>} : memref<5x32x512xf32, #tpu.memory_space<vmem>>, vector<1x1x16xf32>,
        %swap3A_934 = vector.shape_cast %swap3A_933 : vector<1x1x16xf32> to vector<16xf32>
        %swap3A_935 = vector.shape_cast %mul3A_928 : vector<16xf32> to vector<1x1x16xf32>
        tpu.vector_store %arg6[%swap3A_930, %swap3A_931, %swap3A_932], %swap3A_935 {strides = array<i32>} : memref<5x32x512xf32, #tpu.memory_space<vmem>>, vector<1x1x16xf32>,
      }
      %scan3A_282 = arith.constant 32 : i32
      %mul3A_283 = arith.constant 32 : i32
      %mul3A_284 = arith.muli %add3A_263, %mul3A_283 : i32
      %multiple_of3A_285 = tpu.assume_multiple %mul3A_284, 8 : i32
      %add3A_286 = arith.addi %mul3A_2, %multiple_of3A_285 : i32
      %dma_start3A_287 = arith.constant 2 : i32
      %dma_start3A_288 = arith.constant 2 : i32
      %dma_start3A_289 = arith.constant 0 : i32
      %dma_start3A_290 = arith.constant 0 : i32
      %dma_start3A_291 = tpu.memref_slice %arg6[%dma_start3A_287, %dma_start3A_289, %dma_start3A_290] : memref<5x32x512xf32, #tpu.memory_space<vmem>> -> memref<1x32x512xf32, #tpu.memory_space<vmem>>
      %dma_start3A_292 = tpu.memref_squeeze %dma_start3A_291 : memref<1x32x512xf32, #tpu.memory_space<vmem>> -> memref<32x512xf32, #tpu.memory_space<vmem>>
      %dma_start3A_293 = arith.constant 0 : i32
      %dma_start3A_294 = tpu.memref_slice %arg4[%add3A_286, %dma_start3A_293] : memref<81920x512xf32, #tpu.memory_space<hbm>> -> memref<32x512xf32, #tpu.memory_space<hbm>>
      %dma_start3A_295 = tpu.memref_slice %arg8[%dma_start3A_288] : memref<5x!tpu.dma_semaphore, #tpu.memory_space<semaphore_mem>> -> memref<1x!tpu.dma_semaphore, #tpu.memory_space<semaphore_mem>>
      %dma_start3A_296 = tpu.memref_squeeze %dma_start3A_295 : memref<1x!tpu.dma_semaphore, #tpu.memory_space<semaphore_mem>> -> memref<!tpu.dma_semaphore, #tpu.memory_space<semaphore_mem>>
      %dma_start3A_297 = arith.constant 0 : i32
      %dma_start3A_298 = tpu.memref_slice %arg4[%add3A_286, %dma_start3A_297] : memref<81920x512xf32, #tpu.memory_space<hbm>> -> memref<32x512xf32, #tpu.memory_space<hbm>>
      %dma_start3A_299 = arith.constant 0 : i32
      %dma_start3A_300 = arith.constant 0 : i32
      %dma_start3A_301 = tpu.memref_slice %arg6[%dma_start3A_287, %dma_start3A_299, %dma_start3A_300] : memref<5x32x512xf32, #tpu.memory_space<vmem>> -> memref<1x32x512xf32, #tpu.memory_space<vmem>>
      %dma_start3A_302 = tpu.memref_squeeze %dma_start3A_301 : memref<1x32x512xf32, #tpu.memory_space<vmem>> -> memref<32x512xf32, #tpu.memory_space<vmem>>
      tpu.enqueue_dma source(%dma_start3A_302 : memref<32x512xf32, #tpu.memory_space<vmem>>) target(%dma_start3A_298 : memref<32x512xf32, #tpu.memory_space<hbm>>) target_semaphore(%dma_start3A_296 : memref<!tpu.dma_semaphore, #tpu.memory_space<semaphore_mem>>)
      %add3A_303 = arith.constant 5 : i32
      %add3A_304 = arith.addi %add3A_263, %add3A_303 : i32
      %sub3A_305 = arith.constant 1 : i32
      %sub3A_306 = arith.subi %add3A_304, %sub3A_305 : i32
      %ge3A_307 = arith.constant 5 : i32
      %ge3A_308 = arith.cmpi sge, %sub3A_306, %ge3A_307 : i32
      %lt3A_309 = arith.constant 80 : i32
      %lt3A_310 = arith.cmpi slt, %sub3A_306, %lt3A_309 : i32
      %and3A_311 = arith.andi %ge3A_308, %lt3A_310 : i1
      %convert_element_type3A_312 = arith.extui %and3A_311 : i1 to i32
      %cond3A_313 = arith.constant 0 : i32
      %cond3A_314 = arith.cmpi ne, %convert_element_type3A_312, %cond3A_313 : i32
      scf.if %cond3A_314 {
        %dma_wait3A_425 = arith.constant 1 : i32
        %dma_wait3A_426 = arith.constant 1 : i32
        %dma_wait3A_427 = arith.constant 0 : i32
        %dma_wait3A_428 = arith.constant 0 : i32
        %dma_wait3A_429 = tpu.memref_slice %arg6[%dma_wait3A_425, %dma_wait3A_427, %dma_wait3A_428] : memref<5x32x512xf32, #tpu.memory_space<vmem>> -> memref<1x32x512xf32, #tpu.memory_space<vmem>>
        %dma_wait3A_430 = tpu.memref_squeeze %dma_wait3A_429 : memref<1x32x512xf32, #tpu.memory_space<vmem>> -> memref<32x512xf32, #tpu.memory_space<vmem>>
        %dma_wait3A_431 = arith.constant 0 : i32
        %dma_wait3A_432 = tpu.memref_slice %arg4[%mul3A_2, %dma_wait3A_431] : memref<81920x512xf32, #tpu.memory_space<hbm>> -> memref<32x512xf32, #tpu.memory_space<hbm>>
        %dma_wait3A_433 = tpu.memref_slice %arg8[%dma_wait3A_426] : memref<5x!tpu.dma_semaphore, #tpu.memory_space<semaphore_mem>> -> memref<1x!tpu.dma_semaphore, #tpu.memory_space<semaphore_mem>>
        %dma_wait3A_434 = tpu.memref_squeeze %dma_wait3A_433 : memref<1x!tpu.dma_semaphore, #tpu.memory_space<semaphore_mem>> -> memref<!tpu.dma_semaphore, #tpu.memory_space<semaphore_mem>>
        %dma_wait3A_435 = arith.constant 0 : i32
        %dma_wait3A_436 = tpu.memref_slice %arg4[%mul3A_2, %dma_wait3A_435] : memref<81920x512xf32, #tpu.memory_space<hbm>> -> memref<32x512xf32, #tpu.memory_space<hbm>>
        %dma_wait3A_437 = arith.constant 0 : i32
        %dma_wait3A_438 = arith.constant 0 : i32
        %dma_wait3A_439 = tpu.memref_slice %arg6[%dma_wait3A_425, %dma_wait3A_437, %dma_wait3A_438] : memref<5x32x512xf32, #tpu.memory_space<vmem>> -> memref<1x32x512xf32, #tpu.memory_space<vmem>>
        %dma_wait3A_440 = tpu.memref_squeeze %dma_wait3A_439 : memref<1x32x512xf32, #tpu.memory_space<vmem>> -> memref<32x512xf32, #tpu.memory_space<vmem>>
        tpu.wait_dma2 semaphore(%dma_wait3A_434 : memref<!tpu.dma_semaphore, #tpu.memory_space<semaphore_mem>>) src(%dma_wait3A_440 : memref<32x512xf32, #tpu.memory_space<vmem>>) dst(%dma_wait3A_436 : memref<32x512xf32, #tpu.memory_space<hbm>>)
        %mul3A_441 = arith.constant 32 : i32
        %mul3A_442 = arith.muli %sub3A_306, %mul3A_441 : i32
        %multiple_of3A_443 = tpu.assume_multiple %mul3A_442, 8 : i32
        %dma_start3A_444 = arith.constant 1 : i32
        %dma_start3A_445 = arith.constant 1 : i32
        %dma_start3A_446 = arith.constant 0 : i32
        %dma_start3A_447 = arith.constant 0 : i32
        %dma_start3A_448 = tpu.memref_slice %arg6[%dma_start3A_444, %dma_start3A_446, %dma_start3A_447] : memref<5x32x512xf32, #tpu.memory_space<vmem>> -> memref<1x32x512xf32, #tpu.memory_space<vmem>>
        %dma_start3A_449 = tpu.memref_squeeze %dma_start3A_448 : memref<1x32x512xf32, #tpu.memory_space<vmem>> -> memref<32x512xf32, #tpu.memory_space<vmem>>
        %dma_start3A_450 = tpu.memref_slice %arg5[%multiple_of3A_443] : memref<2560xi32, #tpu.memory_space<vmem>> -> memref<32xi32, #tpu.memory_space<vmem>>
        %dma_start3A_451 = arith.constant 0 : i32
        %dma_start3A_452 = arith.constant 0 : i32
        %dma_start3A_453 = tpu.memref_slice %arg3[%dma_start3A_451, %dma_start3A_452] : memref<100000x512xf32, #tpu.memory_space<hbm>> -> memref<100000x512xf32, #tpu.memory_space<hbm>>
        %dma_start3A_454 = tpu.memref_slice %arg7[%dma_start3A_445] : memref<5x!tpu.dma_semaphore, #tpu.memory_space<semaphore_mem>> -> memref<1x!tpu.dma_semaphore, #tpu.memory_space<semaphore_mem>>
        %dma_start3A_455 = tpu.memref_squeeze %dma_start3A_454 : memref<1x!tpu.dma_semaphore, #tpu.memory_space<semaphore_mem>> -> memref<!tpu.dma_semaphore, #tpu.memory_space<semaphore_mem>>
        tpu.enqueue_indirect_dma source(%dma_start3A_453 : memref<100000x512xf32, #tpu.memory_space<hbm>>) target(%dma_start3A_449 : memref<32x512xf32, #tpu.memory_space<vmem>>) offsets(%dma_start3A_450 : memref<32xi32, #tpu.memory_space<vmem>>) semaphore(%dma_start3A_455 : memref<!tpu.dma_semaphore, #tpu.memory_space<semaphore_mem>>)
      } else {
      }
      %mul3A_315 = arith.constant 5 : i32
      %mul3A_316 = arith.muli %scan3A_155, %mul3A_315 : i32
      %add3A_317 = arith.constant 3 : i32
      %add3A_318 = arith.addi %mul3A_316, %add3A_317 : i32
      %dma_wait3A_319 = arith.constant 3 : i32
      %dma_wait3A_320 = arith.constant 3 : i32
      %dma_wait3A_321 = arith.constant 0 : i32
      %dma_wait3A_322 = arith.constant 0 : i32
      %dma_wait3A_323 = tpu.memref_slice %arg6[%dma_wait3A_319, %dma_wait3A_321, %dma_wait3A_322] : memref<5x32x512xf32, #tpu.memory_space<vmem>> -> memref<1x32x512xf32, #tpu.memory_space<vmem>>
      %dma_wait3A_324 = tpu.memref_squeeze %dma_wait3A_323 : memref<1x32x512xf32, #tpu.memory_space<vmem>> -> memref<32x512xf32, #tpu.memory_space<vmem>>
      %dma_wait3A_325 = arith.constant 0 : i32
      %dma_wait3A_326 = tpu.memref_slice %arg5[%dma_wait3A_325] : memref<2560xi32, #tpu.memory_space<vmem>> -> memref<32xi32, #tpu.memory_space<vmem>>
      %dma_wait3A_327 = arith.constant 0 : i32
      %dma_wait3A_328 = arith.constant 0 : i32
      %dma_wait3A_329 = tpu.memref_slice %arg3[%dma_wait3A_327, %dma_wait3A_328] : memref<100000x512xf32, #tpu.memory_space<hbm>> -> memref<100000x512xf32, #tpu.memory_space<hbm>>
      %dma_wait3A_330 = tpu.memref_slice %arg7[%dma_wait3A_320] : memref<5x!tpu.dma_semaphore, #tpu.memory_space<semaphore_mem>> -> memref<1x!tpu.dma_semaphore, #tpu.memory_space<semaphore_mem>>
      %dma_wait3A_331 = tpu.memref_squeeze %dma_wait3A_330 : memref<1x!tpu.dma_semaphore, #tpu.memory_space<semaphore_mem>> -> memref<!tpu.dma_semaphore, #tpu.memory_space<semaphore_mem>>
      tpu.wait_indirect_dma semaphore(%dma_wait3A_331 : memref<!tpu.dma_semaphore, #tpu.memory_space<semaphore_mem>>) src(%dma_wait3A_329 : memref<100000x512xf32, #tpu.memory_space<hbm>>) dst(%dma_wait3A_324 : memref<32x512xf32, #tpu.memory_space<vmem>>)
      %scan3A_332 = arith.constant 0 : i32
      %scan3A_333 = arith.constant 0 : i32
      %scan3A_334 = arith.constant 32 : i32
      %scan3A_335 = arith.addi %scan3A_333, %scan3A_334 : i32
      %scan3A_336 = arith.constant 1 : i32
      scf.for %scan3A_425 = %scan3A_333 to %scan3A_335 step %scan3A_336  : i32 {
        %get3A = arith.constant 3 : i32
        %get3A_426 = arith.index_cast %get3A : i32 to index
        %get3A_427 = arith.index_cast %scan3A_425 : i32 to index
        %get3A_428 = arith.constant 0 : index
        %get3A_429 = tpu.vector_load %arg6[%get3A_426, %get3A_427, %get3A_428] {strides = array<i32>} : memref<5x32x512xf32, #tpu.memory_space<vmem>>, vector<1x1x16xf32>,
        %get3A_430 = vector.shape_cast %get3A_429 : vector<1x1x16xf32> to vector<16xf32>
        %mul3A_431 = arith.constant 22.6274166 : f32
        %mul3A_432 = vector.broadcast %mul3A_431 : f32 to vector<16xf32>
        %mul3A_433 = arith.mulf %get3A_430, %mul3A_432 : vector<16xf32>
        %swap3A = arith.constant 3 : i32
        %swap3A_434 = arith.index_cast %swap3A : i32 to index
        %swap3A_435 = arith.index_cast %scan3A_425 : i32 to index
        %swap3A_436 = arith.constant 0 : index
        %swap3A_437 = tpu.vector_load %arg6[%swap3A_434, %swap3A_435, %swap3A_436] {strides = array<i32>} : memref<5x32x512xf32, #tpu.memory_space<vmem>>, vector<1x1x16xf32>,
        %swap3A_438 = vector.shape_cast %swap3A_437 : vector<1x1x16xf32> to vector<16xf32>
        %swap3A_439 = vector.shape_cast %mul3A_433 : vector<16xf32> to vector<1x1x16xf32>
        tpu.vector_store %arg6[%swap3A_434, %swap3A_435, %swap3A_436], %swap3A_439 {strides = array<i32>} : memref<5x32x512xf32, #tpu.memory_space<vmem>>, vector<1x1x16xf32>,
        %get3A_440 = arith.constant 3 : i32
        %get3A_441 = arith.index_cast %get3A_440 : i32 to index
        %get3A_442 = arith.index_cast %scan3A_425 : i32 to index
        %get3A_443 = arith.constant 16 : index
        %get3A_444 = tpu.vector_load %arg6[%get3A_441, %get3A_442, %get3A_443] {strides = array<i32>} : memref<5x32x512xf32, #tpu.memory_space<vmem>>, vector<1x1x16xf32>,
        %get3A_445 = vector.shape_cast %get3A_444 : vector<1x1x16xf32> to vector<16xf32>
        %mul3A_446 = arith.constant 22.6274166 : f32
        %mul3A_447 = vector.broadcast %mul3A_446 : f32 to vector<16xf32>
        %mul3A_448 = arith.mulf %get3A_445, %mul3A_447 : vector<16xf32>
        %swap3A_449 = arith.constant 3 : i32
        %swap3A_450 = arith.index_cast %swap3A_449 : i32 to index
        %swap3A_451 = arith.index_cast %scan3A_425 : i32 to index
        %swap3A_452 = arith.constant 16 : index
        %swap3A_453 = tpu.vector_load %arg6[%swap3A_450, %swap3A_451, %swap3A_452] {strides = array<i32>} : memref<5x32x512xf32, #tpu.memory_space<vmem>>, vector<1x1x16xf32>,
        %swap3A_454 = vector.shape_cast %swap3A_453 : vector<1x1x16xf32> to vector<16xf32>
        %swap3A_455 = vector.shape_cast %mul3A_448 : vector<16xf32> to vector<1x1x16xf32>
        tpu.vector_store %arg6[%swap3A_450, %swap3A_451, %swap3A_452], %swap3A_455 {strides = array<i32>} : memref<5x32x512xf32, #tpu.memory_space<vmem>>, vector<1x1x16xf32>,
        %get3A_456 = arith.constant 3 : i32
        %get3A_457 = arith.index_cast %get3A_456 : i32 to index
        %get3A_458 = arith.index_cast %scan3A_425 : i32 to index
        %get3A_459 = arith.constant 32 : index
        %get3A_460 = tpu.vector_load %arg6[%get3A_457, %get3A_458, %get3A_459] {strides = array<i32>} : memref<5x32x512xf32, #tpu.memory_space<vmem>>, vector<1x1x16xf32>,
        %get3A_461 = vector.shape_cast %get3A_460 : vector<1x1x16xf32> to vector<16xf32>
        %mul3A_462 = arith.constant 22.6274166 : f32
        %mul3A_463 = vector.broadcast %mul3A_462 : f32 to vector<16xf32>
        %mul3A_464 = arith.mulf %get3A_461, %mul3A_463 : vector<16xf32>
        %swap3A_465 = arith.constant 3 : i32
        %swap3A_466 = arith.index_cast %swap3A_465 : i32 to index
        %swap3A_467 = arith.index_cast %scan3A_425 : i32 to index
        %swap3A_468 = arith.constant 32 : index
        %swap3A_469 = tpu.vector_load %arg6[%swap3A_466, %swap3A_467, %swap3A_468] {strides = array<i32>} : memref<5x32x512xf32, #tpu.memory_space<vmem>>, vector<1x1x16xf32>,
        %swap3A_470 = vector.shape_cast %swap3A_469 : vector<1x1x16xf32> to vector<16xf32>
        %swap3A_471 = vector.shape_cast %mul3A_464 : vector<16xf32> to vector<1x1x16xf32>
        tpu.vector_store %arg6[%swap3A_466, %swap3A_467, %swap3A_468], %swap3A_471 {strides = array<i32>} : memref<5x32x512xf32, #tpu.memory_space<vmem>>, vector<1x1x16xf32>,
        %get3A_472 = arith.constant 3 : i32
        %get3A_473 = arith.index_cast %get3A_472 : i32 to index
        %get3A_474 = arith.index_cast %scan3A_425 : i32 to index
        %get3A_475 = arith.constant 48 : index
        %get3A_476 = tpu.vector_load %arg6[%get3A_473, %get3A_474, %get3A_475] {strides = array<i32>} : memref<5x32x512xf32, #tpu.memory_space<vmem>>, vector<1x1x16xf32>,
        %get3A_477 = vector.shape_cast %get3A_476 : vector<1x1x16xf32> to vector<16xf32>
        %mul3A_478 = arith.constant 22.6274166 : f32
        %mul3A_479 = vector.broadcast %mul3A_478 : f32 to vector<16xf32>
        %mul3A_480 = arith.mulf %get3A_477, %mul3A_479 : vector<16xf32>
        %swap3A_481 = arith.constant 3 : i32
        %swap3A_482 = arith.index_cast %swap3A_481 : i32 to index
        %swap3A_483 = arith.index_cast %scan3A_425 : i32 to index
        %swap3A_484 = arith.constant 48 : index
        %swap3A_485 = tpu.vector_load %arg6[%swap3A_482, %swap3A_483, %swap3A_484] {strides = array<i32>} : memref<5x32x512xf32, #tpu.memory_space<vmem>>, vector<1x1x16xf32>,
        %swap3A_486 = vector.shape_cast %swap3A_485 : vector<1x1x16xf32> to vector<16xf32>
        %swap3A_487 = vector.shape_cast %mul3A_480 : vector<16xf32> to vector<1x1x16xf32>
        tpu.vector_store %arg6[%swap3A_482, %swap3A_483, %swap3A_484], %swap3A_487 {strides = array<i32>} : memref<5x32x512xf32, #tpu.memory_space<vmem>>, vector<1x1x16xf32>,
        %get3A_488 = arith.constant 3 : i32
        %get3A_489 = arith.index_cast %get3A_488 : i32 to index
        %get3A_490 = arith.index_cast %scan3A_425 : i32 to index
        %get3A_491 = arith.constant 64 : index
        %get3A_492 = tpu.vector_load %arg6[%get3A_489, %get3A_490, %get3A_491] {strides = array<i32>} : memref<5x32x512xf32, #tpu.memory_space<vmem>>, vector<1x1x16xf32>,
        %get3A_493 = vector.shape_cast %get3A_492 : vector<1x1x16xf32> to vector<16xf32>
        %mul3A_494 = arith.constant 22.6274166 : f32
        %mul3A_495 = vector.broadcast %mul3A_494 : f32 to vector<16xf32>
        %mul3A_496 = arith.mulf %get3A_493, %mul3A_495 : vector<16xf32>
        %swap3A_497 = arith.constant 3 : i32
        %swap3A_498 = arith.index_cast %swap3A_497 : i32 to index
        %swap3A_499 = arith.index_cast %scan3A_425 : i32 to index
        %swap3A_500 = arith.constant 64 : index
        %swap3A_501 = tpu.vector_load %arg6[%swap3A_498, %swap3A_499, %swap3A_500] {strides = array<i32>} : memref<5x32x512xf32, #tpu.memory_space<vmem>>, vector<1x1x16xf32>,
        %swap3A_502 = vector.shape_cast %swap3A_501 : vector<1x1x16xf32> to vector<16xf32>
        %swap3A_503 = vector.shape_cast %mul3A_496 : vector<16xf32> to vector<1x1x16xf32>
        tpu.vector_store %arg6[%swap3A_498, %swap3A_499, %swap3A_500], %swap3A_503 {strides = array<i32>} : memref<5x32x512xf32, #tpu.memory_space<vmem>>, vector<1x1x16xf32>,
        %get3A_504 = arith.constant 3 : i32
        %get3A_505 = arith.index_cast %get3A_504 : i32 to index
        %get3A_506 = arith.index_cast %scan3A_425 : i32 to index
        %get3A_507 = arith.constant 80 : index
        %get3A_508 = tpu.vector_load %arg6[%get3A_505, %get3A_506, %get3A_507] {strides = array<i32>} : memref<5x32x512xf32, #tpu.memory_space<vmem>>, vector<1x1x16xf32>,
        %get3A_509 = vector.shape_cast %get3A_508 : vector<1x1x16xf32> to vector<16xf32>
        %mul3A_510 = arith.constant 22.6274166 : f32
        %mul3A_511 = vector.broadcast %mul3A_510 : f32 to vector<16xf32>
        %mul3A_512 = arith.mulf %get3A_509, %mul3A_511 : vector<16xf32>
        %swap3A_513 = arith.constant 3 : i32
        %swap3A_514 = arith.index_cast %swap3A_513 : i32 to index
        %swap3A_515 = arith.index_cast %scan3A_425 : i32 to index
        %swap3A_516 = arith.constant 80 : index
        %swap3A_517 = tpu.vector_load %arg6[%swap3A_514, %swap3A_515, %swap3A_516] {strides = array<i32>} : memref<5x32x512xf32, #tpu.memory_space<vmem>>, vector<1x1x16xf32>,
        %swap3A_518 = vector.shape_cast %swap3A_517 : vector<1x1x16xf32> to vector<16xf32>
        %swap3A_519 = vector.shape_cast %mul3A_512 : vector<16xf32> to vector<1x1x16xf32>
        tpu.vector_store %arg6[%swap3A_514, %swap3A_515, %swap3A_516], %swap3A_519 {strides = array<i32>} : memref<5x32x512xf32, #tpu.memory_space<vmem>>, vector<1x1x16xf32>,
        %get3A_520 = arith.constant 3 : i32
        %get3A_521 = arith.index_cast %get3A_520 : i32 to index
        %get3A_522 = arith.index_cast %scan3A_425 : i32 to index
        %get3A_523 = arith.constant 96 : index
        %get3A_524 = tpu.vector_load %arg6[%get3A_521, %get3A_522, %get3A_523] {strides = array<i32>} : memref<5x32x512xf32, #tpu.memory_space<vmem>>, vector<1x1x16xf32>,
        %get3A_525 = vector.shape_cast %get3A_524 : vector<1x1x16xf32> to vector<16xf32>
        %mul3A_526 = arith.constant 22.6274166 : f32
        %mul3A_527 = vector.broadcast %mul3A_526 : f32 to vector<16xf32>
        %mul3A_528 = arith.mulf %get3A_525, %mul3A_527 : vector<16xf32>
        %swap3A_529 = arith.constant 3 : i32
        %swap3A_530 = arith.index_cast %swap3A_529 : i32 to index
        %swap3A_531 = arith.index_cast %scan3A_425 : i32 to index
        %swap3A_532 = arith.constant 96 : index
        %swap3A_533 = tpu.vector_load %arg6[%swap3A_530, %swap3A_531, %swap3A_532] {strides = array<i32>} : memref<5x32x512xf32, #tpu.memory_space<vmem>>, vector<1x1x16xf32>,
        %swap3A_534 = vector.shape_cast %swap3A_533 : vector<1x1x16xf32> to vector<16xf32>
        %swap3A_535 = vector.shape_cast %mul3A_528 : vector<16xf32> to vector<1x1x16xf32>
        tpu.vector_store %arg6[%swap3A_530, %swap3A_531, %swap3A_532], %swap3A_535 {strides = array<i32>} : memref<5x32x512xf32, #tpu.memory_space<vmem>>, vector<1x1x16xf32>,
        %get3A_536 = arith.constant 3 : i32
        %get3A_537 = arith.index_cast %get3A_536 : i32 to index
        %get3A_538 = arith.index_cast %scan3A_425 : i32 to index
        %get3A_539 = arith.constant 112 : index
        %get3A_540 = tpu.vector_load %arg6[%get3A_537, %get3A_538, %get3A_539] {strides = array<i32>} : memref<5x32x512xf32, #tpu.memory_space<vmem>>, vector<1x1x16xf32>,
        %get3A_541 = vector.shape_cast %get3A_540 : vector<1x1x16xf32> to vector<16xf32>
        %mul3A_542 = arith.constant 22.6274166 : f32
        %mul3A_543 = vector.broadcast %mul3A_542 : f32 to vector<16xf32>
        %mul3A_544 = arith.mulf %get3A_541, %mul3A_543 : vector<16xf32>
        %swap3A_545 = arith.constant 3 : i32
        %swap3A_546 = arith.index_cast %swap3A_545 : i32 to index
        %swap3A_547 = arith.index_cast %scan3A_425 : i32 to index
        %swap3A_548 = arith.constant 112 : index
        %swap3A_549 = tpu.vector_load %arg6[%swap3A_546, %swap3A_547, %swap3A_548] {strides = array<i32>} : memref<5x32x512xf32, #tpu.memory_space<vmem>>, vector<1x1x16xf32>,
        %swap3A_550 = vector.shape_cast %swap3A_549 : vector<1x1x16xf32> to vector<16xf32>
        %swap3A_551 = vector.shape_cast %mul3A_544 : vector<16xf32> to vector<1x1x16xf32>
        tpu.vector_store %arg6[%swap3A_546, %swap3A_547, %swap3A_548], %swap3A_551 {strides = array<i32>} : memref<5x32x512xf32, #tpu.memory_space<vmem>>, vector<1x1x16xf32>,
        %get3A_552 = arith.constant 3 : i32
        %get3A_553 = arith.index_cast %get3A_552 : i32 to index
        %get3A_554 = arith.index_cast %scan3A_425 : i32 to index
        %get3A_555 = arith.constant 128 : index
        %get3A_556 = tpu.vector_load %arg6[%get3A_553, %get3A_554, %get3A_555] {strides = array<i32>} : memref<5x32x512xf32, #tpu.memory_space<vmem>>, vector<1x1x16xf32>,
        %get3A_557 = vector.shape_cast %get3A_556 : vector<1x1x16xf32> to vector<16xf32>
        %mul3A_558 = arith.constant 22.6274166 : f32
        %mul3A_559 = vector.broadcast %mul3A_558 : f32 to vector<16xf32>
        %mul3A_560 = arith.mulf %get3A_557, %mul3A_559 : vector<16xf32>
        %swap3A_561 = arith.constant 3 : i32
        %swap3A_562 = arith.index_cast %swap3A_561 : i32 to index
        %swap3A_563 = arith.index_cast %scan3A_425 : i32 to index
        %swap3A_564 = arith.constant 128 : index
        %swap3A_565 = tpu.vector_load %arg6[%swap3A_562, %swap3A_563, %swap3A_564] {strides = array<i32>} : memref<5x32x512xf32, #tpu.memory_space<vmem>>, vector<1x1x16xf32>,
        %swap3A_566 = vector.shape_cast %swap3A_565 : vector<1x1x16xf32> to vector<16xf32>
        %swap3A_567 = vector.shape_cast %mul3A_560 : vector<16xf32> to vector<1x1x16xf32>
        tpu.vector_store %arg6[%swap3A_562, %swap3A_563, %swap3A_564], %swap3A_567 {strides = array<i32>} : memref<5x32x512xf32, #tpu.memory_space<vmem>>, vector<1x1x16xf32>,
        %get3A_568 = arith.constant 3 : i32
        %get3A_569 = arith.index_cast %get3A_568 : i32 to index
        %get3A_570 = arith.index_cast %scan3A_425 : i32 to index
        %get3A_571 = arith.constant 144 : index
        %get3A_572 = tpu.vector_load %arg6[%get3A_569, %get3A_570, %get3A_571] {strides = array<i32>} : memref<5x32x512xf32, #tpu.memory_space<vmem>>, vector<1x1x16xf32>,
        %get3A_573 = vector.shape_cast %get3A_572 : vector<1x1x16xf32> to vector<16xf32>
        %mul3A_574 = arith.constant 22.6274166 : f32
        %mul3A_575 = vector.broadcast %mul3A_574 : f32 to vector<16xf32>
        %mul3A_576 = arith.mulf %get3A_573, %mul3A_575 : vector<16xf32>
        %swap3A_577 = arith.constant 3 : i32
        %swap3A_578 = arith.index_cast %swap3A_577 : i32 to index
        %swap3A_579 = arith.index_cast %scan3A_425 : i32 to index
        %swap3A_580 = arith.constant 144 : index
        %swap3A_581 = tpu.vector_load %arg6[%swap3A_578, %swap3A_579, %swap3A_580] {strides = array<i32>} : memref<5x32x512xf32, #tpu.memory_space<vmem>>, vector<1x1x16xf32>,
        %swap3A_582 = vector.shape_cast %swap3A_581 : vector<1x1x16xf32> to vector<16xf32>
        %swap3A_583 = vector.shape_cast %mul3A_576 : vector<16xf32> to vector<1x1x16xf32>
        tpu.vector_store %arg6[%swap3A_578, %swap3A_579, %swap3A_580], %swap3A_583 {strides = array<i32>} : memref<5x32x512xf32, #tpu.memory_space<vmem>>, vector<1x1x16xf32>,
        %get3A_584 = arith.constant 3 : i32
        %get3A_585 = arith.index_cast %get3A_584 : i32 to index
        %get3A_586 = arith.index_cast %scan3A_425 : i32 to index
        %get3A_587 = arith.constant 160 : index
        %get3A_588 = tpu.vector_load %arg6[%get3A_585, %get3A_586, %get3A_587] {strides = array<i32>} : memref<5x32x512xf32, #tpu.memory_space<vmem>>, vector<1x1x16xf32>,
        %get3A_589 = vector.shape_cast %get3A_588 : vector<1x1x16xf32> to vector<16xf32>
        %mul3A_590 = arith.constant 22.6274166 : f32
        %mul3A_591 = vector.broadcast %mul3A_590 : f32 to vector<16xf32>
        %mul3A_592 = arith.mulf %get3A_589, %mul3A_591 : vector<16xf32>
        %swap3A_593 = arith.constant 3 : i32
        %swap3A_594 = arith.index_cast %swap3A_593 : i32 to index
        %swap3A_595 = arith.index_cast %scan3A_425 : i32 to index
        %swap3A_596 = arith.constant 160 : index
        %swap3A_597 = tpu.vector_load %arg6[%swap3A_594, %swap3A_595, %swap3A_596] {strides = array<i32>} : memref<5x32x512xf32, #tpu.memory_space<vmem>>, vector<1x1x16xf32>,
        %swap3A_598 = vector.shape_cast %swap3A_597 : vector<1x1x16xf32> to vector<16xf32>
        %swap3A_599 = vector.shape_cast %mul3A_592 : vector<16xf32> to vector<1x1x16xf32>
        tpu.vector_store %arg6[%swap3A_594, %swap3A_595, %swap3A_596], %swap3A_599 {strides = array<i32>} : memref<5x32x512xf32, #tpu.memory_space<vmem>>, vector<1x1x16xf32>,
        %get3A_600 = arith.constant 3 : i32
        %get3A_601 = arith.index_cast %get3A_600 : i32 to index
        %get3A_602 = arith.index_cast %scan3A_425 : i32 to index
        %get3A_603 = arith.constant 176 : index
        %get3A_604 = tpu.vector_load %arg6[%get3A_601, %get3A_602, %get3A_603] {strides = array<i32>} : memref<5x32x512xf32, #tpu.memory_space<vmem>>, vector<1x1x16xf32>,
        %get3A_605 = vector.shape_cast %get3A_604 : vector<1x1x16xf32> to vector<16xf32>
        %mul3A_606 = arith.constant 22.6274166 : f32
        %mul3A_607 = vector.broadcast %mul3A_606 : f32 to vector<16xf32>
        %mul3A_608 = arith.mulf %get3A_605, %mul3A_607 : vector<16xf32>
        %swap3A_609 = arith.constant 3 : i32
        %swap3A_610 = arith.index_cast %swap3A_609 : i32 to index
        %swap3A_611 = arith.index_cast %scan3A_425 : i32 to index
        %swap3A_612 = arith.constant 176 : index
        %swap3A_613 = tpu.vector_load %arg6[%swap3A_610, %swap3A_611, %swap3A_612] {strides = array<i32>} : memref<5x32x512xf32, #tpu.memory_space<vmem>>, vector<1x1x16xf32>,
        %swap3A_614 = vector.shape_cast %swap3A_613 : vector<1x1x16xf32> to vector<16xf32>
        %swap3A_615 = vector.shape_cast %mul3A_608 : vector<16xf32> to vector<1x1x16xf32>
        tpu.vector_store %arg6[%swap3A_610, %swap3A_611, %swap3A_612], %swap3A_615 {strides = array<i32>} : memref<5x32x512xf32, #tpu.memory_space<vmem>>, vector<1x1x16xf32>,
        %get3A_616 = arith.constant 3 : i32
        %get3A_617 = arith.index_cast %get3A_616 : i32 to index
        %get3A_618 = arith.index_cast %scan3A_425 : i32 to index
        %get3A_619 = arith.constant 192 : index
        %get3A_620 = tpu.vector_load %arg6[%get3A_617, %get3A_618, %get3A_619] {strides = array<i32>} : memref<5x32x512xf32, #tpu.memory_space<vmem>>, vector<1x1x16xf32>,
        %get3A_621 = vector.shape_cast %get3A_620 : vector<1x1x16xf32> to vector<16xf32>
        %mul3A_622 = arith.constant 22.6274166 : f32
        %mul3A_623 = vector.broadcast %mul3A_622 : f32 to vector<16xf32>
        %mul3A_624 = arith.mulf %get3A_621, %mul3A_623 : vector<16xf32>
        %swap3A_625 = arith.constant 3 : i32
        %swap3A_626 = arith.index_cast %swap3A_625 : i32 to index
        %swap3A_627 = arith.index_cast %scan3A_425 : i32 to index
        %swap3A_628 = arith.constant 192 : index
        %swap3A_629 = tpu.vector_load %arg6[%swap3A_626, %swap3A_627, %swap3A_628] {strides = array<i32>} : memref<5x32x512xf32, #tpu.memory_space<vmem>>, vector<1x1x16xf32>,
        %swap3A_630 = vector.shape_cast %swap3A_629 : vector<1x1x16xf32> to vector<16xf32>
        %swap3A_631 = vector.shape_cast %mul3A_624 : vector<16xf32> to vector<1x1x16xf32>
        tpu.vector_store %arg6[%swap3A_626, %swap3A_627, %swap3A_628], %swap3A_631 {strides = array<i32>} : memref<5x32x512xf32, #tpu.memory_space<vmem>>, vector<1x1x16xf32>,
        %get3A_632 = arith.constant 3 : i32
        %get3A_633 = arith.index_cast %get3A_632 : i32 to index
        %get3A_634 = arith.index_cast %scan3A_425 : i32 to index
        %get3A_635 = arith.constant 208 : index
        %get3A_636 = tpu.vector_load %arg6[%get3A_633, %get3A_634, %get3A_635] {strides = array<i32>} : memref<5x32x512xf32, #tpu.memory_space<vmem>>, vector<1x1x16xf32>,
        %get3A_637 = vector.shape_cast %get3A_636 : vector<1x1x16xf32> to vector<16xf32>
        %mul3A_638 = arith.constant 22.6274166 : f32
        %mul3A_639 = vector.broadcast %mul3A_638 : f32 to vector<16xf32>
        %mul3A_640 = arith.mulf %get3A_637, %mul3A_639 : vector<16xf32>
        %swap3A_641 = arith.constant 3 : i32
        %swap3A_642 = arith.index_cast %swap3A_641 : i32 to index
        %swap3A_643 = arith.index_cast %scan3A_425 : i32 to index
        %swap3A_644 = arith.constant 208 : index
        %swap3A_645 = tpu.vector_load %arg6[%swap3A_642, %swap3A_643, %swap3A_644] {strides = array<i32>} : memref<5x32x512xf32, #tpu.memory_space<vmem>>, vector<1x1x16xf32>,
        %swap3A_646 = vector.shape_cast %swap3A_645 : vector<1x1x16xf32> to vector<16xf32>
        %swap3A_647 = vector.shape_cast %mul3A_640 : vector<16xf32> to vector<1x1x16xf32>
        tpu.vector_store %arg6[%swap3A_642, %swap3A_643, %swap3A_644], %swap3A_647 {strides = array<i32>} : memref<5x32x512xf32, #tpu.memory_space<vmem>>, vector<1x1x16xf32>,
        %get3A_648 = arith.constant 3 : i32
        %get3A_649 = arith.index_cast %get3A_648 : i32 to index
        %get3A_650 = arith.index_cast %scan3A_425 : i32 to index
        %get3A_651 = arith.constant 224 : index
        %get3A_652 = tpu.vector_load %arg6[%get3A_649, %get3A_650, %get3A_651] {strides = array<i32>} : memref<5x32x512xf32, #tpu.memory_space<vmem>>, vector<1x1x16xf32>,
        %get3A_653 = vector.shape_cast %get3A_652 : vector<1x1x16xf32> to vector<16xf32>
        %mul3A_654 = arith.constant 22.6274166 : f32
        %mul3A_655 = vector.broadcast %mul3A_654 : f32 to vector<16xf32>
        %mul3A_656 = arith.mulf %get3A_653, %mul3A_655 : vector<16xf32>
        %swap3A_657 = arith.constant 3 : i32
        %swap3A_658 = arith.index_cast %swap3A_657 : i32 to index
        %swap3A_659 = arith.index_cast %scan3A_425 : i32 to index
        %swap3A_660 = arith.constant 224 : index
        %swap3A_661 = tpu.vector_load %arg6[%swap3A_658, %swap3A_659, %swap3A_660] {strides = array<i32>} : memref<5x32x512xf32, #tpu.memory_space<vmem>>, vector<1x1x16xf32>,
        %swap3A_662 = vector.shape_cast %swap3A_661 : vector<1x1x16xf32> to vector<16xf32>
        %swap3A_663 = vector.shape_cast %mul3A_656 : vector<16xf32> to vector<1x1x16xf32>
        tpu.vector_store %arg6[%swap3A_658, %swap3A_659, %swap3A_660], %swap3A_663 {strides = array<i32>} : memref<5x32x512xf32, #tpu.memory_space<vmem>>, vector<1x1x16xf32>,
        %get3A_664 = arith.constant 3 : i32
        %get3A_665 = arith.index_cast %get3A_664 : i32 to index
        %get3A_666 = arith.index_cast %scan3A_425 : i32 to index
        %get3A_667 = arith.constant 240 : index
        %get3A_668 = tpu.vector_load %arg6[%get3A_665, %get3A_666, %get3A_667] {strides = array<i32>} : memref<5x32x512xf32, #tpu.memory_space<vmem>>, vector<1x1x16xf32>,
        %get3A_669 = vector.shape_cast %get3A_668 : vector<1x1x16xf32> to vector<16xf32>
        %mul3A_670 = arith.constant 22.6274166 : f32
        %mul3A_671 = vector.broadcast %mul3A_670 : f32 to vector<16xf32>
        %mul3A_672 = arith.mulf %get3A_669, %mul3A_671 : vector<16xf32>
        %swap3A_673 = arith.constant 3 : i32
        %swap3A_674 = arith.index_cast %swap3A_673 : i32 to index
        %swap3A_675 = arith.index_cast %scan3A_425 : i32 to index
        %swap3A_676 = arith.constant 240 : index
        %swap3A_677 = tpu.vector_load %arg6[%swap3A_674, %swap3A_675, %swap3A_676] {strides = array<i32>} : memref<5x32x512xf32, #tpu.memory_space<vmem>>, vector<1x1x16xf32>,
        %swap3A_678 = vector.shape_cast %swap3A_677 : vector<1x1x16xf32> to vector<16xf32>
        %swap3A_679 = vector.shape_cast %mul3A_672 : vector<16xf32> to vector<1x1x16xf32>
        tpu.vector_store %arg6[%swap3A_674, %swap3A_675, %swap3A_676], %swap3A_679 {strides = array<i32>} : memref<5x32x512xf32, #tpu.memory_space<vmem>>, vector<1x1x16xf32>,
        %get3A_680 = arith.constant 3 : i32
        %get3A_681 = arith.index_cast %get3A_680 : i32 to index
        %get3A_682 = arith.index_cast %scan3A_425 : i32 to index
        %get3A_683 = arith.constant 256 : index
        %get3A_684 = tpu.vector_load %arg6[%get3A_681, %get3A_682, %get3A_683] {strides = array<i32>} : memref<5x32x512xf32, #tpu.memory_space<vmem>>, vector<1x1x16xf32>,
        %get3A_685 = vector.shape_cast %get3A_684 : vector<1x1x16xf32> to vector<16xf32>
        %mul3A_686 = arith.constant 22.6274166 : f32
        %mul3A_687 = vector.broadcast %mul3A_686 : f32 to vector<16xf32>
        %mul3A_688 = arith.mulf %get3A_685, %mul3A_687 : vector<16xf32>
        %swap3A_689 = arith.constant 3 : i32
        %swap3A_690 = arith.index_cast %swap3A_689 : i32 to index
        %swap3A_691 = arith.index_cast %scan3A_425 : i32 to index
        %swap3A_692 = arith.constant 256 : index
        %swap3A_693 = tpu.vector_load %arg6[%swap3A_690, %swap3A_691, %swap3A_692] {strides = array<i32>} : memref<5x32x512xf32, #tpu.memory_space<vmem>>, vector<1x1x16xf32>,
        %swap3A_694 = vector.shape_cast %swap3A_693 : vector<1x1x16xf32> to vector<16xf32>
        %swap3A_695 = vector.shape_cast %mul3A_688 : vector<16xf32> to vector<1x1x16xf32>
        tpu.vector_store %arg6[%swap3A_690, %swap3A_691, %swap3A_692], %swap3A_695 {strides = array<i32>} : memref<5x32x512xf32, #tpu.memory_space<vmem>>, vector<1x1x16xf32>,
        %get3A_696 = arith.constant 3 : i32
        %get3A_697 = arith.index_cast %get3A_696 : i32 to index
        %get3A_698 = arith.index_cast %scan3A_425 : i32 to index
        %get3A_699 = arith.constant 272 : index
        %get3A_700 = tpu.vector_load %arg6[%get3A_697, %get3A_698, %get3A_699] {strides = array<i32>} : memref<5x32x512xf32, #tpu.memory_space<vmem>>, vector<1x1x16xf32>,
        %get3A_701 = vector.shape_cast %get3A_700 : vector<1x1x16xf32> to vector<16xf32>
        %mul3A_702 = arith.constant 22.6274166 : f32
        %mul3A_703 = vector.broadcast %mul3A_702 : f32 to vector<16xf32>
        %mul3A_704 = arith.mulf %get3A_701, %mul3A_703 : vector<16xf32>
        %swap3A_705 = arith.constant 3 : i32
        %swap3A_706 = arith.index_cast %swap3A_705 : i32 to index
        %swap3A_707 = arith.index_cast %scan3A_425 : i32 to index
        %swap3A_708 = arith.constant 272 : index
        %swap3A_709 = tpu.vector_load %arg6[%swap3A_706, %swap3A_707, %swap3A_708] {strides = array<i32>} : memref<5x32x512xf32, #tpu.memory_space<vmem>>, vector<1x1x16xf32>,
        %swap3A_710 = vector.shape_cast %swap3A_709 : vector<1x1x16xf32> to vector<16xf32>
        %swap3A_711 = vector.shape_cast %mul3A_704 : vector<16xf32> to vector<1x1x16xf32>
        tpu.vector_store %arg6[%swap3A_706, %swap3A_707, %swap3A_708], %swap3A_711 {strides = array<i32>} : memref<5x32x512xf32, #tpu.memory_space<vmem>>, vector<1x1x16xf32>,
        %get3A_712 = arith.constant 3 : i32
        %get3A_713 = arith.index_cast %get3A_712 : i32 to index
        %get3A_714 = arith.index_cast %scan3A_425 : i32 to index
        %get3A_715 = arith.constant 288 : index
        %get3A_716 = tpu.vector_load %arg6[%get3A_713, %get3A_714, %get3A_715] {strides = array<i32>} : memref<5x32x512xf32, #tpu.memory_space<vmem>>, vector<1x1x16xf32>,
        %get3A_717 = vector.shape_cast %get3A_716 : vector<1x1x16xf32> to vector<16xf32>
        %mul3A_718 = arith.constant 22.6274166 : f32
        %mul3A_719 = vector.broadcast %mul3A_718 : f32 to vector<16xf32>
        %mul3A_720 = arith.mulf %get3A_717, %mul3A_719 : vector<16xf32>
        %swap3A_721 = arith.constant 3 : i32
        %swap3A_722 = arith.index_cast %swap3A_721 : i32 to index
        %swap3A_723 = arith.index_cast %scan3A_425 : i32 to index
        %swap3A_724 = arith.constant 288 : index
        %swap3A_725 = tpu.vector_load %arg6[%swap3A_722, %swap3A_723, %swap3A_724] {strides = array<i32>} : memref<5x32x512xf32, #tpu.memory_space<vmem>>, vector<1x1x16xf32>,
        %swap3A_726 = vector.shape_cast %swap3A_725 : vector<1x1x16xf32> to vector<16xf32>
        %swap3A_727 = vector.shape_cast %mul3A_720 : vector<16xf32> to vector<1x1x16xf32>
        tpu.vector_store %arg6[%swap3A_722, %swap3A_723, %swap3A_724], %swap3A_727 {strides = array<i32>} : memref<5x32x512xf32, #tpu.memory_space<vmem>>, vector<1x1x16xf32>,
        %get3A_728 = arith.constant 3 : i32
        %get3A_729 = arith.index_cast %get3A_728 : i32 to index
        %get3A_730 = arith.index_cast %scan3A_425 : i32 to index
        %get3A_731 = arith.constant 304 : index
        %get3A_732 = tpu.vector_load %arg6[%get3A_729, %get3A_730, %get3A_731] {strides = array<i32>} : memref<5x32x512xf32, #tpu.memory_space<vmem>>, vector<1x1x16xf32>,
        %get3A_733 = vector.shape_cast %get3A_732 : vector<1x1x16xf32> to vector<16xf32>
        %mul3A_734 = arith.constant 22.6274166 : f32
        %mul3A_735 = vector.broadcast %mul3A_734 : f32 to vector<16xf32>
        %mul3A_736 = arith.mulf %get3A_733, %mul3A_735 : vector<16xf32>
        %swap3A_737 = arith.constant 3 : i32
        %swap3A_738 = arith.index_cast %swap3A_737 : i32 to index
        %swap3A_739 = arith.index_cast %scan3A_425 : i32 to index
        %swap3A_740 = arith.constant 304 : index
        %swap3A_741 = tpu.vector_load %arg6[%swap3A_738, %swap3A_739, %swap3A_740] {strides = array<i32>} : memref<5x32x512xf32, #tpu.memory_space<vmem>>, vector<1x1x16xf32>,
        %swap3A_742 = vector.shape_cast %swap3A_741 : vector<1x1x16xf32> to vector<16xf32>
        %swap3A_743 = vector.shape_cast %mul3A_736 : vector<16xf32> to vector<1x1x16xf32>
        tpu.vector_store %arg6[%swap3A_738, %swap3A_739, %swap3A_740], %swap3A_743 {strides = array<i32>} : memref<5x32x512xf32, #tpu.memory_space<vmem>>, vector<1x1x16xf32>,
        %get3A_744 = arith.constant 3 : i32
        %get3A_745 = arith.index_cast %get3A_744 : i32 to index
        %get3A_746 = arith.index_cast %scan3A_425 : i32 to index
        %get3A_747 = arith.constant 320 : index
        %get3A_748 = tpu.vector_load %arg6[%get3A_745, %get3A_746, %get3A_747] {strides = array<i32>} : memref<5x32x512xf32, #tpu.memory_space<vmem>>, vector<1x1x16xf32>,
        %get3A_749 = vector.shape_cast %get3A_748 : vector<1x1x16xf32> to vector<16xf32>
        %mul3A_750 = arith.constant 22.6274166 : f32
        %mul3A_751 = vector.broadcast %mul3A_750 : f32 to vector<16xf32>
        %mul3A_752 = arith.mulf %get3A_749, %mul3A_751 : vector<16xf32>
        %swap3A_753 = arith.constant 3 : i32
        %swap3A_754 = arith.index_cast %swap3A_753 : i32 to index
        %swap3A_755 = arith.index_cast %scan3A_425 : i32 to index
        %swap3A_756 = arith.constant 320 : index
        %swap3A_757 = tpu.vector_load %arg6[%swap3A_754, %swap3A_755, %swap3A_756] {strides = array<i32>} : memref<5x32x512xf32, #tpu.memory_space<vmem>>, vector<1x1x16xf32>,
        %swap3A_758 = vector.shape_cast %swap3A_757 : vector<1x1x16xf32> to vector<16xf32>
        %swap3A_759 = vector.shape_cast %mul3A_752 : vector<16xf32> to vector<1x1x16xf32>
        tpu.vector_store %arg6[%swap3A_754, %swap3A_755, %swap3A_756], %swap3A_759 {strides = array<i32>} : memref<5x32x512xf32, #tpu.memory_space<vmem>>, vector<1x1x16xf32>,
        %get3A_760 = arith.constant 3 : i32
        %get3A_761 = arith.index_cast %get3A_760 : i32 to index
        %get3A_762 = arith.index_cast %scan3A_425 : i32 to index
        %get3A_763 = arith.constant 336 : index
        %get3A_764 = tpu.vector_load %arg6[%get3A_761, %get3A_762, %get3A_763] {strides = array<i32>} : memref<5x32x512xf32, #tpu.memory_space<vmem>>, vector<1x1x16xf32>,
        %get3A_765 = vector.shape_cast %get3A_764 : vector<1x1x16xf32> to vector<16xf32>
        %mul3A_766 = arith.constant 22.6274166 : f32
        %mul3A_767 = vector.broadcast %mul3A_766 : f32 to vector<16xf32>
        %mul3A_768 = arith.mulf %get3A_765, %mul3A_767 : vector<16xf32>
        %swap3A_769 = arith.constant 3 : i32
        %swap3A_770 = arith.index_cast %swap3A_769 : i32 to index
        %swap3A_771 = arith.index_cast %scan3A_425 : i32 to index
        %swap3A_772 = arith.constant 336 : index
        %swap3A_773 = tpu.vector_load %arg6[%swap3A_770, %swap3A_771, %swap3A_772] {strides = array<i32>} : memref<5x32x512xf32, #tpu.memory_space<vmem>>, vector<1x1x16xf32>,
        %swap3A_774 = vector.shape_cast %swap3A_773 : vector<1x1x16xf32> to vector<16xf32>
        %swap3A_775 = vector.shape_cast %mul3A_768 : vector<16xf32> to vector<1x1x16xf32>
        tpu.vector_store %arg6[%swap3A_770, %swap3A_771, %swap3A_772], %swap3A_775 {strides = array<i32>} : memref<5x32x512xf32, #tpu.memory_space<vmem>>, vector<1x1x16xf32>,
        %get3A_776 = arith.constant 3 : i32
        %get3A_777 = arith.index_cast %get3A_776 : i32 to index
        %get3A_778 = arith.index_cast %scan3A_425 : i32 to index
        %get3A_779 = arith.constant 352 : index
        %get3A_780 = tpu.vector_load %arg6[%get3A_777, %get3A_778, %get3A_779] {strides = array<i32>} : memref<5x32x512xf32, #tpu.memory_space<vmem>>, vector<1x1x16xf32>,
        %get3A_781 = vector.shape_cast %get3A_780 : vector<1x1x16xf32> to vector<16xf32>
        %mul3A_782 = arith.constant 22.6274166 : f32
        %mul3A_783 = vector.broadcast %mul3A_782 : f32 to vector<16xf32>
        %mul3A_784 = arith.mulf %get3A_781, %mul3A_783 : vector<16xf32>
        %swap3A_785 = arith.constant 3 : i32
        %swap3A_786 = arith.index_cast %swap3A_785 : i32 to index
        %swap3A_787 = arith.index_cast %scan3A_425 : i32 to index
        %swap3A_788 = arith.constant 352 : index
        %swap3A_789 = tpu.vector_load %arg6[%swap3A_786, %swap3A_787, %swap3A_788] {strides = array<i32>} : memref<5x32x512xf32, #tpu.memory_space<vmem>>, vector<1x1x16xf32>,
        %swap3A_790 = vector.shape_cast %swap3A_789 : vector<1x1x16xf32> to vector<16xf32>
        %swap3A_791 = vector.shape_cast %mul3A_784 : vector<16xf32> to vector<1x1x16xf32>
        tpu.vector_store %arg6[%swap3A_786, %swap3A_787, %swap3A_788], %swap3A_791 {strides = array<i32>} : memref<5x32x512xf32, #tpu.memory_space<vmem>>, vector<1x1x16xf32>,
        %get3A_792 = arith.constant 3 : i32
        %get3A_793 = arith.index_cast %get3A_792 : i32 to index
        %get3A_794 = arith.index_cast %scan3A_425 : i32 to index
        %get3A_795 = arith.constant 368 : index
        %get3A_796 = tpu.vector_load %arg6[%get3A_793, %get3A_794, %get3A_795] {strides = array<i32>} : memref<5x32x512xf32, #tpu.memory_space<vmem>>, vector<1x1x16xf32>,
        %get3A_797 = vector.shape_cast %get3A_796 : vector<1x1x16xf32> to vector<16xf32>
        %mul3A_798 = arith.constant 22.6274166 : f32
        %mul3A_799 = vector.broadcast %mul3A_798 : f32 to vector<16xf32>
        %mul3A_800 = arith.mulf %get3A_797, %mul3A_799 : vector<16xf32>
        %swap3A_801 = arith.constant 3 : i32
        %swap3A_802 = arith.index_cast %swap3A_801 : i32 to index
        %swap3A_803 = arith.index_cast %scan3A_425 : i32 to index
        %swap3A_804 = arith.constant 368 : index
        %swap3A_805 = tpu.vector_load %arg6[%swap3A_802, %swap3A_803, %swap3A_804] {strides = array<i32>} : memref<5x32x512xf32, #tpu.memory_space<vmem>>, vector<1x1x16xf32>,
        %swap3A_806 = vector.shape_cast %swap3A_805 : vector<1x1x16xf32> to vector<16xf32>
        %swap3A_807 = vector.shape_cast %mul3A_800 : vector<16xf32> to vector<1x1x16xf32>
        tpu.vector_store %arg6[%swap3A_802, %swap3A_803, %swap3A_804], %swap3A_807 {strides = array<i32>} : memref<5x32x512xf32, #tpu.memory_space<vmem>>, vector<1x1x16xf32>,
        %get3A_808 = arith.constant 3 : i32
        %get3A_809 = arith.index_cast %get3A_808 : i32 to index
        %get3A_810 = arith.index_cast %scan3A_425 : i32 to index
        %get3A_811 = arith.constant 384 : index
        %get3A_812 = tpu.vector_load %arg6[%get3A_809, %get3A_810, %get3A_811] {strides = array<i32>} : memref<5x32x512xf32, #tpu.memory_space<vmem>>, vector<1x1x16xf32>,
        %get3A_813 = vector.shape_cast %get3A_812 : vector<1x1x16xf32> to vector<16xf32>
        %mul3A_814 = arith.constant 22.6274166 : f32
        %mul3A_815 = vector.broadcast %mul3A_814 : f32 to vector<16xf32>
        %mul3A_816 = arith.mulf %get3A_813, %mul3A_815 : vector<16xf32>
        %swap3A_817 = arith.constant 3 : i32
        %swap3A_818 = arith.index_cast %swap3A_817 : i32 to index
        %swap3A_819 = arith.index_cast %scan3A_425 : i32 to index
        %swap3A_820 = arith.constant 384 : index
        %swap3A_821 = tpu.vector_load %arg6[%swap3A_818, %swap3A_819, %swap3A_820] {strides = array<i32>} : memref<5x32x512xf32, #tpu.memory_space<vmem>>, vector<1x1x16xf32>,
        %swap3A_822 = vector.shape_cast %swap3A_821 : vector<1x1x16xf32> to vector<16xf32>
        %swap3A_823 = vector.shape_cast %mul3A_816 : vector<16xf32> to vector<1x1x16xf32>
        tpu.vector_store %arg6[%swap3A_818, %swap3A_819, %swap3A_820], %swap3A_823 {strides = array<i32>} : memref<5x32x512xf32, #tpu.memory_space<vmem>>, vector<1x1x16xf32>,
        %get3A_824 = arith.constant 3 : i32
        %get3A_825 = arith.index_cast %get3A_824 : i32 to index
        %get3A_826 = arith.index_cast %scan3A_425 : i32 to index
        %get3A_827 = arith.constant 400 : index
        %get3A_828 = tpu.vector_load %arg6[%get3A_825, %get3A_826, %get3A_827] {strides = array<i32>} : memref<5x32x512xf32, #tpu.memory_space<vmem>>, vector<1x1x16xf32>,
        %get3A_829 = vector.shape_cast %get3A_828 : vector<1x1x16xf32> to vector<16xf32>
        %mul3A_830 = arith.constant 22.6274166 : f32
        %mul3A_831 = vector.broadcast %mul3A_830 : f32 to vector<16xf32>
        %mul3A_832 = arith.mulf %get3A_829, %mul3A_831 : vector<16xf32>
        %swap3A_833 = arith.constant 3 : i32
        %swap3A_834 = arith.index_cast %swap3A_833 : i32 to index
        %swap3A_835 = arith.index_cast %scan3A_425 : i32 to index
        %swap3A_836 = arith.constant 400 : index
        %swap3A_837 = tpu.vector_load %arg6[%swap3A_834, %swap3A_835, %swap3A_836] {strides = array<i32>} : memref<5x32x512xf32, #tpu.memory_space<vmem>>, vector<1x1x16xf32>,
        %swap3A_838 = vector.shape_cast %swap3A_837 : vector<1x1x16xf32> to vector<16xf32>
        %swap3A_839 = vector.shape_cast %mul3A_832 : vector<16xf32> to vector<1x1x16xf32>
        tpu.vector_store %arg6[%swap3A_834, %swap3A_835, %swap3A_836], %swap3A_839 {strides = array<i32>} : memref<5x32x512xf32, #tpu.memory_space<vmem>>, vector<1x1x16xf32>,
        %get3A_840 = arith.constant 3 : i32
        %get3A_841 = arith.index_cast %get3A_840 : i32 to index
        %get3A_842 = arith.index_cast %scan3A_425 : i32 to index
        %get3A_843 = arith.constant 416 : index
        %get3A_844 = tpu.vector_load %arg6[%get3A_841, %get3A_842, %get3A_843] {strides = array<i32>} : memref<5x32x512xf32, #tpu.memory_space<vmem>>, vector<1x1x16xf32>,
        %get3A_845 = vector.shape_cast %get3A_844 : vector<1x1x16xf32> to vector<16xf32>
        %mul3A_846 = arith.constant 22.6274166 : f32
        %mul3A_847 = vector.broadcast %mul3A_846 : f32 to vector<16xf32>
        %mul3A_848 = arith.mulf %get3A_845, %mul3A_847 : vector<16xf32>
        %swap3A_849 = arith.constant 3 : i32
        %swap3A_850 = arith.index_cast %swap3A_849 : i32 to index
        %swap3A_851 = arith.index_cast %scan3A_425 : i32 to index
        %swap3A_852 = arith.constant 416 : index
        %swap3A_853 = tpu.vector_load %arg6[%swap3A_850, %swap3A_851, %swap3A_852] {strides = array<i32>} : memref<5x32x512xf32, #tpu.memory_space<vmem>>, vector<1x1x16xf32>,
        %swap3A_854 = vector.shape_cast %swap3A_853 : vector<1x1x16xf32> to vector<16xf32>
        %swap3A_855 = vector.shape_cast %mul3A_848 : vector<16xf32> to vector<1x1x16xf32>
        tpu.vector_store %arg6[%swap3A_850, %swap3A_851, %swap3A_852], %swap3A_855 {strides = array<i32>} : memref<5x32x512xf32, #tpu.memory_space<vmem>>, vector<1x1x16xf32>,
        %get3A_856 = arith.constant 3 : i32
        %get3A_857 = arith.index_cast %get3A_856 : i32 to index
        %get3A_858 = arith.index_cast %scan3A_425 : i32 to index
        %get3A_859 = arith.constant 432 : index
        %get3A_860 = tpu.vector_load %arg6[%get3A_857, %get3A_858, %get3A_859] {strides = array<i32>} : memref<5x32x512xf32, #tpu.memory_space<vmem>>, vector<1x1x16xf32>,
        %get3A_861 = vector.shape_cast %get3A_860 : vector<1x1x16xf32> to vector<16xf32>
        %mul3A_862 = arith.constant 22.6274166 : f32
        %mul3A_863 = vector.broadcast %mul3A_862 : f32 to vector<16xf32>
        %mul3A_864 = arith.mulf %get3A_861, %mul3A_863 : vector<16xf32>
        %swap3A_865 = arith.constant 3 : i32
        %swap3A_866 = arith.index_cast %swap3A_865 : i32 to index
        %swap3A_867 = arith.index_cast %scan3A_425 : i32 to index
        %swap3A_868 = arith.constant 432 : index
        %swap3A_869 = tpu.vector_load %arg6[%swap3A_866, %swap3A_867, %swap3A_868] {strides = array<i32>} : memref<5x32x512xf32, #tpu.memory_space<vmem>>, vector<1x1x16xf32>,
        %swap3A_870 = vector.shape_cast %swap3A_869 : vector<1x1x16xf32> to vector<16xf32>
        %swap3A_871 = vector.shape_cast %mul3A_864 : vector<16xf32> to vector<1x1x16xf32>
        tpu.vector_store %arg6[%swap3A_866, %swap3A_867, %swap3A_868], %swap3A_871 {strides = array<i32>} : memref<5x32x512xf32, #tpu.memory_space<vmem>>, vector<1x1x16xf32>,
        %get3A_872 = arith.constant 3 : i32
        %get3A_873 = arith.index_cast %get3A_872 : i32 to index
        %get3A_874 = arith.index_cast %scan3A_425 : i32 to index
        %get3A_875 = arith.constant 448 : index
        %get3A_876 = tpu.vector_load %arg6[%get3A_873, %get3A_874, %get3A_875] {strides = array<i32>} : memref<5x32x512xf32, #tpu.memory_space<vmem>>, vector<1x1x16xf32>,
        %get3A_877 = vector.shape_cast %get3A_876 : vector<1x1x16xf32> to vector<16xf32>
        %mul3A_878 = arith.constant 22.6274166 : f32
        %mul3A_879 = vector.broadcast %mul3A_878 : f32 to vector<16xf32>
        %mul3A_880 = arith.mulf %get3A_877, %mul3A_879 : vector<16xf32>
        %swap3A_881 = arith.constant 3 : i32
        %swap3A_882 = arith.index_cast %swap3A_881 : i32 to index
        %swap3A_883 = arith.index_cast %scan3A_425 : i32 to index
        %swap3A_884 = arith.constant 448 : index
        %swap3A_885 = tpu.vector_load %arg6[%swap3A_882, %swap3A_883, %swap3A_884] {strides = array<i32>} : memref<5x32x512xf32, #tpu.memory_space<vmem>>, vector<1x1x16xf32>,
        %swap3A_886 = vector.shape_cast %swap3A_885 : vector<1x1x16xf32> to vector<16xf32>
        %swap3A_887 = vector.shape_cast %mul3A_880 : vector<16xf32> to vector<1x1x16xf32>
        tpu.vector_store %arg6[%swap3A_882, %swap3A_883, %swap3A_884], %swap3A_887 {strides = array<i32>} : memref<5x32x512xf32, #tpu.memory_space<vmem>>, vector<1x1x16xf32>,
        %get3A_888 = arith.constant 3 : i32
        %get3A_889 = arith.index_cast %get3A_888 : i32 to index
        %get3A_890 = arith.index_cast %scan3A_425 : i32 to index
        %get3A_891 = arith.constant 464 : index
        %get3A_892 = tpu.vector_load %arg6[%get3A_889, %get3A_890, %get3A_891] {strides = array<i32>} : memref<5x32x512xf32, #tpu.memory_space<vmem>>, vector<1x1x16xf32>,
        %get3A_893 = vector.shape_cast %get3A_892 : vector<1x1x16xf32> to vector<16xf32>
        %mul3A_894 = arith.constant 22.6274166 : f32
        %mul3A_895 = vector.broadcast %mul3A_894 : f32 to vector<16xf32>
        %mul3A_896 = arith.mulf %get3A_893, %mul3A_895 : vector<16xf32>
        %swap3A_897 = arith.constant 3 : i32
        %swap3A_898 = arith.index_cast %swap3A_897 : i32 to index
        %swap3A_899 = arith.index_cast %scan3A_425 : i32 to index
        %swap3A_900 = arith.constant 464 : index
        %swap3A_901 = tpu.vector_load %arg6[%swap3A_898, %swap3A_899, %swap3A_900] {strides = array<i32>} : memref<5x32x512xf32, #tpu.memory_space<vmem>>, vector<1x1x16xf32>,
        %swap3A_902 = vector.shape_cast %swap3A_901 : vector<1x1x16xf32> to vector<16xf32>
        %swap3A_903 = vector.shape_cast %mul3A_896 : vector<16xf32> to vector<1x1x16xf32>
        tpu.vector_store %arg6[%swap3A_898, %swap3A_899, %swap3A_900], %swap3A_903 {strides = array<i32>} : memref<5x32x512xf32, #tpu.memory_space<vmem>>, vector<1x1x16xf32>,
        %get3A_904 = arith.constant 3 : i32
        %get3A_905 = arith.index_cast %get3A_904 : i32 to index
        %get3A_906 = arith.index_cast %scan3A_425 : i32 to index
        %get3A_907 = arith.constant 480 : index
        %get3A_908 = tpu.vector_load %arg6[%get3A_905, %get3A_906, %get3A_907] {strides = array<i32>} : memref<5x32x512xf32, #tpu.memory_space<vmem>>, vector<1x1x16xf32>,
        %get3A_909 = vector.shape_cast %get3A_908 : vector<1x1x16xf32> to vector<16xf32>
        %mul3A_910 = arith.constant 22.6274166 : f32
        %mul3A_911 = vector.broadcast %mul3A_910 : f32 to vector<16xf32>
        %mul3A_912 = arith.mulf %get3A_909, %mul3A_911 : vector<16xf32>
        %swap3A_913 = arith.constant 3 : i32
        %swap3A_914 = arith.index_cast %swap3A_913 : i32 to index
        %swap3A_915 = arith.index_cast %scan3A_425 : i32 to index
        %swap3A_916 = arith.constant 480 : index
        %swap3A_917 = tpu.vector_load %arg6[%swap3A_914, %swap3A_915, %swap3A_916] {strides = array<i32>} : memref<5x32x512xf32, #tpu.memory_space<vmem>>, vector<1x1x16xf32>,
        %swap3A_918 = vector.shape_cast %swap3A_917 : vector<1x1x16xf32> to vector<16xf32>
        %swap3A_919 = vector.shape_cast %mul3A_912 : vector<16xf32> to vector<1x1x16xf32>
        tpu.vector_store %arg6[%swap3A_914, %swap3A_915, %swap3A_916], %swap3A_919 {strides = array<i32>} : memref<5x32x512xf32, #tpu.memory_space<vmem>>, vector<1x1x16xf32>,
        %get3A_920 = arith.constant 3 : i32
        %get3A_921 = arith.index_cast %get3A_920 : i32 to index
        %get3A_922 = arith.index_cast %scan3A_425 : i32 to index
        %get3A_923 = arith.constant 496 : index
        %get3A_924 = tpu.vector_load %arg6[%get3A_921, %get3A_922, %get3A_923] {strides = array<i32>} : memref<5x32x512xf32, #tpu.memory_space<vmem>>, vector<1x1x16xf32>,
        %get3A_925 = vector.shape_cast %get3A_924 : vector<1x1x16xf32> to vector<16xf32>
        %mul3A_926 = arith.constant 22.6274166 : f32
        %mul3A_927 = vector.broadcast %mul3A_926 : f32 to vector<16xf32>
        %mul3A_928 = arith.mulf %get3A_925, %mul3A_927 : vector<16xf32>
        %swap3A_929 = arith.constant 3 : i32
        %swap3A_930 = arith.index_cast %swap3A_929 : i32 to index
        %swap3A_931 = arith.index_cast %scan3A_425 : i32 to index
        %swap3A_932 = arith.constant 496 : index
        %swap3A_933 = tpu.vector_load %arg6[%swap3A_930, %swap3A_931, %swap3A_932] {strides = array<i32>} : memref<5x32x512xf32, #tpu.memory_space<vmem>>, vector<1x1x16xf32>,
        %swap3A_934 = vector.shape_cast %swap3A_933 : vector<1x1x16xf32> to vector<16xf32>
        %swap3A_935 = vector.shape_cast %mul3A_928 : vector<16xf32> to vector<1x1x16xf32>
        tpu.vector_store %arg6[%swap3A_930, %swap3A_931, %swap3A_932], %swap3A_935 {strides = array<i32>} : memref<5x32x512xf32, #tpu.memory_space<vmem>>, vector<1x1x16xf32>,
      }
      %scan3A_337 = arith.constant 32 : i32
      %mul3A_338 = arith.constant 32 : i32
      %mul3A_339 = arith.muli %add3A_318, %mul3A_338 : i32
      %multiple_of3A_340 = tpu.assume_multiple %mul3A_339, 8 : i32
      %add3A_341 = arith.addi %mul3A_2, %multiple_of3A_340 : i32
      %dma_start3A_342 = arith.constant 3 : i32
      %dma_start3A_343 = arith.constant 3 : i32
      %dma_start3A_344 = arith.constant 0 : i32
      %dma_start3A_345 = arith.constant 0 : i32
      %dma_start3A_346 = tpu.memref_slice %arg6[%dma_start3A_342, %dma_start3A_344, %dma_start3A_345] : memref<5x32x512xf32, #tpu.memory_space<vmem>> -> memref<1x32x512xf32, #tpu.memory_space<vmem>>
      %dma_start3A_347 = tpu.memref_squeeze %dma_start3A_346 : memref<1x32x512xf32, #tpu.memory_space<vmem>> -> memref<32x512xf32, #tpu.memory_space<vmem>>
      %dma_start3A_348 = arith.constant 0 : i32
      %dma_start3A_349 = tpu.memref_slice %arg4[%add3A_341, %dma_start3A_348] : memref<81920x512xf32, #tpu.memory_space<hbm>> -> memref<32x512xf32, #tpu.memory_space<hbm>>
      %dma_start3A_350 = tpu.memref_slice %arg8[%dma_start3A_343] : memref<5x!tpu.dma_semaphore, #tpu.memory_space<semaphore_mem>> -> memref<1x!tpu.dma_semaphore, #tpu.memory_space<semaphore_mem>>
      %dma_start3A_351 = tpu.memref_squeeze %dma_start3A_350 : memref<1x!tpu.dma_semaphore, #tpu.memory_space<semaphore_mem>> -> memref<!tpu.dma_semaphore, #tpu.memory_space<semaphore_mem>>
      %dma_start3A_352 = arith.constant 0 : i32
      %dma_start3A_353 = tpu.memref_slice %arg4[%add3A_341, %dma_start3A_352] : memref<81920x512xf32, #tpu.memory_space<hbm>> -> memref<32x512xf32, #tpu.memory_space<hbm>>
      %dma_start3A_354 = arith.constant 0 : i32
      %dma_start3A_355 = arith.constant 0 : i32
      %dma_start3A_356 = tpu.memref_slice %arg6[%dma_start3A_342, %dma_start3A_354, %dma_start3A_355] : memref<5x32x512xf32, #tpu.memory_space<vmem>> -> memref<1x32x512xf32, #tpu.memory_space<vmem>>
      %dma_start3A_357 = tpu.memref_squeeze %dma_start3A_356 : memref<1x32x512xf32, #tpu.memory_space<vmem>> -> memref<32x512xf32, #tpu.memory_space<vmem>>
      tpu.enqueue_dma source(%dma_start3A_357 : memref<32x512xf32, #tpu.memory_space<vmem>>) target(%dma_start3A_353 : memref<32x512xf32, #tpu.memory_space<hbm>>) target_semaphore(%dma_start3A_351 : memref<!tpu.dma_semaphore, #tpu.memory_space<semaphore_mem>>)
      %add3A_358 = arith.constant 5 : i32
      %add3A_359 = arith.addi %add3A_318, %add3A_358 : i32
      %sub3A_360 = arith.constant 1 : i32
      %sub3A_361 = arith.subi %add3A_359, %sub3A_360 : i32
      %ge3A_362 = arith.constant 5 : i32
      %ge3A_363 = arith.cmpi sge, %sub3A_361, %ge3A_362 : i32
      %lt3A_364 = arith.constant 80 : i32
      %lt3A_365 = arith.cmpi slt, %sub3A_361, %lt3A_364 : i32
      %and3A_366 = arith.andi %ge3A_363, %lt3A_365 : i1
      %convert_element_type3A_367 = arith.extui %and3A_366 : i1 to i32
      %cond3A_368 = arith.constant 0 : i32
      %cond3A_369 = arith.cmpi ne, %convert_element_type3A_367, %cond3A_368 : i32
      scf.if %cond3A_369 {
        %dma_wait3A_425 = arith.constant 2 : i32
        %dma_wait3A_426 = arith.constant 2 : i32
        %dma_wait3A_427 = arith.constant 0 : i32
        %dma_wait3A_428 = arith.constant 0 : i32
        %dma_wait3A_429 = tpu.memref_slice %arg6[%dma_wait3A_425, %dma_wait3A_427, %dma_wait3A_428] : memref<5x32x512xf32, #tpu.memory_space<vmem>> -> memref<1x32x512xf32, #tpu.memory_space<vmem>>
        %dma_wait3A_430 = tpu.memref_squeeze %dma_wait3A_429 : memref<1x32x512xf32, #tpu.memory_space<vmem>> -> memref<32x512xf32, #tpu.memory_space<vmem>>
        %dma_wait3A_431 = arith.constant 0 : i32
        %dma_wait3A_432 = tpu.memref_slice %arg4[%mul3A_2, %dma_wait3A_431] : memref<81920x512xf32, #tpu.memory_space<hbm>> -> memref<32x512xf32, #tpu.memory_space<hbm>>
        %dma_wait3A_433 = tpu.memref_slice %arg8[%dma_wait3A_426] : memref<5x!tpu.dma_semaphore, #tpu.memory_space<semaphore_mem>> -> memref<1x!tpu.dma_semaphore, #tpu.memory_space<semaphore_mem>>
        %dma_wait3A_434 = tpu.memref_squeeze %dma_wait3A_433 : memref<1x!tpu.dma_semaphore, #tpu.memory_space<semaphore_mem>> -> memref<!tpu.dma_semaphore, #tpu.memory_space<semaphore_mem>>
        %dma_wait3A_435 = arith.constant 0 : i32
        %dma_wait3A_436 = tpu.memref_slice %arg4[%mul3A_2, %dma_wait3A_435] : memref<81920x512xf32, #tpu.memory_space<hbm>> -> memref<32x512xf32, #tpu.memory_space<hbm>>
        %dma_wait3A_437 = arith.constant 0 : i32
        %dma_wait3A_438 = arith.constant 0 : i32
        %dma_wait3A_439 = tpu.memref_slice %arg6[%dma_wait3A_425, %dma_wait3A_437, %dma_wait3A_438] : memref<5x32x512xf32, #tpu.memory_space<vmem>> -> memref<1x32x512xf32, #tpu.memory_space<vmem>>
        %dma_wait3A_440 = tpu.memref_squeeze %dma_wait3A_439 : memref<1x32x512xf32, #tpu.memory_space<vmem>> -> memref<32x512xf32, #tpu.memory_space<vmem>>
        tpu.wait_dma2 semaphore(%dma_wait3A_434 : memref<!tpu.dma_semaphore, #tpu.memory_space<semaphore_mem>>) src(%dma_wait3A_440 : memref<32x512xf32, #tpu.memory_space<vmem>>) dst(%dma_wait3A_436 : memref<32x512xf32, #tpu.memory_space<hbm>>)
        %mul3A_441 = arith.constant 32 : i32
        %mul3A_442 = arith.muli %sub3A_361, %mul3A_441 : i32
        %multiple_of3A_443 = tpu.assume_multiple %mul3A_442, 8 : i32
        %dma_start3A_444 = arith.constant 2 : i32
        %dma_start3A_445 = arith.constant 2 : i32
        %dma_start3A_446 = arith.constant 0 : i32
        %dma_start3A_447 = arith.constant 0 : i32
        %dma_start3A_448 = tpu.memref_slice %arg6[%dma_start3A_444, %dma_start3A_446, %dma_start3A_447] : memref<5x32x512xf32, #tpu.memory_space<vmem>> -> memref<1x32x512xf32, #tpu.memory_space<vmem>>
        %dma_start3A_449 = tpu.memref_squeeze %dma_start3A_448 : memref<1x32x512xf32, #tpu.memory_space<vmem>> -> memref<32x512xf32, #tpu.memory_space<vmem>>
        %dma_start3A_450 = tpu.memref_slice %arg5[%multiple_of3A_443] : memref<2560xi32, #tpu.memory_space<vmem>> -> memref<32xi32, #tpu.memory_space<vmem>>
        %dma_start3A_451 = arith.constant 0 : i32
        %dma_start3A_452 = arith.constant 0 : i32
        %dma_start3A_453 = tpu.memref_slice %arg3[%dma_start3A_451, %dma_start3A_452] : memref<100000x512xf32, #tpu.memory_space<hbm>> -> memref<100000x512xf32, #tpu.memory_space<hbm>>
        %dma_start3A_454 = tpu.memref_slice %arg7[%dma_start3A_445] : memref<5x!tpu.dma_semaphore, #tpu.memory_space<semaphore_mem>> -> memref<1x!tpu.dma_semaphore, #tpu.memory_space<semaphore_mem>>
        %dma_start3A_455 = tpu.memref_squeeze %dma_start3A_454 : memref<1x!tpu.dma_semaphore, #tpu.memory_space<semaphore_mem>> -> memref<!tpu.dma_semaphore, #tpu.memory_space<semaphore_mem>>
        tpu.enqueue_indirect_dma source(%dma_start3A_453 : memref<100000x512xf32, #tpu.memory_space<hbm>>) target(%dma_start3A_449 : memref<32x512xf32, #tpu.memory_space<vmem>>) offsets(%dma_start3A_450 : memref<32xi32, #tpu.memory_space<vmem>>) semaphore(%dma_start3A_455 : memref<!tpu.dma_semaphore, #tpu.memory_space<semaphore_mem>>)
      } else {
      }
      %mul3A_370 = arith.constant 5 : i32
      %mul3A_371 = arith.muli %scan3A_155, %mul3A_370 : i32
      %add3A_372 = arith.constant 4 : i32
      %add3A_373 = arith.addi %mul3A_371, %add3A_372 : i32
      %dma_wait3A_374 = arith.constant 4 : i32
      %dma_wait3A_375 = arith.constant 4 : i32
      %dma_wait3A_376 = arith.constant 0 : i32
      %dma_wait3A_377 = arith.constant 0 : i32
      %dma_wait3A_378 = tpu.memref_slice %arg6[%dma_wait3A_374, %dma_wait3A_376, %dma_wait3A_377] : memref<5x32x512xf32, #tpu.memory_space<vmem>> -> memref<1x32x512xf32, #tpu.memory_space<vmem>>
      %dma_wait3A_379 = tpu.memref_squeeze %dma_wait3A_378 : memref<1x32x512xf32, #tpu.memory_space<vmem>> -> memref<32x512xf32, #tpu.memory_space<vmem>>
      %dma_wait3A_380 = arith.constant 0 : i32
      %dma_wait3A_381 = tpu.memref_slice %arg5[%dma_wait3A_380] : memref<2560xi32, #tpu.memory_space<vmem>> -> memref<32xi32, #tpu.memory_space<vmem>>
      %dma_wait3A_382 = arith.constant 0 : i32
      %dma_wait3A_383 = arith.constant 0 : i32
      %dma_wait3A_384 = tpu.memref_slice %arg3[%dma_wait3A_382, %dma_wait3A_383] : memref<100000x512xf32, #tpu.memory_space<hbm>> -> memref<100000x512xf32, #tpu.memory_space<hbm>>
      %dma_wait3A_385 = tpu.memref_slice %arg7[%dma_wait3A_375] : memref<5x!tpu.dma_semaphore, #tpu.memory_space<semaphore_mem>> -> memref<1x!tpu.dma_semaphore, #tpu.memory_space<semaphore_mem>>
      %dma_wait3A_386 = tpu.memref_squeeze %dma_wait3A_385 : memref<1x!tpu.dma_semaphore, #tpu.memory_space<semaphore_mem>> -> memref<!tpu.dma_semaphore, #tpu.memory_space<semaphore_mem>>
      tpu.wait_indirect_dma semaphore(%dma_wait3A_386 : memref<!tpu.dma_semaphore, #tpu.memory_space<semaphore_mem>>) src(%dma_wait3A_384 : memref<100000x512xf32, #tpu.memory_space<hbm>>) dst(%dma_wait3A_379 : memref<32x512xf32, #tpu.memory_space<vmem>>)
      %scan3A_387 = arith.constant 0 : i32
      %scan3A_388 = arith.constant 0 : i32
      %scan3A_389 = arith.constant 32 : i32
      %scan3A_390 = arith.addi %scan3A_388, %scan3A_389 : i32
      %scan3A_391 = arith.constant 1 : i32
      scf.for %scan3A_425 = %scan3A_388 to %scan3A_390 step %scan3A_391  : i32 {
        %get3A = arith.constant 4 : i32
        %get3A_426 = arith.index_cast %get3A : i32 to index
        %get3A_427 = arith.index_cast %scan3A_425 : i32 to index
        %get3A_428 = arith.constant 0 : index
        %get3A_429 = tpu.vector_load %arg6[%get3A_426, %get3A_427, %get3A_428] {strides = array<i32>} : memref<5x32x512xf32, #tpu.memory_space<vmem>>, vector<1x1x16xf32>,
        %get3A_430 = vector.shape_cast %get3A_429 : vector<1x1x16xf32> to vector<16xf32>
        %mul3A_431 = arith.constant 22.6274166 : f32
        %mul3A_432 = vector.broadcast %mul3A_431 : f32 to vector<16xf32>
        %mul3A_433 = arith.mulf %get3A_430, %mul3A_432 : vector<16xf32>
        %swap3A = arith.constant 4 : i32
        %swap3A_434 = arith.index_cast %swap3A : i32 to index
        %swap3A_435 = arith.index_cast %scan3A_425 : i32 to index
        %swap3A_436 = arith.constant 0 : index
        %swap3A_437 = tpu.vector_load %arg6[%swap3A_434, %swap3A_435, %swap3A_436] {strides = array<i32>} : memref<5x32x512xf32, #tpu.memory_space<vmem>>, vector<1x1x16xf32>,
        %swap3A_438 = vector.shape_cast %swap3A_437 : vector<1x1x16xf32> to vector<16xf32>
        %swap3A_439 = vector.shape_cast %mul3A_433 : vector<16xf32> to vector<1x1x16xf32>
        tpu.vector_store %arg6[%swap3A_434, %swap3A_435, %swap3A_436], %swap3A_439 {strides = array<i32>} : memref<5x32x512xf32, #tpu.memory_space<vmem>>, vector<1x1x16xf32>,
        %get3A_440 = arith.constant 4 : i32
        %get3A_441 = arith.index_cast %get3A_440 : i32 to index
        %get3A_442 = arith.index_cast %scan3A_425 : i32 to index
        %get3A_443 = arith.constant 16 : index
        %get3A_444 = tpu.vector_load %arg6[%get3A_441, %get3A_442, %get3A_443] {strides = array<i32>} : memref<5x32x512xf32, #tpu.memory_space<vmem>>, vector<1x1x16xf32>,
        %get3A_445 = vector.shape_cast %get3A_444 : vector<1x1x16xf32> to vector<16xf32>
        %mul3A_446 = arith.constant 22.6274166 : f32
        %mul3A_447 = vector.broadcast %mul3A_446 : f32 to vector<16xf32>
        %mul3A_448 = arith.mulf %get3A_445, %mul3A_447 : vector<16xf32>
        %swap3A_449 = arith.constant 4 : i32
        %swap3A_450 = arith.index_cast %swap3A_449 : i32 to index
        %swap3A_451 = arith.index_cast %scan3A_425 : i32 to index
        %swap3A_452 = arith.constant 16 : index
        %swap3A_453 = tpu.vector_load %arg6[%swap3A_450, %swap3A_451, %swap3A_452] {strides = array<i32>} : memref<5x32x512xf32, #tpu.memory_space<vmem>>, vector<1x1x16xf32>,
        %swap3A_454 = vector.shape_cast %swap3A_453 : vector<1x1x16xf32> to vector<16xf32>
        %swap3A_455 = vector.shape_cast %mul3A_448 : vector<16xf32> to vector<1x1x16xf32>
        tpu.vector_store %arg6[%swap3A_450, %swap3A_451, %swap3A_452], %swap3A_455 {strides = array<i32>} : memref<5x32x512xf32, #tpu.memory_space<vmem>>, vector<1x1x16xf32>,
        %get3A_456 = arith.constant 4 : i32
        %get3A_457 = arith.index_cast %get3A_456 : i32 to index
        %get3A_458 = arith.index_cast %scan3A_425 : i32 to index
        %get3A_459 = arith.constant 32 : index
        %get3A_460 = tpu.vector_load %arg6[%get3A_457, %get3A_458, %get3A_459] {strides = array<i32>} : memref<5x32x512xf32, #tpu.memory_space<vmem>>, vector<1x1x16xf32>,
        %get3A_461 = vector.shape_cast %get3A_460 : vector<1x1x16xf32> to vector<16xf32>
        %mul3A_462 = arith.constant 22.6274166 : f32
        %mul3A_463 = vector.broadcast %mul3A_462 : f32 to vector<16xf32>
        %mul3A_464 = arith.mulf %get3A_461, %mul3A_463 : vector<16xf32>
        %swap3A_465 = arith.constant 4 : i32
        %swap3A_466 = arith.index_cast %swap3A_465 : i32 to index
        %swap3A_467 = arith.index_cast %scan3A_425 : i32 to index
        %swap3A_468 = arith.constant 32 : index
        %swap3A_469 = tpu.vector_load %arg6[%swap3A_466, %swap3A_467, %swap3A_468] {strides = array<i32>} : memref<5x32x512xf32, #tpu.memory_space<vmem>>, vector<1x1x16xf32>,
        %swap3A_470 = vector.shape_cast %swap3A_469 : vector<1x1x16xf32> to vector<16xf32>
        %swap3A_471 = vector.shape_cast %mul3A_464 : vector<16xf32> to vector<1x1x16xf32>
        tpu.vector_store %arg6[%swap3A_466, %swap3A_467, %swap3A_468], %swap3A_471 {strides = array<i32>} : memref<5x32x512xf32, #tpu.memory_space<vmem>>, vector<1x1x16xf32>,
        %get3A_472 = arith.constant 4 : i32
        %get3A_473 = arith.index_cast %get3A_472 : i32 to index
        %get3A_474 = arith.index_cast %scan3A_425 : i32 to index
        %get3A_475 = arith.constant 48 : index
        %get3A_476 = tpu.vector_load %arg6[%get3A_473, %get3A_474, %get3A_475] {strides = array<i32>} : memref<5x32x512xf32, #tpu.memory_space<vmem>>, vector<1x1x16xf32>,
        %get3A_477 = vector.shape_cast %get3A_476 : vector<1x1x16xf32> to vector<16xf32>
        %mul3A_478 = arith.constant 22.6274166 : f32
        %mul3A_479 = vector.broadcast %mul3A_478 : f32 to vector<16xf32>
        %mul3A_480 = arith.mulf %get3A_477, %mul3A_479 : vector<16xf32>
        %swap3A_481 = arith.constant 4 : i32
        %swap3A_482 = arith.index_cast %swap3A_481 : i32 to index
        %swap3A_483 = arith.index_cast %scan3A_425 : i32 to index
        %swap3A_484 = arith.constant 48 : index
        %swap3A_485 = tpu.vector_load %arg6[%swap3A_482, %swap3A_483, %swap3A_484] {strides = array<i32>} : memref<5x32x512xf32, #tpu.memory_space<vmem>>, vector<1x1x16xf32>,
        %swap3A_486 = vector.shape_cast %swap3A_485 : vector<1x1x16xf32> to vector<16xf32>
        %swap3A_487 = vector.shape_cast %mul3A_480 : vector<16xf32> to vector<1x1x16xf32>
        tpu.vector_store %arg6[%swap3A_482, %swap3A_483, %swap3A_484], %swap3A_487 {strides = array<i32>} : memref<5x32x512xf32, #tpu.memory_space<vmem>>, vector<1x1x16xf32>,
        %get3A_488 = arith.constant 4 : i32
        %get3A_489 = arith.index_cast %get3A_488 : i32 to index
        %get3A_490 = arith.index_cast %scan3A_425 : i32 to index
        %get3A_491 = arith.constant 64 : index
        %get3A_492 = tpu.vector_load %arg6[%get3A_489, %get3A_490, %get3A_491] {strides = array<i32>} : memref<5x32x512xf32, #tpu.memory_space<vmem>>, vector<1x1x16xf32>,
        %get3A_493 = vector.shape_cast %get3A_492 : vector<1x1x16xf32> to vector<16xf32>
        %mul3A_494 = arith.constant 22.6274166 : f32
        %mul3A_495 = vector.broadcast %mul3A_494 : f32 to vector<16xf32>
        %mul3A_496 = arith.mulf %get3A_493, %mul3A_495 : vector<16xf32>
        %swap3A_497 = arith.constant 4 : i32
        %swap3A_498 = arith.index_cast %swap3A_497 : i32 to index
        %swap3A_499 = arith.index_cast %scan3A_425 : i32 to index
        %swap3A_500 = arith.constant 64 : index
        %swap3A_501 = tpu.vector_load %arg6[%swap3A_498, %swap3A_499, %swap3A_500] {strides = array<i32>} : memref<5x32x512xf32, #tpu.memory_space<vmem>>, vector<1x1x16xf32>,
        %swap3A_502 = vector.shape_cast %swap3A_501 : vector<1x1x16xf32> to vector<16xf32>
        %swap3A_503 = vector.shape_cast %mul3A_496 : vector<16xf32> to vector<1x1x16xf32>
        tpu.vector_store %arg6[%swap3A_498, %swap3A_499, %swap3A_500], %swap3A_503 {strides = array<i32>} : memref<5x32x512xf32, #tpu.memory_space<vmem>>, vector<1x1x16xf32>,
        %get3A_504 = arith.constant 4 : i32
        %get3A_505 = arith.index_cast %get3A_504 : i32 to index
        %get3A_506 = arith.index_cast %scan3A_425 : i32 to index
        %get3A_507 = arith.constant 80 : index
        %get3A_508 = tpu.vector_load %arg6[%get3A_505, %get3A_506, %get3A_507] {strides = array<i32>} : memref<5x32x512xf32, #tpu.memory_space<vmem>>, vector<1x1x16xf32>,
        %get3A_509 = vector.shape_cast %get3A_508 : vector<1x1x16xf32> to vector<16xf32>
        %mul3A_510 = arith.constant 22.6274166 : f32
        %mul3A_511 = vector.broadcast %mul3A_510 : f32 to vector<16xf32>
        %mul3A_512 = arith.mulf %get3A_509, %mul3A_511 : vector<16xf32>
        %swap3A_513 = arith.constant 4 : i32
        %swap3A_514 = arith.index_cast %swap3A_513 : i32 to index
        %swap3A_515 = arith.index_cast %scan3A_425 : i32 to index
        %swap3A_516 = arith.constant 80 : index
        %swap3A_517 = tpu.vector_load %arg6[%swap3A_514, %swap3A_515, %swap3A_516] {strides = array<i32>} : memref<5x32x512xf32, #tpu.memory_space<vmem>>, vector<1x1x16xf32>,
        %swap3A_518 = vector.shape_cast %swap3A_517 : vector<1x1x16xf32> to vector<16xf32>
        %swap3A_519 = vector.shape_cast %mul3A_512 : vector<16xf32> to vector<1x1x16xf32>
        tpu.vector_store %arg6[%swap3A_514, %swap3A_515, %swap3A_516], %swap3A_519 {strides = array<i32>} : memref<5x32x512xf32, #tpu.memory_space<vmem>>, vector<1x1x16xf32>,
        %get3A_520 = arith.constant 4 : i32
        %get3A_521 = arith.index_cast %get3A_520 : i32 to index
        %get3A_522 = arith.index_cast %scan3A_425 : i32 to index
        %get3A_523 = arith.constant 96 : index
        %get3A_524 = tpu.vector_load %arg6[%get3A_521, %get3A_522, %get3A_523] {strides = array<i32>} : memref<5x32x512xf32, #tpu.memory_space<vmem>>, vector<1x1x16xf32>,
        %get3A_525 = vector.shape_cast %get3A_524 : vector<1x1x16xf32> to vector<16xf32>
        %mul3A_526 = arith.constant 22.6274166 : f32
        %mul3A_527 = vector.broadcast %mul3A_526 : f32 to vector<16xf32>
        %mul3A_528 = arith.mulf %get3A_525, %mul3A_527 : vector<16xf32>
        %swap3A_529 = arith.constant 4 : i32
        %swap3A_530 = arith.index_cast %swap3A_529 : i32 to index
        %swap3A_531 = arith.index_cast %scan3A_425 : i32 to index
        %swap3A_532 = arith.constant 96 : index
        %swap3A_533 = tpu.vector_load %arg6[%swap3A_530, %swap3A_531, %swap3A_532] {strides = array<i32>} : memref<5x32x512xf32, #tpu.memory_space<vmem>>, vector<1x1x16xf32>,
        %swap3A_534 = vector.shape_cast %swap3A_533 : vector<1x1x16xf32> to vector<16xf32>
        %swap3A_535 = vector.shape_cast %mul3A_528 : vector<16xf32> to vector<1x1x16xf32>
        tpu.vector_store %arg6[%swap3A_530, %swap3A_531, %swap3A_532], %swap3A_535 {strides = array<i32>} : memref<5x32x512xf32, #tpu.memory_space<vmem>>, vector<1x1x16xf32>,
        %get3A_536 = arith.constant 4 : i32
        %get3A_537 = arith.index_cast %get3A_536 : i32 to index
        %get3A_538 = arith.index_cast %scan3A_425 : i32 to index
        %get3A_539 = arith.constant 112 : index
        %get3A_540 = tpu.vector_load %arg6[%get3A_537, %get3A_538, %get3A_539] {strides = array<i32>} : memref<5x32x512xf32, #tpu.memory_space<vmem>>, vector<1x1x16xf32>,
        %get3A_541 = vector.shape_cast %get3A_540 : vector<1x1x16xf32> to vector<16xf32>
        %mul3A_542 = arith.constant 22.6274166 : f32
        %mul3A_543 = vector.broadcast %mul3A_542 : f32 to vector<16xf32>
        %mul3A_544 = arith.mulf %get3A_541, %mul3A_543 : vector<16xf32>
        %swap3A_545 = arith.constant 4 : i32
        %swap3A_546 = arith.index_cast %swap3A_545 : i32 to index
        %swap3A_547 = arith.index_cast %scan3A_425 : i32 to index
        %swap3A_548 = arith.constant 112 : index
        %swap3A_549 = tpu.vector_load %arg6[%swap3A_546, %swap3A_547, %swap3A_548] {strides = array<i32>} : memref<5x32x512xf32, #tpu.memory_space<vmem>>, vector<1x1x16xf32>,
        %swap3A_550 = vector.shape_cast %swap3A_549 : vector<1x1x16xf32> to vector<16xf32>
        %swap3A_551 = vector.shape_cast %mul3A_544 : vector<16xf32> to vector<1x1x16xf32>
        tpu.vector_store %arg6[%swap3A_546, %swap3A_547, %swap3A_548], %swap3A_551 {strides = array<i32>} : memref<5x32x512xf32, #tpu.memory_space<vmem>>, vector<1x1x16xf32>,
        %get3A_552 = arith.constant 4 : i32
        %get3A_553 = arith.index_cast %get3A_552 : i32 to index
        %get3A_554 = arith.index_cast %scan3A_425 : i32 to index
        %get3A_555 = arith.constant 128 : index
        %get3A_556 = tpu.vector_load %arg6[%get3A_553, %get3A_554, %get3A_555] {strides = array<i32>} : memref<5x32x512xf32, #tpu.memory_space<vmem>>, vector<1x1x16xf32>,
        %get3A_557 = vector.shape_cast %get3A_556 : vector<1x1x16xf32> to vector<16xf32>
        %mul3A_558 = arith.constant 22.6274166 : f32
        %mul3A_559 = vector.broadcast %mul3A_558 : f32 to vector<16xf32>
        %mul3A_560 = arith.mulf %get3A_557, %mul3A_559 : vector<16xf32>
        %swap3A_561 = arith.constant 4 : i32
        %swap3A_562 = arith.index_cast %swap3A_561 : i32 to index
        %swap3A_563 = arith.index_cast %scan3A_425 : i32 to index
        %swap3A_564 = arith.constant 128 : index
        %swap3A_565 = tpu.vector_load %arg6[%swap3A_562, %swap3A_563, %swap3A_564] {strides = array<i32>} : memref<5x32x512xf32, #tpu.memory_space<vmem>>, vector<1x1x16xf32>,
        %swap3A_566 = vector.shape_cast %swap3A_565 : vector<1x1x16xf32> to vector<16xf32>
        %swap3A_567 = vector.shape_cast %mul3A_560 : vector<16xf32> to vector<1x1x16xf32>
        tpu.vector_store %arg6[%swap3A_562, %swap3A_563, %swap3A_564], %swap3A_567 {strides = array<i32>} : memref<5x32x512xf32, #tpu.memory_space<vmem>>, vector<1x1x16xf32>,
        %get3A_568 = arith.constant 4 : i32
        %get3A_569 = arith.index_cast %get3A_568 : i32 to index
        %get3A_570 = arith.index_cast %scan3A_425 : i32 to index
        %get3A_571 = arith.constant 144 : index
        %get3A_572 = tpu.vector_load %arg6[%get3A_569, %get3A_570, %get3A_571] {strides = array<i32>} : memref<5x32x512xf32, #tpu.memory_space<vmem>>, vector<1x1x16xf32>,
        %get3A_573 = vector.shape_cast %get3A_572 : vector<1x1x16xf32> to vector<16xf32>
        %mul3A_574 = arith.constant 22.6274166 : f32
        %mul3A_575 = vector.broadcast %mul3A_574 : f32 to vector<16xf32>
        %mul3A_576 = arith.mulf %get3A_573, %mul3A_575 : vector<16xf32>
        %swap3A_577 = arith.constant 4 : i32
        %swap3A_578 = arith.index_cast %swap3A_577 : i32 to index
        %swap3A_579 = arith.index_cast %scan3A_425 : i32 to index
        %swap3A_580 = arith.constant 144 : index
        %swap3A_581 = tpu.vector_load %arg6[%swap3A_578, %swap3A_579, %swap3A_580] {strides = array<i32>} : memref<5x32x512xf32, #tpu.memory_space<vmem>>, vector<1x1x16xf32>,
        %swap3A_582 = vector.shape_cast %swap3A_581 : vector<1x1x16xf32> to vector<16xf32>
        %swap3A_583 = vector.shape_cast %mul3A_576 : vector<16xf32> to vector<1x1x16xf32>
        tpu.vector_store %arg6[%swap3A_578, %swap3A_579, %swap3A_580], %swap3A_583 {strides = array<i32>} : memref<5x32x512xf32, #tpu.memory_space<vmem>>, vector<1x1x16xf32>,
        %get3A_584 = arith.constant 4 : i32
        %get3A_585 = arith.index_cast %get3A_584 : i32 to index
        %get3A_586 = arith.index_cast %scan3A_425 : i32 to index
        %get3A_587 = arith.constant 160 : index
        %get3A_588 = tpu.vector_load %arg6[%get3A_585, %get3A_586, %get3A_587] {strides = array<i32>} : memref<5x32x512xf32, #tpu.memory_space<vmem>>, vector<1x1x16xf32>,
        %get3A_589 = vector.shape_cast %get3A_588 : vector<1x1x16xf32> to vector<16xf32>
        %mul3A_590 = arith.constant 22.6274166 : f32
        %mul3A_591 = vector.broadcast %mul3A_590 : f32 to vector<16xf32>
        %mul3A_592 = arith.mulf %get3A_589, %mul3A_591 : vector<16xf32>
        %swap3A_593 = arith.constant 4 : i32
        %swap3A_594 = arith.index_cast %swap3A_593 : i32 to index
        %swap3A_595 = arith.index_cast %scan3A_425 : i32 to index
        %swap3A_596 = arith.constant 160 : index
        %swap3A_597 = tpu.vector_load %arg6[%swap3A_594, %swap3A_595, %swap3A_596] {strides = array<i32>} : memref<5x32x512xf32, #tpu.memory_space<vmem>>, vector<1x1x16xf32>,
        %swap3A_598 = vector.shape_cast %swap3A_597 : vector<1x1x16xf32> to vector<16xf32>
        %swap3A_599 = vector.shape_cast %mul3A_592 : vector<16xf32> to vector<1x1x16xf32>
        tpu.vector_store %arg6[%swap3A_594, %swap3A_595, %swap3A_596], %swap3A_599 {strides = array<i32>} : memref<5x32x512xf32, #tpu.memory_space<vmem>>, vector<1x1x16xf32>,
        %get3A_600 = arith.constant 4 : i32
        %get3A_601 = arith.index_cast %get3A_600 : i32 to index
        %get3A_602 = arith.index_cast %scan3A_425 : i32 to index
        %get3A_603 = arith.constant 176 : index
        %get3A_604 = tpu.vector_load %arg6[%get3A_601, %get3A_602, %get3A_603] {strides = array<i32>} : memref<5x32x512xf32, #tpu.memory_space<vmem>>, vector<1x1x16xf32>,
        %get3A_605 = vector.shape_cast %get3A_604 : vector<1x1x16xf32> to vector<16xf32>
        %mul3A_606 = arith.constant 22.6274166 : f32
        %mul3A_607 = vector.broadcast %mul3A_606 : f32 to vector<16xf32>
        %mul3A_608 = arith.mulf %get3A_605, %mul3A_607 : vector<16xf32>
        %swap3A_609 = arith.constant 4 : i32
        %swap3A_610 = arith.index_cast %swap3A_609 : i32 to index
        %swap3A_611 = arith.index_cast %scan3A_425 : i32 to index
        %swap3A_612 = arith.constant 176 : index
        %swap3A_613 = tpu.vector_load %arg6[%swap3A_610, %swap3A_611, %swap3A_612] {strides = array<i32>} : memref<5x32x512xf32, #tpu.memory_space<vmem>>, vector<1x1x16xf32>,
        %swap3A_614 = vector.shape_cast %swap3A_613 : vector<1x1x16xf32> to vector<16xf32>
        %swap3A_615 = vector.shape_cast %mul3A_608 : vector<16xf32> to vector<1x1x16xf32>
        tpu.vector_store %arg6[%swap3A_610, %swap3A_611, %swap3A_612], %swap3A_615 {strides = array<i32>} : memref<5x32x512xf32, #tpu.memory_space<vmem>>, vector<1x1x16xf32>,
        %get3A_616 = arith.constant 4 : i32
        %get3A_617 = arith.index_cast %get3A_616 : i32 to index
        %get3A_618 = arith.index_cast %scan3A_425 : i32 to index
        %get3A_619 = arith.constant 192 : index
        %get3A_620 = tpu.vector_load %arg6[%get3A_617, %get3A_618, %get3A_619] {strides = array<i32>} : memref<5x32x512xf32, #tpu.memory_space<vmem>>, vector<1x1x16xf32>,
        %get3A_621 = vector.shape_cast %get3A_620 : vector<1x1x16xf32> to vector<16xf32>
        %mul3A_622 = arith.constant 22.6274166 : f32
        %mul3A_623 = vector.broadcast %mul3A_622 : f32 to vector<16xf32>
        %mul3A_624 = arith.mulf %get3A_621, %mul3A_623 : vector<16xf32>
        %swap3A_625 = arith.constant 4 : i32
        %swap3A_626 = arith.index_cast %swap3A_625 : i32 to index
        %swap3A_627 = arith.index_cast %scan3A_425 : i32 to index
        %swap3A_628 = arith.constant 192 : index
        %swap3A_629 = tpu.vector_load %arg6[%swap3A_626, %swap3A_627, %swap3A_628] {strides = array<i32>} : memref<5x32x512xf32, #tpu.memory_space<vmem>>, vector<1x1x16xf32>,
        %swap3A_630 = vector.shape_cast %swap3A_629 : vector<1x1x16xf32> to vector<16xf32>
        %swap3A_631 = vector.shape_cast %mul3A_624 : vector<16xf32> to vector<1x1x16xf32>
        tpu.vector_store %arg6[%swap3A_626, %swap3A_627, %swap3A_628], %swap3A_631 {strides = array<i32>} : memref<5x32x512xf32, #tpu.memory_space<vmem>>, vector<1x1x16xf32>,
        %get3A_632 = arith.constant 4 : i32
        %get3A_633 = arith.index_cast %get3A_632 : i32 to index
        %get3A_634 = arith.index_cast %scan3A_425 : i32 to index
        %get3A_635 = arith.constant 208 : index
        %get3A_636 = tpu.vector_load %arg6[%get3A_633, %get3A_634, %get3A_635] {strides = array<i32>} : memref<5x32x512xf32, #tpu.memory_space<vmem>>, vector<1x1x16xf32>,
        %get3A_637 = vector.shape_cast %get3A_636 : vector<1x1x16xf32> to vector<16xf32>
        %mul3A_638 = arith.constant 22.6274166 : f32
        %mul3A_639 = vector.broadcast %mul3A_638 : f32 to vector<16xf32>
        %mul3A_640 = arith.mulf %get3A_637, %mul3A_639 : vector<16xf32>
        %swap3A_641 = arith.constant 4 : i32
        %swap3A_642 = arith.index_cast %swap3A_641 : i32 to index
        %swap3A_643 = arith.index_cast %scan3A_425 : i32 to index
        %swap3A_644 = arith.constant 208 : index
        %swap3A_645 = tpu.vector_load %arg6[%swap3A_642, %swap3A_643, %swap3A_644] {strides = array<i32>} : memref<5x32x512xf32, #tpu.memory_space<vmem>>, vector<1x1x16xf32>,
        %swap3A_646 = vector.shape_cast %swap3A_645 : vector<1x1x16xf32> to vector<16xf32>
        %swap3A_647 = vector.shape_cast %mul3A_640 : vector<16xf32> to vector<1x1x16xf32>
        tpu.vector_store %arg6[%swap3A_642, %swap3A_643, %swap3A_644], %swap3A_647 {strides = array<i32>} : memref<5x32x512xf32, #tpu.memory_space<vmem>>, vector<1x1x16xf32>,
        %get3A_648 = arith.constant 4 : i32
        %get3A_649 = arith.index_cast %get3A_648 : i32 to index
        %get3A_650 = arith.index_cast %scan3A_425 : i32 to index
        %get3A_651 = arith.constant 224 : index
        %get3A_652 = tpu.vector_load %arg6[%get3A_649, %get3A_650, %get3A_651] {strides = array<i32>} : memref<5x32x512xf32, #tpu.memory_space<vmem>>, vector<1x1x16xf32>,
        %get3A_653 = vector.shape_cast %get3A_652 : vector<1x1x16xf32> to vector<16xf32>
        %mul3A_654 = arith.constant 22.6274166 : f32
        %mul3A_655 = vector.broadcast %mul3A_654 : f32 to vector<16xf32>
        %mul3A_656 = arith.mulf %get3A_653, %mul3A_655 : vector<16xf32>
        %swap3A_657 = arith.constant 4 : i32
        %swap3A_658 = arith.index_cast %swap3A_657 : i32 to index
        %swap3A_659 = arith.index_cast %scan3A_425 : i32 to index
        %swap3A_660 = arith.constant 224 : index
        %swap3A_661 = tpu.vector_load %arg6[%swap3A_658, %swap3A_659, %swap3A_660] {strides = array<i32>} : memref<5x32x512xf32, #tpu.memory_space<vmem>>, vector<1x1x16xf32>,
        %swap3A_662 = vector.shape_cast %swap3A_661 : vector<1x1x16xf32> to vector<16xf32>
        %swap3A_663 = vector.shape_cast %mul3A_656 : vector<16xf32> to vector<1x1x16xf32>
        tpu.vector_store %arg6[%swap3A_658, %swap3A_659, %swap3A_660], %swap3A_663 {strides = array<i32>} : memref<5x32x512xf32, #tpu.memory_space<vmem>>, vector<1x1x16xf32>,
        %get3A_664 = arith.constant 4 : i32
        %get3A_665 = arith.index_cast %get3A_664 : i32 to index
        %get3A_666 = arith.index_cast %scan3A_425 : i32 to index
        %get3A_667 = arith.constant 240 : index
        %get3A_668 = tpu.vector_load %arg6[%get3A_665, %get3A_666, %get3A_667] {strides = array<i32>} : memref<5x32x512xf32, #tpu.memory_space<vmem>>, vector<1x1x16xf32>,
        %get3A_669 = vector.shape_cast %get3A_668 : vector<1x1x16xf32> to vector<16xf32>
        %mul3A_670 = arith.constant 22.6274166 : f32
        %mul3A_671 = vector.broadcast %mul3A_670 : f32 to vector<16xf32>
        %mul3A_672 = arith.mulf %get3A_669, %mul3A_671 : vector<16xf32>
        %swap3A_673 = arith.constant 4 : i32
        %swap3A_674 = arith.index_cast %swap3A_673 : i32 to index
        %swap3A_675 = arith.index_cast %scan3A_425 : i32 to index
        %swap3A_676 = arith.constant 240 : index
        %swap3A_677 = tpu.vector_load %arg6[%swap3A_674, %swap3A_675, %swap3A_676] {strides = array<i32>} : memref<5x32x512xf32, #tpu.memory_space<vmem>>, vector<1x1x16xf32>,
        %swap3A_678 = vector.shape_cast %swap3A_677 : vector<1x1x16xf32> to vector<16xf32>
        %swap3A_679 = vector.shape_cast %mul3A_672 : vector<16xf32> to vector<1x1x16xf32>
        tpu.vector_store %arg6[%swap3A_674, %swap3A_675, %swap3A_676], %swap3A_679 {strides = array<i32>} : memref<5x32x512xf32, #tpu.memory_space<vmem>>, vector<1x1x16xf32>,
        %get3A_680 = arith.constant 4 : i32
        %get3A_681 = arith.index_cast %get3A_680 : i32 to index
        %get3A_682 = arith.index_cast %scan3A_425 : i32 to index
        %get3A_683 = arith.constant 256 : index
        %get3A_684 = tpu.vector_load %arg6[%get3A_681, %get3A_682, %get3A_683] {strides = array<i32>} : memref<5x32x512xf32, #tpu.memory_space<vmem>>, vector<1x1x16xf32>,
        %get3A_685 = vector.shape_cast %get3A_684 : vector<1x1x16xf32> to vector<16xf32>
        %mul3A_686 = arith.constant 22.6274166 : f32
        %mul3A_687 = vector.broadcast %mul3A_686 : f32 to vector<16xf32>
        %mul3A_688 = arith.mulf %get3A_685, %mul3A_687 : vector<16xf32>
        %swap3A_689 = arith.constant 4 : i32
        %swap3A_690 = arith.index_cast %swap3A_689 : i32 to index
        %swap3A_691 = arith.index_cast %scan3A_425 : i32 to index
        %swap3A_692 = arith.constant 256 : index
        %swap3A_693 = tpu.vector_load %arg6[%swap3A_690, %swap3A_691, %swap3A_692] {strides = array<i32>} : memref<5x32x512xf32, #tpu.memory_space<vmem>>, vector<1x1x16xf32>,
        %swap3A_694 = vector.shape_cast %swap3A_693 : vector<1x1x16xf32> to vector<16xf32>
        %swap3A_695 = vector.shape_cast %mul3A_688 : vector<16xf32> to vector<1x1x16xf32>
        tpu.vector_store %arg6[%swap3A_690, %swap3A_691, %swap3A_692], %swap3A_695 {strides = array<i32>} : memref<5x32x512xf32, #tpu.memory_space<vmem>>, vector<1x1x16xf32>,
        %get3A_696 = arith.constant 4 : i32
        %get3A_697 = arith.index_cast %get3A_696 : i32 to index
        %get3A_698 = arith.index_cast %scan3A_425 : i32 to index
        %get3A_699 = arith.constant 272 : index
        %get3A_700 = tpu.vector_load %arg6[%get3A_697, %get3A_698, %get3A_699] {strides = array<i32>} : memref<5x32x512xf32, #tpu.memory_space<vmem>>, vector<1x1x16xf32>,
        %get3A_701 = vector.shape_cast %get3A_700 : vector<1x1x16xf32> to vector<16xf32>
        %mul3A_702 = arith.constant 22.6274166 : f32
        %mul3A_703 = vector.broadcast %mul3A_702 : f32 to vector<16xf32>
        %mul3A_704 = arith.mulf %get3A_701, %mul3A_703 : vector<16xf32>
        %swap3A_705 = arith.constant 4 : i32
        %swap3A_706 = arith.index_cast %swap3A_705 : i32 to index
        %swap3A_707 = arith.index_cast %scan3A_425 : i32 to index
        %swap3A_708 = arith.constant 272 : index
        %swap3A_709 = tpu.vector_load %arg6[%swap3A_706, %swap3A_707, %swap3A_708] {strides = array<i32>} : memref<5x32x512xf32, #tpu.memory_space<vmem>>, vector<1x1x16xf32>,
        %swap3A_710 = vector.shape_cast %swap3A_709 : vector<1x1x16xf32> to vector<16xf32>
        %swap3A_711 = vector.shape_cast %mul3A_704 : vector<16xf32> to vector<1x1x16xf32>
        tpu.vector_store %arg6[%swap3A_706, %swap3A_707, %swap3A_708], %swap3A_711 {strides = array<i32>} : memref<5x32x512xf32, #tpu.memory_space<vmem>>, vector<1x1x16xf32>,
        %get3A_712 = arith.constant 4 : i32
        %get3A_713 = arith.index_cast %get3A_712 : i32 to index
        %get3A_714 = arith.index_cast %scan3A_425 : i32 to index
        %get3A_715 = arith.constant 288 : index
        %get3A_716 = tpu.vector_load %arg6[%get3A_713, %get3A_714, %get3A_715] {strides = array<i32>} : memref<5x32x512xf32, #tpu.memory_space<vmem>>, vector<1x1x16xf32>,
        %get3A_717 = vector.shape_cast %get3A_716 : vector<1x1x16xf32> to vector<16xf32>
        %mul3A_718 = arith.constant 22.6274166 : f32
        %mul3A_719 = vector.broadcast %mul3A_718 : f32 to vector<16xf32>
        %mul3A_720 = arith.mulf %get3A_717, %mul3A_719 : vector<16xf32>
        %swap3A_721 = arith.constant 4 : i32
        %swap3A_722 = arith.index_cast %swap3A_721 : i32 to index
        %swap3A_723 = arith.index_cast %scan3A_425 : i32 to index
        %swap3A_724 = arith.constant 288 : index
        %swap3A_725 = tpu.vector_load %arg6[%swap3A_722, %swap3A_723, %swap3A_724] {strides = array<i32>} : memref<5x32x512xf32, #tpu.memory_space<vmem>>, vector<1x1x16xf32>,
        %swap3A_726 = vector.shape_cast %swap3A_725 : vector<1x1x16xf32> to vector<16xf32>
        %swap3A_727 = vector.shape_cast %mul3A_720 : vector<16xf32> to vector<1x1x16xf32>
        tpu.vector_store %arg6[%swap3A_722, %swap3A_723, %swap3A_724], %swap3A_727 {strides = array<i32>} : memref<5x32x512xf32, #tpu.memory_space<vmem>>, vector<1x1x16xf32>,
        %get3A_728 = arith.constant 4 : i32
        %get3A_729 = arith.index_cast %get3A_728 : i32 to index
        %get3A_730 = arith.index_cast %scan3A_425 : i32 to index
        %get3A_731 = arith.constant 304 : index
        %get3A_732 = tpu.vector_load %arg6[%get3A_729, %get3A_730, %get3A_731] {strides = array<i32>} : memref<5x32x512xf32, #tpu.memory_space<vmem>>, vector<1x1x16xf32>,
        %get3A_733 = vector.shape_cast %get3A_732 : vector<1x1x16xf32> to vector<16xf32>
        %mul3A_734 = arith.constant 22.6274166 : f32
        %mul3A_735 = vector.broadcast %mul3A_734 : f32 to vector<16xf32>
        %mul3A_736 = arith.mulf %get3A_733, %mul3A_735 : vector<16xf32>
        %swap3A_737 = arith.constant 4 : i32
        %swap3A_738 = arith.index_cast %swap3A_737 : i32 to index
        %swap3A_739 = arith.index_cast %scan3A_425 : i32 to index
        %swap3A_740 = arith.constant 304 : index
        %swap3A_741 = tpu.vector_load %arg6[%swap3A_738, %swap3A_739, %swap3A_740] {strides = array<i32>} : memref<5x32x512xf32, #tpu.memory_space<vmem>>, vector<1x1x16xf32>,
        %swap3A_742 = vector.shape_cast %swap3A_741 : vector<1x1x16xf32> to vector<16xf32>
        %swap3A_743 = vector.shape_cast %mul3A_736 : vector<16xf32> to vector<1x1x16xf32>
        tpu.vector_store %arg6[%swap3A_738, %swap3A_739, %swap3A_740], %swap3A_743 {strides = array<i32>} : memref<5x32x512xf32, #tpu.memory_space<vmem>>, vector<1x1x16xf32>,
        %get3A_744 = arith.constant 4 : i32
        %get3A_745 = arith.index_cast %get3A_744 : i32 to index
        %get3A_746 = arith.index_cast %scan3A_425 : i32 to index
        %get3A_747 = arith.constant 320 : index
        %get3A_748 = tpu.vector_load %arg6[%get3A_745, %get3A_746, %get3A_747] {strides = array<i32>} : memref<5x32x512xf32, #tpu.memory_space<vmem>>, vector<1x1x16xf32>,
        %get3A_749 = vector.shape_cast %get3A_748 : vector<1x1x16xf32> to vector<16xf32>
        %mul3A_750 = arith.constant 22.6274166 : f32
        %mul3A_751 = vector.broadcast %mul3A_750 : f32 to vector<16xf32>
        %mul3A_752 = arith.mulf %get3A_749, %mul3A_751 : vector<16xf32>
        %swap3A_753 = arith.constant 4 : i32
        %swap3A_754 = arith.index_cast %swap3A_753 : i32 to index
        %swap3A_755 = arith.index_cast %scan3A_425 : i32 to index
        %swap3A_756 = arith.constant 320 : index
        %swap3A_757 = tpu.vector_load %arg6[%swap3A_754, %swap3A_755, %swap3A_756] {strides = array<i32>} : memref<5x32x512xf32, #tpu.memory_space<vmem>>, vector<1x1x16xf32>,
        %swap3A_758 = vector.shape_cast %swap3A_757 : vector<1x1x16xf32> to vector<16xf32>
        %swap3A_759 = vector.shape_cast %mul3A_752 : vector<16xf32> to vector<1x1x16xf32>
        tpu.vector_store %arg6[%swap3A_754, %swap3A_755, %swap3A_756], %swap3A_759 {strides = array<i32>} : memref<5x32x512xf32, #tpu.memory_space<vmem>>, vector<1x1x16xf32>,
        %get3A_760 = arith.constant 4 : i32
        %get3A_761 = arith.index_cast %get3A_760 : i32 to index
        %get3A_762 = arith.index_cast %scan3A_425 : i32 to index
        %get3A_763 = arith.constant 336 : index
        %get3A_764 = tpu.vector_load %arg6[%get3A_761, %get3A_762, %get3A_763] {strides = array<i32>} : memref<5x32x512xf32, #tpu.memory_space<vmem>>, vector<1x1x16xf32>,
        %get3A_765 = vector.shape_cast %get3A_764 : vector<1x1x16xf32> to vector<16xf32>
        %mul3A_766 = arith.constant 22.6274166 : f32
        %mul3A_767 = vector.broadcast %mul3A_766 : f32 to vector<16xf32>
        %mul3A_768 = arith.mulf %get3A_765, %mul3A_767 : vector<16xf32>
        %swap3A_769 = arith.constant 4 : i32
        %swap3A_770 = arith.index_cast %swap3A_769 : i32 to index
        %swap3A_771 = arith.index_cast %scan3A_425 : i32 to index
        %swap3A_772 = arith.constant 336 : index
        %swap3A_773 = tpu.vector_load %arg6[%swap3A_770, %swap3A_771, %swap3A_772] {strides = array<i32>} : memref<5x32x512xf32, #tpu.memory_space<vmem>>, vector<1x1x16xf32>,
        %swap3A_774 = vector.shape_cast %swap3A_773 : vector<1x1x16xf32> to vector<16xf32>
        %swap3A_775 = vector.shape_cast %mul3A_768 : vector<16xf32> to vector<1x1x16xf32>
        tpu.vector_store %arg6[%swap3A_770, %swap3A_771, %swap3A_772], %swap3A_775 {strides = array<i32>} : memref<5x32x512xf32, #tpu.memory_space<vmem>>, vector<1x1x16xf32>,
        %get3A_776 = arith.constant 4 : i32
        %get3A_777 = arith.index_cast %get3A_776 : i32 to index
        %get3A_778 = arith.index_cast %scan3A_425 : i32 to index
        %get3A_779 = arith.constant 352 : index
        %get3A_780 = tpu.vector_load %arg6[%get3A_777, %get3A_778, %get3A_779] {strides = array<i32>} : memref<5x32x512xf32, #tpu.memory_space<vmem>>, vector<1x1x16xf32>,
        %get3A_781 = vector.shape_cast %get3A_780 : vector<1x1x16xf32> to vector<16xf32>
        %mul3A_782 = arith.constant 22.6274166 : f32
        %mul3A_783 = vector.broadcast %mul3A_782 : f32 to vector<16xf32>
        %mul3A_784 = arith.mulf %get3A_781, %mul3A_783 : vector<16xf32>
        %swap3A_785 = arith.constant 4 : i32
        %swap3A_786 = arith.index_cast %swap3A_785 : i32 to index
        %swap3A_787 = arith.index_cast %scan3A_425 : i32 to index
        %swap3A_788 = arith.constant 352 : index
        %swap3A_789 = tpu.vector_load %arg6[%swap3A_786, %swap3A_787, %swap3A_788] {strides = array<i32>} : memref<5x32x512xf32, #tpu.memory_space<vmem>>, vector<1x1x16xf32>,
        %swap3A_790 = vector.shape_cast %swap3A_789 : vector<1x1x16xf32> to vector<16xf32>
        %swap3A_791 = vector.shape_cast %mul3A_784 : vector<16xf32> to vector<1x1x16xf32>
        tpu.vector_store %arg6[%swap3A_786, %swap3A_787, %swap3A_788], %swap3A_791 {strides = array<i32>} : memref<5x32x512xf32, #tpu.memory_space<vmem>>, vector<1x1x16xf32>,
        %get3A_792 = arith.constant 4 : i32
        %get3A_793 = arith.index_cast %get3A_792 : i32 to index
        %get3A_794 = arith.index_cast %scan3A_425 : i32 to index
        %get3A_795 = arith.constant 368 : index
        %get3A_796 = tpu.vector_load %arg6[%get3A_793, %get3A_794, %get3A_795] {strides = array<i32>} : memref<5x32x512xf32, #tpu.memory_space<vmem>>, vector<1x1x16xf32>,
        %get3A_797 = vector.shape_cast %get3A_796 : vector<1x1x16xf32> to vector<16xf32>
        %mul3A_798 = arith.constant 22.6274166 : f32
        %mul3A_799 = vector.broadcast %mul3A_798 : f32 to vector<16xf32>
        %mul3A_800 = arith.mulf %get3A_797, %mul3A_799 : vector<16xf32>
        %swap3A_801 = arith.constant 4 : i32
        %swap3A_802 = arith.index_cast %swap3A_801 : i32 to index
        %swap3A_803 = arith.index_cast %scan3A_425 : i32 to index
        %swap3A_804 = arith.constant 368 : index
        %swap3A_805 = tpu.vector_load %arg6[%swap3A_802, %swap3A_803, %swap3A_804] {strides = array<i32>} : memref<5x32x512xf32, #tpu.memory_space<vmem>>, vector<1x1x16xf32>,
        %swap3A_806 = vector.shape_cast %swap3A_805 : vector<1x1x16xf32> to vector<16xf32>
        %swap3A_807 = vector.shape_cast %mul3A_800 : vector<16xf32> to vector<1x1x16xf32>
        tpu.vector_store %arg6[%swap3A_802, %swap3A_803, %swap3A_804], %swap3A_807 {strides = array<i32>} : memref<5x32x512xf32, #tpu.memory_space<vmem>>, vector<1x1x16xf32>,
        %get3A_808 = arith.constant 4 : i32
        %get3A_809 = arith.index_cast %get3A_808 : i32 to index
        %get3A_810 = arith.index_cast %scan3A_425 : i32 to index
        %get3A_811 = arith.constant 384 : index
        %get3A_812 = tpu.vector_load %arg6[%get3A_809, %get3A_810, %get3A_811] {strides = array<i32>} : memref<5x32x512xf32, #tpu.memory_space<vmem>>, vector<1x1x16xf32>,
        %get3A_813 = vector.shape_cast %get3A_812 : vector<1x1x16xf32> to vector<16xf32>
        %mul3A_814 = arith.constant 22.6274166 : f32
        %mul3A_815 = vector.broadcast %mul3A_814 : f32 to vector<16xf32>
        %mul3A_816 = arith.mulf %get3A_813, %mul3A_815 : vector<16xf32>
        %swap3A_817 = arith.constant 4 : i32
        %swap3A_818 = arith.index_cast %swap3A_817 : i32 to index
        %swap3A_819 = arith.index_cast %scan3A_425 : i32 to index
        %swap3A_820 = arith.constant 384 : index
        %swap3A_821 = tpu.vector_load %arg6[%swap3A_818, %swap3A_819, %swap3A_820] {strides = array<i32>} : memref<5x32x512xf32, #tpu.memory_space<vmem>>, vector<1x1x16xf32>,
        %swap3A_822 = vector.shape_cast %swap3A_821 : vector<1x1x16xf32> to vector<16xf32>
        %swap3A_823 = vector.shape_cast %mul3A_816 : vector<16xf32> to vector<1x1x16xf32>
        tpu.vector_store %arg6[%swap3A_818, %swap3A_819, %swap3A_820], %swap3A_823 {strides = array<i32>} : memref<5x32x512xf32, #tpu.memory_space<vmem>>, vector<1x1x16xf32>,
        %get3A_824 = arith.constant 4 : i32
        %get3A_825 = arith.index_cast %get3A_824 : i32 to index
        %get3A_826 = arith.index_cast %scan3A_425 : i32 to index
        %get3A_827 = arith.constant 400 : index
        %get3A_828 = tpu.vector_load %arg6[%get3A_825, %get3A_826, %get3A_827] {strides = array<i32>} : memref<5x32x512xf32, #tpu.memory_space<vmem>>, vector<1x1x16xf32>,
        %get3A_829 = vector.shape_cast %get3A_828 : vector<1x1x16xf32> to vector<16xf32>
        %mul3A_830 = arith.constant 22.6274166 : f32
        %mul3A_831 = vector.broadcast %mul3A_830 : f32 to vector<16xf32>
        %mul3A_832 = arith.mulf %get3A_829, %mul3A_831 : vector<16xf32>
        %swap3A_833 = arith.constant 4 : i32
        %swap3A_834 = arith.index_cast %swap3A_833 : i32 to index
        %swap3A_835 = arith.index_cast %scan3A_425 : i32 to index
        %swap3A_836 = arith.constant 400 : index
        %swap3A_837 = tpu.vector_load %arg6[%swap3A_834, %swap3A_835, %swap3A_836] {strides = array<i32>} : memref<5x32x512xf32, #tpu.memory_space<vmem>>, vector<1x1x16xf32>,
        %swap3A_838 = vector.shape_cast %swap3A_837 : vector<1x1x16xf32> to vector<16xf32>
        %swap3A_839 = vector.shape_cast %mul3A_832 : vector<16xf32> to vector<1x1x16xf32>
        tpu.vector_store %arg6[%swap3A_834, %swap3A_835, %swap3A_836], %swap3A_839 {strides = array<i32>} : memref<5x32x512xf32, #tpu.memory_space<vmem>>, vector<1x1x16xf32>,
        %get3A_840 = arith.constant 4 : i32
        %get3A_841 = arith.index_cast %get3A_840 : i32 to index
        %get3A_842 = arith.index_cast %scan3A_425 : i32 to index
        %get3A_843 = arith.constant 416 : index
        %get3A_844 = tpu.vector_load %arg6[%get3A_841, %get3A_842, %get3A_843] {strides = array<i32>} : memref<5x32x512xf32, #tpu.memory_space<vmem>>, vector<1x1x16xf32>,
        %get3A_845 = vector.shape_cast %get3A_844 : vector<1x1x16xf32> to vector<16xf32>
        %mul3A_846 = arith.constant 22.6274166 : f32
        %mul3A_847 = vector.broadcast %mul3A_846 : f32 to vector<16xf32>
        %mul3A_848 = arith.mulf %get3A_845, %mul3A_847 : vector<16xf32>
        %swap3A_849 = arith.constant 4 : i32
        %swap3A_850 = arith.index_cast %swap3A_849 : i32 to index
        %swap3A_851 = arith.index_cast %scan3A_425 : i32 to index
        %swap3A_852 = arith.constant 416 : index
        %swap3A_853 = tpu.vector_load %arg6[%swap3A_850, %swap3A_851, %swap3A_852] {strides = array<i32>} : memref<5x32x512xf32, #tpu.memory_space<vmem>>, vector<1x1x16xf32>,
        %swap3A_854 = vector.shape_cast %swap3A_853 : vector<1x1x16xf32> to vector<16xf32>
        %swap3A_855 = vector.shape_cast %mul3A_848 : vector<16xf32> to vector<1x1x16xf32>
        tpu.vector_store %arg6[%swap3A_850, %swap3A_851, %swap3A_852], %swap3A_855 {strides = array<i32>} : memref<5x32x512xf32, #tpu.memory_space<vmem>>, vector<1x1x16xf32>,
        %get3A_856 = arith.constant 4 : i32
        %get3A_857 = arith.index_cast %get3A_856 : i32 to index
        %get3A_858 = arith.index_cast %scan3A_425 : i32 to index
        %get3A_859 = arith.constant 432 : index
        %get3A_860 = tpu.vector_load %arg6[%get3A_857, %get3A_858, %get3A_859] {strides = array<i32>} : memref<5x32x512xf32, #tpu.memory_space<vmem>>, vector<1x1x16xf32>,
        %get3A_861 = vector.shape_cast %get3A_860 : vector<1x1x16xf32> to vector<16xf32>
        %mul3A_862 = arith.constant 22.6274166 : f32
        %mul3A_863 = vector.broadcast %mul3A_862 : f32 to vector<16xf32>
        %mul3A_864 = arith.mulf %get3A_861, %mul3A_863 : vector<16xf32>
        %swap3A_865 = arith.constant 4 : i32
        %swap3A_866 = arith.index_cast %swap3A_865 : i32 to index
        %swap3A_867 = arith.index_cast %scan3A_425 : i32 to index
        %swap3A_868 = arith.constant 432 : index
        %swap3A_869 = tpu.vector_load %arg6[%swap3A_866, %swap3A_867, %swap3A_868] {strides = array<i32>} : memref<5x32x512xf32, #tpu.memory_space<vmem>>, vector<1x1x16xf32>,
        %swap3A_870 = vector.shape_cast %swap3A_869 : vector<1x1x16xf32> to vector<16xf32>
        %swap3A_871 = vector.shape_cast %mul3A_864 : vector<16xf32> to vector<1x1x16xf32>
        tpu.vector_store %arg6[%swap3A_866, %swap3A_867, %swap3A_868], %swap3A_871 {strides = array<i32>} : memref<5x32x512xf32, #tpu.memory_space<vmem>>, vector<1x1x16xf32>,
        %get3A_872 = arith.constant 4 : i32
        %get3A_873 = arith.index_cast %get3A_872 : i32 to index
        %get3A_874 = arith.index_cast %scan3A_425 : i32 to index
        %get3A_875 = arith.constant 448 : index
        %get3A_876 = tpu.vector_load %arg6[%get3A_873, %get3A_874, %get3A_875] {strides = array<i32>} : memref<5x32x512xf32, #tpu.memory_space<vmem>>, vector<1x1x16xf32>,
        %get3A_877 = vector.shape_cast %get3A_876 : vector<1x1x16xf32> to vector<16xf32>
        %mul3A_878 = arith.constant 22.6274166 : f32
        %mul3A_879 = vector.broadcast %mul3A_878 : f32 to vector<16xf32>
        %mul3A_880 = arith.mulf %get3A_877, %mul3A_879 : vector<16xf32>
        %swap3A_881 = arith.constant 4 : i32
        %swap3A_882 = arith.index_cast %swap3A_881 : i32 to index
        %swap3A_883 = arith.index_cast %scan3A_425 : i32 to index
        %swap3A_884 = arith.constant 448 : index
        %swap3A_885 = tpu.vector_load %arg6[%swap3A_882, %swap3A_883, %swap3A_884] {strides = array<i32>} : memref<5x32x512xf32, #tpu.memory_space<vmem>>, vector<1x1x16xf32>,
        %swap3A_886 = vector.shape_cast %swap3A_885 : vector<1x1x16xf32> to vector<16xf32>
        %swap3A_887 = vector.shape_cast %mul3A_880 : vector<16xf32> to vector<1x1x16xf32>
        tpu.vector_store %arg6[%swap3A_882, %swap3A_883, %swap3A_884], %swap3A_887 {strides = array<i32>} : memref<5x32x512xf32, #tpu.memory_space<vmem>>, vector<1x1x16xf32>,
        %get3A_888 = arith.constant 4 : i32
        %get3A_889 = arith.index_cast %get3A_888 : i32 to index
        %get3A_890 = arith.index_cast %scan3A_425 : i32 to index
        %get3A_891 = arith.constant 464 : index
        %get3A_892 = tpu.vector_load %arg6[%get3A_889, %get3A_890, %get3A_891] {strides = array<i32>} : memref<5x32x512xf32, #tpu.memory_space<vmem>>, vector<1x1x16xf32>,
        %get3A_893 = vector.shape_cast %get3A_892 : vector<1x1x16xf32> to vector<16xf32>
        %mul3A_894 = arith.constant 22.6274166 : f32
        %mul3A_895 = vector.broadcast %mul3A_894 : f32 to vector<16xf32>
        %mul3A_896 = arith.mulf %get3A_893, %mul3A_895 : vector<16xf32>
        %swap3A_897 = arith.constant 4 : i32
        %swap3A_898 = arith.index_cast %swap3A_897 : i32 to index
        %swap3A_899 = arith.index_cast %scan3A_425 : i32 to index
        %swap3A_900 = arith.constant 464 : index
        %swap3A_901 = tpu.vector_load %arg6[%swap3A_898, %swap3A_899, %swap3A_900] {strides = array<i32>} : memref<5x32x512xf32, #tpu.memory_space<vmem>>, vector<1x1x16xf32>,
        %swap3A_902 = vector.shape_cast %swap3A_901 : vector<1x1x16xf32> to vector<16xf32>
        %swap3A_903 = vector.shape_cast %mul3A_896 : vector<16xf32> to vector<1x1x16xf32>
        tpu.vector_store %arg6[%swap3A_898, %swap3A_899, %swap3A_900], %swap3A_903 {strides = array<i32>} : memref<5x32x512xf32, #tpu.memory_space<vmem>>, vector<1x1x16xf32>,
        %get3A_904 = arith.constant 4 : i32
        %get3A_905 = arith.index_cast %get3A_904 : i32 to index
        %get3A_906 = arith.index_cast %scan3A_425 : i32 to index
        %get3A_907 = arith.constant 480 : index
        %get3A_908 = tpu.vector_load %arg6[%get3A_905, %get3A_906, %get3A_907] {strides = array<i32>} : memref<5x32x512xf32, #tpu.memory_space<vmem>>, vector<1x1x16xf32>,
        %get3A_909 = vector.shape_cast %get3A_908 : vector<1x1x16xf32> to vector<16xf32>
        %mul3A_910 = arith.constant 22.6274166 : f32
        %mul3A_911 = vector.broadcast %mul3A_910 : f32 to vector<16xf32>
        %mul3A_912 = arith.mulf %get3A_909, %mul3A_911 : vector<16xf32>
        %swap3A_913 = arith.constant 4 : i32
        %swap3A_914 = arith.index_cast %swap3A_913 : i32 to index
        %swap3A_915 = arith.index_cast %scan3A_425 : i32 to index
        %swap3A_916 = arith.constant 480 : index
        %swap3A_917 = tpu.vector_load %arg6[%swap3A_914, %swap3A_915, %swap3A_916] {strides = array<i32>} : memref<5x32x512xf32, #tpu.memory_space<vmem>>, vector<1x1x16xf32>,
        %swap3A_918 = vector.shape_cast %swap3A_917 : vector<1x1x16xf32> to vector<16xf32>
        %swap3A_919 = vector.shape_cast %mul3A_912 : vector<16xf32> to vector<1x1x16xf32>
        tpu.vector_store %arg6[%swap3A_914, %swap3A_915, %swap3A_916], %swap3A_919 {strides = array<i32>} : memref<5x32x512xf32, #tpu.memory_space<vmem>>, vector<1x1x16xf32>,
        %get3A_920 = arith.constant 4 : i32
        %get3A_921 = arith.index_cast %get3A_920 : i32 to index
        %get3A_922 = arith.index_cast %scan3A_425 : i32 to index
        %get3A_923 = arith.constant 496 : index
        %get3A_924 = tpu.vector_load %arg6[%get3A_921, %get3A_922, %get3A_923] {strides = array<i32>} : memref<5x32x512xf32, #tpu.memory_space<vmem>>, vector<1x1x16xf32>,
        %get3A_925 = vector.shape_cast %get3A_924 : vector<1x1x16xf32> to vector<16xf32>
        %mul3A_926 = arith.constant 22.6274166 : f32
        %mul3A_927 = vector.broadcast %mul3A_926 : f32 to vector<16xf32>
        %mul3A_928 = arith.mulf %get3A_925, %mul3A_927 : vector<16xf32>
        %swap3A_929 = arith.constant 4 : i32
        %swap3A_930 = arith.index_cast %swap3A_929 : i32 to index
        %swap3A_931 = arith.index_cast %scan3A_425 : i32 to index
        %swap3A_932 = arith.constant 496 : index
        %swap3A_933 = tpu.vector_load %arg6[%swap3A_930, %swap3A_931, %swap3A_932] {strides = array<i32>} : memref<5x32x512xf32, #tpu.memory_space<vmem>>, vector<1x1x16xf32>,
        %swap3A_934 = vector.shape_cast %swap3A_933 : vector<1x1x16xf32> to vector<16xf32>
        %swap3A_935 = vector.shape_cast %mul3A_928 : vector<16xf32> to vector<1x1x16xf32>
        tpu.vector_store %arg6[%swap3A_930, %swap3A_931, %swap3A_932], %swap3A_935 {strides = array<i32>} : memref<5x32x512xf32, #tpu.memory_space<vmem>>, vector<1x1x16xf32>,
      }
      %scan3A_392 = arith.constant 32 : i32
      %mul3A_393 = arith.constant 32 : i32
      %mul3A_394 = arith.muli %add3A_373, %mul3A_393 : i32
      %multiple_of3A_395 = tpu.assume_multiple %mul3A_394, 8 : i32
      %add3A_396 = arith.addi %mul3A_2, %multiple_of3A_395 : i32
      %dma_start3A_397 = arith.constant 4 : i32
      %dma_start3A_398 = arith.constant 4 : i32
      %dma_start3A_399 = arith.constant 0 : i32
      %dma_start3A_400 = arith.constant 0 : i32
      %dma_start3A_401 = tpu.memref_slice %arg6[%dma_start3A_397, %dma_start3A_399, %dma_start3A_400] : memref<5x32x512xf32, #tpu.memory_space<vmem>> -> memref<1x32x512xf32, #tpu.memory_space<vmem>>
      %dma_start3A_402 = tpu.memref_squeeze %dma_start3A_401 : memref<1x32x512xf32, #tpu.memory_space<vmem>> -> memref<32x512xf32, #tpu.memory_space<vmem>>
      %dma_start3A_403 = arith.constant 0 : i32
      %dma_start3A_404 = tpu.memref_slice %arg4[%add3A_396, %dma_start3A_403] : memref<81920x512xf32, #tpu.memory_space<hbm>> -> memref<32x512xf32, #tpu.memory_space<hbm>>
      %dma_start3A_405 = tpu.memref_slice %arg8[%dma_start3A_398] : memref<5x!tpu.dma_semaphore, #tpu.memory_space<semaphore_mem>> -> memref<1x!tpu.dma_semaphore, #tpu.memory_space<semaphore_mem>>
      %dma_start3A_406 = tpu.memref_squeeze %dma_start3A_405 : memref<1x!tpu.dma_semaphore, #tpu.memory_space<semaphore_mem>> -> memref<!tpu.dma_semaphore, #tpu.memory_space<semaphore_mem>>
      %dma_start3A_407 = arith.constant 0 : i32
      %dma_start3A_408 = tpu.memref_slice %arg4[%add3A_396, %dma_start3A_407] : memref<81920x512xf32, #tpu.memory_space<hbm>> -> memref<32x512xf32, #tpu.memory_space<hbm>>
      %dma_start3A_409 = arith.constant 0 : i32
      %dma_start3A_410 = arith.constant 0 : i32
      %dma_start3A_411 = tpu.memref_slice %arg6[%dma_start3A_397, %dma_start3A_409, %dma_start3A_410] : memref<5x32x512xf32, #tpu.memory_space<vmem>> -> memref<1x32x512xf32, #tpu.memory_space<vmem>>
      %dma_start3A_412 = tpu.memref_squeeze %dma_start3A_411 : memref<1x32x512xf32, #tpu.memory_space<vmem>> -> memref<32x512xf32, #tpu.memory_space<vmem>>
      tpu.enqueue_dma source(%dma_start3A_412 : memref<32x512xf32, #tpu.memory_space<vmem>>) target(%dma_start3A_408 : memref<32x512xf32, #tpu.memory_space<hbm>>) target_semaphore(%dma_start3A_406 : memref<!tpu.dma_semaphore, #tpu.memory_space<semaphore_mem>>)
      %add3A_413 = arith.constant 5 : i32
      %add3A_414 = arith.addi %add3A_373, %add3A_413 : i32
      %sub3A_415 = arith.constant 1 : i32
      %sub3A_416 = arith.subi %add3A_414, %sub3A_415 : i32
      %ge3A_417 = arith.constant 5 : i32
      %ge3A_418 = arith.cmpi sge, %sub3A_416, %ge3A_417 : i32
      %lt3A_419 = arith.constant 80 : i32
      %lt3A_420 = arith.cmpi slt, %sub3A_416, %lt3A_419 : i32
      %and3A_421 = arith.andi %ge3A_418, %lt3A_420 : i1
      %convert_element_type3A_422 = arith.extui %and3A_421 : i1 to i32
      %cond3A_423 = arith.constant 0 : i32
      %cond3A_424 = arith.cmpi ne, %convert_element_type3A_422, %cond3A_423 : i32
      scf.if %cond3A_424 {
        %dma_wait3A_425 = arith.constant 3 : i32
        %dma_wait3A_426 = arith.constant 3 : i32
        %dma_wait3A_427 = arith.constant 0 : i32
        %dma_wait3A_428 = arith.constant 0 : i32
        %dma_wait3A_429 = tpu.memref_slice %arg6[%dma_wait3A_425, %dma_wait3A_427, %dma_wait3A_428] : memref<5x32x512xf32, #tpu.memory_space<vmem>> -> memref<1x32x512xf32, #tpu.memory_space<vmem>>
        %dma_wait3A_430 = tpu.memref_squeeze %dma_wait3A_429 : memref<1x32x512xf32, #tpu.memory_space<vmem>> -> memref<32x512xf32, #tpu.memory_space<vmem>>
        %dma_wait3A_431 = arith.constant 0 : i32
        %dma_wait3A_432 = tpu.memref_slice %arg4[%mul3A_2, %dma_wait3A_431] : memref<81920x512xf32, #tpu.memory_space<hbm>> -> memref<32x512xf32, #tpu.memory_space<hbm>>
        %dma_wait3A_433 = tpu.memref_slice %arg8[%dma_wait3A_426] : memref<5x!tpu.dma_semaphore, #tpu.memory_space<semaphore_mem>> -> memref<1x!tpu.dma_semaphore, #tpu.memory_space<semaphore_mem>>
        %dma_wait3A_434 = tpu.memref_squeeze %dma_wait3A_433 : memref<1x!tpu.dma_semaphore, #tpu.memory_space<semaphore_mem>> -> memref<!tpu.dma_semaphore, #tpu.memory_space<semaphore_mem>>
        %dma_wait3A_435 = arith.constant 0 : i32
        %dma_wait3A_436 = tpu.memref_slice %arg4[%mul3A_2, %dma_wait3A_435] : memref<81920x512xf32, #tpu.memory_space<hbm>> -> memref<32x512xf32, #tpu.memory_space<hbm>>
        %dma_wait3A_437 = arith.constant 0 : i32
        %dma_wait3A_438 = arith.constant 0 : i32
        %dma_wait3A_439 = tpu.memref_slice %arg6[%dma_wait3A_425, %dma_wait3A_437, %dma_wait3A_438] : memref<5x32x512xf32, #tpu.memory_space<vmem>> -> memref<1x32x512xf32, #tpu.memory_space<vmem>>
        %dma_wait3A_440 = tpu.memref_squeeze %dma_wait3A_439 : memref<1x32x512xf32, #tpu.memory_space<vmem>> -> memref<32x512xf32, #tpu.memory_space<vmem>>
        tpu.wait_dma2 semaphore(%dma_wait3A_434 : memref<!tpu.dma_semaphore, #tpu.memory_space<semaphore_mem>>) src(%dma_wait3A_440 : memref<32x512xf32, #tpu.memory_space<vmem>>) dst(%dma_wait3A_436 : memref<32x512xf32, #tpu.memory_space<hbm>>)
        %mul3A_441 = arith.constant 32 : i32
        %mul3A_442 = arith.muli %sub3A_416, %mul3A_441 : i32
        %multiple_of3A_443 = tpu.assume_multiple %mul3A_442, 8 : i32
        %dma_start3A_444 = arith.constant 3 : i32
        %dma_start3A_445 = arith.constant 3 : i32
        %dma_start3A_446 = arith.constant 0 : i32
        %dma_start3A_447 = arith.constant 0 : i32
        %dma_start3A_448 = tpu.memref_slice %arg6[%dma_start3A_444, %dma_start3A_446, %dma_start3A_447] : memref<5x32x512xf32, #tpu.memory_space<vmem>> -> memref<1x32x512xf32, #tpu.memory_space<vmem>>
        %dma_start3A_449 = tpu.memref_squeeze %dma_start3A_448 : memref<1x32x512xf32, #tpu.memory_space<vmem>> -> memref<32x512xf32, #tpu.memory_space<vmem>>
        %dma_start3A_450 = tpu.memref_slice %arg5[%multiple_of3A_443] : memref<2560xi32, #tpu.memory_space<vmem>> -> memref<32xi32, #tpu.memory_space<vmem>>
        %dma_start3A_451 = arith.constant 0 : i32
        %dma_start3A_452 = arith.constant 0 : i32
        %dma_start3A_453 = tpu.memref_slice %arg3[%dma_start3A_451, %dma_start3A_452] : memref<100000x512xf32, #tpu.memory_space<hbm>> -> memref<100000x512xf32, #tpu.memory_space<hbm>>
        %dma_start3A_454 = tpu.memref_slice %arg7[%dma_start3A_445] : memref<5x!tpu.dma_semaphore, #tpu.memory_space<semaphore_mem>> -> memref<1x!tpu.dma_semaphore, #tpu.memory_space<semaphore_mem>>
        %dma_start3A_455 = tpu.memref_squeeze %dma_start3A_454 : memref<1x!tpu.dma_semaphore, #tpu.memory_space<semaphore_mem>> -> memref<!tpu.dma_semaphore, #tpu.memory_space<semaphore_mem>>
        tpu.enqueue_indirect_dma source(%dma_start3A_453 : memref<100000x512xf32, #tpu.memory_space<hbm>>) target(%dma_start3A_449 : memref<32x512xf32, #tpu.memory_space<vmem>>) offsets(%dma_start3A_450 : memref<32xi32, #tpu.memory_space<vmem>>) semaphore(%dma_start3A_455 : memref<!tpu.dma_semaphore, #tpu.memory_space<semaphore_mem>>)
      } else {
      }
    }
    %scan3A_75 = arith.constant 16 : i32
    %dma_wait3A = arith.constant 0 : i32
    %dma_wait3A_76 = arith.constant 0 : i32
    %dma_wait3A_77 = arith.constant 0 : i32
    %dma_wait3A_78 = arith.constant 0 : i32
    %dma_wait3A_79 = tpu.memref_slice %arg6[%dma_wait3A, %dma_wait3A_77, %dma_wait3A_78] : memref<5x32x512xf32, #tpu.memory_space<vmem>> -> memref<1x32x512xf32, #tpu.memory_space<vmem>>
    %dma_wait3A_80 = tpu.memref_squeeze %dma_wait3A_79 : memref<1x32x512xf32, #tpu.memory_space<vmem>> -> memref<32x512xf32, #tpu.memory_space<vmem>>
    %dma_wait3A_81 = arith.constant 0 : i32
    %dma_wait3A_82 = tpu.memref_slice %arg4[%mul3A_2, %dma_wait3A_81] : memref<81920x512xf32, #tpu.memory_space<hbm>> -> memref<32x512xf32, #tpu.memory_space<hbm>>
    %dma_wait3A_83 = tpu.memref_slice %arg8[%dma_wait3A_76] : memref<5x!tpu.dma_semaphore, #tpu.memory_space<semaphore_mem>> -> memref<1x!tpu.dma_semaphore, #tpu.memory_space<semaphore_mem>>
    %dma_wait3A_84 = tpu.memref_squeeze %dma_wait3A_83 : memref<1x!tpu.dma_semaphore, #tpu.memory_space<semaphore_mem>> -> memref<!tpu.dma_semaphore, #tpu.memory_space<semaphore_mem>>
    %dma_wait3A_85 = arith.constant 0 : i32
    %dma_wait3A_86 = tpu.memref_slice %arg4[%mul3A_2, %dma_wait3A_85] : memref<81920x512xf32, #tpu.memory_space<hbm>> -> memref<32x512xf32, #tpu.memory_space<hbm>>
    %dma_wait3A_87 = arith.constant 0 : i32
    %dma_wait3A_88 = arith.constant 0 : i32
    %dma_wait3A_89 = tpu.memref_slice %arg6[%dma_wait3A, %dma_wait3A_87, %dma_wait3A_88] : memref<5x32x512xf32, #tpu.memory_space<vmem>> -> memref<1x32x512xf32, #tpu.memory_space<vmem>>
    %dma_wait3A_90 = tpu.memref_squeeze %dma_wait3A_89 : memref<1x32x512xf32, #tpu.memory_space<vmem>> -> memref<32x512xf32, #tpu.memory_space<vmem>>
    tpu.wait_dma2 semaphore(%dma_wait3A_84 : memref<!tpu.dma_semaphore, #tpu.memory_space<semaphore_mem>>) src(%dma_wait3A_90 : memref<32x512xf32, #tpu.memory_space<vmem>>) dst(%dma_wait3A_86 : memref<32x512xf32, #tpu.memory_space<hbm>>)
    %dma_wait3A_91 = arith.constant 1 : i32
    %dma_wait3A_92 = arith.constant 1 : i32
    %dma_wait3A_93 = arith.constant 0 : i32
    %dma_wait3A_94 = arith.constant 0 : i32
    %dma_wait3A_95 = tpu.memref_slice %arg6[%dma_wait3A_91, %dma_wait3A_93, %dma_wait3A_94] : memref<5x32x512xf32, #tpu.memory_space<vmem>> -> memref<1x32x512xf32, #tpu.memory_space<vmem>>
    %dma_wait3A_96 = tpu.memref_squeeze %dma_wait3A_95 : memref<1x32x512xf32, #tpu.memory_space<vmem>> -> memref<32x512xf32, #tpu.memory_space<vmem>>
    %dma_wait3A_97 = arith.constant 0 : i32
    %dma_wait3A_98 = tpu.memref_slice %arg4[%mul3A_2, %dma_wait3A_97] : memref<81920x512xf32, #tpu.memory_space<hbm>> -> memref<32x512xf32, #tpu.memory_space<hbm>>
    %dma_wait3A_99 = tpu.memref_slice %arg8[%dma_wait3A_92] : memref<5x!tpu.dma_semaphore, #tpu.memory_space<semaphore_mem>> -> memref<1x!tpu.dma_semaphore, #tpu.memory_space<semaphore_mem>>
    %dma_wait3A_100 = tpu.memref_squeeze %dma_wait3A_99 : memref<1x!tpu.dma_semaphore, #tpu.memory_space<semaphore_mem>> -> memref<!tpu.dma_semaphore, #tpu.memory_space<semaphore_mem>>
    %dma_wait3A_101 = arith.constant 0 : i32
    %dma_wait3A_102 = tpu.memref_slice %arg4[%mul3A_2, %dma_wait3A_101] : memref<81920x512xf32, #tpu.memory_space<hbm>> -> memref<32x512xf32, #tpu.memory_space<hbm>>
    %dma_wait3A_103 = arith.constant 0 : i32
    %dma_wait3A_104 = arith.constant 0 : i32
    %dma_wait3A_105 = tpu.memref_slice %arg6[%dma_wait3A_91, %dma_wait3A_103, %dma_wait3A_104] : memref<5x32x512xf32, #tpu.memory_space<vmem>> -> memref<1x32x512xf32, #tpu.memory_space<vmem>>
    %dma_wait3A_106 = tpu.memref_squeeze %dma_wait3A_105 : memref<1x32x512xf32, #tpu.memory_space<vmem>> -> memref<32x512xf32, #tpu.memory_space<vmem>>
    tpu.wait_dma2 semaphore(%dma_wait3A_100 : memref<!tpu.dma_semaphore, #tpu.memory_space<semaphore_mem>>) src(%dma_wait3A_106 : memref<32x512xf32, #tpu.memory_space<vmem>>) dst(%dma_wait3A_102 : memref<32x512xf32, #tpu.memory_space<hbm>>)
    %dma_wait3A_107 = arith.constant 2 : i32
    %dma_wait3A_108 = arith.constant 2 : i32
    %dma_wait3A_109 = arith.constant 0 : i32
    %dma_wait3A_110 = arith.constant 0 : i32
    %dma_wait3A_111 = tpu.memref_slice %arg6[%dma_wait3A_107, %dma_wait3A_109, %dma_wait3A_110] : memref<5x32x512xf32, #tpu.memory_space<vmem>> -> memref<1x32x512xf32, #tpu.memory_space<vmem>>
    %dma_wait3A_112 = tpu.memref_squeeze %dma_wait3A_111 : memref<1x32x512xf32, #tpu.memory_space<vmem>> -> memref<32x512xf32, #tpu.memory_space<vmem>>
    %dma_wait3A_113 = arith.constant 0 : i32
    %dma_wait3A_114 = tpu.memref_slice %arg4[%mul3A_2, %dma_wait3A_113] : memref<81920x512xf32, #tpu.memory_space<hbm>> -> memref<32x512xf32, #tpu.memory_space<hbm>>
    %dma_wait3A_115 = tpu.memref_slice %arg8[%dma_wait3A_108] : memref<5x!tpu.dma_semaphore, #tpu.memory_space<semaphore_mem>> -> memref<1x!tpu.dma_semaphore, #tpu.memory_space<semaphore_mem>>
    %dma_wait3A_116 = tpu.memref_squeeze %dma_wait3A_115 : memref<1x!tpu.dma_semaphore, #tpu.memory_space<semaphore_mem>> -> memref<!tpu.dma_semaphore, #tpu.memory_space<semaphore_mem>>
    %dma_wait3A_117 = arith.constant 0 : i32
    %dma_wait3A_118 = tpu.memref_slice %arg4[%mul3A_2, %dma_wait3A_117] : memref<81920x512xf32, #tpu.memory_space<hbm>> -> memref<32x512xf32, #tpu.memory_space<hbm>>
    %dma_wait3A_119 = arith.constant 0 : i32
    %dma_wait3A_120 = arith.constant 0 : i32
    %dma_wait3A_121 = tpu.memref_slice %arg6[%dma_wait3A_107, %dma_wait3A_119, %dma_wait3A_120] : memref<5x32x512xf32, #tpu.memory_space<vmem>> -> memref<1x32x512xf32, #tpu.memory_space<vmem>>
    %dma_wait3A_122 = tpu.memref_squeeze %dma_wait3A_121 : memref<1x32x512xf32, #tpu.memory_space<vmem>> -> memref<32x512xf32, #tpu.memory_space<vmem>>
    tpu.wait_dma2 semaphore(%dma_wait3A_116 : memref<!tpu.dma_semaphore, #tpu.memory_space<semaphore_mem>>) src(%dma_wait3A_122 : memref<32x512xf32, #tpu.memory_space<vmem>>) dst(%dma_wait3A_118 : memref<32x512xf32, #tpu.memory_space<hbm>>)
    %dma_wait3A_123 = arith.constant 3 : i32
    %dma_wait3A_124 = arith.constant 3 : i32
    %dma_wait3A_125 = arith.constant 0 : i32
    %dma_wait3A_126 = arith.constant 0 : i32
    %dma_wait3A_127 = tpu.memref_slice %arg6[%dma_wait3A_123, %dma_wait3A_125, %dma_wait3A_126] : memref<5x32x512xf32, #tpu.memory_space<vmem>> -> memref<1x32x512xf32, #tpu.memory_space<vmem>>
    %dma_wait3A_128 = tpu.memref_squeeze %dma_wait3A_127 : memref<1x32x512xf32, #tpu.memory_space<vmem>> -> memref<32x512xf32, #tpu.memory_space<vmem>>
    %dma_wait3A_129 = arith.constant 0 : i32
    %dma_wait3A_130 = tpu.memref_slice %arg4[%mul3A_2, %dma_wait3A_129] : memref<81920x512xf32, #tpu.memory_space<hbm>> -> memref<32x512xf32, #tpu.memory_space<hbm>>
    %dma_wait3A_131 = tpu.memref_slice %arg8[%dma_wait3A_124] : memref<5x!tpu.dma_semaphore, #tpu.memory_space<semaphore_mem>> -> memref<1x!tpu.dma_semaphore, #tpu.memory_space<semaphore_mem>>
    %dma_wait3A_132 = tpu.memref_squeeze %dma_wait3A_131 : memref<1x!tpu.dma_semaphore, #tpu.memory_space<semaphore_mem>> -> memref<!tpu.dma_semaphore, #tpu.memory_space<semaphore_mem>>
    %dma_wait3A_133 = arith.constant 0 : i32
    %dma_wait3A_134 = tpu.memref_slice %arg4[%mul3A_2, %dma_wait3A_133] : memref<81920x512xf32, #tpu.memory_space<hbm>> -> memref<32x512xf32, #tpu.memory_space<hbm>>
    %dma_wait3A_135 = arith.constant 0 : i32
    %dma_wait3A_136 = arith.constant 0 : i32
    %dma_wait3A_137 = tpu.memref_slice %arg6[%dma_wait3A_123, %dma_wait3A_135, %dma_wait3A_136] : memref<5x32x512xf32, #tpu.memory_space<vmem>> -> memref<1x32x512xf32, #tpu.memory_space<vmem>>
    %dma_wait3A_138 = tpu.memref_squeeze %dma_wait3A_137 : memref<1x32x512xf32, #tpu.memory_space<vmem>> -> memref<32x512xf32, #tpu.memory_space<vmem>>
    tpu.wait_dma2 semaphore(%dma_wait3A_132 : memref<!tpu.dma_semaphore, #tpu.memory_space<semaphore_mem>>) src(%dma_wait3A_138 : memref<32x512xf32, #tpu.memory_space<vmem>>) dst(%dma_wait3A_134 : memref<32x512xf32, #tpu.memory_space<hbm>>)
    %dma_wait3A_139 = arith.constant 4 : i32
    %dma_wait3A_140 = arith.constant 4 : i32
    %dma_wait3A_141 = arith.constant 0 : i32
    %dma_wait3A_142 = arith.constant 0 : i32
    %dma_wait3A_143 = tpu.memref_slice %arg6[%dma_wait3A_139, %dma_wait3A_141, %dma_wait3A_142] : memref<5x32x512xf32, #tpu.memory_space<vmem>> -> memref<1x32x512xf32, #tpu.memory_space<vmem>>
    %dma_wait3A_144 = tpu.memref_squeeze %dma_wait3A_143 : memref<1x32x512xf32, #tpu.memory_space<vmem>> -> memref<32x512xf32, #tpu.memory_space<vmem>>
    %dma_wait3A_145 = arith.constant 0 : i32
    %dma_wait3A_146 = tpu.memref_slice %arg4[%mul3A_2, %dma_wait3A_145] : memref<81920x512xf32, #tpu.memory_space<hbm>> -> memref<32x512xf32, #tpu.memory_space<hbm>>
    %dma_wait3A_147 = tpu.memref_slice %arg8[%dma_wait3A_140] : memref<5x!tpu.dma_semaphore, #tpu.memory_space<semaphore_mem>> -> memref<1x!tpu.dma_semaphore, #tpu.memory_space<semaphore_mem>>
    %dma_wait3A_148 = tpu.memref_squeeze %dma_wait3A_147 : memref<1x!tpu.dma_semaphore, #tpu.memory_space<semaphore_mem>> -> memref<!tpu.dma_semaphore, #tpu.memory_space<semaphore_mem>>
    %dma_wait3A_149 = arith.constant 0 : i32
    %dma_wait3A_150 = tpu.memref_slice %arg4[%mul3A_2, %dma_wait3A_149] : memref<81920x512xf32, #tpu.memory_space<hbm>> -> memref<32x512xf32, #tpu.memory_space<hbm>>
    %dma_wait3A_151 = arith.constant 0 : i32
    %dma_wait3A_152 = arith.constant 0 : i32
    %dma_wait3A_153 = tpu.memref_slice %arg6[%dma_wait3A_139, %dma_wait3A_151, %dma_wait3A_152] : memref<5x32x512xf32, #tpu.memory_space<vmem>> -> memref<1x32x512xf32, #tpu.memory_space<vmem>>
    %dma_wait3A_154 = tpu.memref_squeeze %dma_wait3A_153 : memref<1x32x512xf32, #tpu.memory_space<vmem>> -> memref<32x512xf32, #tpu.memory_space<vmem>>
    tpu.wait_dma2 semaphore(%dma_wait3A_148 : memref<!tpu.dma_semaphore, #tpu.memory_space<semaphore_mem>>) src(%dma_wait3A_154 : memref<32x512xf32, #tpu.memory_space<vmem>>) dst(%dma_wait3A_150 : memref<32x512xf32, #tpu.memory_space<hbm>>)
    return
  }
}

</mosaic_0001>

<sc_bundles>
// kernel: kernel.3.cloned.1.call-start
scs
__scs_entry_jumppad:
0x0: {  	(pc) =	sbr.rel $0x88, $3  }
0x1: {  	(tag) =	ssettag $0x0;
	lr =	simm.s32 $0x1  }
0x2: {  	[smem:$0x3F9F] =	sst lr;
	_ =	strace $0xD0000000  }
0x3: {  	_ = 	snop  }
0x4: {  	_ = 	snop  }
0x5: {  	_ = 	snop  }
0x6: {  	_ = 	snop  }
0x7: {  	_ = 	snop  }
__scs_overlays_trampoline_lowered:
0x8: {  	[smem:$0x3FAE] =	sst s0  }
0x9: {  	[smem:$0x3FAF] =	sst s1  }
0xa: {  	[smem:$0x3FB0] =	sst s2  }
0xb: {  	[smem:$0x3FB1] =	sst s3  }
0xc: {  	[smem:$0x3FB2] =	sst s4  }
0xd: {  	[smem:$0x3FB3] =	sst s5  }
0xe: {  	[smem:$0x3FB4] =	sst s6  }
0xf: {  	[smem:$0x3FB5] =	sst s7  }
0x10: {  	[smem:$0x3FB6] =	sst s8  }
0x11: {  	[smem:$0x3FB7] =	sst s9;
	s0 =	simm.s32 @!p0 $0x0  }
0x12: {  	s1 =	sld [smem:$0x3F9D];
	s0 =	simm.s32 @p0 $0x1  }
0x13: {  	[smem:$0x3FB8] =	sst s0;
	s0 =	simm.s32 @!p1 $0x0  }
0x14: {  	s2 =	sld [smem:$0x3F9C];
	s0 =	simm.s32 @p1 $0x1  }
0x15: {  	[smem:$0x3FB9] =	sst s0;
	s0 =	simm.s32 @!p2 $0x0  }
0x16: {  	s3 =	sld [smem:$0x3FDB];
	s0 =	simm.s32 @p2 $0x1  }
0x17: {  	s4 =	simm.s32 $0x1BF5;
	[smem:$0x3FBB] =	sst s0  }
0x18: {  	s0 =	sld [smem:$0x3F9E];
	_ =	swait.ge [sflag:s4], $0x0  }
0x19: {  	s7 =	sld [smem:$0x3F9F]  }
0x1a: {  	s8 =	sadd.s32 $0xFFFFE003, lr  }
0x1b: {  	s9 =	sadd.s32 $0xFFFFFEF7, lr;
	s5 =	simm.s32 $0xFFFFFFFF;
	p2 =	slt.u32 s8, $0xFFFFF086  }
0x1c: {  	p1 =	slt.u32 s9, $0xF7A;
	s5 =	simm.s32 @!p2 $0x0  }
0x1d: {  	s5 =	simm.s32 @p1 $0x1;
	p0 =	seq.s32 s7, s2  }
0x1e: {  	s7 =	smul.u32 @!p0 $0xF7A, s2;
	p2 =	seq.s32 @!p0 s5, $0x0  }
0x1f: {  	s9 =	smul.u32 $0xF7A, s1;
	s8 =	simm.s32 @!p0 $0x1BF5;
	p2 =	por !p2, p0  }
0x20: {  	[sflag:s8] =	ssyncset.s32 @!p0 $0xFFFFF086;
	s6 =	sadd.s32 @!p0 s3, s7;
	s7 =	simm.s32 @!p0 $0x108  }
0x21: {  	s3 =	sadd.s32 s3, s9;
	s6 =	sadd.s32 @!p0 $0x88, s6;
	s7 =	simm.s32 @p2 $0x1082  }
0x22: {  	[simem:s7], [sflag:s8] =	dma.local @!p0 [hbm:s6], $0xF7A  }
0x23: {  	s9 =	sor.u32 $0xD0000000, s2;
	s6 =	simm.s32 $0x108;
	_ =	swait.ge @!p0 [sflag:s8], $0x0  }
0x24: {  	s3 =	sadd.s32 $0x88, s3;
	s6 =	simm.s32 @!p1 $0x1082;
	[sflag:s4] =	ssyncset.s32 $0xFFFFF086  }
0x25: {  	[simem:s6], [sflag:s4] =	dma.local [hbm:s3], $0xF7A  }
0x26: {  	[smem:$0x3F9F] =	sst s1;
	(tag) =	ssettag s2;
	_ =	strace s9  }
0x27: {  	s1 =	sld [smem:$0x3FAF]  }
0x28: {  	s2 =	sld [smem:$0x3FB0]  }
0x29: {  	s4 =	sld [smem:$0x3FB2]  }
0x2a: {  	p0 =	seq.s32 s5, $0x0;
	s5 =	sld [smem:$0x3FB3]  }
0x2b: {  	s6 =	sld [smem:$0x3FB4]  }
0x2c: {  	s7 =	sld [smem:$0x3FB5]  }
0x2d: {  	s3 =	simm.s32 $0x108;
	s8 =	sld [smem:$0x3FB6]  }
0x2e: {  	s3 =	simm.s32 @!p0 $0x1082;
	s9 =	sld [smem:$0x3FB7]  }
0x2f: {  	lr =	sadd.s32 s0, s3;
	s0 =	sld [smem:$0x3FAE]  }
0x30: {  	s3 =	sld [smem:$0x3FB1]  }
0x31: {  	[smem:$0x3FBA] =	sst s10  }
0x32: {  	s10 =	sld [smem:$0x3FB8];
	_ =	sdelay $0x3  }
0x33: {  	p0 =	seq.s32 s10, $0x1;
	s10 =	sld [smem:$0x3FBA];
	_ =	sdelay $0x3  }
0x34: {  	[smem:$0x3FBA] =	sst s10  }
0x35: {  	s10 =	sld [smem:$0x3FB9];
	_ =	sdelay $0x3  }
0x36: {  	p1 =	seq.s32 s10, $0x1;
	s10 =	sld [smem:$0x3FBA];
	_ =	sdelay $0x3  }
0x37: {  	[smem:$0x3FBA] =	sst s10  }
0x38: {  	s10 =	sld [smem:$0x3FBB]  }
0x39: {  	_ = 	snop;
	(pc) =	sbr.ind lr, $3  }
0x3a: {  	_ = 	snop  }
0x3b: {  	_ = 	snop  }
0x3c: {  	p2 =	seq.s32 s10, $0x1;
	s10 =	sld [smem:$0x3FBA]  }
0x3d: {  	_ =	shalt  }
0x3e: {  	_ =	shalt  }
0x3f: {  	_ =	shalt  }
0x40: {  	_ =	shalt  }
0x41: {  	_ =	shalt  }
0x42: {  	_ =	shalt  }
0x43: {  	_ =	shalt  }
0x44: {  	_ =	shalt  }
0x45: {  	_ =	shalt  }
0x46: {  	_ =	shalt  }
0x47: {  	_ =	shalt  }
0x48: {  	_ =	shalt  }
0x49: {  	_ =	shalt  }
0x4a: {  	_ =	shalt  }
0x4b: {  	_ =	shalt  }
0x4c: {  	_ =	shalt  }
0x4d: {  	_ =	shalt  }
0x4e: {  	_ =	shalt  }
0x4f: {  	_ =	shalt  }
0x50: {  	_ =	shalt  }
0x51: {  	_ =	shalt  }
0x52: {  	_ =	shalt  }
0x53: {  	_ =	shalt  }
0x54: {  	_ =	shalt  }
0x55: {  	_ =	shalt  }
0x56: {  	_ =	shalt  }
0x57: {  	_ =	shalt  }
0x58: {  	_ =	shalt  }
0x59: {  	_ =	shalt  }
0x5a: {  	_ =	shalt  }
0x5b: {  	_ =	shalt  }
0x5c: {  	_ =	shalt  }
0x5d: {  	_ =	shalt  }
0x5e: {  	_ =	shalt  }
0x5f: {  	_ =	shalt  }
0x60: {  	_ =	shalt  }
0x61: {  	_ =	shalt  }
0x62: {  	_ =	shalt  }
0x63: {  	_ =	shalt  }
0x64: {  	_ =	shalt  }
0x65: {  	_ =	shalt  }
0x66: {  	_ =	shalt  }
0x67: {  	_ =	shalt  }
0x68: {  	_ =	shalt  }
0x69: {  	_ =	shalt  }
0x6a: {  	_ =	shalt  }
0x6b: {  	_ =	shalt  }
0x6c: {  	_ =	shalt  }
0x6d: {  	_ =	shalt  }
0x6e: {  	_ =	shalt  }
0x6f: {  	_ =	shalt  }
0x70: {  	_ =	shalt  }
0x71: {  	_ =	shalt  }
0x72: {  	_ =	shalt  }
0x73: {  	_ =	shalt  }
0x74: {  	_ =	shalt  }
0x75: {  	_ =	shalt  }
0x76: {  	_ =	shalt  }
0x77: {  	_ =	shalt  }
0x78: {  	_ =	shalt  }
0x79: {  	_ =	shalt  }
0x7a: {  	_ =	shalt  }
0x7b: {  	_ =	shalt  }
0x7c: {  	_ =	shalt  }
0x7d: {  	_ =	shalt  }
0x7e: {  	_ =	shalt  }
0x7f: {  	_ =	shalt  }
0x80: {  	_ =	shalt  }
0x81: {  	_ =	shalt  }
0x82: {  	_ =	shalt  }
0x83: {  	_ =	shalt  }
0x84: {  	_ =	shalt  }
0x85: {  	_ =	shalt  }
0x86: {  	_ =	shalt  }
0x87: {  	_ =	shalt  }
.Lfunc_end0:
.L_simem_size_0:
called_computation_lowered:
.L_overlay_start_0:
0x88: {  	s2 =	sld [smem:$0x3FD9]  }
0x89: {  	s3 =	sld [smem:$0x3FFE];
	_ =	sdelay $0x1  }
0x8a: {  	s1 =	srdreg.scid  }
0x8b: {  	s0 =	sand.u32 $0x1, s1  }
0x8c: {  	s17 =	sshll.u32 s0, $0xA;
	s2 =	sadd.s32 s3, s2  }
0x8d: {  	s2 =	sadd.s32 s2, s17  }
0x8e: {  	[smem:$0x3FC6] =	sst s2  }
0x8f: {  	_ = 	snop  }
0x90: {  	s2 =	sld [smem:$0x3FC8]  }
0x91: {  	s18 =	sld [smem:$0x3FD0];
	(tm) =	ssettm $0x1  }
0x92: {  	s4 =	sld [smem:$0x3FFB];
	_ =	sdelay $0x3  }
0x93: {  	_ =	strace s4  }
0x94: {  	s4 =	sld [smem:$0x3FFC];
	_ =	sdelay $0x3  }
0x95: {  	_ =	strace s4  }
0x96: {  	s4 =	sld [smem:$0x3FFD];
	_ =	sdelay $0x3  }
0x97: {  	_ =	strace s4  }
0x98: {  	_ =	strace $0x8FFFFFFF  }
0x99: {  	s19 =	sld [smem:$0x3FDB];
	_ =	sdelay $0x1  }
0x9a: {  	s5 =	simm.s32 $_scs_section_size  }
0x9b: {  	s6 =	simm.s32 $_size__tile_overlayer_lowered;
	s7 =	simm.s32 $_tile_overlayer_lowered  }
0x9c: {  	s22 =	simm.s32 $0x1BFF;
	s21 =	sshll.u32 s7, $0x1;
	s4 =	sadd.s32 s5, s19  }
0x9d: {  	s8 =	simm.s32 $0x0;
	s20 =	sshll.u32 s6, $0x1;
	s6 =	sadd.s32 s21, s4  }
0x9e: {  	[timem:s8], [sflag:s22] =	dma.local [hbm:s6], s20  }
0x9f: {  	_ =	swait.ge [sflag:s22], s20  }
0xa0: {  	s5 =	ssub.s32 $0x0, s20;
	[sflag:s22] =	ssyncset.done $0x0  }
0xa1: {  	[sflag:s22] =	ssyncadd.s32 s5;
	_ =	sdelay $0x1  }
0xa2: {  	s23 =	simm.s32 $0x1B8B  }
0xa3: {  	_ =	swait.ge [sflag:s23], $0x1  }
0xa4: {  	[sflag:s23] =	ssyncset.done $0x0  }
0xa5: {  	s25 =	simm.s32 $0x1B8E;
	s24 =	sld [smem:$0x3FFE];
	[sflag:s23] =	ssyncadd.s32 $0xFFFFFFFF  }
0xa6: {  	s26 =	simm.s32 $execute0_lowered;
	[smem:$0x3FD2] =	sst s25  }
0xa7: {  	s6 =	sshll.u32 s26, $0x1;
	_ =	strace $0x80000046;
	[dreg:$0x1] =	wrdreg $0xFFFFFFFF  }
0xa8: {  	s28 =	simm.s32 $_size_execute0_lowered;
	s4 =	sadd.s32 s4, s6;
	[dreg:$0x0] =	wrdreg $0x0  }
0xa9: {  	s6 =	sshll.u32 s28, $0x1;
	[dreg:$0x2] =	wrdreg s4  }
0xaa: {  	[dreg:$0x3] =	wrdreg s6  }
0xab: {  	[dreg:$0x4] =	wrdreg $0xC0  }
0xac: {  	_ =	task [dreg:s8], $0x5FFFF  }
0xad: {  	[dreg:$0x1] =	wrdreg $0xFFFFFFFF  }
0xae: {  	[dreg:$0x0] =	wrdreg $0x60  }
0xaf: {  	[dreg:$0x2] =	wrdreg s24  }
0xb0: {  	[dreg:$0x3] =	wrdreg s2  }
0xb1: {  	[dreg:$0x4] =	wrdreg s18  }
0xb2: {  	[dreg:$0x5] =	wrdreg $0x9  }
0xb3: {  	_ =	task.clear_ibuf [dreg:s8], $0x6FFFF;
	_ =	strace $0x90000046  }
0xb4: {  	s29 =	simm.s32 $0x9;
	_ =	strace $0x80000048  }
0xb5: {  	_ =	swait.ge [sflag:s29], $0x1  }
0xb6: {  	[sflag:s29] =	ssyncadd.s32 $0xFFFFFFFF  }
0xb7: {  	_ =	strace $0x90000048  }
0xb8: {  	_ =	sfence  }
0xb9: {  	s30 =	sld [smem:$0x0];
	_ =	sdelay $0x2  }
0xba: {  	s31 =	sshll.u32 s1, $0xD;
	s1 =	sshrl.u32 s1, $0x2  }
0xbb: {  	s3 =	sand.u32 $0x4000, s31;
	s1 =	sadd.s32 s1, s30  }
0xbc: {  	s0 =	sor.u32 s3, s0;
	s1 =	sshll.u32 s1, $0x11  }
0xbd: {  	s0 =	sor.u32 s1, s0  }
0xbe: {  	s0 =	sadd.s32 $0x8F2B, s0  }
0xbf: {  	[sflag:s0] =	ssyncadd.remote.s32 $0x1  }
0xc0: {  	_ =	sfence.sel $0xFFFF  }
0xc1: {  	[dreg:$0x0] =	wrdreg $0xFFFFFFFF;
	(pc) =	sbr.abs _section_cstart, $3  }
0xc2: {  	[dreg:$0x1] =	wrdreg $0xFFFFFFFF  }
0xc3: {  	_ =	task.clear_ibuf [dreg:s8], $0x2FFFF;
	_ =	strace $0x9FFFFFFF  }
0xc4: {  	(tm) =	ssettm $0x7FFFFFFF  }
0xc5: {  	_ =	shalt  }
tec
execute0_lowered:
.L_overlay_start_1:
0x0: {  	(tag) =	ssettag $0x1  }
0x1: {  	s0 =	srdreg.scid  }
0x2: {  	s2 =	stileid.u32;
	s1 =	rddreg [dreg:$0x0]  }
0x3: {  	s5 =	simm.s32 $0x0;
	s14 =	simm.s32 $0xA00;
	s22 =	simm.s32 $0x4A00  }
0x4: {  	s31 =	simm.s32 $0x8A00;
	s20 =	simm.s32 $0xCA00;
	s30 =	simm.s32 $0x10A00  }
0x5: {  	s15 =	simm.s32 $0x3;
	s16 =	simm.s32 $0x4;
	s17 =	simm.s32 $0x5  }
0x6: {  	s12 =	simm.s32 $0x9;
	s0 =	sand.u32 $0x1, s0;
	s3 =	sshll.u32 s2, $0x1  }
0x7: {  	s18 =	simm.s32 $0x0;
	s2 =	rddreg [dreg:$0x1];
	s6 =	sor.u32 s0, s3  }
0x8: {  	[smem:$0x7FF] =	sst s5;
	s0 =	ssub.s32 $0x2, s0;
	s4 =	smul.u32 $0xA00, s6  }
0x9: {  	s3 =	rddreg [dreg:$0x2];
	s29 =	sshrl.u32 s0, $0x1;
	s11 =	smul.u32 $0x140000, s6  }
.Ltmp0:
0xa: {  	_ =	strace $0x80000047;
	s0 =	ssub.s32 s0, s29;
	(pc) =	sbr.rel .LBB2_1-.Ltmp0, $4  }
0xb: {  	s7 =	sshrl.u32 s4, $0x3;
	s8 =	sor.u32 $0x20, s4;
	s9 =	sor.u32 $0x40, s4  }
0xc: {  	v2 =	vlaneseq.u32;
	s10 =	sor.u32 $0x60, s4;
	s0 =	smax.u32 s0, $0x1;
	s1 =	sadd.s32 s7, s1  }
0xd: {  	vm0 =	vmmov $0xffff;
	v1 =	vshrl.u32 v2, $0x3;
	s7 =	sadd.s32 $0x100, s2;
	[dreg:$0x5] =	wrdreg s0;
	s1 =	sadd.s32 $0x400, s1  }
0xe: {  	v0 =	vand.u32 $0x7, v2;
	v2 =	vor.u32 $0x8, v2;
	v1 =	vmul.u32 $0x8, v1;
	s0 =	simm.s32 $0x2;
	[dreg:$0x4] =	wrdreg s1;
	s1 =	simm.s32 $0x1  }
.LBB2_14:
0xf: {  	s6 =	simm.s32 $0x6  }
0x10: {  	_ =	swait.ge [sflag:s6], $0x4000  }
0x11: {  	[sflag:s6] =	ssyncset.done $0x0  }
0x12: {  	s26 =	simm.s32 $0x7;
	[sflag:s6] =	ssyncadd.s32 $0xFFFFC000  }
0x13: {  	_ =	swait.ge [sflag:s26], $0x4000  }
0x14: {  	[sflag:s26] =	ssyncset.done $0x0  }
0x15: {  	s28 =	simm.s32 $0x8;
	[sflag:s26] =	ssyncadd.s32 $0xFFFFC000  }
0x16: {  	_ =	swait.ge [sflag:s28], $0x4000  }
0x17: {  	[sflag:s28] =	ssyncset.done $0x0  }
0x18: {  	[sflag:s28] =	ssyncadd.s32 $0xFFFFC000  }
0x19: {  	_ =	swait.ge [sflag:s12], $0x4000  }
0x1a: {  	[sflag:s12] =	ssyncset.done $0x0  }
0x1b: {  	s13 =	simm.s32 $0xA;
	[sflag:s12] =	ssyncadd.s32 $0xFFFFC000  }
0x1c: {  	_ =	swait.ge [sflag:s13], $0x4000  }
0x1d: {  	s18 =	rddreg [dreg:$0x6]  }
0x1e: {  	s29 =	rddreg [dreg:$0x5];
	s18 =	sadd.s32 $0x1, s18  }
0x1f: {  	p0 =	sne.s32 s18, s29  }
.Ltmp1:
0x20: {  	_ = 	snop;
	(pc) =	sbr.rel @!p0 .LBB2_15-.Ltmp1, $3  }
0x21: {  	_ =	sdelay $0x1  }
0x22: {  	[sflag:s13] =	ssyncset.done $0x0  }
0x23: {  	[sflag:s13] =	ssyncadd.s32 $0xFFFFC000  }
.LBB2_1:
0x24: {  	[dreg:$0x6] =	wrdreg s18  }
0x25: {  	s6 =	rddreg [dreg:$0x4];
	s23 =	simm.s32 $0xB  }
0x26: {  	[tilespmem:s5], [sflag:$0xB] =	stream.linear.gather [hbm4b:s6+s5], $0xA00, $0x38;
	[tilespmem:$0x14A00] =	vst v63  }
0x27: {  	_ =	swait.ge [sflag:s23], $0xA00  }
0x28: {  	[sflag:s23] =	ssyncset.done $0x0  }
0x29: {  	[sflag:s23] =	ssyncadd.s32 $0xFFFFF600  }
0x2a: {  	v3 =	vld [tilespmem:$0x0];
	_ =	sdelay $0x4  }
0x2b: {  	v4 =	vshll.u32 v3, $0x2  }
0x2c: {  	v3 =	vand.u32 $0x7, v3;
	v4 =	vand.u32 $0xFFFFFFE0, v4  }
0x2d: {  	v3 =	vor.u32 v3, v4  }
0x2e: {  	v4 =	vperm.xlane v3, v0;
	_ =	sdelay $0x1  }
0x2f: {  	v4 =	vadd.s32 v1, v4;
	_ =	sdelay $0x1  }
0x30: {  	v3 =	vperm.xlane v3, v2;
	_ =	sdelay $0x1  }
0x31: {  	v3 =	vadd.s32 v1, v3  }
0x32: {  	[tilespmem:s14], [sflag:$0x1] =	stream.indirect_vreg.gather [hbm4b:s2+s5], $0x80, v4, vm0, $0xb8;
	[tilespmem:$0x14A00] =	vst v63  }
0x33: {  	s24 =	simm.s32 $0x1200  }
0x34: {  	[tilespmem:s24], [sflag:$0x1] =	stream.indirect_vreg.gather [hbm4b:s7+s5], $0x80, v4, vm0, $0xb8;
	[tilespmem:$0x14A00] =	vst v63  }
0x35: {  	s25 =	simm.s32 $0x1A00  }
0x36: {  	[tilespmem:s25], [sflag:$0x1] =	stream.indirect_vreg.gather [hbm4b:s2+s5], $0x80, v3, vm0, $0xb8;
	[tilespmem:$0x14A00] =	vst v63  }
0x37: {  	s26 =	simm.s32 $0x2200  }
0x38: {  	[tilespmem:s26], [sflag:$0x1] =	stream.indirect_vreg.gather [hbm4b:s7+s5], $0x80, v3, vm0, $0xb8;
	[tilespmem:$0x14A00] =	vst v63  }
0x39: {  	v3 =	vld [tilespmem:$0x10];
	_ =	sdelay $0x4  }
0x3a: {  	v55 =	vshll.u32 v3, $0x2  }
0x3b: {  	v3 =	vand.u32 $0x7, v3;
	v4 =	vand.u32 $0xFFFFFFE0, v55  }
0x3c: {  	v3 =	vor.u32 v3, v4  }
0x3d: {  	v4 =	vperm.xlane v3, v0;
	_ =	sdelay $0x1  }
0x3e: {  	v4 =	vadd.s32 v1, v4;
	_ =	sdelay $0x1  }
0x3f: {  	v3 =	vperm.xlane v3, v2;
	_ =	sdelay $0x1  }
0x40: {  	s28 =	simm.s32 $0x2A00;
	v3 =	vadd.s32 v1, v3  }
0x41: {  	[tilespmem:s28], [sflag:$0x1] =	stream.indirect_vreg.gather [hbm4b:s2+s5], $0x80, v4, vm0, $0xb8;
	[tilespmem:$0x14A00] =	vst v63  }
0x42: {  	s29 =	simm.s32 $0x3200  }
0x43: {  	[tilespmem:s29], [sflag:$0x1] =	stream.indirect_vreg.gather [hbm4b:s7+s5], $0x80, v4, vm0, $0xb8;
	[tilespmem:$0x14A00] =	vst v63  }
0x44: {  	s13 =	simm.s32 $0x3A00  }
0x45: {  	[tilespmem:s13], [sflag:$0x1] =	stream.indirect_vreg.gather [hbm4b:s2+s5], $0x80, v3, vm0, $0xb8;
	[tilespmem:$0x14A00] =	vst v63  }
0x46: {  	s18 =	simm.s32 $0x4200  }
0x47: {  	[tilespmem:s18], [sflag:$0x1] =	stream.indirect_vreg.gather [hbm4b:s7+s5], $0x80, v3, vm0, $0xb8;
	[tilespmem:$0x14A00] =	vst v63  }
0x48: {  	v3 =	vld [tilespmem:$0x20];
	_ =	sdelay $0x4  }
0x49: {  	v56 =	vshll.u32 v3, $0x2  }
0x4a: {  	v3 =	vand.u32 $0x7, v3;
	v4 =	vand.u32 $0xFFFFFFE0, v56  }
0x4b: {  	v3 =	vor.u32 v3, v4  }
0x4c: {  	v4 =	vperm.xlane v3, v0;
	_ =	sdelay $0x1  }
0x4d: {  	v4 =	vadd.s32 v1, v4;
	_ =	sdelay $0x1  }
0x4e: {  	v3 =	vperm.xlane v3, v2;
	_ =	sdelay $0x1  }
0x4f: {  	v3 =	vadd.s32 v1, v3  }
0x50: {  	[tilespmem:s22], [sflag:$0x2] =	stream.indirect_vreg.gather [hbm4b:s2+s5], $0x80, v4, vm0, $0xb8;
	[tilespmem:$0x14A00] =	vst v63  }
0x51: {  	s19 =	simm.s32 $0x5200  }
0x52: {  	[tilespmem:s19], [sflag:$0x2] =	stream.indirect_vreg.gather [hbm4b:s7+s5], $0x80, v4, vm0, $0xb8;
	[tilespmem:$0x14A00] =	vst v63  }
0x53: {  	s21 =	simm.s32 $0x5A00  }
0x54: {  	[tilespmem:s21], [sflag:$0x2] =	stream.indirect_vreg.gather [hbm4b:s2+s5], $0x80, v3, vm0, $0xb8;
	[tilespmem:$0x14A00] =	vst v63  }
0x55: {  	s23 =	simm.s32 $0x6200  }
0x56: {  	[tilespmem:s23], [sflag:$0x2] =	stream.indirect_vreg.gather [hbm4b:s7+s5], $0x80, v3, vm0, $0xb8;
	[tilespmem:$0x14A00] =	vst v63  }
0x57: {  	v3 =	vld [tilespmem:$0x30];
	_ =	sdelay $0x4  }
0x58: {  	v57 =	vshll.u32 v3, $0x2  }
0x59: {  	v3 =	vand.u32 $0x7, v3;
	v4 =	vand.u32 $0xFFFFFFE0, v57  }
0x5a: {  	v3 =	vor.u32 v3, v4  }
0x5b: {  	v4 =	vperm.xlane v3, v0;
	_ =	sdelay $0x1  }
0x5c: {  	v4 =	vadd.s32 v1, v4;
	_ =	sdelay $0x1  }
0x5d: {  	v3 =	vperm.xlane v3, v2;
	_ =	sdelay $0x1  }
0x5e: {  	s24 =	simm.s32 $0x6A00;
	v3 =	vadd.s32 v1, v3  }
0x5f: {  	[tilespmem:s24], [sflag:$0x2] =	stream.indirect_vreg.gather [hbm4b:s2+s5], $0x80, v4, vm0, $0xb8;
	[tilespmem:$0x14A00] =	vst v63  }
0x60: {  	s25 =	simm.s32 $0x7200  }
0x61: {  	[tilespmem:s25], [sflag:$0x2] =	stream.indirect_vreg.gather [hbm4b:s7+s5], $0x80, v4, vm0, $0xb8;
	[tilespmem:$0x14A00] =	vst v63  }
0x62: {  	s26 =	simm.s32 $0x7A00  }
0x63: {  	[tilespmem:s26], [sflag:$0x2] =	stream.indirect_vreg.gather [hbm4b:s2+s5], $0x80, v3, vm0, $0xb8;
	[tilespmem:$0x14A00] =	vst v63  }
0x64: {  	s28 =	simm.s32 $0x8200  }
0x65: {  	[tilespmem:s28], [sflag:$0x2] =	stream.indirect_vreg.gather [hbm4b:s7+s5], $0x80, v3, vm0, $0xb8;
	[tilespmem:$0x14A00] =	vst v63  }
0x66: {  	v3 =	vld [tilespmem:$0x40];
	_ =	sdelay $0x4  }
0x67: {  	v58 =	vshll.u32 v3, $0x2  }
0x68: {  	v3 =	vand.u32 $0x7, v3;
	v4 =	vand.u32 $0xFFFFFFE0, v58  }
0x69: {  	v3 =	vor.u32 v3, v4  }
0x6a: {  	v4 =	vperm.xlane v3, v0;
	_ =	sdelay $0x1  }
0x6b: {  	v4 =	vadd.s32 v1, v4;
	_ =	sdelay $0x1  }
0x6c: {  	v3 =	vperm.xlane v3, v2;
	_ =	sdelay $0x1  }
0x6d: {  	v3 =	vadd.s32 v1, v3  }
0x6e: {  	[tilespmem:s31], [sflag:$0x3] =	stream.indirect_vreg.gather [hbm4b:s2+s5], $0x80, v4, vm0, $0xb8;
	[tilespmem:$0x14A00] =	vst v63  }
0x6f: {  	s29 =	simm.s32 $0x9200  }
0x70: {  	[tilespmem:s29], [sflag:$0x3] =	stream.indirect_vreg.gather [hbm4b:s7+s5], $0x80, v4, vm0, $0xb8;
	[tilespmem:$0x14A00] =	vst v63  }
0x71: {  	s13 =	simm.s32 $0x9A00  }
0x72: {  	[tilespmem:s13], [sflag:$0x3] =	stream.indirect_vreg.gather [hbm4b:s2+s5], $0x80, v3, vm0, $0xb8;
	[tilespmem:$0x14A00] =	vst v63  }
0x73: {  	s18 =	simm.s32 $0xA200  }
0x74: {  	[tilespmem:s18], [sflag:$0x3] =	stream.indirect_vreg.gather [hbm4b:s7+s5], $0x80, v3, vm0, $0xb8;
	[tilespmem:$0x14A00] =	vst v63  }
0x75: {  	v3 =	vld [tilespmem:$0x50];
	_ =	sdelay $0x4  }
0x76: {  	v59 =	vshll.u32 v3, $0x2  }
0x77: {  	v3 =	vand.u32 $0x7, v3;
	v4 =	vand.u32 $0xFFFFFFE0, v59  }
0x78: {  	v3 =	vor.u32 v3, v4  }
0x79: {  	v4 =	vperm.xlane v3, v0;
	_ =	sdelay $0x1  }
0x7a: {  	v4 =	vadd.s32 v1, v4;
	_ =	sdelay $0x1  }
0x7b: {  	v3 =	vperm.xlane v3, v2;
	_ =	sdelay $0x1  }
0x7c: {  	s19 =	simm.s32 $0xAA00;
	v3 =	vadd.s32 v1, v3  }
0x7d: {  	[tilespmem:s19], [sflag:$0x3] =	stream.indirect_vreg.gather [hbm4b:s2+s5], $0x80, v4, vm0, $0xb8;
	[tilespmem:$0x14A00] =	vst v63  }
0x7e: {  	s21 =	simm.s32 $0xB200  }
0x7f: {  	[tilespmem:s21], [sflag:$0x3] =	stream.indirect_vreg.gather [hbm4b:s7+s5], $0x80, v4, vm0, $0xb8;
	[tilespmem:$0x14A00] =	vst v63  }
0x80: {  	s23 =	simm.s32 $0xBA00  }
0x81: {  	[tilespmem:s23], [sflag:$0x3] =	stream.indirect_vreg.gather [hbm4b:s2+s5], $0x80, v3, vm0, $0xb8;
	[tilespmem:$0x14A00] =	vst v63  }
0x82: {  	s24 =	simm.s32 $0xC200  }
0x83: {  	[tilespmem:s24], [sflag:$0x3] =	stream.indirect_vreg.gather [hbm4b:s7+s5], $0x80, v3, vm0, $0xb8;
	[tilespmem:$0x14A00] =	vst v63  }
0x84: {  	v3 =	vld [tilespmem:$0x60];
	_ =	sdelay $0x4  }
0x85: {  	v60 =	vshll.u32 v3, $0x2  }
0x86: {  	v3 =	vand.u32 $0x7, v3;
	v4 =	vand.u32 $0xFFFFFFE0, v60  }
0x87: {  	v3 =	vor.u32 v3, v4  }
0x88: {  	v4 =	vperm.xlane v3, v0;
	_ =	sdelay $0x1  }
0x89: {  	v4 =	vadd.s32 v1, v4;
	_ =	sdelay $0x1  }
0x8a: {  	v3 =	vperm.xlane v3, v2;
	_ =	sdelay $0x1  }
0x8b: {  	v3 =	vadd.s32 v1, v3  }
0x8c: {  	[tilespmem:s20], [sflag:$0x4] =	stream.indirect_vreg.gather [hbm4b:s2+s5], $0x80, v4, vm0, $0xb8;
	[tilespmem:$0x14A00] =	vst v63  }
0x8d: {  	s25 =	simm.s32 $0xD200  }
0x8e: {  	[tilespmem:s25], [sflag:$0x4] =	stream.indirect_vreg.gather [hbm4b:s7+s5], $0x80, v4, vm0, $0xb8;
	[tilespmem:$0x14A00] =	vst v63  }
0x8f: {  	s26 =	simm.s32 $0xDA00  }
0x90: {  	[tilespmem:s26], [sflag:$0x4] =	stream.indirect_vreg.gather [hbm4b:s2+s5], $0x80, v3, vm0, $0xb8;
	[tilespmem:$0x14A00] =	vst v63  }
0x91: {  	s28 =	simm.s32 $0xE200  }
0x92: {  	[tilespmem:s28], [sflag:$0x4] =	stream.indirect_vreg.gather [hbm4b:s7+s5], $0x80, v3, vm0, $0xb8;
	[tilespmem:$0x14A00] =	vst v63  }
0x93: {  	v3 =	vld [tilespmem:$0x70];
	_ =	sdelay $0x4  }
0x94: {  	v61 =	vshll.u32 v3, $0x2  }
0x95: {  	v3 =	vand.u32 $0x7, v3;
	v4 =	vand.u32 $0xFFFFFFE0, v61  }
0x96: {  	v3 =	vor.u32 v3, v4  }
0x97: {  	v4 =	vperm.xlane v3, v0;
	_ =	sdelay $0x1  }
0x98: {  	v4 =	vadd.s32 v1, v4;
	_ =	sdelay $0x1  }
0x99: {  	v3 =	vperm.xlane v3, v2;
	_ =	sdelay $0x1  }
0x9a: {  	s29 =	simm.s32 $0xEA00;
	v3 =	vadd.s32 v1, v3  }
0x9b: {  	[tilespmem:s29], [sflag:$0x4] =	stream.indirect_vreg.gather [hbm4b:s2+s5], $0x80, v4, vm0, $0xb8;
	[tilespmem:$0x14A00] =	vst v63  }
0x9c: {  	s13 =	simm.s32 $0xF200  }
0x9d: {  	[tilespmem:s13], [sflag:$0x4] =	stream.indirect_vreg.gather [hbm4b:s7+s5], $0x80, v4, vm0, $0xb8;
	[tilespmem:$0x14A00] =	vst v63  }
0x9e: {  	s18 =	simm.s32 $0xFA00  }
0x9f: {  	[tilespmem:s18], [sflag:$0x4] =	stream.indirect_vreg.gather [hbm4b:s2+s5], $0x80, v3, vm0, $0xb8;
	[tilespmem:$0x14A00] =	vst v63  }
0xa0: {  	s19 =	simm.s32 $0x10200  }
0xa1: {  	[tilespmem:s19], [sflag:$0x4] =	stream.indirect_vreg.gather [hbm4b:s7+s5], $0x80, v3, vm0, $0xb8;
	[tilespmem:$0x14A00] =	vst v63  }
0xa2: {  	v3 =	vld [tilespmem:$0x80];
	_ =	sdelay $0x4  }
0xa3: {  	v62 =	vshll.u32 v3, $0x2  }
0xa4: {  	v3 =	vand.u32 $0x7, v3;
	v4 =	vand.u32 $0xFFFFFFE0, v62  }
0xa5: {  	v3 =	vor.u32 v3, v4  }
0xa6: {  	v4 =	vperm.xlane v3, v0;
	_ =	sdelay $0x1  }
0xa7: {  	v4 =	vadd.s32 v1, v4;
	_ =	sdelay $0x1  }
0xa8: {  	v3 =	vperm.xlane v3, v2;
	_ =	sdelay $0x1  }
0xa9: {  	v3 =	vadd.s32 v1, v3  }
0xaa: {  	[tilespmem:s30], [sflag:$0x5] =	stream.indirect_vreg.gather [hbm4b:s2+s5], $0x80, v4, vm0, $0xb8;
	[tilespmem:$0x14A00] =	vst v63  }
0xab: {  	s21 =	simm.s32 $0x11200  }
0xac: {  	[tilespmem:s21], [sflag:$0x5] =	stream.indirect_vreg.gather [hbm4b:s7+s5], $0x80, v4, vm0, $0xb8;
	[tilespmem:$0x14A00] =	vst v63  }
0xad: {  	s23 =	simm.s32 $0x11A00  }
0xae: {  	[tilespmem:s23], [sflag:$0x5] =	stream.indirect_vreg.gather [hbm4b:s2+s5], $0x80, v3, vm0, $0xb8;
	[tilespmem:$0x14A00] =	vst v63  }
0xaf: {  	s24 =	simm.s32 $0x12200  }
0xb0: {  	[tilespmem:s24], [sflag:$0x5] =	stream.indirect_vreg.gather [hbm4b:s7+s5], $0x80, v3, vm0, $0xb8;
	[tilespmem:$0x14A00] =	vst v63  }
0xb1: {  	v3 =	vld [tilespmem:$0x90];
	_ =	sdelay $0x4  }
0xb2: {  	v63 =	vshll.u32 v3, $0x2  }
0xb3: {  	v3 =	vand.u32 $0x7, v3;
	v4 =	vand.u32 $0xFFFFFFE0, v63  }
0xb4: {  	v3 =	vor.u32 v3, v4  }
0xb5: {  	v4 =	vperm.xlane v3, v0;
	_ =	sdelay $0x1  }
0xb6: {  	v4 =	vadd.s32 v1, v4;
	_ =	sdelay $0x1  }
0xb7: {  	v3 =	vperm.xlane v3, v2;
	_ =	sdelay $0x1  }
0xb8: {  	s25 =	simm.s32 $0x12A00;
	v3 =	vadd.s32 v1, v3  }
0xb9: {  	[tilespmem:s25], [sflag:$0x5] =	stream.indirect_vreg.gather [hbm4b:s2+s5], $0x80, v4, vm0, $0xb8;
	[tilespmem:$0x14A00] =	vst v63  }
0xba: {  	s26 =	simm.s32 $0x13200  }
0xbb: {  	[tilespmem:s26], [sflag:$0x5] =	stream.indirect_vreg.gather [hbm4b:s7+s5], $0x80, v4, vm0, $0xb8;
	[tilespmem:$0x14A00] =	vst v63  }
0xbc: {  	s28 =	simm.s32 $0x13A00  }
0xbd: {  	[tilespmem:s28], [sflag:$0x5] =	stream.indirect_vreg.gather [hbm4b:s2+s5], $0x80, v3, vm0, $0xb8;
	[tilespmem:$0x14A00] =	vst v63  }
0xbe: {  	s29 =	simm.s32 $0x14200;
	s19 =	simm.s32 $0x0  }
0xbf: {  	[tilespmem:s29], [sflag:$0x5] =	stream.indirect_vreg.gather [hbm4b:s7+s5], $0x80, v3, vm0, $0xb8;
	[tilespmem:$0x14A00] =	vst v63  }
.LBB2_2:
0xc0: {  	_ =	swait.ge [sflag:s1], $0x4000;
	s6 =	simm.s32 $0x0  }
0xc1: {  	[sflag:s1] =	ssyncset.done $0x0;
	s13 =	sand.u32 $0x3000, s6;
	s6 =	sand.u32 $0x380, s6  }
0xc2: {  	[sflag:s1] =	ssyncadd.s32 $0xFFFFC000;
	s6 =	sor.u32 s6, s13  }
0xc3: {  	v3 =	vld [tilespmem:s6+$0xE70]  }
0xc4: {  	v4 =	vld [tilespmem:s6+$0x1200]  }
0xc5: {  	v5 =	vld [tilespmem:s6+$0x1210]  }
0xc6: {  	v6 =	vld [tilespmem:s6+$0xE60]  }
0xc7: {  	v7 =	vld [tilespmem:s6+$0xE50]  }
0xc8: {  	v8 =	vld [tilespmem:s6+$0x1220]  }
0xc9: {  	v9 =	vld [tilespmem:s6+$0xE40]  }
0xca: {  	v10 =	vld [tilespmem:s6+$0x1670]  }
0xcb: {  	v11 =	vld [tilespmem:s6+$0x1610]  }
0xcc: {  	v12 =	vld [tilespmem:s6+$0x1650]  }
0xcd: {  	v16 =	vld [tilespmem:s6+$0x1230]  }
0xce: {  	v17 =	vld [tilespmem:s6+$0x1240]  }
0xcf: {  	v14 =	vld [tilespmem:s6+$0x1600]  }
0xd0: {  	v13 =	vld [tilespmem:s6+$0x1640]  }
0xd1: {  	v15 =	vld [tilespmem:s6+$0xE30];
	v11 =	vmul.f32 $2.262741660e+01, v11  }
0xd2: {  	v18 =	vld [tilespmem:s6+$0xE20];
	v10 =	vmul.f32 $2.262741660e+01, v10  }
0xd3: {  	v19 =	vld [tilespmem:s6+$0xE10];
	v12 =	vmul.f32 $2.262741660e+01, v12;
	[tilespmem:s6+$0x1610] =	vst v11  }
0xd4: {  	v20 =	vld [tilespmem:s6+$0xA60];
	v14 =	vmul.f32 $2.262741660e+01, v14;
	[tilespmem:s6+$0x1670] =	vst v10  }
0xd5: {  	v24 =	vld [tilespmem:s6+$0xA00];
	v11 =	vmul.f32 $2.262741660e+01, v13;
	[tilespmem:s6+$0x1650] =	vst v12  }
0xd6: {  	v15 =	vmul.f32 $2.262741660e+01, v15;
	v10 =	vld [tilespmem:s6+$0x1620];
	[tilespmem:s6+$0x1600] =	vst v14  }
0xd7: {  	v13 =	vld [tilespmem:s6+$0xE00];
	[tilespmem:s6+$0x1640] =	vst v11;
	v11 =	vmul.f32 $2.262741660e+01, v18  }
0xd8: {  	v12 =	vld [tilespmem:s6+$0xA70];
	[tilespmem:s6+$0xE30] =	vst v15;
	v18 =	vmul.f32 $2.262741660e+01, v9;
	v9 =	vmul.f32 $2.262741660e+01, v19  }
0xd9: {  	v22 =	vld [tilespmem:s6+$0x1260];
	v21 =	vmul.f32 $2.262741660e+01, v7;
	v20 =	vmul.f32 $2.262741660e+01, v20;
	[tilespmem:s6+$0xE20] =	vst v11  }
0xda: {  	v19 =	vld [tilespmem:s6+$0x1250];
	v11 =	vmul.f32 $2.262741660e+01, v6;
	[tilespmem:s6+$0xE10] =	vst v9;
	v9 =	vmul.f32 $2.262741660e+01, v8  }
0xdb: {  	v23 =	vld [tilespmem:s6+$0x1270];
	[tilespmem:s6+$0xA60] =	vst v20;
	v8 =	vmul.f32 $2.262741660e+01, v24;
	v7 =	vmul.f32 $2.262741660e+01, v10  }
0xdc: {  	v14 =	vld [tilespmem:s6+$0xA10];
	[tilespmem:s6+$0xE50] =	vst v21;
	v6 =	vmul.f32 $2.262741660e+01, v13;
	v10 =	vmul.f32 $2.262741660e+01, v3  }
0xdd: {  	v15 =	vld [tilespmem:s6+$0xA40];
	[tilespmem:s6+$0xE40] =	vst v18;
	v3 =	vmul.f32 $2.262741660e+01, v12;
	v12 =	vmul.f32 $2.262741660e+01, v4  }
0xde: {  	v13 =	vmul.f32 $2.262741660e+01, v5;
	v4 =	vmul.f32 $2.262741660e+01, v16;
	v16 =	vld [tilespmem:s6+$0xA20];
	[tilespmem:s6+$0x1620] =	vst v7  }
0xdf: {  	[tilespmem:s6+$0xE00] =	vst v6;
	v7 =	vmul.f32 $2.262741660e+01, v17;
	v5 =	vmul.f32 $2.262741660e+01, v19;
	v17 =	vld [tilespmem:s6+$0xA30]  }
0xe0: {  	s18 =	simm.s32 $0x80;
	s13 =	simm.s32 $0x200;
	v18 =	vld [tilespmem:s6+$0x1630];
	[tilespmem:s6+$0xA70] =	vst v3;
	v6 =	vmul.f32 $2.262741660e+01, v22;
	v3 =	vmul.f32 $2.262741660e+01, v23  }
.LBB2_3:
0xe1: {  	s21 =	sand.u32 $0x3000, s13;
	s23 =	sand.u32 $0x380, s18;
	v14 =	vmul.f32 $2.262741660e+01, v14;
	[tilespmem:s6+$0xE60] =	vst v11;
	v11 =	vld [tilespmem:s6+$0x1660]  }
0xe2: {  	p0 =	sne.s32 s13, $0x3E00;
	s13 =	sadd.s32 $0x200, s13;
	s21 =	sor.u32 s23, s21;
	v15 =	vmul.f32 $2.262741660e+01, v15;
	v19 =	vld [tilespmem:s6+$0xA50];
	[tilespmem:s6+$0xE70] =	vst v10  }
0xe3: {  	v10 =	vld [tilespmem:s21+$0xE70];
	v16 =	vmul.f32 $2.262741660e+01, v16;
	[tilespmem:s6+$0x1200] =	vst v12  }
0xe4: {  	v12 =	vld [tilespmem:s21+$0x1200];
	v17 =	vmul.f32 $2.262741660e+01, v17;
	[tilespmem:s6+$0x1210] =	vst v13  }
0xe5: {  	v13 =	vld [tilespmem:s21+$0x1210];
	[tilespmem:s6+$0xA20] =	vst v16;
	v16 =	vmul.f32 $2.262741660e+01, v18  }
0xe6: {  	v18 =	vld [tilespmem:s21+$0xE60];
	[tilespmem:s6+$0xA30] =	vst v17;
	v11 =	vmul.f32 $2.262741660e+01, v11  }
0xe7: {  	v17 =	vld [tilespmem:s21+$0xE50];
	v19 =	vmul.f32 $2.262741660e+01, v19;
	[tilespmem:s6+$0x1220] =	vst v9  }
0xe8: {  	v9 =	vld [tilespmem:s21+$0x1220];
	[tilespmem:s6+$0x1630] =	vst v16  }
0xe9: {  	v16 =	vld [tilespmem:s21+$0xE40];
	[tilespmem:s6+$0xA50] =	vst v19  }
0xea: {  	v19 =	vld [tilespmem:s21+$0x1670];
	[tilespmem:s6+$0xA40] =	vst v15  }
0xeb: {  	v15 =	vld [tilespmem:s21+$0x1610];
	[tilespmem:s6+$0x1660] =	vst v11  }
0xec: {  	v11 =	vld [tilespmem:s21+$0x1650];
	[tilespmem:s6+$0x1230] =	vst v4  }
0xed: {  	v4 =	vld [tilespmem:s21+$0x1230];
	[tilespmem:s6+$0x1240] =	vst v7  }
0xee: {  	v7 =	vld [tilespmem:s21+$0x1240];
	[tilespmem:s6+$0xA10] =	vst v14  }
0xef: {  	v14 =	vld [tilespmem:s21+$0x1640];
	[tilespmem:s6+$0x1250] =	vst v5  }
0xf0: {  	v19 =	vmul.f32 $2.262741660e+01, v19;
	v5 =	vld [tilespmem:s21+$0x1600];
	[tilespmem:s6+$0x1260] =	vst v6  }
0xf1: {  	v6 =	vld [tilespmem:s21+$0xE30];
	[tilespmem:s6+$0xA00] =	vst v8  }
0xf2: {  	v15 =	vmul.f32 $2.262741660e+01, v15;
	v8 =	vld [tilespmem:s21+$0xE20];
	[tilespmem:s6+$0x1270] =	vst v3;
	s6 =	smov.u32 s21  }
0xf3: {  	v11 =	vmul.f32 $2.262741660e+01, v11;
	v3 =	vld [tilespmem:s6+$0xE10];
	[tilespmem:s6+$0x1670] =	vst v19  }
0xf4: {  	v19 =	vmul.f32 $2.262741660e+01, v16;
	[tilespmem:s6+$0x1610] =	vst v15;
	v15 =	vld [tilespmem:s6+$0x1620];
	v14 =	vmul.f32 $2.262741660e+01, v14  }
0xf5: {  	v20 =	vmul.f32 $2.262741660e+01, v17;
	v16 =	vld [tilespmem:s6+$0xE00];
	v5 =	vmul.f32 $2.262741660e+01, v5;
	[tilespmem:s6+$0x1650] =	vst v11  }
0xf6: {  	v11 =	vmul.f32 $2.262741660e+01, v18;
	v17 =	vld [tilespmem:s6+$0xA70];
	v6 =	vmul.f32 $2.262741660e+01, v6;
	[tilespmem:s6+$0x1640] =	vst v14  }
0xf7: {  	v10 =	vmul.f32 $2.262741660e+01, v10;
	v18 =	vld [tilespmem:s6+$0xA60];
	v8 =	vmul.f32 $2.262741660e+01, v8;
	[tilespmem:s6+$0x1600] =	vst v5  }
0xf8: {  	v12 =	vmul.f32 $2.262741660e+01, v12;
	v3 =	vmul.f32 $2.262741660e+01, v3;
	[tilespmem:s6+$0xE30] =	vst v6;
	v5 =	vld [tilespmem:s6+$0x1250]  }
0xf9: {  	v13 =	vmul.f32 $2.262741660e+01, v13;
	[tilespmem:s6+$0xE20] =	vst v8;
	v6 =	vld [tilespmem:s6+$0x1260];
	v8 =	vmul.f32 $2.262741660e+01, v15  }
0xfa: {  	v9 =	vmul.f32 $2.262741660e+01, v9;
	v15 =	vmul.f32 $2.262741660e+01, v16;
	[tilespmem:s6+$0xE10] =	vst v3;
	v3 =	vld [tilespmem:s6+$0x1270]  }
0xfb: {  	v4 =	vmul.f32 $2.262741660e+01, v4;
	v21 =	vld [tilespmem:s6+$0xA00];
	v16 =	vmul.f32 $2.262741660e+01, v17;
	[tilespmem:s6+$0x1620] =	vst v8  }
.Ltmp2:
0xfc: {  	v7 =	vmul.f32 $2.262741660e+01, v7;
	v14 =	vld [tilespmem:s6+$0xA10];
	v8 =	vmul.f32 $2.262741660e+01, v18;
	[tilespmem:s6+$0xE00] =	vst v15;
	(pc) =	sbr.rel @p0 .LBB2_3-.Ltmp2, $4  }
0xfd: {  	v15 =	vld [tilespmem:s6+$0xA40];
	[tilespmem:s6+$0xA70] =	vst v16;
	v5 =	vmul.f32 $2.262741660e+01, v5  }
0xfe: {  	v16 =	vld [tilespmem:s6+$0xA20];
	[tilespmem:s6+$0xA60] =	vst v8;
	v6 =	vmul.f32 $2.262741660e+01, v6  }
0xff: {  	v17 =	vld [tilespmem:s6+$0xA30];
	[tilespmem:s6+$0xE40] =	vst v19;
	v3 =	vmul.f32 $2.262741660e+01, v3  }
0x100: {  	s18 =	sadd.s32 $0x80, s18;
	v8 =	vmul.f32 $2.262741660e+01, v21;
	[tilespmem:s6+$0xE50] =	vst v20;
	v18 =	vld [tilespmem:s6+$0x1630]  }
0x101: {  	[tilespmem:s6+$0xE60] =	vst v11  }
0x102: {  	[tilespmem:s6+$0xE70] =	vst v10  }
0x103: {  	[tilespmem:s6+$0x1200] =	vst v12  }
0x104: {  	[tilespmem:s6+$0x1210] =	vst v13  }
0x105: {  	[tilespmem:s6+$0x1220] =	vst v9  }
0x106: {  	[tilespmem:s6+$0x1230] =	vst v4  }
0x107: {  	[tilespmem:s6+$0x1240] =	vst v7  }
0x108: {  	[tilespmem:s6+$0x1250] =	vst v5  }
0x109: {  	[tilespmem:s6+$0x1260] =	vst v6  }
0x10a: {  	v45 =	vld [tilespmem:s6+$0xA50];
	v52 =	vmul.f32 $2.262741660e+01, v14;
	[tilespmem:s6+$0x1270] =	vst v3  }
0x10b: {  	v47 =	vld [tilespmem:s6+$0x1660];
	v50 =	vmul.f32 $2.262741660e+01, v15;
	[tilespmem:s6+$0xA00] =	vst v8  }
0x10c: {  	v46 =	vmul.f32 $2.262741660e+01, v16;
	[tilespmem:s6+$0xA10] =	vst v52  }
0x10d: {  	v48 =	vmul.f32 $2.262741660e+01, v17;
	[tilespmem:s6+$0xA40] =	vst v50  }
0x10e: {  	s13 =	smul.u32 $0xA0, s19;
	[tilespmem:s6+$0xA20] =	vst v46;
	v49 =	vmul.f32 $2.262741660e+01, v18  }
0x10f: {  	s25 =	smul.u32 $0x5, s19;
	[tilespmem:s6+$0xA30] =	vst v48;
	v11 =	vmul.f32 $2.262741660e+01, v45  }
0x110: {  	s18 =	sadd.s32 s4, s13;
	v51 =	vmul.f32 $2.262741660e+01, v47;
	[tilespmem:s6+$0x1630] =	vst v49  }
0x111: {  	s26 =	sadd.s32 $0xFFFFFFFF, s25;
	s18 =	sshll.u32 s18, $0x6;
	[tilespmem:s6+$0xA50] =	vst v11  }
0x112: {  	p0 =	sgt.u32 s26, $0x4A;
	s18 =	sadd.s32 s3, s18;
	[tilespmem:s6+$0x1660] =	vst v51  }
0x113: {  	[hbm4b:s18+s5] =	stream.linear.scatter [tilespmem:s14], [sflag:$0x6], $0x4000, $0x38;
	[tilespmem:$0x14A00] =	vst v63  }
0x114: {  	s18 =	simm.s32 @!p0 $0xA  }
0x115: {  	s6 =	sadd.s32 $0x4, s25;
	_ =	swait.ge @!p0 [sflag:s18], $0x4000  }
0x116: {  	s21 =	sshll.u32 @!p0 s6, $0x5;
	[sflag:s18] =	ssyncset.done @!p0 $0x0  }
0x117: {  	[sflag:s18] =	ssyncadd.s32 @!p0 $0xFFFFC000;
	s18 =	sand.u32 @!p0 $0x3FFFFFE0, s21  }
0x118: {  	v3 =	vld @!p0 [tilespmem:s18+$0x0];
	_ =	sdelay $0x4  }
0x119: {  	v4 =	vshll.u32 @!p0 v3, $0x2  }
0x11a: {  	v5 =	vlaneseq.u32 @!p0;
	v3 =	vand.u32 @!p0 $0x7, v3;
	v4 =	vand.u32 @!p0 $0xFFFFFFE0, v4  }
0x11b: {  	v6 =	vshrl.u32 @!p0 v5, $0x3;
	v3 =	vor.u32 @!p0 v3, v4;
	v4 =	vand.u32 @!p0 $0x7, v5  }
0x11c: {  	v6 =	vmul.u32 @!p0 $0x8, v6;
	v7 =	vperm.xlane @!p0 v3, v4;
	_ =	sdelay $0x1  }
0x11d: {  	v7 =	vadd.s32 @!p0 v6, v7  }
0x11e: {  	v5 =	vor.u32 @!p0 $0x8, v5  }
0x11f: {  	v3 =	vperm.xlane @!p0 v3, v5;
	_ =	sdelay $0x1  }
0x120: {  	vm1 =	vmmov @!p0 $0xffff;
	s23 =	simm.s32 @!p0 $0x10A00;
	s21 =	simm.s32 @!p0 $0x0;
	v3 =	vadd.s32 @!p0 v6, v3  }
0x121: {  	[tilespmem:s23], [sflag:$0x5] =	stream.indirect_vreg.gather @!p0 [hbm4b:s2+s21], $0x80, v7, vm1, $0xb8;
	[tilespmem:$0x14A00] =	vst v63  }
0x122: {  	s23 =	simm.s32 @!p0 $0x11200  }
0x123: {  	[tilespmem:s23], [sflag:$0x5] =	stream.indirect_vreg.gather @!p0 [hbm4b:s7+s21], $0x80, v7, vm1, $0xb8;
	[tilespmem:$0x14A00] =	vst v63  }
0x124: {  	s23 =	simm.s32 @!p0 $0x11A00  }
0x125: {  	[tilespmem:s23], [sflag:$0x5] =	stream.indirect_vreg.gather @!p0 [hbm4b:s2+s21], $0x80, v3, vm1, $0xb8;
	[tilespmem:$0x14A00] =	vst v63  }
0x126: {  	s23 =	simm.s32 @!p0 $0x12200  }
0x127: {  	[tilespmem:s23], [sflag:$0x5] =	stream.indirect_vreg.gather @!p0 [hbm4b:s7+s21], $0x80, v3, vm1, $0xb8;
	[tilespmem:$0x14A00] =	vst v63  }
0x128: {  	v3 =	vld @!p0 [tilespmem:s18+$0x10];
	_ =	sdelay $0x4  }
0x129: {  	v7 =	vshll.u32 @!p0 v3, $0x2  }
0x12a: {  	v3 =	vand.u32 @!p0 $0x7, v3;
	v7 =	vand.u32 @!p0 $0xFFFFFFE0, v7  }
0x12b: {  	v3 =	vor.u32 @!p0 v3, v7  }
0x12c: {  	v4 =	vperm.xlane @!p0 v3, v4;
	_ =	sdelay $0x1  }
0x12d: {  	v4 =	vadd.s32 @!p0 v6, v4;
	_ =	sdelay $0x1  }
0x12e: {  	v3 =	vperm.xlane @!p0 v3, v5;
	_ =	sdelay $0x1  }
0x12f: {  	s18 =	simm.s32 @!p0 $0x12A00;
	v3 =	vadd.s32 @!p0 v6, v3  }
0x130: {  	[tilespmem:s18], [sflag:$0x5] =	stream.indirect_vreg.gather @!p0 [hbm4b:s2+s21], $0x80, v4, vm1, $0xb8;
	[tilespmem:$0x14A00] =	vst v63  }
0x131: {  	s18 =	simm.s32 @!p0 $0x13200  }
0x132: {  	[tilespmem:s18], [sflag:$0x5] =	stream.indirect_vreg.gather @!p0 [hbm4b:s7+s21], $0x80, v4, vm1, $0xb8;
	[tilespmem:$0x14A00] =	vst v63  }
0x133: {  	s18 =	simm.s32 @!p0 $0x13A00  }
0x134: {  	[tilespmem:s18], [sflag:$0x5] =	stream.indirect_vreg.gather @!p0 [hbm4b:s2+s21], $0x80, v3, vm1, $0xb8;
	[tilespmem:$0x14A00] =	vst v63  }
0x135: {  	s18 =	simm.s32 @!p0 $0x14200  }
0x136: {  	[tilespmem:s18], [sflag:$0x5] =	stream.indirect_vreg.gather @!p0 [hbm4b:s7+s21], $0x80, v3, vm1, $0xb8;
	[tilespmem:$0x14A00] =	vst v63  }
0x137: {  	s28 =	simm.s32 $0x0;
	_ =	swait.ge [sflag:s0], $0x4000  }
0x138: {  	s29 =	sand.u32 $0x3000, s28;
	s24 =	sand.u32 $0x380, s28;
	[sflag:s0] =	ssyncset.done $0x0  }
0x139: {  	s21 =	sor.u32 s24, s29;
	[sflag:s0] =	ssyncadd.s32 $0xFFFFC000  }
0x13a: {  	v3 =	vld [tilespmem:s21+$0x4E60]  }
0x13b: {  	v4 =	vld [tilespmem:s21+$0x5200]  }
0x13c: {  	v5 =	vld [tilespmem:s21+$0x4A00]  }
0x13d: {  	v7 =	vld [tilespmem:s21+$0x4A10]  }
0x13e: {  	v6 =	vld [tilespmem:s21+$0x5270]  }
0x13f: {  	v55 =	vld [tilespmem:s21+$0x4E50];
	v3 =	vmul.f32 $2.262741660e+01, v3  }
0x140: {  	v53 =	vld [tilespmem:s21+$0x5230];
	v4 =	vmul.f32 $2.262741660e+01, v4  }
0x141: {  	v54 =	vld [tilespmem:s21+$0x5240];
	v5 =	vmul.f32 $2.262741660e+01, v5;
	[tilespmem:s21+$0x4E60] =	vst v3  }
0x142: {  	v7 =	vmul.f32 $2.262741660e+01, v7;
	v3 =	vld [tilespmem:s21+$0x4E40];
	[tilespmem:s21+$0x5200] =	vst v4  }
0x143: {  	v4 =	vmul.f32 $2.262741660e+01, v6;
	v6 =	vld [tilespmem:s21+$0x5210];
	[tilespmem:s21+$0x4A00] =	vst v5  }
0x144: {  	v56 =	vld [tilespmem:s21+$0x5220];
	v57 =	vmul.f32 $2.262741660e+01, v55;
	[tilespmem:s21+$0x4A10] =	vst v7  }
0x145: {  	v5 =	vmul.f32 $2.262741660e+01, v53;
	[tilespmem:s21+$0x5270] =	vst v4;
	v4 =	vld [tilespmem:s21+$0x4A30]  }
0x146: {  	v58 =	vld [tilespmem:s21+$0x5250];
	v7 =	vmul.f32 $2.262741660e+01, v54;
	[tilespmem:s21+$0x4E50] =	vst v57  }
0x147: {  	[tilespmem:s21+$0x5230] =	vst v5;
	v5 =	vld [tilespmem:s21+$0x4A60];
	v3 =	vmul.f32 $2.262741660e+01, v3  }
0x148: {  	[tilespmem:s21+$0x5240] =	vst v7;
	v7 =	vld [tilespmem:s21+$0x4A50];
	v6 =	vmul.f32 $2.262741660e+01, v6  }
0x149: {  	v60 =	vld [tilespmem:s21+$0x4E10];
	[tilespmem:s21+$0x4E40] =	vst v3;
	v3 =	vmul.f32 $2.262741660e+01, v56  }
0x14a: {  	v59 =	vld [tilespmem:s21+$0x4E00];
	v4 =	vmul.f32 $2.262741660e+01, v4;
	[tilespmem:s21+$0x5210] =	vst v6  }
0x14b: {  	v61 =	vld [tilespmem:s21+$0x4E30];
	v6 =	vmul.f32 $2.262741660e+01, v58;
	[tilespmem:s21+$0x5220] =	vst v3  }
0x14c: {  	v3 =	vld [tilespmem:s21+$0x4E20];
	[tilespmem:s21+$0x4A30] =	vst v4;
	v4 =	vmul.f32 $2.262741660e+01, v5  }
0x14d: {  	v5 =	vmul.f32 $2.262741660e+01, v7;
	v7 =	vld [tilespmem:s21+$0x4A70];
	[tilespmem:s21+$0x5250] =	vst v6  }
0x14e: {  	v8 =	vmul.f32 $2.262741660e+01, v60;
	v6 =	vld [tilespmem:s21+$0x4E70];
	[tilespmem:s21+$0x4A60] =	vst v4  }
0x14f: {  	v4 =	vmul.f32 $2.262741660e+01, v59;
	[tilespmem:s21+$0x4A50] =	vst v5;
	v5 =	vld [tilespmem:s21+$0x5260]  }
0x150: {  	v62 =	vld [tilespmem:s21+$0x4A20];
	v10 =	vmul.f32 $2.262741660e+01, v61;
	[tilespmem:s21+$0x4E10] =	vst v8  }
0x151: {  	[tilespmem:s21+$0x4E00] =	vst v4;
	v4 =	vld [tilespmem:s21+$0x4A40];
	v3 =	vmul.f32 $2.262741660e+01, v3  }
0x152: {  	[tilespmem:s21+$0x4E30] =	vst v10;
	v7 =	vmul.f32 $2.262741660e+01, v7  }
0x153: {  	[tilespmem:s21+$0x4E20] =	vst v3;
	v3 =	vmul.f32 $2.262741660e+01, v6  }
0x154: {  	[tilespmem:s21+$0x4A70] =	vst v7;
	v5 =	vmul.f32 $2.262741660e+01, v5  }
0x155: {  	v6 =	vmul.f32 $2.262741660e+01, v62;
	[tilespmem:s21+$0x4E70] =	vst v3  }
0x156: {  	s18 =	sor.u32 s29, s28;
	v3 =	vmul.f32 $2.262741660e+01, v4;
	[tilespmem:s21+$0x5260] =	vst v5  }
0x157: {  	s26 =	sor.u32 $0x4C00, s18;
	[tilespmem:s21+$0x4A20] =	vst v6  }
0x158: {  	[tilespmem:s21+$0x4A40] =	vst v3;
	v3 =	vld [tilespmem:s26+$0xA00]  }
0x159: {  	v4 =	vld [tilespmem:s26+$0xA10]  }
0x15a: {  	v5 =	vld [tilespmem:s26+$0xA20]  }
0x15b: {  	v6 =	vld [tilespmem:s26+$0xA30]  }
0x15c: {  	v7 =	vld [tilespmem:s26+$0xA40]  }
0x15d: {  	v8 =	vld [tilespmem:s26+$0xA50];
	v3 =	vmul.f32 $2.262741660e+01, v3  }
0x15e: {  	v63 =	vld [tilespmem:s26+$0xA60];
	v4 =	vmul.f32 $2.262741660e+01, v4  }
0x15f: {  	[tilespmem:s26+$0xA00] =	vst v3;
	v3 =	vmul.f32 $2.262741660e+01, v5;
	v5 =	vld [tilespmem:s26+$0xA70]  }
0x160: {  	[tilespmem:s26+$0xA10] =	vst v4;
	v4 =	vmul.f32 $2.262741660e+01, v6  }
0x161: {  	[tilespmem:s26+$0xA20] =	vst v3;
	v3 =	vmul.f32 $2.262741660e+01, v7  }
0x162: {  	s25 =	simm.s32 $0x200;
	s23 =	simm.s32 $0x80;
	[tilespmem:s26+$0xA30] =	vst v4;
	v4 =	vmul.f32 $2.262741660e+01, v8  }
0x163: {  	s28 =	sand.u32 $0x3000, s25;
	s29 =	sand.u32 $0x380, s23;
	[tilespmem:s26+$0xA40] =	vst v3  }
0x164: {  	s24 =	simm.s32 $0x400;
	s18 =	sor.u32 s29, s28;
	s21 =	sor.u32 s28, s23;
	v3 =	vmul.f32 $2.262741660e+01, v63;
	[tilespmem:s26+$0xA50] =	vst v4;
	v4 =	vmul.f32 $2.262741660e+01, v5  }
.LBB2_5:
0x165: {  	p0 =	sne.s32 s24, $0x3E00  }
0x166: {  	s23 =	sadd.s32 $0x80, s23;
	[tilespmem:s26+$0xA60] =	vst v3;
	s25 =	smov.u32 s24;
	s24 =	sadd.s32 $0x200, s24  }
0x167: {  	[tilespmem:s26+$0xA70] =	vst v4  }
0x168: {  	v3 =	vld [tilespmem:s18+$0x4E50]  }
0x169: {  	v4 =	vld [tilespmem:s18+$0x4E60]  }
0x16a: {  	v5 =	vld [tilespmem:s18+$0x5200]  }
0x16b: {  	v6 =	vld [tilespmem:s18+$0x4A10]  }
0x16c: {  	v7 =	vld [tilespmem:s18+$0x4A00]  }
0x16d: {  	v8 =	vld [tilespmem:s18+$0x5270]  }
0x16e: {  	v3 =	vmul.f32 $2.262741660e+01, v3;
	v4 =	vmul.f32 $2.262741660e+01, v4;
	v9 =	vld [tilespmem:s18+$0x5230]  }
0x16f: {  	v5 =	vmul.f32 $2.262741660e+01, v5;
	v10 =	vld [tilespmem:s18+$0x5250]  }
0x170: {  	v11 =	vld [tilespmem:s18+$0x5240]  }
0x171: {  	v7 =	vmul.f32 $2.262741660e+01, v7;
	[tilespmem:s18+$0x4E60] =	vst v4;
	v4 =	vld [tilespmem:s18+$0x5210]  }
0x172: {  	v6 =	vmul.f32 $2.262741660e+01, v6;
	v12 =	vld [tilespmem:s18+$0x4E40];
	[tilespmem:s18+$0x5200] =	vst v5;
	v5 =	vmul.f32 $2.262741660e+01, v8  }
0x173: {  	[tilespmem:s18+$0x4A00] =	vst v7;
	v7 =	vld [tilespmem:s18+$0x4A30];
	v8 =	vmul.f32 $2.262741660e+01, v9  }
0x174: {  	v9 =	vld [tilespmem:s18+$0x5220];
	v10 =	vmul.f32 $2.262741660e+01, v10;
	[tilespmem:s18+$0x5270] =	vst v5  }
0x175: {  	[tilespmem:s18+$0x4A10] =	vst v6;
	v5 =	vld [tilespmem:s18+$0x4E10];
	v6 =	vmul.f32 $2.262741660e+01, v11  }
0x176: {  	v11 =	vld [tilespmem:s18+$0x4A50];
	v4 =	vmul.f32 $2.262741660e+01, v4;
	[tilespmem:s18+$0x5230] =	vst v8  }
0x177: {  	v8 =	vld [tilespmem:s18+$0x4A60];
	v12 =	vmul.f32 $2.262741660e+01, v12;
	[tilespmem:s18+$0x5240] =	vst v6  }
0x178: {  	v6 =	vld [tilespmem:s18+$0x4A20];
	v7 =	vmul.f32 $2.262741660e+01, v7;
	[tilespmem:s18+$0x4E50] =	vst v3  }
0x179: {  	v3 =	vld [tilespmem:s18+$0x4E00];
	[tilespmem:s18+$0x4E40] =	vst v12;
	v9 =	vmul.f32 $2.262741660e+01, v9  }
0x17a: {  	v5 =	vmul.f32 $2.262741660e+01, v5;
	v12 =	vld [tilespmem:s18+$0x4E30];
	[tilespmem:s18+$0x5210] =	vst v4  }
0x17b: {  	v4 =	vld [tilespmem:s18+$0x4E20];
	[tilespmem:s18+$0x5220] =	vst v9  }
0x17c: {  	v9 =	vmul.f32 $2.262741660e+01, v11;
	[tilespmem:s18+$0x4A30] =	vst v7;
	v7 =	vld [tilespmem:s18+$0x4A40];
	v8 =	vmul.f32 $2.262741660e+01, v8  }
0x17d: {  	v6 =	vmul.f32 $2.262741660e+01, v6;
	v11 =	vld [tilespmem:s18+$0x4A70];
	[tilespmem:s18+$0x5250] =	vst v10  }
0x17e: {  	[tilespmem:s18+$0x4A60] =	vst v8;
	v3 =	vmul.f32 $2.262741660e+01, v3;
	v8 =	vld [tilespmem:s18+$0x4E70]  }
0x17f: {  	[tilespmem:s18+$0x4A50] =	vst v9;
	v9 =	vmul.f32 $2.262741660e+01, v12;
	v10 =	vld [tilespmem:s18+$0x5260]  }
0x180: {  	[tilespmem:s18+$0x4E00] =	vst v3;
	v3 =	vmul.f32 $2.262741660e+01, v4  }
0x181: {  	v4 =	vmul.f32 $2.262741660e+01, v7;
	[tilespmem:s18+$0x4E10] =	vst v5  }
0x182: {  	v5 =	vmul.f32 $2.262741660e+01, v11;
	[tilespmem:s18+$0x4E30] =	vst v9  }
0x183: {  	[tilespmem:s18+$0x4E20] =	vst v3;
	v3 =	vmul.f32 $2.262741660e+01, v8  }
0x184: {  	s25 =	sand.u32 $0x3000, s25;
	s26 =	sand.u32 $0x380, s23;
	[tilespmem:s18+$0x4A70] =	vst v5;
	v5 =	vmul.f32 $2.262741660e+01, v10  }
0x185: {  	s28 =	sor.u32 s26, s25;
	s25 =	sor.u32 s25, s23;
	[tilespmem:s18+$0x4E70] =	vst v3  }
0x186: {  	[tilespmem:s18+$0x5260] =	vst v5  }
0x187: {  	s26 =	sor.u32 $0x4C00, s21;
	s21 =	smov.u32 s25;
	[tilespmem:s18+$0x4A20] =	vst v6  }
0x188: {  	[tilespmem:s18+$0x4A40] =	vst v4;
	v3 =	vld [tilespmem:s26+$0xA00];
	s18 =	smov.u32 s28  }
0x189: {  	v4 =	vld [tilespmem:s26+$0xA10]  }
0x18a: {  	v5 =	vld [tilespmem:s26+$0xA20]  }
0x18b: {  	v6 =	vld [tilespmem:s26+$0xA30]  }
0x18c: {  	v7 =	vld [tilespmem:s26+$0xA40]  }
0x18d: {  	v3 =	vmul.f32 $2.262741660e+01, v3;
	v8 =	vld [tilespmem:s26+$0xA50]  }
0x18e: {  	v4 =	vmul.f32 $2.262741660e+01, v4;
	v9 =	vld [tilespmem:s26+$0xA60]  }
0x18f: {  	[tilespmem:s26+$0xA00] =	vst v3;
	v3 =	vmul.f32 $2.262741660e+01, v5;
	v5 =	vld [tilespmem:s26+$0xA70]  }
.Ltmp3:
0x190: {  	[tilespmem:s26+$0xA10] =	vst v4;
	v4 =	vmul.f32 $2.262741660e+01, v6;
	(pc) =	sbr.rel @p0 .LBB2_5-.Ltmp3, $4  }
0x191: {  	[tilespmem:s26+$0xA20] =	vst v3;
	v3 =	vmul.f32 $2.262741660e+01, v7  }
0x192: {  	[tilespmem:s26+$0xA30] =	vst v4;
	v4 =	vmul.f32 $2.262741660e+01, v8  }
0x193: {  	[tilespmem:s26+$0xA40] =	vst v3;
	v3 =	vmul.f32 $2.262741660e+01, v9  }
0x194: {  	[tilespmem:s26+$0xA50] =	vst v4;
	v4 =	vmul.f32 $2.262741660e+01, v5  }
0x195: {  	[tilespmem:s26+$0xA60] =	vst v3  }
0x196: {  	[tilespmem:s26+$0xA70] =	vst v4  }
0x197: {  	v3 =	vld [tilespmem:s18+$0x4E50]  }
0x198: {  	v4 =	vld [tilespmem:s18+$0x4E60]  }
0x199: {  	v6 =	vld [tilespmem:s18+$0x4A00]  }
0x19a: {  	v5 =	vld [tilespmem:s18+$0x5200]  }
0x19b: {  	v8 =	vld [tilespmem:s18+$0x5270]  }
0x19c: {  	v11 =	vld [tilespmem:s18+$0x5240]  }
0x19d: {  	v7 =	vld [tilespmem:s18+$0x4A10];
	v4 =	vmul.f32 $2.262741660e+01, v4  }
0x19e: {  	v12 =	vld [tilespmem:s18+$0x4E40];
	v6 =	vmul.f32 $2.262741660e+01, v6  }
0x19f: {  	v9 =	vld [tilespmem:s18+$0x5230];
	v5 =	vmul.f32 $2.262741660e+01, v5;
	[tilespmem:s18+$0x4E60] =	vst v4  }
0x1a0: {  	v43 =	vld [tilespmem:s18+$0x5220];
	v8 =	vmul.f32 $2.262741660e+01, v8;
	[tilespmem:s18+$0x4A00] =	vst v6  }
0x1a1: {  	v45 =	vld [tilespmem:s18+$0x4A50];
	v44 =	vmul.f32 $2.262741660e+01, v11;
	[tilespmem:s18+$0x5200] =	vst v5  }
0x1a2: {  	v47 =	vld [tilespmem:s18+$0x4E30];
	v3 =	vmul.f32 $2.262741660e+01, v3;
	[tilespmem:s18+$0x5270] =	vst v8  }
0x1a3: {  	v12 =	vmul.f32 $2.262741660e+01, v12;
	v5 =	vld [tilespmem:s18+$0x4A30];
	[tilespmem:s18+$0x5240] =	vst v44  }
0x1a4: {  	v4 =	vld [tilespmem:s18+$0x5210];
	v6 =	vmul.f32 $2.262741660e+01, v7;
	[tilespmem:s18+$0x4E50] =	vst v3  }
0x1a5: {  	v10 =	vld [tilespmem:s18+$0x5250];
	v7 =	vmul.f32 $2.262741660e+01, v9;
	[tilespmem:s18+$0x4E40] =	vst v12  }
0x1a6: {  	v49 =	vmul.f32 $2.262741660e+01, v45;
	[tilespmem:s18+$0x4A10] =	vst v6;
	v6 =	vld [tilespmem:s18+$0x4E10]  }
0x1a7: {  	v51 =	vmul.f32 $2.262741660e+01, v47;
	[tilespmem:s18+$0x5230] =	vst v7;
	v7 =	vld [tilespmem:s18+$0x4A60]  }
0x1a8: {  	v9 =	vmul.f32 $2.262741660e+01, v43;
	[tilespmem:s18+$0x4A50] =	vst v49;
	v3 =	vmul.f32 $2.262741660e+01, v5;
	v5 =	vld [tilespmem:s18+$0x4E00]  }
0x1a9: {  	[tilespmem:s18+$0x4E30] =	vst v51;
	v4 =	vmul.f32 $2.262741660e+01, v4  }
0x1aa: {  	v50 =	vld [tilespmem:s18+$0x4A70];
	[tilespmem:s18+$0x5220] =	vst v9  }
0x1ab: {  	v48 =	vld [tilespmem:s18+$0x4E20];
	[tilespmem:s18+$0x5210] =	vst v4;
	v4 =	vmul.f32 $2.262741660e+01, v10  }
0x1ac: {  	v46 =	vld [tilespmem:s18+$0x4A20];
	[tilespmem:s18+$0x4A30] =	vst v3;
	v7 =	vmul.f32 $2.262741660e+01, v7  }
0x1ad: {  	v6 =	vmul.f32 $2.262741660e+01, v6;
	[tilespmem:s18+$0x5250] =	vst v4;
	v4 =	vmul.f32 $2.262741660e+01, v5;
	v5 =	vld [tilespmem:s18+$0x4E70]  }
0x1ae: {  	[tilespmem:s18+$0x4A60] =	vst v7;
	v7 =	vld [tilespmem:s18+$0x5260]  }
0x1af: {  	v3 =	vld [tilespmem:s18+$0x4A40];
	[tilespmem:s18+$0x4E10] =	vst v6;
	v6 =	vmul.f32 $2.262741660e+01, v50  }
0x1b0: {  	[tilespmem:s18+$0x4E00] =	vst v4;
	v4 =	vmul.f32 $2.262741660e+01, v48  }
0x1b1: {  	[tilespmem:s18+$0x4A70] =	vst v6;
	v6 =	vmul.f32 $2.262741660e+01, v46  }
0x1b2: {  	[tilespmem:s18+$0x4E20] =	vst v4;
	v4 =	vmul.f32 $2.262741660e+01, v5  }
0x1b3: {  	[tilespmem:s18+$0x4A20] =	vst v6;
	v5 =	vmul.f32 $2.262741660e+01, v7  }
0x1b4: {  	v3 =	vmul.f32 $2.262741660e+01, v3;
	[tilespmem:s18+$0x4E70] =	vst v4  }
0x1b5: {  	s21 =	sor.u32 $0x4C00, s21;
	[tilespmem:s18+$0x5260] =	vst v5  }
0x1b6: {  	[tilespmem:s18+$0x4A40] =	vst v3;
	v3 =	vld [tilespmem:s21+$0xA00]  }
0x1b7: {  	v4 =	vld [tilespmem:s21+$0xA10]  }
0x1b8: {  	v5 =	vld [tilespmem:s21+$0xA20]  }
0x1b9: {  	v6 =	vld [tilespmem:s21+$0xA30]  }
0x1ba: {  	v7 =	vld [tilespmem:s21+$0xA40]  }
0x1bb: {  	v52 =	vld [tilespmem:s21+$0xA50];
	v3 =	vmul.f32 $2.262741660e+01, v3  }
0x1bc: {  	v9 =	vld [tilespmem:s21+$0xA60];
	v4 =	vmul.f32 $2.262741660e+01, v4  }
0x1bd: {  	[tilespmem:s21+$0xA00] =	vst v3;
	v3 =	vmul.f32 $2.262741660e+01, v5;
	v5 =	vld [tilespmem:s21+$0xA70]  }
0x1be: {  	[tilespmem:s21+$0xA10] =	vst v4;
	v4 =	vmul.f32 $2.262741660e+01, v6  }
0x1bf: {  	[tilespmem:s21+$0xA20] =	vst v3;
	v3 =	vmul.f32 $2.262741660e+01, v7  }
0x1c0: {  	[tilespmem:s21+$0xA30] =	vst v4;
	v4 =	vmul.f32 $2.262741660e+01, v52  }
0x1c1: {  	[tilespmem:s21+$0xA40] =	vst v3;
	v3 =	vmul.f32 $2.262741660e+01, v9  }
0x1c2: {  	s25 =	sadd.s32 s13, s8;
	[tilespmem:s21+$0xA50] =	vst v4;
	v4 =	vmul.f32 $2.262741660e+01, v5  }
0x1c3: {  	s18 =	sshll.u32 s25, $0x6;
	[tilespmem:s21+$0xA60] =	vst v3  }
0x1c4: {  	p0 =	seq.s32 s19, $0xF;
	s18 =	sadd.s32 s3, s18;
	[tilespmem:s21+$0xA70] =	vst v4  }
0x1c5: {  	[hbm4b:s18+s5] =	stream.linear.scatter [tilespmem:s22], [sflag:$0x7], $0x4000, $0x38;
	[tilespmem:$0x14A00] =	vst v63  }
0x1c6: {  	s18 =	simm.s32 @!p0 $0x6  }
0x1c7: {  	s21 =	smul.u32 @!p0 $0x280, s19;
	_ =	swait.ge @!p0 [sflag:s18], $0x4000  }
0x1c8: {  	[sflag:s18] =	ssyncset.done @!p0 $0x0  }
0x1c9: {  	[sflag:s18] =	ssyncadd.s32 @!p0 $0xFFFFC000;
	s18 =	sshra.s32 @!p0 s21, $0x2  }
0x1ca: {  	v3 =	vld @!p0 [tilespmem:s18+$0xA0];
	_ =	sdelay $0x4  }
0x1cb: {  	v4 =	vshll.u32 @!p0 v3, $0x2  }
0x1cc: {  	v5 =	vlaneseq.u32 @!p0;
	v3 =	vand.u32 @!p0 $0x7, v3;
	v4 =	vand.u32 @!p0 $0xFFFFFFE0, v4  }
0x1cd: {  	v6 =	vshrl.u32 @!p0 v5, $0x3;
	v3 =	vor.u32 @!p0 v3, v4;
	v4 =	vand.u32 @!p0 $0x7, v5  }
0x1ce: {  	v6 =	vmul.u32 @!p0 $0x8, v6;
	v7 =	vperm.xlane @!p0 v3, v4;
	_ =	sdelay $0x1  }
0x1cf: {  	v7 =	vadd.s32 @!p0 v6, v7  }
0x1d0: {  	v5 =	vor.u32 @!p0 $0x8, v5  }
0x1d1: {  	v3 =	vperm.xlane @!p0 v3, v5;
	_ =	sdelay $0x1  }
0x1d2: {  	vm1 =	vmmov @!p0 $0xffff;
	s23 =	simm.s32 @!p0 $0xA00;
	s21 =	simm.s32 @!p0 $0x0;
	v3 =	vadd.s32 @!p0 v6, v3  }
0x1d3: {  	[tilespmem:s23], [sflag:$0x1] =	stream.indirect_vreg.gather @!p0 [hbm4b:s2+s21], $0x80, v7, vm1, $0xb8;
	[tilespmem:$0x14A00] =	vst v63  }
0x1d4: {  	s23 =	simm.s32 @!p0 $0x1200  }
0x1d5: {  	[tilespmem:s23], [sflag:$0x1] =	stream.indirect_vreg.gather @!p0 [hbm4b:s7+s21], $0x80, v7, vm1, $0xb8;
	[tilespmem:$0x14A00] =	vst v63  }
0x1d6: {  	s23 =	simm.s32 @!p0 $0x1A00  }
0x1d7: {  	[tilespmem:s23], [sflag:$0x1] =	stream.indirect_vreg.gather @!p0 [hbm4b:s2+s21], $0x80, v3, vm1, $0xb8;
	[tilespmem:$0x14A00] =	vst v63  }
0x1d8: {  	s23 =	simm.s32 @!p0 $0x2200  }
0x1d9: {  	[tilespmem:s23], [sflag:$0x1] =	stream.indirect_vreg.gather @!p0 [hbm4b:s7+s21], $0x80, v3, vm1, $0xb8;
	[tilespmem:$0x14A00] =	vst v63  }
0x1da: {  	v3 =	vld @!p0 [tilespmem:s18+$0xB0];
	_ =	sdelay $0x4  }
0x1db: {  	v7 =	vshll.u32 @!p0 v3, $0x2  }
0x1dc: {  	v3 =	vand.u32 @!p0 $0x7, v3;
	v7 =	vand.u32 @!p0 $0xFFFFFFE0, v7  }
0x1dd: {  	v3 =	vor.u32 @!p0 v3, v7  }
0x1de: {  	v4 =	vperm.xlane @!p0 v3, v4;
	_ =	sdelay $0x1  }
0x1df: {  	v4 =	vadd.s32 @!p0 v6, v4;
	_ =	sdelay $0x1  }
0x1e0: {  	v3 =	vperm.xlane @!p0 v3, v5;
	_ =	sdelay $0x1  }
0x1e1: {  	s23 =	simm.s32 @!p0 $0x2A00;
	v3 =	vadd.s32 @!p0 v6, v3  }
0x1e2: {  	[tilespmem:s23], [sflag:$0x1] =	stream.indirect_vreg.gather @!p0 [hbm4b:s2+s21], $0x80, v4, vm1, $0xb8;
	[tilespmem:$0x14A00] =	vst v63  }
0x1e3: {  	s23 =	simm.s32 @!p0 $0x3200  }
0x1e4: {  	[tilespmem:s23], [sflag:$0x1] =	stream.indirect_vreg.gather @!p0 [hbm4b:s7+s21], $0x80, v4, vm1, $0xb8;
	[tilespmem:$0x14A00] =	vst v63  }
0x1e5: {  	s23 =	simm.s32 @!p0 $0x3A00  }
0x1e6: {  	[tilespmem:s23], [sflag:$0x1] =	stream.indirect_vreg.gather @!p0 [hbm4b:s2+s21], $0x80, v3, vm1, $0xb8;
	[tilespmem:$0x14A00] =	vst v63  }
0x1e7: {  	s23 =	simm.s32 @!p0 $0x4200  }
0x1e8: {  	[tilespmem:s23], [sflag:$0x1] =	stream.indirect_vreg.gather @!p0 [hbm4b:s7+s21], $0x80, v3, vm1, $0xb8;
	[tilespmem:$0x14A00] =	vst v63  }
0x1e9: {  	s26 =	simm.s32 $0x0;
	_ =	swait.ge [sflag:s15], $0x4000  }
0x1ea: {  	s24 =	sand.u32 $0x3000, s26;
	s29 =	sand.u32 $0x380, s26;
	[sflag:s15] =	ssyncset.done $0x0  }
0x1eb: {  	s23 =	sor.u32 s29, s24;
	[sflag:s15] =	ssyncadd.s32 $0xFFFFC000  }
0x1ec: {  	v3 =	vld [tilespmem:s23+$0x8E60]  }
0x1ed: {  	v4 =	vld [tilespmem:s23+$0x9200]  }
0x1ee: {  	v5 =	vld [tilespmem:s23+$0x8A00]  }
0x1ef: {  	v7 =	vld [tilespmem:s23+$0x8A10]  }
0x1f0: {  	v6 =	vld [tilespmem:s23+$0x9270]  }
0x1f1: {  	v55 =	vld [tilespmem:s23+$0x8E50];
	v3 =	vmul.f32 $2.262741660e+01, v3  }
0x1f2: {  	v53 =	vld [tilespmem:s23+$0x9230];
	v4 =	vmul.f32 $2.262741660e+01, v4  }
0x1f3: {  	v54 =	vld [tilespmem:s23+$0x9240];
	v5 =	vmul.f32 $2.262741660e+01, v5;
	[tilespmem:s23+$0x8E60] =	vst v3  }
0x1f4: {  	v7 =	vmul.f32 $2.262741660e+01, v7;
	v3 =	vld [tilespmem:s23+$0x8E40];
	[tilespmem:s23+$0x9200] =	vst v4  }
0x1f5: {  	v4 =	vmul.f32 $2.262741660e+01, v6;
	v6 =	vld [tilespmem:s23+$0x9210];
	[tilespmem:s23+$0x8A00] =	vst v5  }
0x1f6: {  	v56 =	vld [tilespmem:s23+$0x9220];
	v57 =	vmul.f32 $2.262741660e+01, v55;
	[tilespmem:s23+$0x8A10] =	vst v7  }
0x1f7: {  	v5 =	vmul.f32 $2.262741660e+01, v53;
	[tilespmem:s23+$0x9270] =	vst v4;
	v4 =	vld [tilespmem:s23+$0x8A30]  }
0x1f8: {  	v58 =	vld [tilespmem:s23+$0x9250];
	v7 =	vmul.f32 $2.262741660e+01, v54;
	[tilespmem:s23+$0x8E50] =	vst v57  }
0x1f9: {  	[tilespmem:s23+$0x9230] =	vst v5;
	v5 =	vld [tilespmem:s23+$0x8A60];
	v3 =	vmul.f32 $2.262741660e+01, v3  }
0x1fa: {  	[tilespmem:s23+$0x9240] =	vst v7;
	v7 =	vld [tilespmem:s23+$0x8A50];
	v6 =	vmul.f32 $2.262741660e+01, v6  }
0x1fb: {  	v60 =	vld [tilespmem:s23+$0x8E10];
	[tilespmem:s23+$0x8E40] =	vst v3;
	v3 =	vmul.f32 $2.262741660e+01, v56  }
0x1fc: {  	v59 =	vld [tilespmem:s23+$0x8E00];
	v4 =	vmul.f32 $2.262741660e+01, v4;
	[tilespmem:s23+$0x9210] =	vst v6  }
0x1fd: {  	v61 =	vld [tilespmem:s23+$0x8E30];
	v6 =	vmul.f32 $2.262741660e+01, v58;
	[tilespmem:s23+$0x9220] =	vst v3  }
0x1fe: {  	v3 =	vld [tilespmem:s23+$0x8E20];
	[tilespmem:s23+$0x8A30] =	vst v4;
	v4 =	vmul.f32 $2.262741660e+01, v5  }
0x1ff: {  	v5 =	vmul.f32 $2.262741660e+01, v7;
	v7 =	vld [tilespmem:s23+$0x8A70];
	[tilespmem:s23+$0x9250] =	vst v6  }
0x200: {  	v8 =	vmul.f32 $2.262741660e+01, v60;
	v6 =	vld [tilespmem:s23+$0x8E70];
	[tilespmem:s23+$0x8A60] =	vst v4  }
0x201: {  	v4 =	vmul.f32 $2.262741660e+01, v59;
	[tilespmem:s23+$0x8A50] =	vst v5;
	v5 =	vld [tilespmem:s23+$0x9260]  }
0x202: {  	v62 =	vld [tilespmem:s23+$0x8A20];
	v10 =	vmul.f32 $2.262741660e+01, v61;
	[tilespmem:s23+$0x8E10] =	vst v8  }
0x203: {  	[tilespmem:s23+$0x8E00] =	vst v4;
	v4 =	vld [tilespmem:s23+$0x8A40];
	v3 =	vmul.f32 $2.262741660e+01, v3  }
0x204: {  	[tilespmem:s23+$0x8E30] =	vst v10;
	v7 =	vmul.f32 $2.262741660e+01, v7  }
0x205: {  	[tilespmem:s23+$0x8E20] =	vst v3;
	v3 =	vmul.f32 $2.262741660e+01, v6  }
0x206: {  	[tilespmem:s23+$0x8A70] =	vst v7;
	v5 =	vmul.f32 $2.262741660e+01, v5  }
0x207: {  	v6 =	vmul.f32 $2.262741660e+01, v62;
	[tilespmem:s23+$0x8E70] =	vst v3  }
0x208: {  	s21 =	sor.u32 s24, s26;
	v3 =	vmul.f32 $2.262741660e+01, v4;
	[tilespmem:s23+$0x9260] =	vst v5  }
0x209: {  	s28 =	sor.u32 $0x8C00, s21;
	[tilespmem:s23+$0x8A20] =	vst v6  }
0x20a: {  	[tilespmem:s23+$0x8A40] =	vst v3;
	v3 =	vld [tilespmem:s28+$0xA00]  }
0x20b: {  	v4 =	vld [tilespmem:s28+$0xA10]  }
0x20c: {  	v5 =	vld [tilespmem:s28+$0xA20]  }
0x20d: {  	v6 =	vld [tilespmem:s28+$0xA30]  }
0x20e: {  	v7 =	vld [tilespmem:s28+$0xA40]  }
0x20f: {  	v8 =	vld [tilespmem:s28+$0xA50];
	v3 =	vmul.f32 $2.262741660e+01, v3  }
0x210: {  	v63 =	vld [tilespmem:s28+$0xA60];
	v4 =	vmul.f32 $2.262741660e+01, v4  }
0x211: {  	[tilespmem:s28+$0xA00] =	vst v3;
	v3 =	vmul.f32 $2.262741660e+01, v5;
	v5 =	vld [tilespmem:s28+$0xA70]  }
0x212: {  	[tilespmem:s28+$0xA10] =	vst v4;
	v4 =	vmul.f32 $2.262741660e+01, v6  }
0x213: {  	[tilespmem:s28+$0xA20] =	vst v3;
	v3 =	vmul.f32 $2.262741660e+01, v7  }
0x214: {  	s25 =	simm.s32 $0x200;
	s24 =	simm.s32 $0x80;
	[tilespmem:s28+$0xA30] =	vst v4;
	v4 =	vmul.f32 $2.262741660e+01, v8  }
0x215: {  	s26 =	sand.u32 $0x3000, s25;
	s29 =	sand.u32 $0x380, s24;
	[tilespmem:s28+$0xA40] =	vst v3  }
0x216: {  	s25 =	simm.s32 $0x400;
	s21 =	sor.u32 s29, s26;
	s23 =	sor.u32 s26, s24;
	v3 =	vmul.f32 $2.262741660e+01, v63;
	[tilespmem:s28+$0xA50] =	vst v4;
	v4 =	vmul.f32 $2.262741660e+01, v5  }
.LBB2_7:
0x217: {  	p1 =	sne.s32 s25, $0x3E00  }
0x218: {  	s24 =	sadd.s32 $0x80, s24;
	[tilespmem:s28+$0xA60] =	vst v3;
	s26 =	smov.u32 s25;
	s25 =	sadd.s32 $0x200, s25  }
0x219: {  	[tilespmem:s28+$0xA70] =	vst v4  }
0x21a: {  	v3 =	vld [tilespmem:s21+$0x8E50]  }
0x21b: {  	v4 =	vld [tilespmem:s21+$0x8E60]  }
0x21c: {  	v5 =	vld [tilespmem:s21+$0x9200]  }
0x21d: {  	v6 =	vld [tilespmem:s21+$0x8A10]  }
0x21e: {  	v7 =	vld [tilespmem:s21+$0x8A00]  }
0x21f: {  	v8 =	vld [tilespmem:s21+$0x9270]  }
0x220: {  	v3 =	vmul.f32 $2.262741660e+01, v3;
	v4 =	vmul.f32 $2.262741660e+01, v4;
	v9 =	vld [tilespmem:s21+$0x9230]  }
0x221: {  	v5 =	vmul.f32 $2.262741660e+01, v5;
	v10 =	vld [tilespmem:s21+$0x9250]  }
0x222: {  	v11 =	vld [tilespmem:s21+$0x9240]  }
0x223: {  	v7 =	vmul.f32 $2.262741660e+01, v7;
	[tilespmem:s21+$0x8E60] =	vst v4;
	v4 =	vld [tilespmem:s21+$0x9210]  }
0x224: {  	v6 =	vmul.f32 $2.262741660e+01, v6;
	v12 =	vld [tilespmem:s21+$0x8E40];
	[tilespmem:s21+$0x9200] =	vst v5;
	v5 =	vmul.f32 $2.262741660e+01, v8  }
0x225: {  	[tilespmem:s21+$0x8A00] =	vst v7;
	v7 =	vld [tilespmem:s21+$0x8A30];
	v8 =	vmul.f32 $2.262741660e+01, v9  }
0x226: {  	v9 =	vld [tilespmem:s21+$0x9220];
	v10 =	vmul.f32 $2.262741660e+01, v10;
	[tilespmem:s21+$0x9270] =	vst v5  }
0x227: {  	[tilespmem:s21+$0x8A10] =	vst v6;
	v5 =	vld [tilespmem:s21+$0x8E10];
	v6 =	vmul.f32 $2.262741660e+01, v11  }
0x228: {  	v11 =	vld [tilespmem:s21+$0x8A50];
	v4 =	vmul.f32 $2.262741660e+01, v4;
	[tilespmem:s21+$0x9230] =	vst v8  }
0x229: {  	v8 =	vld [tilespmem:s21+$0x8A60];
	v12 =	vmul.f32 $2.262741660e+01, v12;
	[tilespmem:s21+$0x9240] =	vst v6  }
0x22a: {  	v6 =	vld [tilespmem:s21+$0x8A20];
	v7 =	vmul.f32 $2.262741660e+01, v7;
	[tilespmem:s21+$0x8E50] =	vst v3  }
0x22b: {  	v3 =	vld [tilespmem:s21+$0x8E00];
	[tilespmem:s21+$0x8E40] =	vst v12;
	v9 =	vmul.f32 $2.262741660e+01, v9  }
0x22c: {  	v5 =	vmul.f32 $2.262741660e+01, v5;
	v12 =	vld [tilespmem:s21+$0x8E30];
	[tilespmem:s21+$0x9210] =	vst v4  }
0x22d: {  	v4 =	vld [tilespmem:s21+$0x8E20];
	[tilespmem:s21+$0x9220] =	vst v9  }
0x22e: {  	v9 =	vmul.f32 $2.262741660e+01, v11;
	[tilespmem:s21+$0x8A30] =	vst v7;
	v7 =	vld [tilespmem:s21+$0x8A40];
	v8 =	vmul.f32 $2.262741660e+01, v8  }
0x22f: {  	v6 =	vmul.f32 $2.262741660e+01, v6;
	v11 =	vld [tilespmem:s21+$0x8A70];
	[tilespmem:s21+$0x9250] =	vst v10  }
0x230: {  	[tilespmem:s21+$0x8A60] =	vst v8;
	v3 =	vmul.f32 $2.262741660e+01, v3;
	v8 =	vld [tilespmem:s21+$0x8E70]  }
0x231: {  	[tilespmem:s21+$0x8A50] =	vst v9;
	v9 =	vmul.f32 $2.262741660e+01, v12;
	v10 =	vld [tilespmem:s21+$0x9260]  }
0x232: {  	[tilespmem:s21+$0x8E00] =	vst v3;
	v3 =	vmul.f32 $2.262741660e+01, v4  }
0x233: {  	v4 =	vmul.f32 $2.262741660e+01, v7;
	[tilespmem:s21+$0x8E10] =	vst v5  }
0x234: {  	v5 =	vmul.f32 $2.262741660e+01, v11;
	[tilespmem:s21+$0x8E30] =	vst v9  }
0x235: {  	[tilespmem:s21+$0x8E20] =	vst v3;
	v3 =	vmul.f32 $2.262741660e+01, v8  }
0x236: {  	s26 =	sand.u32 $0x3000, s26;
	s28 =	sand.u32 $0x380, s24;
	[tilespmem:s21+$0x8A70] =	vst v5;
	v5 =	vmul.f32 $2.262741660e+01, v10  }
0x237: {  	s29 =	sor.u32 s28, s26;
	s26 =	sor.u32 s26, s24;
	[tilespmem:s21+$0x8E70] =	vst v3  }
0x238: {  	[tilespmem:s21+$0x9260] =	vst v5  }
0x239: {  	s28 =	sor.u32 $0x8C00, s23;
	s23 =	smov.u32 s26;
	[tilespmem:s21+$0x8A20] =	vst v6  }
0x23a: {  	[tilespmem:s21+$0x8A40] =	vst v4;
	v3 =	vld [tilespmem:s28+$0xA00];
	s21 =	smov.u32 s29  }
0x23b: {  	v4 =	vld [tilespmem:s28+$0xA10]  }
0x23c: {  	v5 =	vld [tilespmem:s28+$0xA20]  }
0x23d: {  	v6 =	vld [tilespmem:s28+$0xA30]  }
0x23e: {  	v7 =	vld [tilespmem:s28+$0xA40]  }
0x23f: {  	v3 =	vmul.f32 $2.262741660e+01, v3;
	v8 =	vld [tilespmem:s28+$0xA50]  }
0x240: {  	v4 =	vmul.f32 $2.262741660e+01, v4;
	v9 =	vld [tilespmem:s28+$0xA60]  }
0x241: {  	[tilespmem:s28+$0xA00] =	vst v3;
	v3 =	vmul.f32 $2.262741660e+01, v5;
	v5 =	vld [tilespmem:s28+$0xA70]  }
.Ltmp4:
0x242: {  	[tilespmem:s28+$0xA10] =	vst v4;
	v4 =	vmul.f32 $2.262741660e+01, v6;
	(pc) =	sbr.rel @p1 .LBB2_7-.Ltmp4, $4  }
0x243: {  	[tilespmem:s28+$0xA20] =	vst v3;
	v3 =	vmul.f32 $2.262741660e+01, v7  }
0x244: {  	[tilespmem:s28+$0xA30] =	vst v4;
	v4 =	vmul.f32 $2.262741660e+01, v8  }
0x245: {  	[tilespmem:s28+$0xA40] =	vst v3;
	v3 =	vmul.f32 $2.262741660e+01, v9  }
0x246: {  	[tilespmem:s28+$0xA50] =	vst v4;
	v4 =	vmul.f32 $2.262741660e+01, v5  }
0x247: {  	[tilespmem:s28+$0xA60] =	vst v3  }
0x248: {  	[tilespmem:s28+$0xA70] =	vst v4  }
0x249: {  	v3 =	vld [tilespmem:s21+$0x8E50]  }
0x24a: {  	v4 =	vld [tilespmem:s21+$0x8E60]  }
0x24b: {  	v6 =	vld [tilespmem:s21+$0x8A00]  }
0x24c: {  	v5 =	vld [tilespmem:s21+$0x9200]  }
0x24d: {  	v8 =	vld [tilespmem:s21+$0x9270]  }
0x24e: {  	v11 =	vld [tilespmem:s21+$0x9240]  }
0x24f: {  	v7 =	vld [tilespmem:s21+$0x8A10];
	v4 =	vmul.f32 $2.262741660e+01, v4  }
0x250: {  	v12 =	vld [tilespmem:s21+$0x8E40];
	v6 =	vmul.f32 $2.262741660e+01, v6  }
0x251: {  	v9 =	vld [tilespmem:s21+$0x9230];
	v5 =	vmul.f32 $2.262741660e+01, v5;
	[tilespmem:s21+$0x8E60] =	vst v4  }
0x252: {  	v43 =	vld [tilespmem:s21+$0x9220];
	v8 =	vmul.f32 $2.262741660e+01, v8;
	[tilespmem:s21+$0x8A00] =	vst v6  }
0x253: {  	v45 =	vld [tilespmem:s21+$0x8A50];
	v44 =	vmul.f32 $2.262741660e+01, v11;
	[tilespmem:s21+$0x9200] =	vst v5  }
0x254: {  	v47 =	vld [tilespmem:s21+$0x8E30];
	v3 =	vmul.f32 $2.262741660e+01, v3;
	[tilespmem:s21+$0x9270] =	vst v8  }
0x255: {  	v12 =	vmul.f32 $2.262741660e+01, v12;
	v5 =	vld [tilespmem:s21+$0x8A30];
	[tilespmem:s21+$0x9240] =	vst v44  }
0x256: {  	v4 =	vld [tilespmem:s21+$0x9210];
	v6 =	vmul.f32 $2.262741660e+01, v7;
	[tilespmem:s21+$0x8E50] =	vst v3  }
0x257: {  	v10 =	vld [tilespmem:s21+$0x9250];
	v7 =	vmul.f32 $2.262741660e+01, v9;
	[tilespmem:s21+$0x8E40] =	vst v12  }
0x258: {  	v49 =	vmul.f32 $2.262741660e+01, v45;
	[tilespmem:s21+$0x8A10] =	vst v6;
	v6 =	vld [tilespmem:s21+$0x8E10]  }
0x259: {  	v51 =	vmul.f32 $2.262741660e+01, v47;
	[tilespmem:s21+$0x9230] =	vst v7;
	v7 =	vld [tilespmem:s21+$0x8A60]  }
0x25a: {  	v9 =	vmul.f32 $2.262741660e+01, v43;
	[tilespmem:s21+$0x8A50] =	vst v49;
	v3 =	vmul.f32 $2.262741660e+01, v5;
	v5 =	vld [tilespmem:s21+$0x8E00]  }
0x25b: {  	[tilespmem:s21+$0x8E30] =	vst v51;
	v4 =	vmul.f32 $2.262741660e+01, v4  }
0x25c: {  	v50 =	vld [tilespmem:s21+$0x8A70];
	[tilespmem:s21+$0x9220] =	vst v9  }
0x25d: {  	v48 =	vld [tilespmem:s21+$0x8E20];
	[tilespmem:s21+$0x9210] =	vst v4;
	v4 =	vmul.f32 $2.262741660e+01, v10  }
0x25e: {  	v46 =	vld [tilespmem:s21+$0x8A20];
	[tilespmem:s21+$0x8A30] =	vst v3;
	v7 =	vmul.f32 $2.262741660e+01, v7  }
0x25f: {  	v6 =	vmul.f32 $2.262741660e+01, v6;
	[tilespmem:s21+$0x9250] =	vst v4;
	v4 =	vmul.f32 $2.262741660e+01, v5;
	v5 =	vld [tilespmem:s21+$0x8E70]  }
0x260: {  	[tilespmem:s21+$0x8A60] =	vst v7;
	v7 =	vld [tilespmem:s21+$0x9260]  }
0x261: {  	v3 =	vld [tilespmem:s21+$0x8A40];
	[tilespmem:s21+$0x8E10] =	vst v6;
	v6 =	vmul.f32 $2.262741660e+01, v50  }
0x262: {  	[tilespmem:s21+$0x8E00] =	vst v4;
	v4 =	vmul.f32 $2.262741660e+01, v48  }
0x263: {  	[tilespmem:s21+$0x8A70] =	vst v6;
	v6 =	vmul.f32 $2.262741660e+01, v46  }
0x264: {  	[tilespmem:s21+$0x8E20] =	vst v4;
	v4 =	vmul.f32 $2.262741660e+01, v5  }
0x265: {  	[tilespmem:s21+$0x8A20] =	vst v6;
	v5 =	vmul.f32 $2.262741660e+01, v7  }
0x266: {  	v3 =	vmul.f32 $2.262741660e+01, v3;
	[tilespmem:s21+$0x8E70] =	vst v4  }
0x267: {  	s23 =	sor.u32 $0x8C00, s23;
	[tilespmem:s21+$0x9260] =	vst v5  }
0x268: {  	[tilespmem:s21+$0x8A40] =	vst v3;
	v3 =	vld [tilespmem:s23+$0xA00]  }
0x269: {  	v4 =	vld [tilespmem:s23+$0xA10]  }
0x26a: {  	v5 =	vld [tilespmem:s23+$0xA20]  }
0x26b: {  	v6 =	vld [tilespmem:s23+$0xA30]  }
0x26c: {  	v7 =	vld [tilespmem:s23+$0xA40]  }
0x26d: {  	v52 =	vld [tilespmem:s23+$0xA50];
	v3 =	vmul.f32 $2.262741660e+01, v3  }
0x26e: {  	v9 =	vld [tilespmem:s23+$0xA60];
	v4 =	vmul.f32 $2.262741660e+01, v4  }
0x26f: {  	[tilespmem:s23+$0xA00] =	vst v3;
	v3 =	vmul.f32 $2.262741660e+01, v5;
	v5 =	vld [tilespmem:s23+$0xA70]  }
0x270: {  	[tilespmem:s23+$0xA10] =	vst v4;
	v4 =	vmul.f32 $2.262741660e+01, v6  }
0x271: {  	[tilespmem:s23+$0xA20] =	vst v3;
	v3 =	vmul.f32 $2.262741660e+01, v7  }
0x272: {  	[tilespmem:s23+$0xA30] =	vst v4;
	v4 =	vmul.f32 $2.262741660e+01, v52  }
0x273: {  	[tilespmem:s23+$0xA40] =	vst v3;
	v3 =	vmul.f32 $2.262741660e+01, v9  }
0x274: {  	s25 =	sadd.s32 s13, s9;
	[tilespmem:s23+$0xA50] =	vst v4;
	v4 =	vmul.f32 $2.262741660e+01, v5  }
0x275: {  	s21 =	sshll.u32 s25, $0x6;
	[tilespmem:s23+$0xA60] =	vst v3  }
0x276: {  	s21 =	sadd.s32 s3, s21;
	[tilespmem:s23+$0xA70] =	vst v4  }
0x277: {  	[hbm4b:s21+s5] =	stream.linear.scatter [tilespmem:s31], [sflag:$0x8], $0x4000, $0x38;
	[tilespmem:$0x14A00] =	vst v63  }
0x278: {  	s21 =	simm.s32 @!p0 $0x7  }
0x279: {  	_ =	swait.ge @!p0 [sflag:s21], $0x4000  }
0x27a: {  	[sflag:s21] =	ssyncset.done @!p0 $0x0  }
0x27b: {  	[sflag:s21] =	ssyncadd.s32 @!p0 $0xFFFFC000  }
0x27c: {  	v3 =	vld @!p0 [tilespmem:s18+$0xC0];
	_ =	sdelay $0x4  }
0x27d: {  	v4 =	vshll.u32 @!p0 v3, $0x2  }
0x27e: {  	v5 =	vlaneseq.u32 @!p0;
	v3 =	vand.u32 @!p0 $0x7, v3;
	v4 =	vand.u32 @!p0 $0xFFFFFFE0, v4  }
0x27f: {  	v6 =	vshrl.u32 @!p0 v5, $0x3;
	v3 =	vor.u32 @!p0 v3, v4;
	v4 =	vand.u32 @!p0 $0x7, v5  }
0x280: {  	v6 =	vmul.u32 @!p0 $0x8, v6;
	v7 =	vperm.xlane @!p0 v3, v4;
	_ =	sdelay $0x1  }
0x281: {  	v7 =	vadd.s32 @!p0 v6, v7  }
0x282: {  	v5 =	vor.u32 @!p0 $0x8, v5  }
0x283: {  	v3 =	vperm.xlane @!p0 v3, v5;
	_ =	sdelay $0x1  }
0x284: {  	s23 =	simm.s32 @!p0 $0x4A00;
	s21 =	simm.s32 @!p0 $0x0;
	v3 =	vadd.s32 @!p0 v6, v3  }
0x285: {  	[tilespmem:s23], [sflag:$0x2] =	stream.indirect_vreg.gather @!p0 [hbm4b:s2+s21], $0x80, v7, vm1, $0xb8;
	[tilespmem:$0x14A00] =	vst v63  }
0x286: {  	s23 =	simm.s32 @!p0 $0x5200  }
0x287: {  	[tilespmem:s23], [sflag:$0x2] =	stream.indirect_vreg.gather @!p0 [hbm4b:s7+s21], $0x80, v7, vm1, $0xb8;
	[tilespmem:$0x14A00] =	vst v63  }
0x288: {  	s23 =	simm.s32 @!p0 $0x5A00  }
0x289: {  	[tilespmem:s23], [sflag:$0x2] =	stream.indirect_vreg.gather @!p0 [hbm4b:s2+s21], $0x80, v3, vm1, $0xb8;
	[tilespmem:$0x14A00] =	vst v63  }
0x28a: {  	s23 =	simm.s32 @!p0 $0x6200  }
0x28b: {  	[tilespmem:s23], [sflag:$0x2] =	stream.indirect_vreg.gather @!p0 [hbm4b:s7+s21], $0x80, v3, vm1, $0xb8;
	[tilespmem:$0x14A00] =	vst v63  }
0x28c: {  	v3 =	vld @!p0 [tilespmem:s18+$0xD0];
	_ =	sdelay $0x4  }
0x28d: {  	v7 =	vshll.u32 @!p0 v3, $0x2  }
0x28e: {  	v3 =	vand.u32 @!p0 $0x7, v3;
	v7 =	vand.u32 @!p0 $0xFFFFFFE0, v7  }
0x28f: {  	v3 =	vor.u32 @!p0 v3, v7  }
0x290: {  	v4 =	vperm.xlane @!p0 v3, v4;
	_ =	sdelay $0x1  }
0x291: {  	v4 =	vadd.s32 @!p0 v6, v4;
	_ =	sdelay $0x1  }
0x292: {  	v3 =	vperm.xlane @!p0 v3, v5;
	_ =	sdelay $0x1  }
0x293: {  	s23 =	simm.s32 @!p0 $0x6A00;
	v3 =	vadd.s32 @!p0 v6, v3  }
0x294: {  	[tilespmem:s23], [sflag:$0x2] =	stream.indirect_vreg.gather @!p0 [hbm4b:s2+s21], $0x80, v4, vm1, $0xb8;
	[tilespmem:$0x14A00] =	vst v63  }
0x295: {  	s23 =	simm.s32 @!p0 $0x7200  }
0x296: {  	[tilespmem:s23], [sflag:$0x2] =	stream.indirect_vreg.gather @!p0 [hbm4b:s7+s21], $0x80, v4, vm1, $0xb8;
	[tilespmem:$0x14A00] =	vst v63  }
0x297: {  	s23 =	simm.s32 @!p0 $0x7A00  }
0x298: {  	[tilespmem:s23], [sflag:$0x2] =	stream.indirect_vreg.gather @!p0 [hbm4b:s2+s21], $0x80, v3, vm1, $0xb8;
	[tilespmem:$0x14A00] =	vst v63  }
0x299: {  	s23 =	simm.s32 @!p0 $0x8200  }
0x29a: {  	[tilespmem:s23], [sflag:$0x2] =	stream.indirect_vreg.gather @!p0 [hbm4b:s7+s21], $0x80, v3, vm1, $0xb8;
	[tilespmem:$0x14A00] =	vst v63  }
0x29b: {  	s26 =	simm.s32 $0x0;
	_ =	swait.ge [sflag:s16], $0x4000  }
0x29c: {  	s24 =	sand.u32 $0x3000, s26;
	s29 =	sand.u32 $0x380, s26;
	[sflag:s16] =	ssyncset.done $0x0  }
0x29d: {  	s23 =	sor.u32 s29, s24;
	[sflag:s16] =	ssyncadd.s32 $0xFFFFC000  }
0x29e: {  	v3 =	vld [tilespmem:s23+$0xCE60]  }
0x29f: {  	v4 =	vld [tilespmem:s23+$0xD200]  }
0x2a0: {  	v5 =	vld [tilespmem:s23+$0xCA00]  }
0x2a1: {  	v7 =	vld [tilespmem:s23+$0xCA10]  }
0x2a2: {  	v6 =	vld [tilespmem:s23+$0xD270]  }
0x2a3: {  	v55 =	vld [tilespmem:s23+$0xCE50];
	v3 =	vmul.f32 $2.262741660e+01, v3  }
0x2a4: {  	v53 =	vld [tilespmem:s23+$0xD230];
	v4 =	vmul.f32 $2.262741660e+01, v4  }
0x2a5: {  	v54 =	vld [tilespmem:s23+$0xD240];
	v5 =	vmul.f32 $2.262741660e+01, v5;
	[tilespmem:s23+$0xCE60] =	vst v3  }
0x2a6: {  	v7 =	vmul.f32 $2.262741660e+01, v7;
	v3 =	vld [tilespmem:s23+$0xCE40];
	[tilespmem:s23+$0xD200] =	vst v4  }
0x2a7: {  	v4 =	vmul.f32 $2.262741660e+01, v6;
	v6 =	vld [tilespmem:s23+$0xD210];
	[tilespmem:s23+$0xCA00] =	vst v5  }
0x2a8: {  	v56 =	vld [tilespmem:s23+$0xD220];
	v57 =	vmul.f32 $2.262741660e+01, v55;
	[tilespmem:s23+$0xCA10] =	vst v7  }
0x2a9: {  	v5 =	vmul.f32 $2.262741660e+01, v53;
	[tilespmem:s23+$0xD270] =	vst v4;
	v4 =	vld [tilespmem:s23+$0xCA30]  }
0x2aa: {  	v58 =	vld [tilespmem:s23+$0xD250];
	v7 =	vmul.f32 $2.262741660e+01, v54;
	[tilespmem:s23+$0xCE50] =	vst v57  }
0x2ab: {  	[tilespmem:s23+$0xD230] =	vst v5;
	v5 =	vld [tilespmem:s23+$0xCA60];
	v3 =	vmul.f32 $2.262741660e+01, v3  }
0x2ac: {  	[tilespmem:s23+$0xD240] =	vst v7;
	v7 =	vld [tilespmem:s23+$0xCA50];
	v6 =	vmul.f32 $2.262741660e+01, v6  }
0x2ad: {  	v60 =	vld [tilespmem:s23+$0xCE10];
	[tilespmem:s23+$0xCE40] =	vst v3;
	v3 =	vmul.f32 $2.262741660e+01, v56  }
0x2ae: {  	v59 =	vld [tilespmem:s23+$0xCE00];
	v4 =	vmul.f32 $2.262741660e+01, v4;
	[tilespmem:s23+$0xD210] =	vst v6  }
0x2af: {  	v61 =	vld [tilespmem:s23+$0xCE30];
	v6 =	vmul.f32 $2.262741660e+01, v58;
	[tilespmem:s23+$0xD220] =	vst v3  }
0x2b0: {  	v3 =	vld [tilespmem:s23+$0xCE20];
	[tilespmem:s23+$0xCA30] =	vst v4;
	v4 =	vmul.f32 $2.262741660e+01, v5  }
0x2b1: {  	v5 =	vmul.f32 $2.262741660e+01, v7;
	v7 =	vld [tilespmem:s23+$0xCA70];
	[tilespmem:s23+$0xD250] =	vst v6  }
0x2b2: {  	v8 =	vmul.f32 $2.262741660e+01, v60;
	v6 =	vld [tilespmem:s23+$0xCE70];
	[tilespmem:s23+$0xCA60] =	vst v4  }
0x2b3: {  	v4 =	vmul.f32 $2.262741660e+01, v59;
	[tilespmem:s23+$0xCA50] =	vst v5;
	v5 =	vld [tilespmem:s23+$0xD260]  }
0x2b4: {  	v62 =	vld [tilespmem:s23+$0xCA20];
	v10 =	vmul.f32 $2.262741660e+01, v61;
	[tilespmem:s23+$0xCE10] =	vst v8  }
0x2b5: {  	[tilespmem:s23+$0xCE00] =	vst v4;
	v4 =	vld [tilespmem:s23+$0xCA40];
	v3 =	vmul.f32 $2.262741660e+01, v3  }
0x2b6: {  	[tilespmem:s23+$0xCE30] =	vst v10;
	v7 =	vmul.f32 $2.262741660e+01, v7  }
0x2b7: {  	[tilespmem:s23+$0xCE20] =	vst v3;
	v3 =	vmul.f32 $2.262741660e+01, v6  }
0x2b8: {  	[tilespmem:s23+$0xCA70] =	vst v7;
	v5 =	vmul.f32 $2.262741660e+01, v5  }
0x2b9: {  	v6 =	vmul.f32 $2.262741660e+01, v62;
	[tilespmem:s23+$0xCE70] =	vst v3  }
0x2ba: {  	s21 =	sor.u32 s24, s26;
	v3 =	vmul.f32 $2.262741660e+01, v4;
	[tilespmem:s23+$0xD260] =	vst v5  }
0x2bb: {  	s28 =	sor.u32 $0xCC00, s21;
	[tilespmem:s23+$0xCA20] =	vst v6  }
0x2bc: {  	[tilespmem:s23+$0xCA40] =	vst v3;
	v3 =	vld [tilespmem:s28+$0xA00]  }
0x2bd: {  	v4 =	vld [tilespmem:s28+$0xA10]  }
0x2be: {  	v5 =	vld [tilespmem:s28+$0xA20]  }
0x2bf: {  	v6 =	vld [tilespmem:s28+$0xA30]  }
0x2c0: {  	v7 =	vld [tilespmem:s28+$0xA40]  }
0x2c1: {  	v8 =	vld [tilespmem:s28+$0xA50];
	v3 =	vmul.f32 $2.262741660e+01, v3  }
0x2c2: {  	v63 =	vld [tilespmem:s28+$0xA60];
	v4 =	vmul.f32 $2.262741660e+01, v4  }
0x2c3: {  	[tilespmem:s28+$0xA00] =	vst v3;
	v3 =	vmul.f32 $2.262741660e+01, v5;
	v5 =	vld [tilespmem:s28+$0xA70]  }
0x2c4: {  	[tilespmem:s28+$0xA10] =	vst v4;
	v4 =	vmul.f32 $2.262741660e+01, v6  }
0x2c5: {  	[tilespmem:s28+$0xA20] =	vst v3;
	v3 =	vmul.f32 $2.262741660e+01, v7  }
0x2c6: {  	s25 =	simm.s32 $0x200;
	s24 =	simm.s32 $0x80;
	[tilespmem:s28+$0xA30] =	vst v4;
	v4 =	vmul.f32 $2.262741660e+01, v8  }
0x2c7: {  	s26 =	sand.u32 $0x3000, s25;
	s29 =	sand.u32 $0x380, s24;
	[tilespmem:s28+$0xA40] =	vst v3  }
0x2c8: {  	s25 =	simm.s32 $0x400;
	s21 =	sor.u32 s29, s26;
	s23 =	sor.u32 s26, s24;
	v3 =	vmul.f32 $2.262741660e+01, v63;
	[tilespmem:s28+$0xA50] =	vst v4;
	v4 =	vmul.f32 $2.262741660e+01, v5  }
.LBB2_9:
0x2c9: {  	p1 =	sne.s32 s25, $0x3E00  }
0x2ca: {  	s24 =	sadd.s32 $0x80, s24;
	[tilespmem:s28+$0xA60] =	vst v3;
	s26 =	smov.u32 s25;
	s25 =	sadd.s32 $0x200, s25  }
0x2cb: {  	[tilespmem:s28+$0xA70] =	vst v4  }
0x2cc: {  	v3 =	vld [tilespmem:s21+$0xCE50]  }
0x2cd: {  	v4 =	vld [tilespmem:s21+$0xCE60]  }
0x2ce: {  	v5 =	vld [tilespmem:s21+$0xD200]  }
0x2cf: {  	v6 =	vld [tilespmem:s21+$0xCA10]  }
0x2d0: {  	v7 =	vld [tilespmem:s21+$0xCA00]  }
0x2d1: {  	v8 =	vld [tilespmem:s21+$0xD270]  }
0x2d2: {  	v3 =	vmul.f32 $2.262741660e+01, v3;
	v4 =	vmul.f32 $2.262741660e+01, v4;
	v9 =	vld [tilespmem:s21+$0xD230]  }
0x2d3: {  	v5 =	vmul.f32 $2.262741660e+01, v5;
	v10 =	vld [tilespmem:s21+$0xD250]  }
0x2d4: {  	v11 =	vld [tilespmem:s21+$0xD240]  }
0x2d5: {  	v7 =	vmul.f32 $2.262741660e+01, v7;
	[tilespmem:s21+$0xCE60] =	vst v4;
	v4 =	vld [tilespmem:s21+$0xD210]  }
0x2d6: {  	v6 =	vmul.f32 $2.262741660e+01, v6;
	v12 =	vld [tilespmem:s21+$0xCE40];
	[tilespmem:s21+$0xD200] =	vst v5;
	v5 =	vmul.f32 $2.262741660e+01, v8  }
0x2d7: {  	[tilespmem:s21+$0xCA00] =	vst v7;
	v7 =	vld [tilespmem:s21+$0xCA30];
	v8 =	vmul.f32 $2.262741660e+01, v9  }
0x2d8: {  	v9 =	vld [tilespmem:s21+$0xD220];
	v10 =	vmul.f32 $2.262741660e+01, v10;
	[tilespmem:s21+$0xD270] =	vst v5  }
0x2d9: {  	[tilespmem:s21+$0xCA10] =	vst v6;
	v5 =	vld [tilespmem:s21+$0xCE10];
	v6 =	vmul.f32 $2.262741660e+01, v11  }
0x2da: {  	v11 =	vld [tilespmem:s21+$0xCA50];
	v4 =	vmul.f32 $2.262741660e+01, v4;
	[tilespmem:s21+$0xD230] =	vst v8  }
0x2db: {  	v8 =	vld [tilespmem:s21+$0xCA60];
	v12 =	vmul.f32 $2.262741660e+01, v12;
	[tilespmem:s21+$0xD240] =	vst v6  }
0x2dc: {  	v6 =	vld [tilespmem:s21+$0xCA20];
	v7 =	vmul.f32 $2.262741660e+01, v7;
	[tilespmem:s21+$0xCE50] =	vst v3  }
0x2dd: {  	v3 =	vld [tilespmem:s21+$0xCE00];
	[tilespmem:s21+$0xCE40] =	vst v12;
	v9 =	vmul.f32 $2.262741660e+01, v9  }
0x2de: {  	v5 =	vmul.f32 $2.262741660e+01, v5;
	v12 =	vld [tilespmem:s21+$0xCE30];
	[tilespmem:s21+$0xD210] =	vst v4  }
0x2df: {  	v4 =	vld [tilespmem:s21+$0xCE20];
	[tilespmem:s21+$0xD220] =	vst v9  }
0x2e0: {  	v9 =	vmul.f32 $2.262741660e+01, v11;
	[tilespmem:s21+$0xCA30] =	vst v7;
	v7 =	vld [tilespmem:s21+$0xCA40];
	v8 =	vmul.f32 $2.262741660e+01, v8  }
0x2e1: {  	v6 =	vmul.f32 $2.262741660e+01, v6;
	v11 =	vld [tilespmem:s21+$0xCA70];
	[tilespmem:s21+$0xD250] =	vst v10  }
0x2e2: {  	[tilespmem:s21+$0xCA60] =	vst v8;
	v3 =	vmul.f32 $2.262741660e+01, v3;
	v8 =	vld [tilespmem:s21+$0xCE70]  }
0x2e3: {  	[tilespmem:s21+$0xCA50] =	vst v9;
	v9 =	vmul.f32 $2.262741660e+01, v12;
	v10 =	vld [tilespmem:s21+$0xD260]  }
0x2e4: {  	[tilespmem:s21+$0xCE00] =	vst v3;
	v3 =	vmul.f32 $2.262741660e+01, v4  }
0x2e5: {  	v4 =	vmul.f32 $2.262741660e+01, v7;
	[tilespmem:s21+$0xCE10] =	vst v5  }
0x2e6: {  	v5 =	vmul.f32 $2.262741660e+01, v11;
	[tilespmem:s21+$0xCE30] =	vst v9  }
0x2e7: {  	[tilespmem:s21+$0xCE20] =	vst v3;
	v3 =	vmul.f32 $2.262741660e+01, v8  }
0x2e8: {  	s26 =	sand.u32 $0x3000, s26;
	s28 =	sand.u32 $0x380, s24;
	[tilespmem:s21+$0xCA70] =	vst v5;
	v5 =	vmul.f32 $2.262741660e+01, v10  }
0x2e9: {  	s29 =	sor.u32 s28, s26;
	s26 =	sor.u32 s26, s24;
	[tilespmem:s21+$0xCE70] =	vst v3  }
0x2ea: {  	[tilespmem:s21+$0xD260] =	vst v5  }
0x2eb: {  	s28 =	sor.u32 $0xCC00, s23;
	s23 =	smov.u32 s26;
	[tilespmem:s21+$0xCA20] =	vst v6  }
0x2ec: {  	[tilespmem:s21+$0xCA40] =	vst v4;
	v3 =	vld [tilespmem:s28+$0xA00];
	s21 =	smov.u32 s29  }
0x2ed: {  	v4 =	vld [tilespmem:s28+$0xA10]  }
0x2ee: {  	v5 =	vld [tilespmem:s28+$0xA20]  }
0x2ef: {  	v6 =	vld [tilespmem:s28+$0xA30]  }
0x2f0: {  	v7 =	vld [tilespmem:s28+$0xA40]  }
0x2f1: {  	v3 =	vmul.f32 $2.262741660e+01, v3;
	v8 =	vld [tilespmem:s28+$0xA50]  }
0x2f2: {  	v4 =	vmul.f32 $2.262741660e+01, v4;
	v9 =	vld [tilespmem:s28+$0xA60]  }
0x2f3: {  	[tilespmem:s28+$0xA00] =	vst v3;
	v3 =	vmul.f32 $2.262741660e+01, v5;
	v5 =	vld [tilespmem:s28+$0xA70]  }
.Ltmp5:
0x2f4: {  	[tilespmem:s28+$0xA10] =	vst v4;
	v4 =	vmul.f32 $2.262741660e+01, v6;
	(pc) =	sbr.rel @p1 .LBB2_9-.Ltmp5, $4  }
0x2f5: {  	[tilespmem:s28+$0xA20] =	vst v3;
	v3 =	vmul.f32 $2.262741660e+01, v7  }
0x2f6: {  	[tilespmem:s28+$0xA30] =	vst v4;
	v4 =	vmul.f32 $2.262741660e+01, v8  }
0x2f7: {  	[tilespmem:s28+$0xA40] =	vst v3;
	v3 =	vmul.f32 $2.262741660e+01, v9  }
0x2f8: {  	[tilespmem:s28+$0xA50] =	vst v4;
	v4 =	vmul.f32 $2.262741660e+01, v5  }
0x2f9: {  	[tilespmem:s28+$0xA60] =	vst v3  }
0x2fa: {  	[tilespmem:s28+$0xA70] =	vst v4  }
0x2fb: {  	v3 =	vld [tilespmem:s21+$0xCE50]  }
0x2fc: {  	v4 =	vld [tilespmem:s21+$0xCE60]  }
0x2fd: {  	v6 =	vld [tilespmem:s21+$0xCA00]  }
0x2fe: {  	v5 =	vld [tilespmem:s21+$0xD200]  }
0x2ff: {  	v8 =	vld [tilespmem:s21+$0xD270]  }
0x300: {  	v11 =	vld [tilespmem:s21+$0xD240]  }
0x301: {  	v7 =	vld [tilespmem:s21+$0xCA10];
	v4 =	vmul.f32 $2.262741660e+01, v4  }
0x302: {  	v12 =	vld [tilespmem:s21+$0xCE40];
	v6 =	vmul.f32 $2.262741660e+01, v6  }
0x303: {  	v9 =	vld [tilespmem:s21+$0xD230];
	v5 =	vmul.f32 $2.262741660e+01, v5;
	[tilespmem:s21+$0xCE60] =	vst v4  }
0x304: {  	v43 =	vld [tilespmem:s21+$0xD220];
	v8 =	vmul.f32 $2.262741660e+01, v8;
	[tilespmem:s21+$0xCA00] =	vst v6  }
0x305: {  	v45 =	vld [tilespmem:s21+$0xCA50];
	v44 =	vmul.f32 $2.262741660e+01, v11;
	[tilespmem:s21+$0xD200] =	vst v5  }
0x306: {  	v47 =	vld [tilespmem:s21+$0xCE30];
	v3 =	vmul.f32 $2.262741660e+01, v3;
	[tilespmem:s21+$0xD270] =	vst v8  }
0x307: {  	v12 =	vmul.f32 $2.262741660e+01, v12;
	v5 =	vld [tilespmem:s21+$0xCA30];
	[tilespmem:s21+$0xD240] =	vst v44  }
0x308: {  	v4 =	vld [tilespmem:s21+$0xD210];
	v6 =	vmul.f32 $2.262741660e+01, v7;
	[tilespmem:s21+$0xCE50] =	vst v3  }
0x309: {  	v10 =	vld [tilespmem:s21+$0xD250];
	v7 =	vmul.f32 $2.262741660e+01, v9;
	[tilespmem:s21+$0xCE40] =	vst v12  }
0x30a: {  	v49 =	vmul.f32 $2.262741660e+01, v45;
	[tilespmem:s21+$0xCA10] =	vst v6;
	v6 =	vld [tilespmem:s21+$0xCE10]  }
0x30b: {  	v51 =	vmul.f32 $2.262741660e+01, v47;
	[tilespmem:s21+$0xD230] =	vst v7;
	v7 =	vld [tilespmem:s21+$0xCA60]  }
0x30c: {  	v9 =	vmul.f32 $2.262741660e+01, v43;
	[tilespmem:s21+$0xCA50] =	vst v49;
	v3 =	vmul.f32 $2.262741660e+01, v5;
	v5 =	vld [tilespmem:s21+$0xCE00]  }
0x30d: {  	[tilespmem:s21+$0xCE30] =	vst v51;
	v4 =	vmul.f32 $2.262741660e+01, v4  }
0x30e: {  	v50 =	vld [tilespmem:s21+$0xCA70];
	[tilespmem:s21+$0xD220] =	vst v9  }
0x30f: {  	v48 =	vld [tilespmem:s21+$0xCE20];
	[tilespmem:s21+$0xD210] =	vst v4;
	v4 =	vmul.f32 $2.262741660e+01, v10  }
0x310: {  	v46 =	vld [tilespmem:s21+$0xCA20];
	[tilespmem:s21+$0xCA30] =	vst v3;
	v7 =	vmul.f32 $2.262741660e+01, v7  }
0x311: {  	v6 =	vmul.f32 $2.262741660e+01, v6;
	[tilespmem:s21+$0xD250] =	vst v4;
	v4 =	vmul.f32 $2.262741660e+01, v5;
	v5 =	vld [tilespmem:s21+$0xCE70]  }
0x312: {  	[tilespmem:s21+$0xCA60] =	vst v7;
	v7 =	vld [tilespmem:s21+$0xD260]  }
0x313: {  	v3 =	vld [tilespmem:s21+$0xCA40];
	[tilespmem:s21+$0xCE10] =	vst v6;
	v6 =	vmul.f32 $2.262741660e+01, v50  }
0x314: {  	[tilespmem:s21+$0xCE00] =	vst v4;
	v4 =	vmul.f32 $2.262741660e+01, v48  }
0x315: {  	[tilespmem:s21+$0xCA70] =	vst v6;
	v6 =	vmul.f32 $2.262741660e+01, v46  }
0x316: {  	[tilespmem:s21+$0xCE20] =	vst v4;
	v4 =	vmul.f32 $2.262741660e+01, v5  }
0x317: {  	[tilespmem:s21+$0xCA20] =	vst v6;
	v5 =	vmul.f32 $2.262741660e+01, v7  }
0x318: {  	v3 =	vmul.f32 $2.262741660e+01, v3;
	[tilespmem:s21+$0xCE70] =	vst v4  }
0x319: {  	s23 =	sor.u32 $0xCC00, s23;
	[tilespmem:s21+$0xD260] =	vst v5  }
0x31a: {  	[tilespmem:s21+$0xCA40] =	vst v3;
	v3 =	vld [tilespmem:s23+$0xA00]  }
0x31b: {  	v4 =	vld [tilespmem:s23+$0xA10]  }
0x31c: {  	v5 =	vld [tilespmem:s23+$0xA20]  }
0x31d: {  	v6 =	vld [tilespmem:s23+$0xA30]  }
0x31e: {  	v7 =	vld [tilespmem:s23+$0xA40]  }
0x31f: {  	v52 =	vld [tilespmem:s23+$0xA50];
	v3 =	vmul.f32 $2.262741660e+01, v3  }
0x320: {  	v9 =	vld [tilespmem:s23+$0xA60];
	v4 =	vmul.f32 $2.262741660e+01, v4  }
0x321: {  	[tilespmem:s23+$0xA00] =	vst v3;
	v3 =	vmul.f32 $2.262741660e+01, v5;
	v5 =	vld [tilespmem:s23+$0xA70]  }
0x322: {  	[tilespmem:s23+$0xA10] =	vst v4;
	v4 =	vmul.f32 $2.262741660e+01, v6  }
0x323: {  	[tilespmem:s23+$0xA20] =	vst v3;
	v3 =	vmul.f32 $2.262741660e+01, v7  }
0x324: {  	[tilespmem:s23+$0xA30] =	vst v4;
	v4 =	vmul.f32 $2.262741660e+01, v52  }
0x325: {  	[tilespmem:s23+$0xA40] =	vst v3;
	v3 =	vmul.f32 $2.262741660e+01, v9  }
0x326: {  	s13 =	sadd.s32 s13, s10;
	[tilespmem:s23+$0xA50] =	vst v4;
	v4 =	vmul.f32 $2.262741660e+01, v5  }
0x327: {  	s13 =	sshll.u32 s13, $0x6;
	[tilespmem:s23+$0xA60] =	vst v3  }
0x328: {  	s13 =	sadd.s32 s3, s13;
	[tilespmem:s23+$0xA70] =	vst v4  }
0x329: {  	[hbm4b:s13+s5] =	stream.linear.scatter [tilespmem:s20], [sflag:$0x9], $0x4000, $0x38;
	[tilespmem:$0x14A00] =	vst v63  }
0x32a: {  	s13 =	simm.s32 @!p0 $0x8  }
0x32b: {  	_ =	swait.ge @!p0 [sflag:s13], $0x4000  }
0x32c: {  	[sflag:s13] =	ssyncset.done @!p0 $0x0  }
0x32d: {  	[sflag:s13] =	ssyncadd.s32 @!p0 $0xFFFFC000  }
0x32e: {  	v3 =	vld @!p0 [tilespmem:s18+$0xE0];
	_ =	sdelay $0x4  }
0x32f: {  	v4 =	vshll.u32 @!p0 v3, $0x2  }
0x330: {  	v5 =	vlaneseq.u32 @!p0;
	v3 =	vand.u32 @!p0 $0x7, v3;
	v4 =	vand.u32 @!p0 $0xFFFFFFE0, v4  }
0x331: {  	v6 =	vshrl.u32 @!p0 v5, $0x3;
	v3 =	vor.u32 @!p0 v3, v4;
	v4 =	vand.u32 @!p0 $0x7, v5  }
0x332: {  	v6 =	vmul.u32 @!p0 $0x8, v6;
	v7 =	vperm.xlane @!p0 v3, v4;
	_ =	sdelay $0x1  }
0x333: {  	v7 =	vadd.s32 @!p0 v6, v7  }
0x334: {  	v5 =	vor.u32 @!p0 $0x8, v5  }
0x335: {  	v3 =	vperm.xlane @!p0 v3, v5;
	_ =	sdelay $0x1  }
0x336: {  	s21 =	simm.s32 @!p0 $0x8A00;
	s13 =	simm.s32 @!p0 $0x0;
	v3 =	vadd.s32 @!p0 v6, v3  }
0x337: {  	[tilespmem:s21], [sflag:$0x3] =	stream.indirect_vreg.gather @!p0 [hbm4b:s2+s13], $0x80, v7, vm1, $0xb8;
	[tilespmem:$0x14A00] =	vst v63  }
0x338: {  	s21 =	simm.s32 @!p0 $0x9200  }
0x339: {  	[tilespmem:s21], [sflag:$0x3] =	stream.indirect_vreg.gather @!p0 [hbm4b:s7+s13], $0x80, v7, vm1, $0xb8;
	[tilespmem:$0x14A00] =	vst v63  }
0x33a: {  	s21 =	simm.s32 @!p0 $0x9A00  }
0x33b: {  	[tilespmem:s21], [sflag:$0x3] =	stream.indirect_vreg.gather @!p0 [hbm4b:s2+s13], $0x80, v3, vm1, $0xb8;
	[tilespmem:$0x14A00] =	vst v63  }
0x33c: {  	s21 =	simm.s32 @!p0 $0xA200  }
0x33d: {  	[tilespmem:s21], [sflag:$0x3] =	stream.indirect_vreg.gather @!p0 [hbm4b:s7+s13], $0x80, v3, vm1, $0xb8;
	[tilespmem:$0x14A00] =	vst v63  }
0x33e: {  	v3 =	vld @!p0 [tilespmem:s18+$0xF0];
	_ =	sdelay $0x4  }
0x33f: {  	v7 =	vshll.u32 @!p0 v3, $0x2  }
0x340: {  	v3 =	vand.u32 @!p0 $0x7, v3;
	v7 =	vand.u32 @!p0 $0xFFFFFFE0, v7  }
0x341: {  	v3 =	vor.u32 @!p0 v3, v7  }
0x342: {  	v4 =	vperm.xlane @!p0 v3, v4;
	_ =	sdelay $0x1  }
0x343: {  	v4 =	vadd.s32 @!p0 v6, v4;
	_ =	sdelay $0x1  }
0x344: {  	v3 =	vperm.xlane @!p0 v3, v5;
	_ =	sdelay $0x1  }
0x345: {  	s18 =	simm.s32 @!p0 $0xAA00;
	v3 =	vadd.s32 @!p0 v6, v3  }
0x346: {  	[tilespmem:s18], [sflag:$0x3] =	stream.indirect_vreg.gather @!p0 [hbm4b:s2+s13], $0x80, v4, vm1, $0xb8;
	[tilespmem:$0x14A00] =	vst v63  }
0x347: {  	s18 =	simm.s32 @!p0 $0xB200  }
0x348: {  	[tilespmem:s18], [sflag:$0x3] =	stream.indirect_vreg.gather @!p0 [hbm4b:s7+s13], $0x80, v4, vm1, $0xb8;
	[tilespmem:$0x14A00] =	vst v63  }
0x349: {  	s18 =	simm.s32 @!p0 $0xBA00  }
0x34a: {  	[tilespmem:s18], [sflag:$0x3] =	stream.indirect_vreg.gather @!p0 [hbm4b:s2+s13], $0x80, v3, vm1, $0xb8;
	[tilespmem:$0x14A00] =	vst v63  }
0x34b: {  	s18 =	simm.s32 @!p0 $0xC200  }
0x34c: {  	[tilespmem:s18], [sflag:$0x3] =	stream.indirect_vreg.gather @!p0 [hbm4b:s7+s13], $0x80, v3, vm1, $0xb8;
	[tilespmem:$0x14A00] =	vst v63  }
0x34d: {  	s23 =	simm.s32 $0x0;
	_ =	swait.ge [sflag:s17], $0x4000  }
0x34e: {  	s24 =	sand.u32 $0x3000, s23;
	s25 =	sand.u32 $0x380, s23;
	[sflag:s17] =	ssyncset.done $0x0  }
0x34f: {  	s18 =	sor.u32 s25, s24;
	[sflag:s17] =	ssyncadd.s32 $0xFFFFC000  }
0x350: {  	v3 =	vld [tilespmem:s18+$0x10E60]  }
0x351: {  	v4 =	vld [tilespmem:s18+$0x11200]  }
0x352: {  	v5 =	vld [tilespmem:s18+$0x10A00]  }
0x353: {  	v7 =	vld [tilespmem:s18+$0x10A10]  }
0x354: {  	v6 =	vld [tilespmem:s18+$0x11270]  }
0x355: {  	v55 =	vld [tilespmem:s18+$0x10E50];
	v3 =	vmul.f32 $2.262741660e+01, v3  }
0x356: {  	v53 =	vld [tilespmem:s18+$0x11230];
	v4 =	vmul.f32 $2.262741660e+01, v4  }
0x357: {  	v54 =	vld [tilespmem:s18+$0x11240];
	v5 =	vmul.f32 $2.262741660e+01, v5;
	[tilespmem:s18+$0x10E60] =	vst v3  }
0x358: {  	v7 =	vmul.f32 $2.262741660e+01, v7;
	v3 =	vld [tilespmem:s18+$0x10E40];
	[tilespmem:s18+$0x11200] =	vst v4  }
0x359: {  	v4 =	vmul.f32 $2.262741660e+01, v6;
	v6 =	vld [tilespmem:s18+$0x11210];
	[tilespmem:s18+$0x10A00] =	vst v5  }
0x35a: {  	v56 =	vld [tilespmem:s18+$0x11220];
	v57 =	vmul.f32 $2.262741660e+01, v55;
	[tilespmem:s18+$0x10A10] =	vst v7  }
0x35b: {  	v5 =	vmul.f32 $2.262741660e+01, v53;
	[tilespmem:s18+$0x11270] =	vst v4;
	v4 =	vld [tilespmem:s18+$0x10A30]  }
0x35c: {  	v58 =	vld [tilespmem:s18+$0x11250];
	v7 =	vmul.f32 $2.262741660e+01, v54;
	[tilespmem:s18+$0x10E50] =	vst v57  }
0x35d: {  	[tilespmem:s18+$0x11230] =	vst v5;
	v5 =	vld [tilespmem:s18+$0x10A60];
	v3 =	vmul.f32 $2.262741660e+01, v3  }
0x35e: {  	[tilespmem:s18+$0x11240] =	vst v7;
	v7 =	vld [tilespmem:s18+$0x10A50];
	v6 =	vmul.f32 $2.262741660e+01, v6  }
0x35f: {  	v60 =	vld [tilespmem:s18+$0x10E10];
	[tilespmem:s18+$0x10E40] =	vst v3;
	v3 =	vmul.f32 $2.262741660e+01, v56  }
0x360: {  	v59 =	vld [tilespmem:s18+$0x10E00];
	v4 =	vmul.f32 $2.262741660e+01, v4;
	[tilespmem:s18+$0x11210] =	vst v6  }
0x361: {  	v61 =	vld [tilespmem:s18+$0x10E30];
	v6 =	vmul.f32 $2.262741660e+01, v58;
	[tilespmem:s18+$0x11220] =	vst v3  }
0x362: {  	v3 =	vld [tilespmem:s18+$0x10E20];
	[tilespmem:s18+$0x10A30] =	vst v4;
	v4 =	vmul.f32 $2.262741660e+01, v5  }
0x363: {  	v5 =	vmul.f32 $2.262741660e+01, v7;
	v7 =	vld [tilespmem:s18+$0x10A70];
	[tilespmem:s18+$0x11250] =	vst v6  }
0x364: {  	v8 =	vmul.f32 $2.262741660e+01, v60;
	v6 =	vld [tilespmem:s18+$0x10E70];
	[tilespmem:s18+$0x10A60] =	vst v4  }
0x365: {  	v4 =	vmul.f32 $2.262741660e+01, v59;
	[tilespmem:s18+$0x10A50] =	vst v5;
	v5 =	vld [tilespmem:s18+$0x11260]  }
0x366: {  	v62 =	vld [tilespmem:s18+$0x10A20];
	v10 =	vmul.f32 $2.262741660e+01, v61;
	[tilespmem:s18+$0x10E10] =	vst v8  }
0x367: {  	[tilespmem:s18+$0x10E00] =	vst v4;
	v4 =	vld [tilespmem:s18+$0x10A40];
	v3 =	vmul.f32 $2.262741660e+01, v3  }
0x368: {  	[tilespmem:s18+$0x10E30] =	vst v10;
	v7 =	vmul.f32 $2.262741660e+01, v7  }
0x369: {  	[tilespmem:s18+$0x10E20] =	vst v3;
	v3 =	vmul.f32 $2.262741660e+01, v6  }
0x36a: {  	[tilespmem:s18+$0x10A70] =	vst v7;
	v5 =	vmul.f32 $2.262741660e+01, v5  }
0x36b: {  	v6 =	vmul.f32 $2.262741660e+01, v62;
	[tilespmem:s18+$0x10E70] =	vst v3  }
0x36c: {  	s13 =	sor.u32 s24, s23;
	v3 =	vmul.f32 $2.262741660e+01, v4;
	[tilespmem:s18+$0x11260] =	vst v5  }
0x36d: {  	s25 =	sor.u32 $0x10C00, s13;
	[tilespmem:s18+$0x10A20] =	vst v6  }
0x36e: {  	[tilespmem:s18+$0x10A40] =	vst v3;
	v3 =	vld [tilespmem:s25+$0xA00]  }
0x36f: {  	v4 =	vld [tilespmem:s25+$0xA10]  }
0x370: {  	v5 =	vld [tilespmem:s25+$0xA20]  }
0x371: {  	v6 =	vld [tilespmem:s25+$0xA30]  }
0x372: {  	v7 =	vld [tilespmem:s25+$0xA40]  }
0x373: {  	v8 =	vld [tilespmem:s25+$0xA50];
	v3 =	vmul.f32 $2.262741660e+01, v3  }
0x374: {  	v63 =	vld [tilespmem:s25+$0xA60];
	v4 =	vmul.f32 $2.262741660e+01, v4  }
0x375: {  	[tilespmem:s25+$0xA00] =	vst v3;
	v3 =	vmul.f32 $2.262741660e+01, v5;
	v5 =	vld [tilespmem:s25+$0xA70]  }
0x376: {  	[tilespmem:s25+$0xA10] =	vst v4;
	v4 =	vmul.f32 $2.262741660e+01, v6  }
0x377: {  	[tilespmem:s25+$0xA20] =	vst v3;
	v3 =	vmul.f32 $2.262741660e+01, v7  }
0x378: {  	s26 =	simm.s32 $0x200;
	s21 =	simm.s32 $0x80;
	[tilespmem:s25+$0xA30] =	vst v4;
	v4 =	vmul.f32 $2.262741660e+01, v8  }
0x379: {  	s28 =	sand.u32 $0x3000, s26;
	s29 =	sand.u32 $0x380, s21;
	[tilespmem:s25+$0xA40] =	vst v3  }
0x37a: {  	s23 =	simm.s32 $0x400;
	s13 =	sor.u32 s29, s28;
	s18 =	sor.u32 s28, s21;
	v3 =	vmul.f32 $2.262741660e+01, v63;
	[tilespmem:s25+$0xA50] =	vst v4;
	v4 =	vmul.f32 $2.262741660e+01, v5  }
.LBB2_11:
0x37b: {  	p1 =	sne.s32 s23, $0x3E00  }
0x37c: {  	s21 =	sadd.s32 $0x80, s21;
	[tilespmem:s25+$0xA60] =	vst v3;
	s24 =	smov.u32 s23;
	s23 =	sadd.s32 $0x200, s23  }
0x37d: {  	[tilespmem:s25+$0xA70] =	vst v4  }
0x37e: {  	v3 =	vld [tilespmem:s13+$0x10E50]  }
0x37f: {  	v4 =	vld [tilespmem:s13+$0x10E60]  }
0x380: {  	v5 =	vld [tilespmem:s13+$0x11200]  }
0x381: {  	v6 =	vld [tilespmem:s13+$0x10A10]  }
0x382: {  	v7 =	vld [tilespmem:s13+$0x10A00]  }
0x383: {  	v8 =	vld [tilespmem:s13+$0x11270]  }
0x384: {  	v3 =	vmul.f32 $2.262741660e+01, v3;
	v4 =	vmul.f32 $2.262741660e+01, v4;
	v9 =	vld [tilespmem:s13+$0x11230]  }
0x385: {  	v5 =	vmul.f32 $2.262741660e+01, v5;
	v10 =	vld [tilespmem:s13+$0x11250]  }
0x386: {  	v11 =	vld [tilespmem:s13+$0x11240]  }
0x387: {  	v7 =	vmul.f32 $2.262741660e+01, v7;
	[tilespmem:s13+$0x10E60] =	vst v4;
	v4 =	vld [tilespmem:s13+$0x11210]  }
0x388: {  	v6 =	vmul.f32 $2.262741660e+01, v6;
	v12 =	vld [tilespmem:s13+$0x10E40];
	[tilespmem:s13+$0x11200] =	vst v5;
	v5 =	vmul.f32 $2.262741660e+01, v8  }
0x389: {  	[tilespmem:s13+$0x10A00] =	vst v7;
	v7 =	vld [tilespmem:s13+$0x10A30];
	v8 =	vmul.f32 $2.262741660e+01, v9  }
0x38a: {  	v9 =	vld [tilespmem:s13+$0x11220];
	v10 =	vmul.f32 $2.262741660e+01, v10;
	[tilespmem:s13+$0x11270] =	vst v5  }
0x38b: {  	[tilespmem:s13+$0x10A10] =	vst v6;
	v5 =	vld [tilespmem:s13+$0x10E10];
	v6 =	vmul.f32 $2.262741660e+01, v11  }
0x38c: {  	v11 =	vld [tilespmem:s13+$0x10A50];
	v4 =	vmul.f32 $2.262741660e+01, v4;
	[tilespmem:s13+$0x11230] =	vst v8  }
0x38d: {  	v8 =	vld [tilespmem:s13+$0x10A60];
	v12 =	vmul.f32 $2.262741660e+01, v12;
	[tilespmem:s13+$0x11240] =	vst v6  }
0x38e: {  	v6 =	vld [tilespmem:s13+$0x10A20];
	v7 =	vmul.f32 $2.262741660e+01, v7;
	[tilespmem:s13+$0x10E50] =	vst v3  }
0x38f: {  	v3 =	vld [tilespmem:s13+$0x10E00];
	[tilespmem:s13+$0x10E40] =	vst v12;
	v9 =	vmul.f32 $2.262741660e+01, v9  }
0x390: {  	v5 =	vmul.f32 $2.262741660e+01, v5;
	v12 =	vld [tilespmem:s13+$0x10E30];
	[tilespmem:s13+$0x11210] =	vst v4  }
0x391: {  	v4 =	vld [tilespmem:s13+$0x10E20];
	[tilespmem:s13+$0x11220] =	vst v9  }
0x392: {  	v9 =	vmul.f32 $2.262741660e+01, v11;
	[tilespmem:s13+$0x10A30] =	vst v7;
	v7 =	vld [tilespmem:s13+$0x10A40];
	v8 =	vmul.f32 $2.262741660e+01, v8  }
0x393: {  	v6 =	vmul.f32 $2.262741660e+01, v6;
	v11 =	vld [tilespmem:s13+$0x10A70];
	[tilespmem:s13+$0x11250] =	vst v10  }
0x394: {  	[tilespmem:s13+$0x10A60] =	vst v8;
	v3 =	vmul.f32 $2.262741660e+01, v3;
	v8 =	vld [tilespmem:s13+$0x10E70]  }
0x395: {  	[tilespmem:s13+$0x10A50] =	vst v9;
	v9 =	vmul.f32 $2.262741660e+01, v12;
	v10 =	vld [tilespmem:s13+$0x11260]  }
0x396: {  	[tilespmem:s13+$0x10E00] =	vst v3;
	v3 =	vmul.f32 $2.262741660e+01, v4  }
0x397: {  	v4 =	vmul.f32 $2.262741660e+01, v7;
	[tilespmem:s13+$0x10E10] =	vst v5  }
0x398: {  	v5 =	vmul.f32 $2.262741660e+01, v11;
	[tilespmem:s13+$0x10E30] =	vst v9  }
0x399: {  	[tilespmem:s13+$0x10E20] =	vst v3;
	v3 =	vmul.f32 $2.262741660e+01, v8  }
0x39a: {  	s24 =	sand.u32 $0x3000, s24;
	s25 =	sand.u32 $0x380, s21;
	[tilespmem:s13+$0x10A70] =	vst v5;
	v5 =	vmul.f32 $2.262741660e+01, v10  }
0x39b: {  	s26 =	sor.u32 s25, s24;
	s24 =	sor.u32 s24, s21;
	[tilespmem:s13+$0x10E70] =	vst v3  }
0x39c: {  	[tilespmem:s13+$0x11260] =	vst v5  }
0x39d: {  	s25 =	sor.u32 $0x10C00, s18;
	s18 =	smov.u32 s24;
	[tilespmem:s13+$0x10A20] =	vst v6  }
0x39e: {  	[tilespmem:s13+$0x10A40] =	vst v4;
	v3 =	vld [tilespmem:s25+$0xA00];
	s13 =	smov.u32 s26  }
0x39f: {  	v4 =	vld [tilespmem:s25+$0xA10]  }
0x3a0: {  	v5 =	vld [tilespmem:s25+$0xA20]  }
0x3a1: {  	v6 =	vld [tilespmem:s25+$0xA30]  }
0x3a2: {  	v7 =	vld [tilespmem:s25+$0xA40]  }
0x3a3: {  	v3 =	vmul.f32 $2.262741660e+01, v3;
	v8 =	vld [tilespmem:s25+$0xA50]  }
0x3a4: {  	v4 =	vmul.f32 $2.262741660e+01, v4;
	v9 =	vld [tilespmem:s25+$0xA60]  }
0x3a5: {  	[tilespmem:s25+$0xA00] =	vst v3;
	v3 =	vmul.f32 $2.262741660e+01, v5;
	v5 =	vld [tilespmem:s25+$0xA70]  }
.Ltmp6:
0x3a6: {  	[tilespmem:s25+$0xA10] =	vst v4;
	v4 =	vmul.f32 $2.262741660e+01, v6;
	(pc) =	sbr.rel @p1 .LBB2_11-.Ltmp6, $4  }
0x3a7: {  	[tilespmem:s25+$0xA20] =	vst v3;
	v3 =	vmul.f32 $2.262741660e+01, v7  }
0x3a8: {  	[tilespmem:s25+$0xA30] =	vst v4;
	v4 =	vmul.f32 $2.262741660e+01, v8  }
0x3a9: {  	[tilespmem:s25+$0xA40] =	vst v3;
	v3 =	vmul.f32 $2.262741660e+01, v9  }
0x3aa: {  	[tilespmem:s25+$0xA50] =	vst v4;
	v4 =	vmul.f32 $2.262741660e+01, v5  }
0x3ab: {  	[tilespmem:s25+$0xA60] =	vst v3  }
0x3ac: {  	[tilespmem:s25+$0xA70] =	vst v4  }
0x3ad: {  	v4 =	vld [tilespmem:s13+$0x10E60]  }
0x3ae: {  	v6 =	vld [tilespmem:s13+$0x10A00]  }
0x3af: {  	v5 =	vld [tilespmem:s13+$0x11200]  }
0x3b0: {  	v8 =	vld [tilespmem:s13+$0x11270]  }
0x3b1: {  	v7 =	vld [tilespmem:s13+$0x10A10]  }
0x3b2: {  	v9 =	vld [tilespmem:s13+$0x11230];
	v4 =	vmul.f32 $2.262741660e+01, v4  }
0x3b3: {  	v11 =	vld [tilespmem:s13+$0x11240];
	v6 =	vmul.f32 $2.262741660e+01, v6  }
0x3b4: {  	v3 =	vld [tilespmem:s13+$0x10E50];
	v5 =	vmul.f32 $2.262741660e+01, v5;
	[tilespmem:s13+$0x10E60] =	vst v4  }
0x3b5: {  	v12 =	vld [tilespmem:s13+$0x10E40];
	v8 =	vmul.f32 $2.262741660e+01, v8;
	[tilespmem:s13+$0x10A00] =	vst v6  }
0x3b6: {  	v37 =	vld [tilespmem:s13+$0x11220];
	v34 =	vmul.f32 $2.262741660e+01, v7;
	[tilespmem:s13+$0x11200] =	vst v5  }
0x3b7: {  	v10 =	vld [tilespmem:s13+$0x11250];
	v36 =	vmul.f32 $2.262741660e+01, v9;
	[tilespmem:s13+$0x11270] =	vst v8  }
0x3b8: {  	v41 =	vld [tilespmem:s13+$0x10A60];
	v39 =	vmul.f32 $2.262741660e+01, v11;
	[tilespmem:s13+$0x10A10] =	vst v34  }
0x3b9: {  	v40 =	vld [tilespmem:s13+$0x10A50];
	v3 =	vmul.f32 $2.262741660e+01, v3;
	[tilespmem:s13+$0x11230] =	vst v36  }
0x3ba: {  	v43 =	vld [tilespmem:s13+$0x10E00];
	v12 =	vmul.f32 $2.262741660e+01, v12;
	[tilespmem:s13+$0x11240] =	vst v39  }
0x3bb: {  	v44 =	vld [tilespmem:s13+$0x10E30];
	v9 =	vmul.f32 $2.262741660e+01, v37;
	[tilespmem:s13+$0x10E50] =	vst v3  }
0x3bc: {  	v46 =	vld [tilespmem:s13+$0x10E20];
	v45 =	vmul.f32 $2.262741660e+01, v10;
	[tilespmem:s13+$0x10E40] =	vst v12  }
0x3bd: {  	v35 =	vld [tilespmem:s13+$0x10A30];
	v7 =	vmul.f32 $2.262741660e+01, v41;
	[tilespmem:s13+$0x11220] =	vst v9  }
0x3be: {  	v48 =	vld [tilespmem:s13+$0x10A70];
	v47 =	vmul.f32 $2.262741660e+01, v40;
	[tilespmem:s13+$0x11250] =	vst v45  }
0x3bf: {  	v50 =	vld [tilespmem:s13+$0x10E70];
	v49 =	vmul.f32 $2.262741660e+01, v43;
	[tilespmem:s13+$0x10A60] =	vst v7  }
0x3c0: {  	v51 =	vld [tilespmem:s13+$0x11260];
	v52 =	vmul.f32 $2.262741660e+01, v44;
	[tilespmem:s13+$0x10A50] =	vst v47  }
0x3c1: {  	v42 =	vld [tilespmem:s13+$0x10A20];
	v53 =	vmul.f32 $2.262741660e+01, v46;
	[tilespmem:s13+$0x10E00] =	vst v49  }
0x3c2: {  	v33 =	vld [tilespmem:s13+$0x11210];
	v3 =	vmul.f32 $2.262741660e+01, v35;
	[tilespmem:s13+$0x10E30] =	vst v52  }
0x3c3: {  	v38 =	vld [tilespmem:s13+$0x10E10];
	v54 =	vmul.f32 $2.262741660e+01, v48;
	[tilespmem:s13+$0x10E20] =	vst v53  }
0x3c4: {  	v55 =	vmul.f32 $2.262741660e+01, v50;
	[tilespmem:s13+$0x10A30] =	vst v3;
	v3 =	vld [tilespmem:s13+$0x10A40]  }
0x3c5: {  	v56 =	vmul.f32 $2.262741660e+01, v51;
	[tilespmem:s13+$0x10A70] =	vst v54  }
0x3c6: {  	v57 =	vmul.f32 $2.262741660e+01, v42;
	[tilespmem:s13+$0x10E70] =	vst v55  }
0x3c7: {  	v4 =	vmul.f32 $2.262741660e+01, v33;
	[tilespmem:s13+$0x11260] =	vst v56  }
0x3c8: {  	v6 =	vmul.f32 $2.262741660e+01, v38;
	[tilespmem:s13+$0x10A20] =	vst v57  }
0x3c9: {  	[tilespmem:s13+$0x11210] =	vst v4;
	v3 =	vmul.f32 $2.262741660e+01, v3  }
0x3ca: {  	s18 =	sor.u32 $0x10C00, s18;
	[tilespmem:s13+$0x10E10] =	vst v6  }
0x3cb: {  	[tilespmem:s13+$0x10A40] =	vst v3;
	v3 =	vld [tilespmem:s18+$0xA00]  }
0x3cc: {  	v4 =	vld [tilespmem:s18+$0xA10]  }
0x3cd: {  	v6 =	vld [tilespmem:s18+$0xA30]  }
0x3ce: {  	v5 =	vld [tilespmem:s18+$0xA20]  }
0x3cf: {  	v59 =	vld [tilespmem:s18+$0xA50]  }
0x3d0: {  	v58 =	vld [tilespmem:s18+$0xA40];
	v3 =	vmul.f32 $2.262741660e+01, v3  }
0x3d1: {  	v60 =	vld [tilespmem:s18+$0xA70];
	v4 =	vmul.f32 $2.262741660e+01, v4  }
0x3d2: {  	v9 =	vld [tilespmem:s18+$0xA60];
	v61 =	vmul.f32 $2.262741660e+01, v6;
	[tilespmem:s18+$0xA00] =	vst v3  }
0x3d3: {  	v3 =	vmul.f32 $2.262741660e+01, v5;
	[tilespmem:s18+$0xA10] =	vst v4  }
0x3d4: {  	v62 =	vmul.f32 $2.262741660e+01, v59;
	[tilespmem:s18+$0xA30] =	vst v61  }
0x3d5: {  	[tilespmem:s18+$0xA20] =	vst v3;
	v3 =	vmul.f32 $2.262741660e+01, v58  }
.Ltmp7:
0x3d6: {  	s6 =	sshll.u32 s6, $0xE;
	v63 =	vmul.f32 $2.262741660e+01, v60;
	[tilespmem:s18+$0xA50] =	vst v62;
	(pc) =	sbr.rel @p0 .LBB2_14-.Ltmp7, $4  }
0x3d7: {  	s6 =	sadd.s32 s11, s6;
	[tilespmem:s18+$0xA40] =	vst v3;
	v3 =	vmul.f32 $2.262741660e+01, v9  }
0x3d8: {  	s6 =	sshrl.u32 s6, $0x3;
	[tilespmem:s18+$0xA70] =	vst v63  }
0x3d9: {  	s6 =	sadd.s32 s3, s6;
	[tilespmem:s18+$0xA60] =	vst v3  }
0x3da: {  	[hbm4b:s6+s5] =	stream.linear.scatter [tilespmem:s30], [sflag:$0xA], $0x4000, $0x38;
	[tilespmem:$0x14A00] =	vst v63  }
0x3db: {  	_ =	swait.ge [sflag:s12], $0x4000;
	s6 =	smul.u32 $0x280, s19  }
0x3dc: {  	[sflag:s12] =	ssyncset.done $0x0  }
0x3dd: {  	[sflag:s12] =	ssyncadd.s32 $0xFFFFC000;
	s6 =	sshra.s32 s6, $0x2  }
0x3de: {  	v3 =	vld [tilespmem:s6+$0x100];
	_ =	sdelay $0x4  }
0x3df: {  	v4 =	vshll.u32 v3, $0x2  }
0x3e0: {  	v3 =	vand.u32 $0x7, v3;
	v4 =	vand.u32 $0xFFFFFFE0, v4  }
0x3e1: {  	v3 =	vor.u32 v3, v4  }
0x3e2: {  	v4 =	vperm.xlane v3, v0;
	_ =	sdelay $0x1  }
0x3e3: {  	v4 =	vadd.s32 v1, v4;
	_ =	sdelay $0x1  }
0x3e4: {  	v3 =	vperm.xlane v3, v2;
	_ =	sdelay $0x1  }
0x3e5: {  	v3 =	vadd.s32 v1, v3  }
0x3e6: {  	[tilespmem:s20], [sflag:$0x4] =	stream.indirect_vreg.gather [hbm4b:s2+s5], $0x80, v4, vm0, $0xb8;
	[tilespmem:$0x14A00] =	vst v63  }
0x3e7: {  	s13 =	simm.s32 $0xD200  }
0x3e8: {  	[tilespmem:s13], [sflag:$0x4] =	stream.indirect_vreg.gather [hbm4b:s7+s5], $0x80, v4, vm0, $0xb8;
	[tilespmem:$0x14A00] =	vst v63  }
0x3e9: {  	s23 =	simm.s32 $0xDA00  }
0x3ea: {  	[tilespmem:s23], [sflag:$0x4] =	stream.indirect_vreg.gather [hbm4b:s2+s5], $0x80, v3, vm0, $0xb8;
	[tilespmem:$0x14A00] =	vst v63  }
0x3eb: {  	s24 =	simm.s32 $0xE200  }
0x3ec: {  	[tilespmem:s24], [sflag:$0x4] =	stream.indirect_vreg.gather [hbm4b:s7+s5], $0x80, v3, vm0, $0xb8;
	[tilespmem:$0x14A00] =	vst v63  }
0x3ed: {  	v3 =	vld [tilespmem:s6+$0x110];
	_ =	sdelay $0x4  }
0x3ee: {  	v63 =	vshll.u32 v3, $0x2  }
0x3ef: {  	v3 =	vand.u32 $0x7, v3;
	v4 =	vand.u32 $0xFFFFFFE0, v63  }
0x3f0: {  	v3 =	vor.u32 v3, v4  }
0x3f1: {  	v4 =	vperm.xlane v3, v0;
	_ =	sdelay $0x1  }
0x3f2: {  	v4 =	vadd.s32 v1, v4;
	_ =	sdelay $0x2  }
0x3f3: {  	v3 =	vperm.xlane v3, v2  }
0x3f4: {  	s25 =	simm.s32 $0xEA00  }
0x3f5: {  	v3 =	vadd.s32 v1, v3;
	[tilespmem:s25], [sflag:$0x4] =	stream.indirect_vreg.gather [hbm4b:s2+s5], $0x80, v4, vm0, $0xb8;
	[tilespmem:$0x14A00] =	vst v63  }
0x3f6: {  	s26 =	simm.s32 $0xF200  }
0x3f7: {  	[tilespmem:s26], [sflag:$0x4] =	stream.indirect_vreg.gather [hbm4b:s7+s5], $0x80, v4, vm0, $0xb8;
	[tilespmem:$0x14A00] =	vst v63  }
.Ltmp8:
0x3f8: {  	_ = 	snop;
	(pc) =	sbr.rel .LBB2_2-.Ltmp8, $4  }
0x3f9: {  	s28 =	simm.s32 $0xFA00  }
0x3fa: {  	[tilespmem:s28], [sflag:$0x4] =	stream.indirect_vreg.gather [hbm4b:s2+s5], $0x80, v3, vm0, $0xb8;
	[tilespmem:$0x14A00] =	vst v63  }
0x3fb: {  	s29 =	simm.s32 $0x10200;
	s19 =	sadd.s32 $0x1, s19  }
0x3fc: {  	[tilespmem:s29], [sflag:$0x4] =	stream.indirect_vreg.gather [hbm4b:s7+s5], $0x80, v3, vm0, $0xb8;
	[tilespmem:$0x14A00] =	vst v63  }
.LBB2_15:
0x3fd: {  	_ =	sfence.sel $0x180000  }
0x3fe: {  	[bflag:$0x0] =	sbarrier.arrive $0xFFFF  }
0x3ff: {  	_ =	strace $0x90000047  }
0x400: {  	s0 =	stileid.u32;
	[bflag:$0x2] =	sbarrier.arrive $0xFFFF  }
0x401: {  	p0 =	sne.s32 s0, $0x0;
	s0 =	rddreg [dreg:$0x3]  }
0x402: {  	s0 =	sadd.s32 @!p0 $0x100000, s0  }
0x403: {  	[sflag:s0] =	ssyncadd.tile.s32 @!p0 $0x1;
	_ =	shalt  }
.Lfunc_end2:
_tile_overlayer_lowered:
.L_overlay_start_2:
0x404: {  	(tag) =	ssettag $0x2  }
0x405: {  	s0 =	rddreg [dreg:$0x0];
	s2 =	stileid.u32  }
0x406: {  	s1 =	rddreg [dreg:$0x1];
	p0 =	sne.s32 s2, $0x0  }
0x407: {  	s3 =	rddreg [dreg:$0x2];
	[bflag:$0x3] =	sbarrier.arrive $0xFFFF;
	s2 =	simm.s32 @!p0 $0x1C0B  }
0x408: {  	[timem:s3], [sflag:s2] =	dma.local @!p0 [hbm:s0], s1  }
0x409: {  	s0 =	simm.s32 @!p0 $0xB  }
0x40a: {  	_ =	swait.ge @!p0 [sflag:s0], s1  }
0x40b: {  	s1 =	ssub.s32 @!p0 $0x0, s1;
	[sflag:s0] =	ssyncset.done @!p0 $0x0  }
0x40c: {  	[sflag:s0] =	ssyncadd.s32 @!p0 s1  }
0x40d: {  	[bflag:$0x3] =	sbarrier.arrive $0xFFFF  }
0x40e: {  	_ =	shalt  }

</sc_bundles>
